<compile_context>
chip_gen: v7x
topology: tpu7x:2x2x1
jax: 0.10.2.dev20260603
libtpu: 0.0.44.dev20260713+nightly
codegen_flags: <defaults>
</compile_context>

<pallas_src>
import functools

import jax
import jax.numpy as jnp
from jax import lax
from jax.experimental import pallas as pl
from jax.experimental.pallas import tpu as pltpu
from jax.experimental.pallas import tpu_sc as plsc

N_NODES = 10000
N_EDGES = 320000
NPAD = 10240
ROWS_PER_TILE = NPAD // 16
EDGES_PER_TILE = N_EDGES // 16
BLK = 100
NBLK = EDGES_PER_TILE // BLK
NBLK_H = NBLK // 2
T_BLOCKS = (104, 96)
T_CH = 8
IN_CH = 128
HID_CH = 256
OUT_CH = 128
HALF = HID_CH // 2

_mesh = plsc.VectorSubcoreMesh(core_axis_name="c", subcore_axis_name="s")


def _zero_1d(ref, n):
    def body(k, _):
        ref[pl.ds(k * 16, 16)] = jnp.zeros((16,), jnp.float32)
        return 0
    lax.fori_loop(0, n // 16, body, 0)


def _fill_1d(ref, n, val):
    def body(k, _):
        ref[pl.ds(k * 16, 16)] = jnp.full((16,), val, jnp.float32)
        return 0
    lax.fori_loop(0, n // 16, body, 0)


def _zero_rows(ref, nrows):
    def body(r, _):
        for u in range(HALF // 16):
            ref[r, pl.ds(u * 16, 16)] = jnp.zeros((16,), jnp.float32)
        return 0
    lax.fori_loop(0, nrows, body, 0)


def _sc_deg_kernel(dst3d, deg0_out, deg1_out, idx_v, ones_v, z_v, deg_sp,
                   sem):
    c = lax.axis_index("c")
    s = lax.axis_index("s")

    _zero_1d(z_v, ROWS_PER_TILE)
    _fill_1d(ones_v, 128, 1.0)
    pltpu.sync_copy(z_v, deg_sp.at[pl.ds(s * ROWS_PER_TILE, ROWS_PER_TILE)])
    plsc.subcore_barrier()

    pltpu.sync_copy(dst3d.at[s], idx_v)

    GRP = 10

    def body(jg, _):
        row0 = c * NBLK_H + jg * GRP
        for u in range(GRP):
            pltpu.async_copy(ones_v.at[pl.ds(0, BLK)],
                             deg_sp.at[idx_v.at[row0 + u]], sem, add=True)
        for u in range(GRP):
            pltpu.make_async_copy(ones_v.at[pl.ds(0, BLK)],
                                  deg_sp.at[idx_v.at[row0 + u]], sem).wait()
        return 0
    lax.fori_loop(0, NBLK_H // GRP, body, 0)
    plsc.subcore_barrier()

    sl = pl.ds(s * ROWS_PER_TILE, ROWS_PER_TILE)

    @pl.when(c == 0)
    def _():
        pltpu.sync_copy(deg_sp.at[sl], deg0_out.at[sl])

    @pl.when(c == 1)
    def _():
        pltpu.sync_copy(deg_sp.at[sl], deg1_out.at[sl])


@functools.partial(
    pl.kernel,
    mesh=_mesh,
    out_type=[
        jax.ShapeDtypeStruct((NPAD,), jnp.float32),
        jax.ShapeDtypeStruct((NPAD,), jnp.float32),
    ],
    scratch_types=[
        pltpu.VMEM((NBLK, BLK), jnp.int32),
        pltpu.VMEM((128,), jnp.float32),
        pltpu.VMEM((ROWS_PER_TILE,), jnp.float32),
        pltpu.VMEM_SHARED((NPAD,), jnp.float32),
        pltpu.SemaphoreType.DMA,
    ],
)
def _sc_deg(dst3d, deg0_out, deg1_out, idx_v, ones_v, z_v, deg_sp, sem):
    _sc_deg_kernel(dst3d, deg0_out, deg1_out, idx_v, ones_v, z_v, deg_sp, sem)


def _tc_scale_kernel(x_ref, w1_ref, d0_ref, d1_ref,
                     dis_ref, xws0_ref, xws1_ref):
    xw = jnp.dot(x_ref[...], w1_ref[...], preferred_element_type=jnp.float32)
    deg = d0_ref[...] + d1_ref[...] + 1.0
    dis = lax.rsqrt(deg)
    dis_ref[...] = dis
    xws = xw * jnp.reshape(dis, (dis.shape[0], 1))
    xws0_ref[...] = xws[:, :HALF]
    xws1_ref[...] = xws[:, HALF:]


def _tc_scale(x_pad, W1, deg0, deg1):
    R = 512
    grid = (NPAD // R,)
    return pl.pallas_call(
        _tc_scale_kernel,
        grid=grid,
        in_specs=[
            pl.BlockSpec((R, IN_CH), lambda i: (i, 0)),
            pl.BlockSpec((IN_CH, HID_CH), lambda i: (0, 0)),
            pl.BlockSpec((R,), lambda i: (i,)),
            pl.BlockSpec((R,), lambda i: (i,)),
        ],
        out_specs=[
            pl.BlockSpec((R,), lambda i: (i,)),
            pl.BlockSpec((R, HALF), lambda i: (i, 0)),
            pl.BlockSpec((R, HALF), lambda i: (i, 0)),
        ],
        out_shape=[
            jax.ShapeDtypeStruct((NPAD,), jnp.float32),
            jax.ShapeDtypeStruct((NPAD, HALF), jnp.float32),
            jax.ShapeDtypeStruct((NPAD, HALF), jnp.float32),
        ],
    )(x_pad, W1, deg0, deg1)


IDXCH = 8


def _k4_main_loop(xws_hbm, src3d, dst3d, s, c, src_c, dst_c,
                  bufs, vbuf, acc_sp, t_sp, dis_sp,
                  sem_i, sem_g, sem_s, sem_t, sem_ts):
    nch = NBLK // IDXCH
    t_start = c * T_BLOCKS[0]
    t_end = t_start + jnp.where(c == 0, T_BLOCKS[0], T_BLOCKS[1])

    ca = pltpu.async_copy(src3d.at[s, pl.ds(0, IDXCH)], src_c.at[0], sem_i)
    cb = pltpu.async_copy(dst3d.at[s, pl.ds(0, IDXCH)], dst_c.at[0], sem_i)
    ca.wait()
    cb.wait()
    pltpu.async_copy(src3d.at[s, pl.ds(IDXCH, IDXCH)], src_c.at[1], sem_i)
    pltpu.async_copy(dst3d.at[s, pl.ds(IDXCH, IDXCH)], dst_c.at[1], sem_i)
    pltpu.async_copy(xws_hbm.at[src_c.at[0, 0]], bufs[0], sem_g)
    pltpu.async_copy(xws_hbm.at[src_c.at[0, 1]], bufs[1], sem_g)

    def sub_body(j, kk):
        k = lax.div(j, IDXCH)
        r8 = lax.rem(j, IDXCH)
        p = lax.rem(k, 2)
        in_t = jnp.logical_and(j >= t_start, j < t_end)

        @pl.when(jnp.logical_and(j > t_start, j <= t_end))
        def _():
            pltpu.make_async_copy(vbuf.at[pl.ds(0, BLK)],
                                  t_sp.at[src_c.at[0, 0]], sem_ts).wait()

        @pl.when(in_t)
        def _():
            pltpu.async_copy(dis_sp.at[dst_c.at[p, r8]],
                             vbuf.at[pl.ds(0, BLK)], sem_t)

        @pl.when(j > 0)
        def _():
            pltpu.make_async_copy(bufs[0], acc_sp.at[dst_c.at[0, 0]],
                                  sem_s).wait()

        @pl.when(jnp.logical_and(r8 == 0, jnp.logical_and(j > 0,
                                                          k < nch - 1)))
        def _():
            pltpu.async_copy(src3d.at[s, pl.ds((k + 1) * IDXCH, IDXCH)],
                             src_c.at[1 - p], sem_i)
            pltpu.async_copy(dst3d.at[s, pl.ds((k + 1) * IDXCH, IDXCH)],
                             dst_c.at[1 - p], sem_i)

        @pl.when(jnp.logical_and(r8 == IDXCH - 2, k < nch - 1))
        def _():
            pltpu.make_async_copy(src3d.at[s, pl.ds(0, IDXCH)],
                                  src_c.at[0], sem_i).wait()
            pltpu.make_async_copy(dst3d.at[s, pl.ds(0, IDXCH)],
                                  dst_c.at[0], sem_i).wait()

        buf = bufs[kk]
        pltpu.make_async_copy(xws_hbm.at[src_c.at[p, r8]],
                              buf, sem_g).wait()
        pltpu.async_copy(buf, acc_sp.at[dst_c.at[p, r8]], sem_s, add=True)

        @pl.when(j < NBLK - 2)
        def _():
            p2 = lax.rem(lax.div(j + 2, IDXCH), 2)
            r2 = lax.rem(j + 2, IDXCH)
            pltpu.async_copy(xws_hbm.at[src_c.at[p2, r2]],
                             bufs[(kk + 2) % 3], sem_g)

        @pl.when(in_t)
        def _():
            pltpu.make_async_copy(dis_sp.at[dst_c.at[0, 0]],
                                  vbuf.at[pl.ds(0, BLK)], sem_t).wait()
            pltpu.async_copy(vbuf.at[pl.ds(0, BLK)],
                             t_sp.at[src_c.at[p, r8]], sem_ts, add=True)

    def body(m, _):
        sub_body(3 * m, 0)
        sub_body(3 * m + 1, 1)
        sub_body(3 * m + 2, 2)
        return 0
    lax.fori_loop(0, NBLK // 3, body, 0)
    for u in range(NBLK % 3):
        sub_body((NBLK // 3) * 3 + u, u)
    pltpu.make_async_copy(bufs[0], acc_sp.at[dst_c.at[0, 0]], sem_s).wait()

    @pl.when(t_end == NBLK)
    def _():
        pltpu.make_async_copy(vbuf.at[pl.ds(0, BLK)],
                              t_sp.at[src_c.at[0, 0]], sem_ts).wait()


def _k4_readout(acc_sp, t_sp, acc_out, t_out, s):
    rsl = pl.ds(s * ROWS_PER_TILE, ROWS_PER_TILE)
    pltpu.sync_copy(acc_sp.at[rsl], acc_out.at[rsl])
    pltpu.sync_copy(t_sp.at[rsl], t_out.at[rsl])


def _sc_scatter_kernel(src3d, dst3d, dis_hbm, xws0, xws1,
                       acc0_out, acc1_out, t0_out, t1_out,
                       src_c, dst_c, rowbufA, rowbufB, rowbufC,
                       vbuf, z_v, acc_sp, t_sp, dis_sp,
                       sem_i, sem_g, sem_s, sem_t, sem_ts):
    c = lax.axis_index("c")
    s = lax.axis_index("s")
    bufs = (rowbufA, rowbufB, rowbufC)

    _zero_rows(rowbufA, BLK)
    _zero_1d(z_v, ROWS_PER_TILE)
    base = s * ROWS_PER_TILE
    for k in range(ROWS_PER_TILE // 80):
        pltpu.sync_copy(rowbufA.at[pl.ds(0, 80)],
                        acc_sp.at[pl.ds(base + k * 80, 80)])
    pltpu.sync_copy(z_v, t_sp.at[pl.ds(base, ROWS_PER_TILE)])
    pltpu.sync_copy(dis_hbm.at[pl.ds(base, ROWS_PER_TILE)],
                    dis_sp.at[pl.ds(base, ROWS_PER_TILE)])
    plsc.subcore_barrier()

    @pl.when(c == 0)
    def _():
        _k4_main_loop(xws0, src3d, dst3d, s, c, src_c, dst_c,
                      bufs, vbuf, acc_sp, t_sp, dis_sp,
                      sem_i, sem_g, sem_s, sem_t, sem_ts)

    @pl.when(c == 1)
    def _():
        _k4_main_loop(xws1, src3d, dst3d, s, c, src_c, dst_c,
                      bufs, vbuf, acc_sp, t_sp, dis_sp,
                      sem_i, sem_g, sem_s, sem_t, sem_ts)

    plsc.subcore_barrier()

    @pl.when(c == 0)
    def _():
        _k4_readout(acc_sp, t_sp, acc0_out, t0_out, s)

    @pl.when(c == 1)
    def _():
        _k4_readout(acc_sp, t_sp, acc1_out, t1_out, s)


@functools.partial(
    pl.kernel,
    mesh=_mesh,
    out_type=[
        jax.ShapeDtypeStruct((NPAD, HALF), jnp.float32),
        jax.ShapeDtypeStruct((NPAD, HALF), jnp.float32),
        jax.ShapeDtypeStruct((NPAD,), jnp.float32),
        jax.ShapeDtypeStruct((NPAD,), jnp.float32),
    ],
    scratch_types=[
        pltpu.VMEM((2, IDXCH, BLK), jnp.int32),
        pltpu.VMEM((2, IDXCH, BLK), jnp.int32),
        pltpu.VMEM((BLK, HALF), jnp.float32),
        pltpu.VMEM((BLK, HALF), jnp.float32),
        pltpu.VMEM((BLK, HALF), jnp.float32),
        pltpu.VMEM((128,), jnp.float32),
        pltpu.VMEM((ROWS_PER_TILE,), jnp.float32),
        pltpu.VMEM_SHARED((NPAD, HALF), jnp.float32),
        pltpu.VMEM_SHARED((NPAD,), jnp.float32),
        pltpu.VMEM_SHARED((NPAD,), jnp.float32),
        pltpu.SemaphoreType.DMA,
        pltpu.SemaphoreType.DMA,
        pltpu.SemaphoreType.DMA,
        pltpu.SemaphoreType.DMA,
        pltpu.SemaphoreType.DMA,
    ],
)
def _sc_scatter(src3d, dst3d, dis_hbm, xws0, xws1,
                acc0_out, acc1_out, t0_out, t1_out,
                src_c, dst_c, rowbufA, rowbufB, rowbufC,
                vbuf, z_v, acc_sp, t_sp, dis_sp,
                sem_i, sem_g, sem_s, sem_t, sem_ts):
    _sc_scatter_kernel(src3d, dst3d, dis_hbm, xws0, xws1,
                       acc0_out, acc1_out, t0_out, t1_out,
                       src_c, dst_c, rowbufA, rowbufB, rowbufC,
                       vbuf, z_v, acc_sp, t_sp, dis_sp,
                       sem_i, sem_g, sem_s, sem_t, sem_ts)


def _tc_final_kernel(acc0_ref, acc1_ref, xws0_ref, xws1_ref, dis_ref,
                     t0_ref, t1_ref, b1_ref, w2_ref, b2_ref,
                     out_ref, vacc):
    i = pl.program_id(0)
    R = acc0_ref.shape[0]
    dis = dis_ref[...]
    dis2 = jnp.reshape(dis, (R, 1))
    b1 = jnp.reshape(b1_ref[...], (1, HID_CH))
    h0 = jnp.maximum(dis2 * (acc0_ref[...] + xws0_ref[...]) + b1[:, :HALF],
                     0.0)
    h1 = jnp.maximum(dis2 * (acc1_ref[...] + xws1_ref[...]) + b1[:, HALF:],
                     0.0)
    cvec = dis * (t0_ref[...] + t1_ref[...] + dis)
    cvec2 = jnp.reshape(cvec, (R, 1))
    rows = lax.broadcasted_iota(jnp.int32, (R, 1), 0) + i * R
    cvec2 = jnp.where(rows < N_NODES, cvec2, 0.0)
    contrib = jnp.concatenate(
        [jnp.sum(cvec2 * h0, axis=0, keepdims=True),
         jnp.sum(cvec2 * h1, axis=0, keepdims=True)], axis=1)

    @pl.when(i == 0)
    def _():
        vacc[...] = contrib

    @pl.when(i > 0)
    def _():
        vacc[...] = vacc[...] + contrib

    @pl.when(i == pl.num_programs(0) - 1)
    def _():
        v = vacc[...]
        o = jnp.dot(v, w2_ref[...], preferred_element_type=jnp.float32)
        out_ref[...] = o * (1.0 / N_NODES) + b2_ref[...]


def _tc_final(acc0, acc1, xws0, xws1, dis, t0, t1, b1, W2, b2):
    R = 512
    grid = (NPAD // R,)
    return pl.pallas_call(
        _tc_final_kernel,
        grid=grid,
        in_specs=[
            pl.BlockSpec((R, HALF), lambda i: (i, 0)),
            pl.BlockSpec((R, HALF), lambda i: (i, 0)),
            pl.BlockSpec((R, HALF), lambda i: (i, 0)),
            pl.BlockSpec((R, HALF), lambda i: (i, 0)),
            pl.BlockSpec((R,), lambda i: (i,)),
            pl.BlockSpec((R,), lambda i: (i,)),
            pl.BlockSpec((R,), lambda i: (i,)),
            pl.BlockSpec((HID_CH,), lambda i: (0,)),
            pl.BlockSpec((HID_CH, OUT_CH), lambda i: (0, 0)),
            pl.BlockSpec((1, OUT_CH), lambda i: (0, 0)),
        ],
        out_specs=pl.BlockSpec((1, OUT_CH), lambda i: (0, 0)),
        out_shape=jax.ShapeDtypeStruct((1, OUT_CH), jnp.float32),
        scratch_shapes=[pltpu.VMEM((1, HID_CH), jnp.float32)],
    )(acc0, acc1, xws0, xws1, dis, t0, t1, b1, W2, b2)


def kernel(x, edge_index, W1, b1, W2, b2):
    src = edge_index[0].astype(jnp.int32)
    dst = edge_index[1].astype(jnp.int32)
    src3d = src.reshape(16, NBLK, BLK)
    dst3d = dst.reshape(16, NBLK, BLK)
    x_pad = jnp.pad(x, ((0, NPAD - N_NODES), (0, 0)))

    deg0, deg1 = _sc_deg(dst3d)
    dis, xws0, xws1 = _tc_scale(x_pad, W1, deg0, deg1)
    acc0, acc1, t0, t1 = _sc_scatter(src3d, dst3d, dis, xws0, xws1)
    out = _tc_final(acc0, acc1, xws0, xws1, dis, t0, t1, b1, W2,
                    b2.reshape(1, OUT_CH))
    return out.reshape(OUT_CH)

# --- scband reference (transcript-rebuilt; emitter-appended) ---
"""Pipeline reference for scband-gcnembedder-16896401343157 (READ-ONLY COPY).

The authoritative reference and input builder live on the scoring server;
editing this copy changes nothing except your own understanding.
"""

import jax, jax.numpy as jnp
import numpy as np

N_NODES = 10000
N_EDGES = 320000
IN_CH = 128
HID_CH = 256
OUT_CH = 128


def setup_inputs(seed: int = 0) -> dict:
    key = jax.random.key(seed)
    k1, k2, k3, k4, k5, k6 = jax.random.split(key, 6)
    x = jax.random.normal(k1, (N_NODES, IN_CH), dtype=jnp.float32)
    edge_index = jax.random.randint(k2, (2, N_EDGES), 0, N_NODES, dtype=jnp.int64)
    # Glorot-style init for GCN weights, zeros for bias (torch_geometric default)
    W1 = jax.random.normal(k3, (IN_CH, HID_CH), dtype=jnp.float32) * (1.0 / np.sqrt(IN_CH))
    b1 = jnp.zeros((HID_CH,), dtype=jnp.float32)
    W2 = jax.random.normal(k4, (HID_CH, OUT_CH), dtype=jnp.float32) * (1.0 / np.sqrt(HID_CH))
    b2 = jnp.zeros((OUT_CH,), dtype=jnp.float32)
    return {"x": x, "edge_index": edge_index, "W1": W1, "b1": b1, "W2": W2, "b2": b2}


def _gcn_conv(x, edge_index, W, b):
    num_nodes = x.shape[0]
    src = edge_index[0]
    dst = edge_index[1]
    # add self-loops (GCNConv default)
    loop = jnp.arange(num_nodes, dtype=src.dtype)
    src = jnp.concatenate([src, loop])
    dst = jnp.concatenate([dst, loop])
    # symmetric normalization D^{-1/2} A D^{-1/2}
    deg = jnp.zeros((num_nodes,), dtype=x.dtype).at[dst].add(1.0)
    deg_inv_sqrt = jnp.where(deg > 0, deg ** -0.5, 0.0)
    norm = deg_inv_sqrt[src] * deg_inv_sqrt[dst]
    xw = x @ W
    msg = xw[src] * norm[:, None]
    out = jnp.zeros((num_nodes, W.shape[1]), dtype=x.dtype).at[dst].add(msg)
    return out + b


def reference(x, edge_index, W1, b1, W2, b2):
    h = jax.nn.relu(_gcn_conv(x, edge_index, W1, b1))
    h = _gcn_conv(h, edge_index, W2, b2)
    return jnp.mean(h, axis=0)

if __name__ == "__main__":
    import jax
    _d = setup_inputs()
    print(jax.jit(kernel)(*tuple(_d.values())))

</pallas_src>

<mosaic_0001>
#map = affine_map<(d0, d1) -> (0, 0, 0)>
#map1 = affine_map<(d0, d1) -> (0)>
module attributes {stable_mosaic.version = 14 : i64} {
  func.func @_sc_deg(%arg0: i32, %arg1: i32, %arg2: memref<16x200x100xi32, #tpu.memory_space<hbm>>, %arg3: memref<10240xf32, #tpu.memory_space<hbm>>, %arg4: memref<10240xf32, #tpu.memory_space<hbm>>, %arg5: memref<200x100xi32, #tpu.memory_space<vmem>>, %arg6: memref<128xf32, #tpu.memory_space<vmem>>, %arg7: memref<640xf32, #tpu.memory_space<vmem>>, %arg8: memref<10240xf32, #tpu.memory_space<vmem_shared>>, %arg9: memref<!tpu.dma_semaphore, #tpu.memory_space<semaphore_mem>>) attributes {dimension_semantics = [#tpu.dimension_semantics<core_parallel>, #tpu.dimension_semantics<subcore_parallel>], iteration_bounds = array<i64: 2, 16>, scalar_prefetch = 0 : i64, scratch_operands = 5 : i64, tpu.core_type = #tpu.core_type<sc_vector_subcore>, window_params = [{transform_indices = #map}, {transform_indices = #map1}, {transform_indices = #map1}]} {
    %scan3A = arith.constant 0 : i32
    %scan3A_0 = arith.constant 0 : i32
    %scan3A_1 = arith.constant 40 : i32
    %scan3A_2 = arith.addi %scan3A_0, %scan3A_1 : i32
    %scan3A_3 = arith.constant 1 : i32
    %scan3A_4 = scf.for %scan3A_31 = %scan3A_0 to %scan3A_2 step %scan3A_3 iter_args(%scan3A_32 = %scan3A) -> (i32)  : i32 {
      %broadcast_in_dim3A = arith.constant 0.000000e+00 : f32
      %broadcast_in_dim3A_33 = vector.broadcast %broadcast_in_dim3A : f32 to vector<16xf32>
      %mul3A_34 = arith.constant 16 : i32
      %mul3A_35 = arith.muli %scan3A_31, %mul3A_34 : i32
      %swap3A = arith.index_cast %mul3A_35 : i32 to index
      %swap3A_36 = tpu.vector_load %arg7[%swap3A] {strides = array<i32>} : memref<640xf32, #tpu.memory_space<vmem>>, vector<16xf32>,
      %swap3A_37 = vector.shape_cast %swap3A_36 : vector<16xf32> to vector<16xf32>
      %swap3A_38 = vector.shape_cast %broadcast_in_dim3A_33 : vector<16xf32> to vector<16xf32>
      tpu.vector_store %arg7[%swap3A], %swap3A_38 {strides = array<i32>} : memref<640xf32, #tpu.memory_space<vmem>>, vector<16xf32>,
      %scan3A_39 = arith.constant 0 : i32
      scf.yield %scan3A_39 : i32
    }
    %scan3A_5 = arith.constant 40 : i32
    %scan3A_6 = arith.constant 0 : i32
    %scan3A_7 = arith.constant 0 : i32
    %scan3A_8 = arith.constant 8 : i32
    %scan3A_9 = arith.addi %scan3A_7, %scan3A_8 : i32
    %scan3A_10 = arith.constant 1 : i32
    %scan3A_11 = scf.for %scan3A_31 = %scan3A_7 to %scan3A_9 step %scan3A_10 iter_args(%scan3A_32 = %scan3A_6) -> (i32)  : i32 {
      %broadcast_in_dim3A = arith.constant 1.000000e+00 : f32
      %broadcast_in_dim3A_33 = vector.broadcast %broadcast_in_dim3A : f32 to vector<16xf32>
      %mul3A_34 = arith.constant 16 : i32
      %mul3A_35 = arith.muli %scan3A_31, %mul3A_34 : i32
      %swap3A = arith.index_cast %mul3A_35 : i32 to index
      %swap3A_36 = tpu.vector_load %arg6[%swap3A] {strides = array<i32>} : memref<128xf32, #tpu.memory_space<vmem>>, vector<16xf32>,
      %swap3A_37 = vector.shape_cast %swap3A_36 : vector<16xf32> to vector<16xf32>
      %swap3A_38 = vector.shape_cast %broadcast_in_dim3A_33 : vector<16xf32> to vector<16xf32>
      tpu.vector_store %arg6[%swap3A], %swap3A_38 {strides = array<i32>} : memref<128xf32, #tpu.memory_space<vmem>>, vector<16xf32>,
      %scan3A_39 = arith.constant 0 : i32
      scf.yield %scan3A_39 : i32
    }
    %scan3A_12 = arith.constant 8 : i32
    %mul3A = arith.constant 640 : i32
    %mul3A_13 = arith.muli %arg1, %mul3A : i32
    "tpu.region"() ({
      %run_scoped3A = tpu.sem_alloc : memref<!tpu.dma_semaphore, #tpu.memory_space<semaphore_mem>>
      %dma_start3A = tpu.memref_slice %arg8[%mul3A_13] : memref<10240xf32, #tpu.memory_space<vmem_shared>> -> memref<640xf32, #tpu.memory_space<vmem_shared>>
      %dma_start3A_31 = tpu.memref_slice %arg8[%mul3A_13] : memref<10240xf32, #tpu.memory_space<vmem_shared>> -> memref<640xf32, #tpu.memory_space<vmem_shared>>
      tpu.enqueue_dma source(%arg7 : memref<640xf32, #tpu.memory_space<vmem>>) target(%dma_start3A_31 : memref<640xf32, #tpu.memory_space<vmem_shared>>) target_semaphore(%run_scoped3A : memref<!tpu.dma_semaphore, #tpu.memory_space<semaphore_mem>>)
      %dma_wait3A = tpu.memref_slice %arg8[%mul3A_13] : memref<10240xf32, #tpu.memory_space<vmem_shared>> -> memref<640xf32, #tpu.memory_space<vmem_shared>>
      %dma_wait3A_32 = tpu.memref_slice %arg8[%mul3A_13] : memref<10240xf32, #tpu.memory_space<vmem_shared>> -> memref<640xf32, #tpu.memory_space<vmem_shared>>
      tpu.wait_dma2 semaphore(%run_scoped3A : memref<!tpu.dma_semaphore, #tpu.memory_space<semaphore_mem>>) src(%arg7 : memref<640xf32, #tpu.memory_space<vmem>>) dst(%dma_wait3A_32 : memref<640xf32, #tpu.memory_space<vmem_shared>>)
      tpu.yield
    }) : () -> ()
    %barrier3A = arith.constant 0 : index
    tpu.barrier barrier_id(%barrier3A)
    "tpu.region"() ({
      %run_scoped3A = tpu.sem_alloc : memref<!tpu.dma_semaphore, #tpu.memory_space<semaphore_mem>>
      %dma_start3A = arith.constant 0 : i32
      %dma_start3A_31 = arith.constant 0 : i32
      %dma_start3A_32 = tpu.memref_slice %arg2[%arg1, %dma_start3A, %dma_start3A_31] : memref<16x200x100xi32, #tpu.memory_space<hbm>> -> memref<1x200x100xi32, #tpu.memory_space<hbm>>
      %dma_start3A_33 = tpu.memref_squeeze %dma_start3A_32 : memref<1x200x100xi32, #tpu.memory_space<hbm>> -> memref<200x100xi32, #tpu.memory_space<hbm>>
      %dma_start3A_34 = arith.constant 0 : i32
      %dma_start3A_35 = arith.constant 0 : i32
      %dma_start3A_36 = tpu.memref_slice %arg2[%arg1, %dma_start3A_34, %dma_start3A_35] : memref<16x200x100xi32, #tpu.memory_space<hbm>> -> memref<1x200x100xi32, #tpu.memory_space<hbm>>
      %dma_start3A_37 = tpu.memref_squeeze %dma_start3A_36 : memref<1x200x100xi32, #tpu.memory_space<hbm>> -> memref<200x100xi32, #tpu.memory_space<hbm>>
      tpu.enqueue_dma source(%dma_start3A_37 : memref<200x100xi32, #tpu.memory_space<hbm>>) target(%arg5 : memref<200x100xi32, #tpu.memory_space<vmem>>) target_semaphore(%run_scoped3A : memref<!tpu.dma_semaphore, #tpu.memory_space<semaphore_mem>>)
      %dma_wait3A = arith.constant 0 : i32
      %dma_wait3A_38 = arith.constant 0 : i32
      %dma_wait3A_39 = tpu.memref_slice %arg2[%arg1, %dma_wait3A, %dma_wait3A_38] : memref<16x200x100xi32, #tpu.memory_space<hbm>> -> memref<1x200x100xi32, #tpu.memory_space<hbm>>
      %dma_wait3A_40 = tpu.memref_squeeze %dma_wait3A_39 : memref<1x200x100xi32, #tpu.memory_space<hbm>> -> memref<200x100xi32, #tpu.memory_space<hbm>>
      %dma_wait3A_41 = arith.constant 0 : i32
      %dma_wait3A_42 = arith.constant 0 : i32
      %dma_wait3A_43 = tpu.memref_slice %arg2[%arg1, %dma_wait3A_41, %dma_wait3A_42] : memref<16x200x100xi32, #tpu.memory_space<hbm>> -> memref<1x200x100xi32, #tpu.memory_space<hbm>>
      %dma_wait3A_44 = tpu.memref_squeeze %dma_wait3A_43 : memref<1x200x100xi32, #tpu.memory_space<hbm>> -> memref<200x100xi32, #tpu.memory_space<hbm>>
      tpu.wait_dma2 semaphore(%run_scoped3A : memref<!tpu.dma_semaphore, #tpu.memory_space<semaphore_mem>>) src(%dma_wait3A_44 : memref<200x100xi32, #tpu.memory_space<hbm>>) dst(%arg5 : memref<200x100xi32, #tpu.memory_space<vmem>>)
      tpu.yield
    }) : () -> ()
    %scan3A_14 = arith.constant 0 : i32
    %scan3A_15 = arith.constant 0 : i32
    %scan3A_16 = arith.constant 10 : i32
    %scan3A_17 = arith.addi %scan3A_15, %scan3A_16 : i32
    %scan3A_18 = arith.constant 1 : i32
    %scan3A_19 = scf.for %scan3A_31 = %scan3A_15 to %scan3A_17 step %scan3A_18 iter_args(%scan3A_32 = %scan3A_14) -> (i32)  : i32 {
      %mul3A_33 = arith.constant 100 : i32
      %mul3A_34 = arith.muli %arg0, %mul3A_33 : i32
      %mul3A_35 = arith.constant 10 : i32
      %mul3A_36 = arith.muli %scan3A_31, %mul3A_35 : i32
      %add3A = arith.addi %mul3A_34, %mul3A_36 : i32
      %add3A_37 = arith.constant 0 : i32
      %add3A_38 = arith.addi %add3A, %add3A_37 : i32
      %dma_start3A = arith.constant 0 : i32
      %dma_start3A_39 = tpu.memref_slice %arg6[%dma_start3A] : memref<128xf32, #tpu.memory_space<vmem>> -> memref<100xf32, #tpu.memory_space<vmem>>
      %dma_start3A_40 = arith.constant 0 : i32
      %dma_start3A_41 = tpu.memref_slice %arg5[%add3A_38, %dma_start3A_40] : memref<200x100xi32, #tpu.memory_space<vmem>> -> memref<1x100xi32, #tpu.memory_space<vmem>>
      %dma_start3A_42 = tpu.memref_squeeze %dma_start3A_41 : memref<1x100xi32, #tpu.memory_space<vmem>> -> memref<100xi32, #tpu.memory_space<vmem>>
      %dma_start3A_43 = arith.constant 0 : i32
      %dma_start3A_44 = tpu.memref_slice %arg8[%dma_start3A_43] : memref<10240xf32, #tpu.memory_space<vmem_shared>> -> memref<10240xf32, #tpu.memory_space<vmem_shared>>
      tpu.enqueue_indirect_dma source(%dma_start3A_39 : memref<100xf32, #tpu.memory_space<vmem>>) target(%dma_start3A_44 : memref<10240xf32, #tpu.memory_space<vmem_shared>>) offsets(%dma_start3A_42 : memref<100xi32, #tpu.memory_space<vmem>>) semaphore(%arg9 : memref<!tpu.dma_semaphore, #tpu.memory_space<semaphore_mem>>) {add = true}
      %add3A_45 = arith.constant 1 : i32
      %add3A_46 = arith.addi %add3A, %add3A_45 : i32
      %dma_start3A_47 = arith.constant 0 : i32
      %dma_start3A_48 = tpu.memref_slice %arg6[%dma_start3A_47] : memref<128xf32, #tpu.memory_space<vmem>> -> memref<100xf32, #tpu.memory_space<vmem>>
      %dma_start3A_49 = arith.constant 0 : i32
      %dma_start3A_50 = tpu.memref_slice %arg5[%add3A_46, %dma_start3A_49] : memref<200x100xi32, #tpu.memory_space<vmem>> -> memref<1x100xi32, #tpu.memory_space<vmem>>
      %dma_start3A_51 = tpu.memref_squeeze %dma_start3A_50 : memref<1x100xi32, #tpu.memory_space<vmem>> -> memref<100xi32, #tpu.memory_space<vmem>>
      %dma_start3A_52 = arith.constant 0 : i32
      %dma_start3A_53 = tpu.memref_slice %arg8[%dma_start3A_52] : memref<10240xf32, #tpu.memory_space<vmem_shared>> -> memref<10240xf32, #tpu.memory_space<vmem_shared>>
      tpu.enqueue_indirect_dma source(%dma_start3A_48 : memref<100xf32, #tpu.memory_space<vmem>>) target(%dma_start3A_53 : memref<10240xf32, #tpu.memory_space<vmem_shared>>) offsets(%dma_start3A_51 : memref<100xi32, #tpu.memory_space<vmem>>) semaphore(%arg9 : memref<!tpu.dma_semaphore, #tpu.memory_space<semaphore_mem>>) {add = true}
      %add3A_54 = arith.constant 2 : i32
      %add3A_55 = arith.addi %add3A, %add3A_54 : i32
      %dma_start3A_56 = arith.constant 0 : i32
      %dma_start3A_57 = tpu.memref_slice %arg6[%dma_start3A_56] : memref<128xf32, #tpu.memory_space<vmem>> -> memref<100xf32, #tpu.memory_space<vmem>>
      %dma_start3A_58 = arith.constant 0 : i32
      %dma_start3A_59 = tpu.memref_slice %arg5[%add3A_55, %dma_start3A_58] : memref<200x100xi32, #tpu.memory_space<vmem>> -> memref<1x100xi32, #tpu.memory_space<vmem>>
      %dma_start3A_60 = tpu.memref_squeeze %dma_start3A_59 : memref<1x100xi32, #tpu.memory_space<vmem>> -> memref<100xi32, #tpu.memory_space<vmem>>
      %dma_start3A_61 = arith.constant 0 : i32
      %dma_start3A_62 = tpu.memref_slice %arg8[%dma_start3A_61] : memref<10240xf32, #tpu.memory_space<vmem_shared>> -> memref<10240xf32, #tpu.memory_space<vmem_shared>>
      tpu.enqueue_indirect_dma source(%dma_start3A_57 : memref<100xf32, #tpu.memory_space<vmem>>) target(%dma_start3A_62 : memref<10240xf32, #tpu.memory_space<vmem_shared>>) offsets(%dma_start3A_60 : memref<100xi32, #tpu.memory_space<vmem>>) semaphore(%arg9 : memref<!tpu.dma_semaphore, #tpu.memory_space<semaphore_mem>>) {add = true}
      %add3A_63 = arith.constant 3 : i32
      %add3A_64 = arith.addi %add3A, %add3A_63 : i32
      %dma_start3A_65 = arith.constant 0 : i32
      %dma_start3A_66 = tpu.memref_slice %arg6[%dma_start3A_65] : memref<128xf32, #tpu.memory_space<vmem>> -> memref<100xf32, #tpu.memory_space<vmem>>
      %dma_start3A_67 = arith.constant 0 : i32
      %dma_start3A_68 = tpu.memref_slice %arg5[%add3A_64, %dma_start3A_67] : memref<200x100xi32, #tpu.memory_space<vmem>> -> memref<1x100xi32, #tpu.memory_space<vmem>>
      %dma_start3A_69 = tpu.memref_squeeze %dma_start3A_68 : memref<1x100xi32, #tpu.memory_space<vmem>> -> memref<100xi32, #tpu.memory_space<vmem>>
      %dma_start3A_70 = arith.constant 0 : i32
      %dma_start3A_71 = tpu.memref_slice %arg8[%dma_start3A_70] : memref<10240xf32, #tpu.memory_space<vmem_shared>> -> memref<10240xf32, #tpu.memory_space<vmem_shared>>
      tpu.enqueue_indirect_dma source(%dma_start3A_66 : memref<100xf32, #tpu.memory_space<vmem>>) target(%dma_start3A_71 : memref<10240xf32, #tpu.memory_space<vmem_shared>>) offsets(%dma_start3A_69 : memref<100xi32, #tpu.memory_space<vmem>>) semaphore(%arg9 : memref<!tpu.dma_semaphore, #tpu.memory_space<semaphore_mem>>) {add = true}
      %add3A_72 = arith.constant 4 : i32
      %add3A_73 = arith.addi %add3A, %add3A_72 : i32
      %dma_start3A_74 = arith.constant 0 : i32
      %dma_start3A_75 = tpu.memref_slice %arg6[%dma_start3A_74] : memref<128xf32, #tpu.memory_space<vmem>> -> memref<100xf32, #tpu.memory_space<vmem>>
      %dma_start3A_76 = arith.constant 0 : i32
      %dma_start3A_77 = tpu.memref_slice %arg5[%add3A_73, %dma_start3A_76] : memref<200x100xi32, #tpu.memory_space<vmem>> -> memref<1x100xi32, #tpu.memory_space<vmem>>
      %dma_start3A_78 = tpu.memref_squeeze %dma_start3A_77 : memref<1x100xi32, #tpu.memory_space<vmem>> -> memref<100xi32, #tpu.memory_space<vmem>>
      %dma_start3A_79 = arith.constant 0 : i32
      %dma_start3A_80 = tpu.memref_slice %arg8[%dma_start3A_79] : memref<10240xf32, #tpu.memory_space<vmem_shared>> -> memref<10240xf32, #tpu.memory_space<vmem_shared>>
      tpu.enqueue_indirect_dma source(%dma_start3A_75 : memref<100xf32, #tpu.memory_space<vmem>>) target(%dma_start3A_80 : memref<10240xf32, #tpu.memory_space<vmem_shared>>) offsets(%dma_start3A_78 : memref<100xi32, #tpu.memory_space<vmem>>) semaphore(%arg9 : memref<!tpu.dma_semaphore, #tpu.memory_space<semaphore_mem>>) {add = true}
      %add3A_81 = arith.constant 5 : i32
      %add3A_82 = arith.addi %add3A, %add3A_81 : i32
      %dma_start3A_83 = arith.constant 0 : i32
      %dma_start3A_84 = tpu.memref_slice %arg6[%dma_start3A_83] : memref<128xf32, #tpu.memory_space<vmem>> -> memref<100xf32, #tpu.memory_space<vmem>>
      %dma_start3A_85 = arith.constant 0 : i32
      %dma_start3A_86 = tpu.memref_slice %arg5[%add3A_82, %dma_start3A_85] : memref<200x100xi32, #tpu.memory_space<vmem>> -> memref<1x100xi32, #tpu.memory_space<vmem>>
      %dma_start3A_87 = tpu.memref_squeeze %dma_start3A_86 : memref<1x100xi32, #tpu.memory_space<vmem>> -> memref<100xi32, #tpu.memory_space<vmem>>
      %dma_start3A_88 = arith.constant 0 : i32
      %dma_start3A_89 = tpu.memref_slice %arg8[%dma_start3A_88] : memref<10240xf32, #tpu.memory_space<vmem_shared>> -> memref<10240xf32, #tpu.memory_space<vmem_shared>>
      tpu.enqueue_indirect_dma source(%dma_start3A_84 : memref<100xf32, #tpu.memory_space<vmem>>) target(%dma_start3A_89 : memref<10240xf32, #tpu.memory_space<vmem_shared>>) offsets(%dma_start3A_87 : memref<100xi32, #tpu.memory_space<vmem>>) semaphore(%arg9 : memref<!tpu.dma_semaphore, #tpu.memory_space<semaphore_mem>>) {add = true}
      %add3A_90 = arith.constant 6 : i32
      %add3A_91 = arith.addi %add3A, %add3A_90 : i32
      %dma_start3A_92 = arith.constant 0 : i32
      %dma_start3A_93 = tpu.memref_slice %arg6[%dma_start3A_92] : memref<128xf32, #tpu.memory_space<vmem>> -> memref<100xf32, #tpu.memory_space<vmem>>
      %dma_start3A_94 = arith.constant 0 : i32
      %dma_start3A_95 = tpu.memref_slice %arg5[%add3A_91, %dma_start3A_94] : memref<200x100xi32, #tpu.memory_space<vmem>> -> memref<1x100xi32, #tpu.memory_space<vmem>>
      %dma_start3A_96 = tpu.memref_squeeze %dma_start3A_95 : memref<1x100xi32, #tpu.memory_space<vmem>> -> memref<100xi32, #tpu.memory_space<vmem>>
      %dma_start3A_97 = arith.constant 0 : i32
      %dma_start3A_98 = tpu.memref_slice %arg8[%dma_start3A_97] : memref<10240xf32, #tpu.memory_space<vmem_shared>> -> memref<10240xf32, #tpu.memory_space<vmem_shared>>
      tpu.enqueue_indirect_dma source(%dma_start3A_93 : memref<100xf32, #tpu.memory_space<vmem>>) target(%dma_start3A_98 : memref<10240xf32, #tpu.memory_space<vmem_shared>>) offsets(%dma_start3A_96 : memref<100xi32, #tpu.memory_space<vmem>>) semaphore(%arg9 : memref<!tpu.dma_semaphore, #tpu.memory_space<semaphore_mem>>) {add = true}
      %add3A_99 = arith.constant 7 : i32
      %add3A_100 = arith.addi %add3A, %add3A_99 : i32
      %dma_start3A_101 = arith.constant 0 : i32
      %dma_start3A_102 = tpu.memref_slice %arg6[%dma_start3A_101] : memref<128xf32, #tpu.memory_space<vmem>> -> memref<100xf32, #tpu.memory_space<vmem>>
      %dma_start3A_103 = arith.constant 0 : i32
      %dma_start3A_104 = tpu.memref_slice %arg5[%add3A_100, %dma_start3A_103] : memref<200x100xi32, #tpu.memory_space<vmem>> -> memref<1x100xi32, #tpu.memory_space<vmem>>
      %dma_start3A_105 = tpu.memref_squeeze %dma_start3A_104 : memref<1x100xi32, #tpu.memory_space<vmem>> -> memref<100xi32, #tpu.memory_space<vmem>>
      %dma_start3A_106 = arith.constant 0 : i32
      %dma_start3A_107 = tpu.memref_slice %arg8[%dma_start3A_106] : memref<10240xf32, #tpu.memory_space<vmem_shared>> -> memref<10240xf32, #tpu.memory_space<vmem_shared>>
      tpu.enqueue_indirect_dma source(%dma_start3A_102 : memref<100xf32, #tpu.memory_space<vmem>>) target(%dma_start3A_107 : memref<10240xf32, #tpu.memory_space<vmem_shared>>) offsets(%dma_start3A_105 : memref<100xi32, #tpu.memory_space<vmem>>) semaphore(%arg9 : memref<!tpu.dma_semaphore, #tpu.memory_space<semaphore_mem>>) {add = true}
      %add3A_108 = arith.constant 8 : i32
      %add3A_109 = arith.addi %add3A, %add3A_108 : i32
      %dma_start3A_110 = arith.constant 0 : i32
      %dma_start3A_111 = tpu.memref_slice %arg6[%dma_start3A_110] : memref<128xf32, #tpu.memory_space<vmem>> -> memref<100xf32, #tpu.memory_space<vmem>>
      %dma_start3A_112 = arith.constant 0 : i32
      %dma_start3A_113 = tpu.memref_slice %arg5[%add3A_109, %dma_start3A_112] : memref<200x100xi32, #tpu.memory_space<vmem>> -> memref<1x100xi32, #tpu.memory_space<vmem>>
      %dma_start3A_114 = tpu.memref_squeeze %dma_start3A_113 : memref<1x100xi32, #tpu.memory_space<vmem>> -> memref<100xi32, #tpu.memory_space<vmem>>
      %dma_start3A_115 = arith.constant 0 : i32
      %dma_start3A_116 = tpu.memref_slice %arg8[%dma_start3A_115] : memref<10240xf32, #tpu.memory_space<vmem_shared>> -> memref<10240xf32, #tpu.memory_space<vmem_shared>>
      tpu.enqueue_indirect_dma source(%dma_start3A_111 : memref<100xf32, #tpu.memory_space<vmem>>) target(%dma_start3A_116 : memref<10240xf32, #tpu.memory_space<vmem_shared>>) offsets(%dma_start3A_114 : memref<100xi32, #tpu.memory_space<vmem>>) semaphore(%arg9 : memref<!tpu.dma_semaphore, #tpu.memory_space<semaphore_mem>>) {add = true}
      %add3A_117 = arith.constant 9 : i32
      %add3A_118 = arith.addi %add3A, %add3A_117 : i32
      %dma_start3A_119 = arith.constant 0 : i32
      %dma_start3A_120 = tpu.memref_slice %arg6[%dma_start3A_119] : memref<128xf32, #tpu.memory_space<vmem>> -> memref<100xf32, #tpu.memory_space<vmem>>
      %dma_start3A_121 = arith.constant 0 : i32
      %dma_start3A_122 = tpu.memref_slice %arg5[%add3A_118, %dma_start3A_121] : memref<200x100xi32, #tpu.memory_space<vmem>> -> memref<1x100xi32, #tpu.memory_space<vmem>>
      %dma_start3A_123 = tpu.memref_squeeze %dma_start3A_122 : memref<1x100xi32, #tpu.memory_space<vmem>> -> memref<100xi32, #tpu.memory_space<vmem>>
      %dma_start3A_124 = arith.constant 0 : i32
      %dma_start3A_125 = tpu.memref_slice %arg8[%dma_start3A_124] : memref<10240xf32, #tpu.memory_space<vmem_shared>> -> memref<10240xf32, #tpu.memory_space<vmem_shared>>
      tpu.enqueue_indirect_dma source(%dma_start3A_120 : memref<100xf32, #tpu.memory_space<vmem>>) target(%dma_start3A_125 : memref<10240xf32, #tpu.memory_space<vmem_shared>>) offsets(%dma_start3A_123 : memref<100xi32, #tpu.memory_space<vmem>>) semaphore(%arg9 : memref<!tpu.dma_semaphore, #tpu.memory_space<semaphore_mem>>) {add = true}
      %add3A_126 = arith.constant 0 : i32
      %add3A_127 = arith.addi %add3A, %add3A_126 : i32
      %dma_wait3A = arith.constant 0 : i32
      %dma_wait3A_128 = tpu.memref_slice %arg6[%dma_wait3A] : memref<128xf32, #tpu.memory_space<vmem>> -> memref<100xf32, #tpu.memory_space<vmem>>
      %dma_wait3A_129 = arith.constant 0 : i32
      %dma_wait3A_130 = tpu.memref_slice %arg5[%add3A_127, %dma_wait3A_129] : memref<200x100xi32, #tpu.memory_space<vmem>> -> memref<1x100xi32, #tpu.memory_space<vmem>>
      %dma_wait3A_131 = tpu.memref_squeeze %dma_wait3A_130 : memref<1x100xi32, #tpu.memory_space<vmem>> -> memref<100xi32, #tpu.memory_space<vmem>>
      %dma_wait3A_132 = arith.constant 0 : i32
      %dma_wait3A_133 = tpu.memref_slice %arg8[%dma_wait3A_132] : memref<10240xf32, #tpu.memory_space<vmem_shared>> -> memref<10240xf32, #tpu.memory_space<vmem_shared>>
      tpu.wait_indirect_dma semaphore(%arg9 : memref<!tpu.dma_semaphore, #tpu.memory_space<semaphore_mem>>) src(%dma_wait3A_128 : memref<100xf32, #tpu.memory_space<vmem>>) dst(%dma_wait3A_133 : memref<10240xf32, #tpu.memory_space<vmem_shared>>)
      %add3A_134 = arith.constant 1 : i32
      %add3A_135 = arith.addi %add3A, %add3A_134 : i32
      %dma_wait3A_136 = arith.constant 0 : i32
      %dma_wait3A_137 = tpu.memref_slice %arg6[%dma_wait3A_136] : memref<128xf32, #tpu.memory_space<vmem>> -> memref<100xf32, #tpu.memory_space<vmem>>
      %dma_wait3A_138 = arith.constant 0 : i32
      %dma_wait3A_139 = tpu.memref_slice %arg5[%add3A_135, %dma_wait3A_138] : memref<200x100xi32, #tpu.memory_space<vmem>> -> memref<1x100xi32, #tpu.memory_space<vmem>>
      %dma_wait3A_140 = tpu.memref_squeeze %dma_wait3A_139 : memref<1x100xi32, #tpu.memory_space<vmem>> -> memref<100xi32, #tpu.memory_space<vmem>>
      %dma_wait3A_141 = arith.constant 0 : i32
      %dma_wait3A_142 = tpu.memref_slice %arg8[%dma_wait3A_141] : memref<10240xf32, #tpu.memory_space<vmem_shared>> -> memref<10240xf32, #tpu.memory_space<vmem_shared>>
      tpu.wait_indirect_dma semaphore(%arg9 : memref<!tpu.dma_semaphore, #tpu.memory_space<semaphore_mem>>) src(%dma_wait3A_137 : memref<100xf32, #tpu.memory_space<vmem>>) dst(%dma_wait3A_142 : memref<10240xf32, #tpu.memory_space<vmem_shared>>)
      %add3A_143 = arith.constant 2 : i32
      %add3A_144 = arith.addi %add3A, %add3A_143 : i32
      %dma_wait3A_145 = arith.constant 0 : i32
      %dma_wait3A_146 = tpu.memref_slice %arg6[%dma_wait3A_145] : memref<128xf32, #tpu.memory_space<vmem>> -> memref<100xf32, #tpu.memory_space<vmem>>
      %dma_wait3A_147 = arith.constant 0 : i32
      %dma_wait3A_148 = tpu.memref_slice %arg5[%add3A_144, %dma_wait3A_147] : memref<200x100xi32, #tpu.memory_space<vmem>> -> memref<1x100xi32, #tpu.memory_space<vmem>>
      %dma_wait3A_149 = tpu.memref_squeeze %dma_wait3A_148 : memref<1x100xi32, #tpu.memory_space<vmem>> -> memref<100xi32, #tpu.memory_space<vmem>>
      %dma_wait3A_150 = arith.constant 0 : i32
      %dma_wait3A_151 = tpu.memref_slice %arg8[%dma_wait3A_150] : memref<10240xf32, #tpu.memory_space<vmem_shared>> -> memref<10240xf32, #tpu.memory_space<vmem_shared>>
      tpu.wait_indirect_dma semaphore(%arg9 : memref<!tpu.dma_semaphore, #tpu.memory_space<semaphore_mem>>) src(%dma_wait3A_146 : memref<100xf32, #tpu.memory_space<vmem>>) dst(%dma_wait3A_151 : memref<10240xf32, #tpu.memory_space<vmem_shared>>)
      %add3A_152 = arith.constant 3 : i32
      %add3A_153 = arith.addi %add3A, %add3A_152 : i32
      %dma_wait3A_154 = arith.constant 0 : i32
      %dma_wait3A_155 = tpu.memref_slice %arg6[%dma_wait3A_154] : memref<128xf32, #tpu.memory_space<vmem>> -> memref<100xf32, #tpu.memory_space<vmem>>
      %dma_wait3A_156 = arith.constant 0 : i32
      %dma_wait3A_157 = tpu.memref_slice %arg5[%add3A_153, %dma_wait3A_156] : memref<200x100xi32, #tpu.memory_space<vmem>> -> memref<1x100xi32, #tpu.memory_space<vmem>>
      %dma_wait3A_158 = tpu.memref_squeeze %dma_wait3A_157 : memref<1x100xi32, #tpu.memory_space<vmem>> -> memref<100xi32, #tpu.memory_space<vmem>>
      %dma_wait3A_159 = arith.constant 0 : i32
      %dma_wait3A_160 = tpu.memref_slice %arg8[%dma_wait3A_159] : memref<10240xf32, #tpu.memory_space<vmem_shared>> -> memref<10240xf32, #tpu.memory_space<vmem_shared>>
      tpu.wait_indirect_dma semaphore(%arg9 : memref<!tpu.dma_semaphore, #tpu.memory_space<semaphore_mem>>) src(%dma_wait3A_155 : memref<100xf32, #tpu.memory_space<vmem>>) dst(%dma_wait3A_160 : memref<10240xf32, #tpu.memory_space<vmem_shared>>)
      %add3A_161 = arith.constant 4 : i32
      %add3A_162 = arith.addi %add3A, %add3A_161 : i32
      %dma_wait3A_163 = arith.constant 0 : i32
      %dma_wait3A_164 = tpu.memref_slice %arg6[%dma_wait3A_163] : memref<128xf32, #tpu.memory_space<vmem>> -> memref<100xf32, #tpu.memory_space<vmem>>
      %dma_wait3A_165 = arith.constant 0 : i32
      %dma_wait3A_166 = tpu.memref_slice %arg5[%add3A_162, %dma_wait3A_165] : memref<200x100xi32, #tpu.memory_space<vmem>> -> memref<1x100xi32, #tpu.memory_space<vmem>>
      %dma_wait3A_167 = tpu.memref_squeeze %dma_wait3A_166 : memref<1x100xi32, #tpu.memory_space<vmem>> -> memref<100xi32, #tpu.memory_space<vmem>>
      %dma_wait3A_168 = arith.constant 0 : i32
      %dma_wait3A_169 = tpu.memref_slice %arg8[%dma_wait3A_168] : memref<10240xf32, #tpu.memory_space<vmem_shared>> -> memref<10240xf32, #tpu.memory_space<vmem_shared>>
      tpu.wait_indirect_dma semaphore(%arg9 : memref<!tpu.dma_semaphore, #tpu.memory_space<semaphore_mem>>) src(%dma_wait3A_164 : memref<100xf32, #tpu.memory_space<vmem>>) dst(%dma_wait3A_169 : memref<10240xf32, #tpu.memory_space<vmem_shared>>)
      %add3A_170 = arith.constant 5 : i32
      %add3A_171 = arith.addi %add3A, %add3A_170 : i32
      %dma_wait3A_172 = arith.constant 0 : i32
      %dma_wait3A_173 = tpu.memref_slice %arg6[%dma_wait3A_172] : memref<128xf32, #tpu.memory_space<vmem>> -> memref<100xf32, #tpu.memory_space<vmem>>
      %dma_wait3A_174 = arith.constant 0 : i32
      %dma_wait3A_175 = tpu.memref_slice %arg5[%add3A_171, %dma_wait3A_174] : memref<200x100xi32, #tpu.memory_space<vmem>> -> memref<1x100xi32, #tpu.memory_space<vmem>>
      %dma_wait3A_176 = tpu.memref_squeeze %dma_wait3A_175 : memref<1x100xi32, #tpu.memory_space<vmem>> -> memref<100xi32, #tpu.memory_space<vmem>>
      %dma_wait3A_177 = arith.constant 0 : i32
      %dma_wait3A_178 = tpu.memref_slice %arg8[%dma_wait3A_177] : memref<10240xf32, #tpu.memory_space<vmem_shared>> -> memref<10240xf32, #tpu.memory_space<vmem_shared>>
      tpu.wait_indirect_dma semaphore(%arg9 : memref<!tpu.dma_semaphore, #tpu.memory_space<semaphore_mem>>) src(%dma_wait3A_173 : memref<100xf32, #tpu.memory_space<vmem>>) dst(%dma_wait3A_178 : memref<10240xf32, #tpu.memory_space<vmem_shared>>)
      %add3A_179 = arith.constant 6 : i32
      %add3A_180 = arith.addi %add3A, %add3A_179 : i32
      %dma_wait3A_181 = arith.constant 0 : i32
      %dma_wait3A_182 = tpu.memref_slice %arg6[%dma_wait3A_181] : memref<128xf32, #tpu.memory_space<vmem>> -> memref<100xf32, #tpu.memory_space<vmem>>
      %dma_wait3A_183 = arith.constant 0 : i32
      %dma_wait3A_184 = tpu.memref_slice %arg5[%add3A_180, %dma_wait3A_183] : memref<200x100xi32, #tpu.memory_space<vmem>> -> memref<1x100xi32, #tpu.memory_space<vmem>>
      %dma_wait3A_185 = tpu.memref_squeeze %dma_wait3A_184 : memref<1x100xi32, #tpu.memory_space<vmem>> -> memref<100xi32, #tpu.memory_space<vmem>>
      %dma_wait3A_186 = arith.constant 0 : i32
      %dma_wait3A_187 = tpu.memref_slice %arg8[%dma_wait3A_186] : memref<10240xf32, #tpu.memory_space<vmem_shared>> -> memref<10240xf32, #tpu.memory_space<vmem_shared>>
      tpu.wait_indirect_dma semaphore(%arg9 : memref<!tpu.dma_semaphore, #tpu.memory_space<semaphore_mem>>) src(%dma_wait3A_182 : memref<100xf32, #tpu.memory_space<vmem>>) dst(%dma_wait3A_187 : memref<10240xf32, #tpu.memory_space<vmem_shared>>)
      %add3A_188 = arith.constant 7 : i32
      %add3A_189 = arith.addi %add3A, %add3A_188 : i32
      %dma_wait3A_190 = arith.constant 0 : i32
      %dma_wait3A_191 = tpu.memref_slice %arg6[%dma_wait3A_190] : memref<128xf32, #tpu.memory_space<vmem>> -> memref<100xf32, #tpu.memory_space<vmem>>
      %dma_wait3A_192 = arith.constant 0 : i32
      %dma_wait3A_193 = tpu.memref_slice %arg5[%add3A_189, %dma_wait3A_192] : memref<200x100xi32, #tpu.memory_space<vmem>> -> memref<1x100xi32, #tpu.memory_space<vmem>>
      %dma_wait3A_194 = tpu.memref_squeeze %dma_wait3A_193 : memref<1x100xi32, #tpu.memory_space<vmem>> -> memref<100xi32, #tpu.memory_space<vmem>>
      %dma_wait3A_195 = arith.constant 0 : i32
      %dma_wait3A_196 = tpu.memref_slice %arg8[%dma_wait3A_195] : memref<10240xf32, #tpu.memory_space<vmem_shared>> -> memref<10240xf32, #tpu.memory_space<vmem_shared>>
      tpu.wait_indirect_dma semaphore(%arg9 : memref<!tpu.dma_semaphore, #tpu.memory_space<semaphore_mem>>) src(%dma_wait3A_191 : memref<100xf32, #tpu.memory_space<vmem>>) dst(%dma_wait3A_196 : memref<10240xf32, #tpu.memory_space<vmem_shared>>)
      %add3A_197 = arith.constant 8 : i32
      %add3A_198 = arith.addi %add3A, %add3A_197 : i32
      %dma_wait3A_199 = arith.constant 0 : i32
      %dma_wait3A_200 = tpu.memref_slice %arg6[%dma_wait3A_199] : memref<128xf32, #tpu.memory_space<vmem>> -> memref<100xf32, #tpu.memory_space<vmem>>
      %dma_wait3A_201 = arith.constant 0 : i32
      %dma_wait3A_202 = tpu.memref_slice %arg5[%add3A_198, %dma_wait3A_201] : memref<200x100xi32, #tpu.memory_space<vmem>> -> memref<1x100xi32, #tpu.memory_space<vmem>>
      %dma_wait3A_203 = tpu.memref_squeeze %dma_wait3A_202 : memref<1x100xi32, #tpu.memory_space<vmem>> -> memref<100xi32, #tpu.memory_space<vmem>>
      %dma_wait3A_204 = arith.constant 0 : i32
      %dma_wait3A_205 = tpu.memref_slice %arg8[%dma_wait3A_204] : memref<10240xf32, #tpu.memory_space<vmem_shared>> -> memref<10240xf32, #tpu.memory_space<vmem_shared>>
      tpu.wait_indirect_dma semaphore(%arg9 : memref<!tpu.dma_semaphore, #tpu.memory_space<semaphore_mem>>) src(%dma_wait3A_200 : memref<100xf32, #tpu.memory_space<vmem>>) dst(%dma_wait3A_205 : memref<10240xf32, #tpu.memory_space<vmem_shared>>)
      %add3A_206 = arith.constant 9 : i32
      %add3A_207 = arith.addi %add3A, %add3A_206 : i32
      %dma_wait3A_208 = arith.constant 0 : i32
      %dma_wait3A_209 = tpu.memref_slice %arg6[%dma_wait3A_208] : memref<128xf32, #tpu.memory_space<vmem>> -> memref<100xf32, #tpu.memory_space<vmem>>
      %dma_wait3A_210 = arith.constant 0 : i32
      %dma_wait3A_211 = tpu.memref_slice %arg5[%add3A_207, %dma_wait3A_210] : memref<200x100xi32, #tpu.memory_space<vmem>> -> memref<1x100xi32, #tpu.memory_space<vmem>>
      %dma_wait3A_212 = tpu.memref_squeeze %dma_wait3A_211 : memref<1x100xi32, #tpu.memory_space<vmem>> -> memref<100xi32, #tpu.memory_space<vmem>>
      %dma_wait3A_213 = arith.constant 0 : i32
      %dma_wait3A_214 = tpu.memref_slice %arg8[%dma_wait3A_213] : memref<10240xf32, #tpu.memory_space<vmem_shared>> -> memref<10240xf32, #tpu.memory_space<vmem_shared>>
      tpu.wait_indirect_dma semaphore(%arg9 : memref<!tpu.dma_semaphore, #tpu.memory_space<semaphore_mem>>) src(%dma_wait3A_209 : memref<100xf32, #tpu.memory_space<vmem>>) dst(%dma_wait3A_214 : memref<10240xf32, #tpu.memory_space<vmem_shared>>)
      %scan3A_215 = arith.constant 0 : i32
      scf.yield %scan3A_215 : i32
    }
    %scan3A_20 = arith.constant 10 : i32
    %barrier3A_21 = arith.constant 0 : index
    tpu.barrier barrier_id(%barrier3A_21)
    %mul3A_22 = arith.constant 640 : i32
    %mul3A_23 = arith.muli %arg1, %mul3A_22 : i32
    %eq3A = arith.constant 0 : i32
    %eq3A_24 = arith.cmpi eq, %arg0, %eq3A : i32
    %convert_element_type3A = arith.extui %eq3A_24 : i1 to i32
    %cond3A = arith.constant 0 : i32
    %cond3A_25 = arith.cmpi ne, %convert_element_type3A, %cond3A : i32
    scf.if %cond3A_25 {
      "tpu.region"() ({
        %run_scoped3A = tpu.sem_alloc : memref<!tpu.dma_semaphore, #tpu.memory_space<semaphore_mem>>
        %dma_start3A = tpu.memref_slice %arg3[%mul3A_23] : memref<10240xf32, #tpu.memory_space<hbm>> -> memref<640xf32, #tpu.memory_space<hbm>>
        %dma_start3A_31 = tpu.memref_slice %arg8[%mul3A_23] : memref<10240xf32, #tpu.memory_space<vmem_shared>> -> memref<640xf32, #tpu.memory_space<vmem_shared>>
        tpu.enqueue_dma source(%dma_start3A_31 : memref<640xf32, #tpu.memory_space<vmem_shared>>) target(%dma_start3A : memref<640xf32, #tpu.memory_space<hbm>>) target_semaphore(%run_scoped3A : memref<!tpu.dma_semaphore, #tpu.memory_space<semaphore_mem>>)
        %dma_wait3A = tpu.memref_slice %arg3[%mul3A_23] : memref<10240xf32, #tpu.memory_space<hbm>> -> memref<640xf32, #tpu.memory_space<hbm>>
        %dma_wait3A_32 = tpu.memref_slice %arg8[%mul3A_23] : memref<10240xf32, #tpu.memory_space<vmem_shared>> -> memref<640xf32, #tpu.memory_space<vmem_shared>>
        tpu.wait_dma2 semaphore(%run_scoped3A : memref<!tpu.dma_semaphore, #tpu.memory_space<semaphore_mem>>) src(%dma_wait3A_32 : memref<640xf32, #tpu.memory_space<vmem_shared>>) dst(%dma_wait3A : memref<640xf32, #tpu.memory_space<hbm>>)
        tpu.yield
      }) : () -> ()
    } else {
    }
    %eq3A_26 = arith.constant 1 : i32
    %eq3A_27 = arith.cmpi eq, %arg0, %eq3A_26 : i32
    %convert_element_type3A_28 = arith.extui %eq3A_27 : i1 to i32
    %cond3A_29 = arith.constant 0 : i32
    %cond3A_30 = arith.cmpi ne, %convert_element_type3A_28, %cond3A_29 : i32
    scf.if %cond3A_30 {
      "tpu.region"() ({
        %run_scoped3A = tpu.sem_alloc : memref<!tpu.dma_semaphore, #tpu.memory_space<semaphore_mem>>
        %dma_start3A = tpu.memref_slice %arg4[%mul3A_23] : memref<10240xf32, #tpu.memory_space<hbm>> -> memref<640xf32, #tpu.memory_space<hbm>>
        %dma_start3A_31 = tpu.memref_slice %arg8[%mul3A_23] : memref<10240xf32, #tpu.memory_space<vmem_shared>> -> memref<640xf32, #tpu.memory_space<vmem_shared>>
        tpu.enqueue_dma source(%dma_start3A_31 : memref<640xf32, #tpu.memory_space<vmem_shared>>) target(%dma_start3A : memref<640xf32, #tpu.memory_space<hbm>>) target_semaphore(%run_scoped3A : memref<!tpu.dma_semaphore, #tpu.memory_space<semaphore_mem>>)
        %dma_wait3A = tpu.memref_slice %arg4[%mul3A_23] : memref<10240xf32, #tpu.memory_space<hbm>> -> memref<640xf32, #tpu.memory_space<hbm>>
        %dma_wait3A_32 = tpu.memref_slice %arg8[%mul3A_23] : memref<10240xf32, #tpu.memory_space<vmem_shared>> -> memref<640xf32, #tpu.memory_space<vmem_shared>>
        tpu.wait_dma2 semaphore(%run_scoped3A : memref<!tpu.dma_semaphore, #tpu.memory_space<semaphore_mem>>) src(%dma_wait3A_32 : memref<640xf32, #tpu.memory_space<vmem_shared>>) dst(%dma_wait3A : memref<640xf32, #tpu.memory_space<hbm>>)
        tpu.yield
      }) : () -> ()
    } else {
    }
    return
  }
}

#map = affine_map<(d0, d1) -> (0, 0, 0)>
#map1 = affine_map<(d0, d1) -> (0)>
#map2 = affine_map<(d0, d1) -> (0, 0)>
module attributes {stable_mosaic.version = 14 : i64} {
  func.func @_sc_scatter(%arg0: i32, %arg1: i32, %arg2: memref<16x200x100xi32, #tpu.memory_space<hbm>>, %arg3: memref<16x200x100xi32, #tpu.memory_space<hbm>>, %arg4: memref<10240xf32, #tpu.memory_space<hbm>>, %arg5: memref<10240x128xf32, #tpu.memory_space<hbm>>, %arg6: memref<10240x128xf32, #tpu.memory_space<hbm>>, %arg7: memref<10240x128xf32, #tpu.memory_space<hbm>>, %arg8: memref<10240x128xf32, #tpu.memory_space<hbm>>, %arg9: memref<10240xf32, #tpu.memory_space<hbm>>, %arg10: memref<10240xf32, #tpu.memory_space<hbm>>, %arg11: memref<2x8x100xi32, #tpu.memory_space<vmem>>, %arg12: memref<2x8x100xi32, #tpu.memory_space<vmem>>, %arg13: memref<100x128xf32, #tpu.memory_space<vmem>>, %arg14: memref<100x128xf32, #tpu.memory_space<vmem>>, %arg15: memref<100x128xf32, #tpu.memory_space<vmem>>, %arg16: memref<128xf32, #tpu.memory_space<vmem>>, %arg17: memref<640xf32, #tpu.memory_space<vmem>>, %arg18: memref<10240x128xf32, #tpu.memory_space<vmem_shared>>, %arg19: memref<10240xf32, #tpu.memory_space<vmem_shared>>, %arg20: memref<10240xf32, #tpu.memory_space<vmem_shared>>, %arg21: memref<!tpu.dma_semaphore, #tpu.memory_space<semaphore_mem>>, %arg22: memref<!tpu.dma_semaphore, #tpu.memory_space<semaphore_mem>>, %arg23: memref<!tpu.dma_semaphore, #tpu.memory_space<semaphore_mem>>, %arg24: memref<!tpu.dma_semaphore, #tpu.memory_space<semaphore_mem>>, %arg25: memref<!tpu.dma_semaphore, #tpu.memory_space<semaphore_mem>>) attributes {dimension_semantics = [#tpu.dimension_semantics<core_parallel>, #tpu.dimension_semantics<subcore_parallel>], iteration_bounds = array<i64: 2, 16>, scalar_prefetch = 0 : i64, scratch_operands = 15 : i64, tpu.core_type = #tpu.core_type<sc_vector_subcore>, window_params = [{transform_indices = #map}, {transform_indices = #map}, {transform_indices = #map1}, {transform_indices = #map2}, {transform_indices = #map2}, {transform_indices = #map2}, {transform_indices = #map2}, {transform_indices = #map1}, {transform_indices = #map1}]} {
    %scan3A = arith.constant 0 : i32
    %scan3A_0 = arith.constant 0 : i32
    %scan3A_1 = arith.constant 100 : i32
    %scan3A_2 = arith.addi %scan3A_0, %scan3A_1 : i32
    %scan3A_3 = arith.constant 1 : i32
    %scan3A_4 = scf.for %scan3A_47 = %scan3A_0 to %scan3A_2 step %scan3A_3 iter_args(%scan3A_48 = %scan3A) -> (i32)  : i32 {
      %broadcast_in_dim3A = arith.constant 0.000000e+00 : f32
      %broadcast_in_dim3A_49 = vector.broadcast %broadcast_in_dim3A : f32 to vector<16xf32>
      %swap3A = arith.index_cast %scan3A_47 : i32 to index
      %swap3A_50 = arith.constant 0 : index
      %swap3A_51 = tpu.vector_load %arg13[%swap3A, %swap3A_50] {strides = array<i32>} : memref<100x128xf32, #tpu.memory_space<vmem>>, vector<1x16xf32>,
      %swap3A_52 = vector.shape_cast %swap3A_51 : vector<1x16xf32> to vector<16xf32>
      %swap3A_53 = vector.shape_cast %broadcast_in_dim3A_49 : vector<16xf32> to vector<1x16xf32>
      tpu.vector_store %arg13[%swap3A, %swap3A_50], %swap3A_53 {strides = array<i32>} : memref<100x128xf32, #tpu.memory_space<vmem>>, vector<1x16xf32>,
      %broadcast_in_dim3A_54 = arith.constant 0.000000e+00 : f32
      %broadcast_in_dim3A_55 = vector.broadcast %broadcast_in_dim3A_54 : f32 to vector<16xf32>
      %swap3A_56 = arith.index_cast %scan3A_47 : i32 to index
      %swap3A_57 = arith.constant 16 : index
      %swap3A_58 = tpu.vector_load %arg13[%swap3A_56, %swap3A_57] {strides = array<i32>} : memref<100x128xf32, #tpu.memory_space<vmem>>, vector<1x16xf32>,
      %swap3A_59 = vector.shape_cast %swap3A_58 : vector<1x16xf32> to vector<16xf32>
      %swap3A_60 = vector.shape_cast %broadcast_in_dim3A_55 : vector<16xf32> to vector<1x16xf32>
      tpu.vector_store %arg13[%swap3A_56, %swap3A_57], %swap3A_60 {strides = array<i32>} : memref<100x128xf32, #tpu.memory_space<vmem>>, vector<1x16xf32>,
      %broadcast_in_dim3A_61 = arith.constant 0.000000e+00 : f32
      %broadcast_in_dim3A_62 = vector.broadcast %broadcast_in_dim3A_61 : f32 to vector<16xf32>
      %swap3A_63 = arith.index_cast %scan3A_47 : i32 to index
      %swap3A_64 = arith.constant 32 : index
      %swap3A_65 = tpu.vector_load %arg13[%swap3A_63, %swap3A_64] {strides = array<i32>} : memref<100x128xf32, #tpu.memory_space<vmem>>, vector<1x16xf32>,
      %swap3A_66 = vector.shape_cast %swap3A_65 : vector<1x16xf32> to vector<16xf32>
      %swap3A_67 = vector.shape_cast %broadcast_in_dim3A_62 : vector<16xf32> to vector<1x16xf32>
      tpu.vector_store %arg13[%swap3A_63, %swap3A_64], %swap3A_67 {strides = array<i32>} : memref<100x128xf32, #tpu.memory_space<vmem>>, vector<1x16xf32>,
      %broadcast_in_dim3A_68 = arith.constant 0.000000e+00 : f32
      %broadcast_in_dim3A_69 = vector.broadcast %broadcast_in_dim3A_68 : f32 to vector<16xf32>
      %swap3A_70 = arith.index_cast %scan3A_47 : i32 to index
      %swap3A_71 = arith.constant 48 : index
      %swap3A_72 = tpu.vector_load %arg13[%swap3A_70, %swap3A_71] {strides = array<i32>} : memref<100x128xf32, #tpu.memory_space<vmem>>, vector<1x16xf32>,
      %swap3A_73 = vector.shape_cast %swap3A_72 : vector<1x16xf32> to vector<16xf32>
      %swap3A_74 = vector.shape_cast %broadcast_in_dim3A_69 : vector<16xf32> to vector<1x16xf32>
      tpu.vector_store %arg13[%swap3A_70, %swap3A_71], %swap3A_74 {strides = array<i32>} : memref<100x128xf32, #tpu.memory_space<vmem>>, vector<1x16xf32>,
      %broadcast_in_dim3A_75 = arith.constant 0.000000e+00 : f32
      %broadcast_in_dim3A_76 = vector.broadcast %broadcast_in_dim3A_75 : f32 to vector<16xf32>
      %swap3A_77 = arith.index_cast %scan3A_47 : i32 to index
      %swap3A_78 = arith.constant 64 : index
      %swap3A_79 = tpu.vector_load %arg13[%swap3A_77, %swap3A_78] {strides = array<i32>} : memref<100x128xf32, #tpu.memory_space<vmem>>, vector<1x16xf32>,
      %swap3A_80 = vector.shape_cast %swap3A_79 : vector<1x16xf32> to vector<16xf32>
      %swap3A_81 = vector.shape_cast %broadcast_in_dim3A_76 : vector<16xf32> to vector<1x16xf32>
      tpu.vector_store %arg13[%swap3A_77, %swap3A_78], %swap3A_81 {strides = array<i32>} : memref<100x128xf32, #tpu.memory_space<vmem>>, vector<1x16xf32>,
      %broadcast_in_dim3A_82 = arith.constant 0.000000e+00 : f32
      %broadcast_in_dim3A_83 = vector.broadcast %broadcast_in_dim3A_82 : f32 to vector<16xf32>
      %swap3A_84 = arith.index_cast %scan3A_47 : i32 to index
      %swap3A_85 = arith.constant 80 : index
      %swap3A_86 = tpu.vector_load %arg13[%swap3A_84, %swap3A_85] {strides = array<i32>} : memref<100x128xf32, #tpu.memory_space<vmem>>, vector<1x16xf32>,
      %swap3A_87 = vector.shape_cast %swap3A_86 : vector<1x16xf32> to vector<16xf32>
      %swap3A_88 = vector.shape_cast %broadcast_in_dim3A_83 : vector<16xf32> to vector<1x16xf32>
      tpu.vector_store %arg13[%swap3A_84, %swap3A_85], %swap3A_88 {strides = array<i32>} : memref<100x128xf32, #tpu.memory_space<vmem>>, vector<1x16xf32>,
      %broadcast_in_dim3A_89 = arith.constant 0.000000e+00 : f32
      %broadcast_in_dim3A_90 = vector.broadcast %broadcast_in_dim3A_89 : f32 to vector<16xf32>
      %swap3A_91 = arith.index_cast %scan3A_47 : i32 to index
      %swap3A_92 = arith.constant 96 : index
      %swap3A_93 = tpu.vector_load %arg13[%swap3A_91, %swap3A_92] {strides = array<i32>} : memref<100x128xf32, #tpu.memory_space<vmem>>, vector<1x16xf32>,
      %swap3A_94 = vector.shape_cast %swap3A_93 : vector<1x16xf32> to vector<16xf32>
      %swap3A_95 = vector.shape_cast %broadcast_in_dim3A_90 : vector<16xf32> to vector<1x16xf32>
      tpu.vector_store %arg13[%swap3A_91, %swap3A_92], %swap3A_95 {strides = array<i32>} : memref<100x128xf32, #tpu.memory_space<vmem>>, vector<1x16xf32>,
      %broadcast_in_dim3A_96 = arith.constant 0.000000e+00 : f32
      %broadcast_in_dim3A_97 = vector.broadcast %broadcast_in_dim3A_96 : f32 to vector<16xf32>
      %swap3A_98 = arith.index_cast %scan3A_47 : i32 to index
      %swap3A_99 = arith.constant 112 : index
      %swap3A_100 = tpu.vector_load %arg13[%swap3A_98, %swap3A_99] {strides = array<i32>} : memref<100x128xf32, #tpu.memory_space<vmem>>, vector<1x16xf32>,
      %swap3A_101 = vector.shape_cast %swap3A_100 : vector<1x16xf32> to vector<16xf32>
      %swap3A_102 = vector.shape_cast %broadcast_in_dim3A_97 : vector<16xf32> to vector<1x16xf32>
      tpu.vector_store %arg13[%swap3A_98, %swap3A_99], %swap3A_102 {strides = array<i32>} : memref<100x128xf32, #tpu.memory_space<vmem>>, vector<1x16xf32>,
      %scan3A_103 = arith.constant 0 : i32
      scf.yield %scan3A_103 : i32
    }
    %scan3A_5 = arith.constant 100 : i32
    %scan3A_6 = arith.constant 0 : i32
    %scan3A_7 = arith.constant 0 : i32
    %scan3A_8 = arith.constant 40 : i32
    %scan3A_9 = arith.addi %scan3A_7, %scan3A_8 : i32
    %scan3A_10 = arith.constant 1 : i32
    %scan3A_11 = scf.for %scan3A_47 = %scan3A_7 to %scan3A_9 step %scan3A_10 iter_args(%scan3A_48 = %scan3A_6) -> (i32)  : i32 {
      %broadcast_in_dim3A = arith.constant 0.000000e+00 : f32
      %broadcast_in_dim3A_49 = vector.broadcast %broadcast_in_dim3A : f32 to vector<16xf32>
      %mul3A_50 = arith.constant 16 : i32
      %mul3A_51 = arith.muli %scan3A_47, %mul3A_50 : i32
      %swap3A = arith.index_cast %mul3A_51 : i32 to index
      %swap3A_52 = tpu.vector_load %arg17[%swap3A] {strides = array<i32>} : memref<640xf32, #tpu.memory_space<vmem>>, vector<16xf32>,
      %swap3A_53 = vector.shape_cast %swap3A_52 : vector<16xf32> to vector<16xf32>
      %swap3A_54 = vector.shape_cast %broadcast_in_dim3A_49 : vector<16xf32> to vector<16xf32>
      tpu.vector_store %arg17[%swap3A], %swap3A_54 {strides = array<i32>} : memref<640xf32, #tpu.memory_space<vmem>>, vector<16xf32>,
      %scan3A_55 = arith.constant 0 : i32
      scf.yield %scan3A_55 : i32
    }
    %scan3A_12 = arith.constant 40 : i32
    %mul3A = arith.constant 640 : i32
    %mul3A_13 = arith.muli %arg1, %mul3A : i32
    %add3A = arith.constant 0 : i32
    %add3A_14 = arith.addi %mul3A_13, %add3A : i32
    "tpu.region"() ({
      %run_scoped3A = tpu.sem_alloc : memref<!tpu.dma_semaphore, #tpu.memory_space<semaphore_mem>>
      %dma_start3A = arith.constant 0 : i32
      %dma_start3A_47 = arith.constant 0 : i32
      %dma_start3A_48 = tpu.memref_slice %arg13[%dma_start3A, %dma_start3A_47] : memref<100x128xf32, #tpu.memory_space<vmem>> -> memref<80x128xf32, #tpu.memory_space<vmem>>
      %dma_start3A_49 = arith.constant 0 : i32
      %dma_start3A_50 = tpu.memref_slice %arg18[%add3A_14, %dma_start3A_49] : memref<10240x128xf32, #tpu.memory_space<vmem_shared>> -> memref<80x128xf32, #tpu.memory_space<vmem_shared>>
      %dma_start3A_51 = arith.constant 0 : i32
      %dma_start3A_52 = tpu.memref_slice %arg18[%add3A_14, %dma_start3A_51] : memref<10240x128xf32, #tpu.memory_space<vmem_shared>> -> memref<80x128xf32, #tpu.memory_space<vmem_shared>>
      %dma_start3A_53 = arith.constant 0 : i32
      %dma_start3A_54 = arith.constant 0 : i32
      %dma_start3A_55 = tpu.memref_slice %arg13[%dma_start3A_53, %dma_start3A_54] : memref<100x128xf32, #tpu.memory_space<vmem>> -> memref<80x128xf32, #tpu.memory_space<vmem>>
      tpu.enqueue_dma source(%dma_start3A_55 : memref<80x128xf32, #tpu.memory_space<vmem>>) target(%dma_start3A_52 : memref<80x128xf32, #tpu.memory_space<vmem_shared>>) target_semaphore(%run_scoped3A : memref<!tpu.dma_semaphore, #tpu.memory_space<semaphore_mem>>)
      %dma_wait3A = arith.constant 0 : i32
      %dma_wait3A_56 = arith.constant 0 : i32
      %dma_wait3A_57 = tpu.memref_slice %arg13[%dma_wait3A, %dma_wait3A_56] : memref<100x128xf32, #tpu.memory_space<vmem>> -> memref<80x128xf32, #tpu.memory_space<vmem>>
      %dma_wait3A_58 = arith.constant 0 : i32
      %dma_wait3A_59 = tpu.memref_slice %arg18[%add3A_14, %dma_wait3A_58] : memref<10240x128xf32, #tpu.memory_space<vmem_shared>> -> memref<80x128xf32, #tpu.memory_space<vmem_shared>>
      %dma_wait3A_60 = arith.constant 0 : i32
      %dma_wait3A_61 = tpu.memref_slice %arg18[%add3A_14, %dma_wait3A_60] : memref<10240x128xf32, #tpu.memory_space<vmem_shared>> -> memref<80x128xf32, #tpu.memory_space<vmem_shared>>
      %dma_wait3A_62 = arith.constant 0 : i32
      %dma_wait3A_63 = arith.constant 0 : i32
      %dma_wait3A_64 = tpu.memref_slice %arg13[%dma_wait3A_62, %dma_wait3A_63] : memref<100x128xf32, #tpu.memory_space<vmem>> -> memref<80x128xf32, #tpu.memory_space<vmem>>
      tpu.wait_dma2 semaphore(%run_scoped3A : memref<!tpu.dma_semaphore, #tpu.memory_space<semaphore_mem>>) src(%dma_wait3A_64 : memref<80x128xf32, #tpu.memory_space<vmem>>) dst(%dma_wait3A_61 : memref<80x128xf32, #tpu.memory_space<vmem_shared>>)
      tpu.yield
    }) : () -> ()
    %add3A_15 = arith.constant 80 : i32
    %add3A_16 = arith.addi %mul3A_13, %add3A_15 : i32
    "tpu.region"() ({
      %run_scoped3A = tpu.sem_alloc : memref<!tpu.dma_semaphore, #tpu.memory_space<semaphore_mem>>
      %dma_start3A = arith.constant 0 : i32
      %dma_start3A_47 = arith.constant 0 : i32
      %dma_start3A_48 = tpu.memref_slice %arg13[%dma_start3A, %dma_start3A_47] : memref<100x128xf32, #tpu.memory_space<vmem>> -> memref<80x128xf32, #tpu.memory_space<vmem>>
      %dma_start3A_49 = arith.constant 0 : i32
      %dma_start3A_50 = tpu.memref_slice %arg18[%add3A_16, %dma_start3A_49] : memref<10240x128xf32, #tpu.memory_space<vmem_shared>> -> memref<80x128xf32, #tpu.memory_space<vmem_shared>>
      %dma_start3A_51 = arith.constant 0 : i32
      %dma_start3A_52 = tpu.memref_slice %arg18[%add3A_16, %dma_start3A_51] : memref<10240x128xf32, #tpu.memory_space<vmem_shared>> -> memref<80x128xf32, #tpu.memory_space<vmem_shared>>
      %dma_start3A_53 = arith.constant 0 : i32
      %dma_start3A_54 = arith.constant 0 : i32
      %dma_start3A_55 = tpu.memref_slice %arg13[%dma_start3A_53, %dma_start3A_54] : memref<100x128xf32, #tpu.memory_space<vmem>> -> memref<80x128xf32, #tpu.memory_space<vmem>>
      tpu.enqueue_dma source(%dma_start3A_55 : memref<80x128xf32, #tpu.memory_space<vmem>>) target(%dma_start3A_52 : memref<80x128xf32, #tpu.memory_space<vmem_shared>>) target_semaphore(%run_scoped3A : memref<!tpu.dma_semaphore, #tpu.memory_space<semaphore_mem>>)
      %dma_wait3A = arith.constant 0 : i32
      %dma_wait3A_56 = arith.constant 0 : i32
      %dma_wait3A_57 = tpu.memref_slice %arg13[%dma_wait3A, %dma_wait3A_56] : memref<100x128xf32, #tpu.memory_space<vmem>> -> memref<80x128xf32, #tpu.memory_space<vmem>>
      %dma_wait3A_58 = arith.constant 0 : i32
      %dma_wait3A_59 = tpu.memref_slice %arg18[%add3A_16, %dma_wait3A_58] : memref<10240x128xf32, #tpu.memory_space<vmem_shared>> -> memref<80x128xf32, #tpu.memory_space<vmem_shared>>
      %dma_wait3A_60 = arith.constant 0 : i32
      %dma_wait3A_61 = tpu.memref_slice %arg18[%add3A_16, %dma_wait3A_60] : memref<10240x128xf32, #tpu.memory_space<vmem_shared>> -> memref<80x128xf32, #tpu.memory_space<vmem_shared>>
      %dma_wait3A_62 = arith.constant 0 : i32
      %dma_wait3A_63 = arith.constant 0 : i32
      %dma_wait3A_64 = tpu.memref_slice %arg13[%dma_wait3A_62, %dma_wait3A_63] : memref<100x128xf32, #tpu.memory_space<vmem>> -> memref<80x128xf32, #tpu.memory_space<vmem>>
      tpu.wait_dma2 semaphore(%run_scoped3A : memref<!tpu.dma_semaphore, #tpu.memory_space<semaphore_mem>>) src(%dma_wait3A_64 : memref<80x128xf32, #tpu.memory_space<vmem>>) dst(%dma_wait3A_61 : memref<80x128xf32, #tpu.memory_space<vmem_shared>>)
      tpu.yield
    }) : () -> ()
    %add3A_17 = arith.constant 160 : i32
    %add3A_18 = arith.addi %mul3A_13, %add3A_17 : i32
    "tpu.region"() ({
      %run_scoped3A = tpu.sem_alloc : memref<!tpu.dma_semaphore, #tpu.memory_space<semaphore_mem>>
      %dma_start3A = arith.constant 0 : i32
      %dma_start3A_47 = arith.constant 0 : i32
      %dma_start3A_48 = tpu.memref_slice %arg13[%dma_start3A, %dma_start3A_47] : memref<100x128xf32, #tpu.memory_space<vmem>> -> memref<80x128xf32, #tpu.memory_space<vmem>>
      %dma_start3A_49 = arith.constant 0 : i32
      %dma_start3A_50 = tpu.memref_slice %arg18[%add3A_18, %dma_start3A_49] : memref<10240x128xf32, #tpu.memory_space<vmem_shared>> -> memref<80x128xf32, #tpu.memory_space<vmem_shared>>
      %dma_start3A_51 = arith.constant 0 : i32
      %dma_start3A_52 = tpu.memref_slice %arg18[%add3A_18, %dma_start3A_51] : memref<10240x128xf32, #tpu.memory_space<vmem_shared>> -> memref<80x128xf32, #tpu.memory_space<vmem_shared>>
      %dma_start3A_53 = arith.constant 0 : i32
      %dma_start3A_54 = arith.constant 0 : i32
      %dma_start3A_55 = tpu.memref_slice %arg13[%dma_start3A_53, %dma_start3A_54] : memref<100x128xf32, #tpu.memory_space<vmem>> -> memref<80x128xf32, #tpu.memory_space<vmem>>
      tpu.enqueue_dma source(%dma_start3A_55 : memref<80x128xf32, #tpu.memory_space<vmem>>) target(%dma_start3A_52 : memref<80x128xf32, #tpu.memory_space<vmem_shared>>) target_semaphore(%run_scoped3A : memref<!tpu.dma_semaphore, #tpu.memory_space<semaphore_mem>>)
      %dma_wait3A = arith.constant 0 : i32
      %dma_wait3A_56 = arith.constant 0 : i32
      %dma_wait3A_57 = tpu.memref_slice %arg13[%dma_wait3A, %dma_wait3A_56] : memref<100x128xf32, #tpu.memory_space<vmem>> -> memref<80x128xf32, #tpu.memory_space<vmem>>
      %dma_wait3A_58 = arith.constant 0 : i32
      %dma_wait3A_59 = tpu.memref_slice %arg18[%add3A_18, %dma_wait3A_58] : memref<10240x128xf32, #tpu.memory_space<vmem_shared>> -> memref<80x128xf32, #tpu.memory_space<vmem_shared>>
      %dma_wait3A_60 = arith.constant 0 : i32
      %dma_wait3A_61 = tpu.memref_slice %arg18[%add3A_18, %dma_wait3A_60] : memref<10240x128xf32, #tpu.memory_space<vmem_shared>> -> memref<80x128xf32, #tpu.memory_space<vmem_shared>>
      %dma_wait3A_62 = arith.constant 0 : i32
      %dma_wait3A_63 = arith.constant 0 : i32
      %dma_wait3A_64 = tpu.memref_slice %arg13[%dma_wait3A_62, %dma_wait3A_63] : memref<100x128xf32, #tpu.memory_space<vmem>> -> memref<80x128xf32, #tpu.memory_space<vmem>>
      tpu.wait_dma2 semaphore(%run_scoped3A : memref<!tpu.dma_semaphore, #tpu.memory_space<semaphore_mem>>) src(%dma_wait3A_64 : memref<80x128xf32, #tpu.memory_space<vmem>>) dst(%dma_wait3A_61 : memref<80x128xf32, #tpu.memory_space<vmem_shared>>)
      tpu.yield
    }) : () -> ()
    %add3A_19 = arith.constant 240 : i32
    %add3A_20 = arith.addi %mul3A_13, %add3A_19 : i32
    "tpu.region"() ({
      %run_scoped3A = tpu.sem_alloc : memref<!tpu.dma_semaphore, #tpu.memory_space<semaphore_mem>>
      %dma_start3A = arith.constant 0 : i32
      %dma_start3A_47 = arith.constant 0 : i32
      %dma_start3A_48 = tpu.memref_slice %arg13[%dma_start3A, %dma_start3A_47] : memref<100x128xf32, #tpu.memory_space<vmem>> -> memref<80x128xf32, #tpu.memory_space<vmem>>
      %dma_start3A_49 = arith.constant 0 : i32
      %dma_start3A_50 = tpu.memref_slice %arg18[%add3A_20, %dma_start3A_49] : memref<10240x128xf32, #tpu.memory_space<vmem_shared>> -> memref<80x128xf32, #tpu.memory_space<vmem_shared>>
      %dma_start3A_51 = arith.constant 0 : i32
      %dma_start3A_52 = tpu.memref_slice %arg18[%add3A_20, %dma_start3A_51] : memref<10240x128xf32, #tpu.memory_space<vmem_shared>> -> memref<80x128xf32, #tpu.memory_space<vmem_shared>>
      %dma_start3A_53 = arith.constant 0 : i32
      %dma_start3A_54 = arith.constant 0 : i32
      %dma_start3A_55 = tpu.memref_slice %arg13[%dma_start3A_53, %dma_start3A_54] : memref<100x128xf32, #tpu.memory_space<vmem>> -> memref<80x128xf32, #tpu.memory_space<vmem>>
      tpu.enqueue_dma source(%dma_start3A_55 : memref<80x128xf32, #tpu.memory_space<vmem>>) target(%dma_start3A_52 : memref<80x128xf32, #tpu.memory_space<vmem_shared>>) target_semaphore(%run_scoped3A : memref<!tpu.dma_semaphore, #tpu.memory_space<semaphore_mem>>)
      %dma_wait3A = arith.constant 0 : i32
      %dma_wait3A_56 = arith.constant 0 : i32
      %dma_wait3A_57 = tpu.memref_slice %arg13[%dma_wait3A, %dma_wait3A_56] : memref<100x128xf32, #tpu.memory_space<vmem>> -> memref<80x128xf32, #tpu.memory_space<vmem>>
      %dma_wait3A_58 = arith.constant 0 : i32
      %dma_wait3A_59 = tpu.memref_slice %arg18[%add3A_20, %dma_wait3A_58] : memref<10240x128xf32, #tpu.memory_space<vmem_shared>> -> memref<80x128xf32, #tpu.memory_space<vmem_shared>>
      %dma_wait3A_60 = arith.constant 0 : i32
      %dma_wait3A_61 = tpu.memref_slice %arg18[%add3A_20, %dma_wait3A_60] : memref<10240x128xf32, #tpu.memory_space<vmem_shared>> -> memref<80x128xf32, #tpu.memory_space<vmem_shared>>
      %dma_wait3A_62 = arith.constant 0 : i32
      %dma_wait3A_63 = arith.constant 0 : i32
      %dma_wait3A_64 = tpu.memref_slice %arg13[%dma_wait3A_62, %dma_wait3A_63] : memref<100x128xf32, #tpu.memory_space<vmem>> -> memref<80x128xf32, #tpu.memory_space<vmem>>
      tpu.wait_dma2 semaphore(%run_scoped3A : memref<!tpu.dma_semaphore, #tpu.memory_space<semaphore_mem>>) src(%dma_wait3A_64 : memref<80x128xf32, #tpu.memory_space<vmem>>) dst(%dma_wait3A_61 : memref<80x128xf32, #tpu.memory_space<vmem_shared>>)
      tpu.yield
    }) : () -> ()
    %add3A_21 = arith.constant 320 : i32
    %add3A_22 = arith.addi %mul3A_13, %add3A_21 : i32
    "tpu.region"() ({
      %run_scoped3A = tpu.sem_alloc : memref<!tpu.dma_semaphore, #tpu.memory_space<semaphore_mem>>
      %dma_start3A = arith.constant 0 : i32
      %dma_start3A_47 = arith.constant 0 : i32
      %dma_start3A_48 = tpu.memref_slice %arg13[%dma_start3A, %dma_start3A_47] : memref<100x128xf32, #tpu.memory_space<vmem>> -> memref<80x128xf32, #tpu.memory_space<vmem>>
      %dma_start3A_49 = arith.constant 0 : i32
      %dma_start3A_50 = tpu.memref_slice %arg18[%add3A_22, %dma_start3A_49] : memref<10240x128xf32, #tpu.memory_space<vmem_shared>> -> memref<80x128xf32, #tpu.memory_space<vmem_shared>>
      %dma_start3A_51 = arith.constant 0 : i32
      %dma_start3A_52 = tpu.memref_slice %arg18[%add3A_22, %dma_start3A_51] : memref<10240x128xf32, #tpu.memory_space<vmem_shared>> -> memref<80x128xf32, #tpu.memory_space<vmem_shared>>
      %dma_start3A_53 = arith.constant 0 : i32
      %dma_start3A_54 = arith.constant 0 : i32
      %dma_start3A_55 = tpu.memref_slice %arg13[%dma_start3A_53, %dma_start3A_54] : memref<100x128xf32, #tpu.memory_space<vmem>> -> memref<80x128xf32, #tpu.memory_space<vmem>>
      tpu.enqueue_dma source(%dma_start3A_55 : memref<80x128xf32, #tpu.memory_space<vmem>>) target(%dma_start3A_52 : memref<80x128xf32, #tpu.memory_space<vmem_shared>>) target_semaphore(%run_scoped3A : memref<!tpu.dma_semaphore, #tpu.memory_space<semaphore_mem>>)
      %dma_wait3A = arith.constant 0 : i32
      %dma_wait3A_56 = arith.constant 0 : i32
      %dma_wait3A_57 = tpu.memref_slice %arg13[%dma_wait3A, %dma_wait3A_56] : memref<100x128xf32, #tpu.memory_space<vmem>> -> memref<80x128xf32, #tpu.memory_space<vmem>>
      %dma_wait3A_58 = arith.constant 0 : i32
      %dma_wait3A_59 = tpu.memref_slice %arg18[%add3A_22, %dma_wait3A_58] : memref<10240x128xf32, #tpu.memory_space<vmem_shared>> -> memref<80x128xf32, #tpu.memory_space<vmem_shared>>
      %dma_wait3A_60 = arith.constant 0 : i32
      %dma_wait3A_61 = tpu.memref_slice %arg18[%add3A_22, %dma_wait3A_60] : memref<10240x128xf32, #tpu.memory_space<vmem_shared>> -> memref<80x128xf32, #tpu.memory_space<vmem_shared>>
      %dma_wait3A_62 = arith.constant 0 : i32
      %dma_wait3A_63 = arith.constant 0 : i32
      %dma_wait3A_64 = tpu.memref_slice %arg13[%dma_wait3A_62, %dma_wait3A_63] : memref<100x128xf32, #tpu.memory_space<vmem>> -> memref<80x128xf32, #tpu.memory_space<vmem>>
      tpu.wait_dma2 semaphore(%run_scoped3A : memref<!tpu.dma_semaphore, #tpu.memory_space<semaphore_mem>>) src(%dma_wait3A_64 : memref<80x128xf32, #tpu.memory_space<vmem>>) dst(%dma_wait3A_61 : memref<80x128xf32, #tpu.memory_space<vmem_shared>>)
      tpu.yield
    }) : () -> ()
    %add3A_23 = arith.constant 400 : i32
    %add3A_24 = arith.addi %mul3A_13, %add3A_23 : i32
    "tpu.region"() ({
      %run_scoped3A = tpu.sem_alloc : memref<!tpu.dma_semaphore, #tpu.memory_space<semaphore_mem>>
      %dma_start3A = arith.constant 0 : i32
      %dma_start3A_47 = arith.constant 0 : i32
      %dma_start3A_48 = tpu.memref_slice %arg13[%dma_start3A, %dma_start3A_47] : memref<100x128xf32, #tpu.memory_space<vmem>> -> memref<80x128xf32, #tpu.memory_space<vmem>>
      %dma_start3A_49 = arith.constant 0 : i32
      %dma_start3A_50 = tpu.memref_slice %arg18[%add3A_24, %dma_start3A_49] : memref<10240x128xf32, #tpu.memory_space<vmem_shared>> -> memref<80x128xf32, #tpu.memory_space<vmem_shared>>
      %dma_start3A_51 = arith.constant 0 : i32
      %dma_start3A_52 = tpu.memref_slice %arg18[%add3A_24, %dma_start3A_51] : memref<10240x128xf32, #tpu.memory_space<vmem_shared>> -> memref<80x128xf32, #tpu.memory_space<vmem_shared>>
      %dma_start3A_53 = arith.constant 0 : i32
      %dma_start3A_54 = arith.constant 0 : i32
      %dma_start3A_55 = tpu.memref_slice %arg13[%dma_start3A_53, %dma_start3A_54] : memref<100x128xf32, #tpu.memory_space<vmem>> -> memref<80x128xf32, #tpu.memory_space<vmem>>
      tpu.enqueue_dma source(%dma_start3A_55 : memref<80x128xf32, #tpu.memory_space<vmem>>) target(%dma_start3A_52 : memref<80x128xf32, #tpu.memory_space<vmem_shared>>) target_semaphore(%run_scoped3A : memref<!tpu.dma_semaphore, #tpu.memory_space<semaphore_mem>>)
      %dma_wait3A = arith.constant 0 : i32
      %dma_wait3A_56 = arith.constant 0 : i32
      %dma_wait3A_57 = tpu.memref_slice %arg13[%dma_wait3A, %dma_wait3A_56] : memref<100x128xf32, #tpu.memory_space<vmem>> -> memref<80x128xf32, #tpu.memory_space<vmem>>
      %dma_wait3A_58 = arith.constant 0 : i32
      %dma_wait3A_59 = tpu.memref_slice %arg18[%add3A_24, %dma_wait3A_58] : memref<10240x128xf32, #tpu.memory_space<vmem_shared>> -> memref<80x128xf32, #tpu.memory_space<vmem_shared>>
      %dma_wait3A_60 = arith.constant 0 : i32
      %dma_wait3A_61 = tpu.memref_slice %arg18[%add3A_24, %dma_wait3A_60] : memref<10240x128xf32, #tpu.memory_space<vmem_shared>> -> memref<80x128xf32, #tpu.memory_space<vmem_shared>>
      %dma_wait3A_62 = arith.constant 0 : i32
      %dma_wait3A_63 = arith.constant 0 : i32
      %dma_wait3A_64 = tpu.memref_slice %arg13[%dma_wait3A_62, %dma_wait3A_63] : memref<100x128xf32, #tpu.memory_space<vmem>> -> memref<80x128xf32, #tpu.memory_space<vmem>>
      tpu.wait_dma2 semaphore(%run_scoped3A : memref<!tpu.dma_semaphore, #tpu.memory_space<semaphore_mem>>) src(%dma_wait3A_64 : memref<80x128xf32, #tpu.memory_space<vmem>>) dst(%dma_wait3A_61 : memref<80x128xf32, #tpu.memory_space<vmem_shared>>)
      tpu.yield
    }) : () -> ()
    %add3A_25 = arith.constant 480 : i32
    %add3A_26 = arith.addi %mul3A_13, %add3A_25 : i32
    "tpu.region"() ({
      %run_scoped3A = tpu.sem_alloc : memref<!tpu.dma_semaphore, #tpu.memory_space<semaphore_mem>>
      %dma_start3A = arith.constant 0 : i32
      %dma_start3A_47 = arith.constant 0 : i32
      %dma_start3A_48 = tpu.memref_slice %arg13[%dma_start3A, %dma_start3A_47] : memref<100x128xf32, #tpu.memory_space<vmem>> -> memref<80x128xf32, #tpu.memory_space<vmem>>
      %dma_start3A_49 = arith.constant 0 : i32
      %dma_start3A_50 = tpu.memref_slice %arg18[%add3A_26, %dma_start3A_49] : memref<10240x128xf32, #tpu.memory_space<vmem_shared>> -> memref<80x128xf32, #tpu.memory_space<vmem_shared>>
      %dma_start3A_51 = arith.constant 0 : i32
      %dma_start3A_52 = tpu.memref_slice %arg18[%add3A_26, %dma_start3A_51] : memref<10240x128xf32, #tpu.memory_space<vmem_shared>> -> memref<80x128xf32, #tpu.memory_space<vmem_shared>>
      %dma_start3A_53 = arith.constant 0 : i32
      %dma_start3A_54 = arith.constant 0 : i32
      %dma_start3A_55 = tpu.memref_slice %arg13[%dma_start3A_53, %dma_start3A_54] : memref<100x128xf32, #tpu.memory_space<vmem>> -> memref<80x128xf32, #tpu.memory_space<vmem>>
      tpu.enqueue_dma source(%dma_start3A_55 : memref<80x128xf32, #tpu.memory_space<vmem>>) target(%dma_start3A_52 : memref<80x128xf32, #tpu.memory_space<vmem_shared>>) target_semaphore(%run_scoped3A : memref<!tpu.dma_semaphore, #tpu.memory_space<semaphore_mem>>)
      %dma_wait3A = arith.constant 0 : i32
      %dma_wait3A_56 = arith.constant 0 : i32
      %dma_wait3A_57 = tpu.memref_slice %arg13[%dma_wait3A, %dma_wait3A_56] : memref<100x128xf32, #tpu.memory_space<vmem>> -> memref<80x128xf32, #tpu.memory_space<vmem>>
      %dma_wait3A_58 = arith.constant 0 : i32
      %dma_wait3A_59 = tpu.memref_slice %arg18[%add3A_26, %dma_wait3A_58] : memref<10240x128xf32, #tpu.memory_space<vmem_shared>> -> memref<80x128xf32, #tpu.memory_space<vmem_shared>>
      %dma_wait3A_60 = arith.constant 0 : i32
      %dma_wait3A_61 = tpu.memref_slice %arg18[%add3A_26, %dma_wait3A_60] : memref<10240x128xf32, #tpu.memory_space<vmem_shared>> -> memref<80x128xf32, #tpu.memory_space<vmem_shared>>
      %dma_wait3A_62 = arith.constant 0 : i32
      %dma_wait3A_63 = arith.constant 0 : i32
      %dma_wait3A_64 = tpu.memref_slice %arg13[%dma_wait3A_62, %dma_wait3A_63] : memref<100x128xf32, #tpu.memory_space<vmem>> -> memref<80x128xf32, #tpu.memory_space<vmem>>
      tpu.wait_dma2 semaphore(%run_scoped3A : memref<!tpu.dma_semaphore, #tpu.memory_space<semaphore_mem>>) src(%dma_wait3A_64 : memref<80x128xf32, #tpu.memory_space<vmem>>) dst(%dma_wait3A_61 : memref<80x128xf32, #tpu.memory_space<vmem_shared>>)
      tpu.yield
    }) : () -> ()
    %add3A_27 = arith.constant 560 : i32
    %add3A_28 = arith.addi %mul3A_13, %add3A_27 : i32
    "tpu.region"() ({
      %run_scoped3A = tpu.sem_alloc : memref<!tpu.dma_semaphore, #tpu.memory_space<semaphore_mem>>
      %dma_start3A = arith.constant 0 : i32
      %dma_start3A_47 = arith.constant 0 : i32
      %dma_start3A_48 = tpu.memref_slice %arg13[%dma_start3A, %dma_start3A_47] : memref<100x128xf32, #tpu.memory_space<vmem>> -> memref<80x128xf32, #tpu.memory_space<vmem>>
      %dma_start3A_49 = arith.constant 0 : i32
      %dma_start3A_50 = tpu.memref_slice %arg18[%add3A_28, %dma_start3A_49] : memref<10240x128xf32, #tpu.memory_space<vmem_shared>> -> memref<80x128xf32, #tpu.memory_space<vmem_shared>>
      %dma_start3A_51 = arith.constant 0 : i32
      %dma_start3A_52 = tpu.memref_slice %arg18[%add3A_28, %dma_start3A_51] : memref<10240x128xf32, #tpu.memory_space<vmem_shared>> -> memref<80x128xf32, #tpu.memory_space<vmem_shared>>
      %dma_start3A_53 = arith.constant 0 : i32
      %dma_start3A_54 = arith.constant 0 : i32
      %dma_start3A_55 = tpu.memref_slice %arg13[%dma_start3A_53, %dma_start3A_54] : memref<100x128xf32, #tpu.memory_space<vmem>> -> memref<80x128xf32, #tpu.memory_space<vmem>>
      tpu.enqueue_dma source(%dma_start3A_55 : memref<80x128xf32, #tpu.memory_space<vmem>>) target(%dma_start3A_52 : memref<80x128xf32, #tpu.memory_space<vmem_shared>>) target_semaphore(%run_scoped3A : memref<!tpu.dma_semaphore, #tpu.memory_space<semaphore_mem>>)
      %dma_wait3A = arith.constant 0 : i32
      %dma_wait3A_56 = arith.constant 0 : i32
      %dma_wait3A_57 = tpu.memref_slice %arg13[%dma_wait3A, %dma_wait3A_56] : memref<100x128xf32, #tpu.memory_space<vmem>> -> memref<80x128xf32, #tpu.memory_space<vmem>>
      %dma_wait3A_58 = arith.constant 0 : i32
      %dma_wait3A_59 = tpu.memref_slice %arg18[%add3A_28, %dma_wait3A_58] : memref<10240x128xf32, #tpu.memory_space<vmem_shared>> -> memref<80x128xf32, #tpu.memory_space<vmem_shared>>
      %dma_wait3A_60 = arith.constant 0 : i32
      %dma_wait3A_61 = tpu.memref_slice %arg18[%add3A_28, %dma_wait3A_60] : memref<10240x128xf32, #tpu.memory_space<vmem_shared>> -> memref<80x128xf32, #tpu.memory_space<vmem_shared>>
      %dma_wait3A_62 = arith.constant 0 : i32
      %dma_wait3A_63 = arith.constant 0 : i32
      %dma_wait3A_64 = tpu.memref_slice %arg13[%dma_wait3A_62, %dma_wait3A_63] : memref<100x128xf32, #tpu.memory_space<vmem>> -> memref<80x128xf32, #tpu.memory_space<vmem>>
      tpu.wait_dma2 semaphore(%run_scoped3A : memref<!tpu.dma_semaphore, #tpu.memory_space<semaphore_mem>>) src(%dma_wait3A_64 : memref<80x128xf32, #tpu.memory_space<vmem>>) dst(%dma_wait3A_61 : memref<80x128xf32, #tpu.memory_space<vmem_shared>>)
      tpu.yield
    }) : () -> ()
    "tpu.region"() ({
      %run_scoped3A = tpu.sem_alloc : memref<!tpu.dma_semaphore, #tpu.memory_space<semaphore_mem>>
      %dma_start3A = tpu.memref_slice %arg19[%mul3A_13] : memref<10240xf32, #tpu.memory_space<vmem_shared>> -> memref<640xf32, #tpu.memory_space<vmem_shared>>
      %dma_start3A_47 = tpu.memref_slice %arg19[%mul3A_13] : memref<10240xf32, #tpu.memory_space<vmem_shared>> -> memref<640xf32, #tpu.memory_space<vmem_shared>>
      tpu.enqueue_dma source(%arg17 : memref<640xf32, #tpu.memory_space<vmem>>) target(%dma_start3A_47 : memref<640xf32, #tpu.memory_space<vmem_shared>>) target_semaphore(%run_scoped3A : memref<!tpu.dma_semaphore, #tpu.memory_space<semaphore_mem>>)
      %dma_wait3A = tpu.memref_slice %arg19[%mul3A_13] : memref<10240xf32, #tpu.memory_space<vmem_shared>> -> memref<640xf32, #tpu.memory_space<vmem_shared>>
      %dma_wait3A_48 = tpu.memref_slice %arg19[%mul3A_13] : memref<10240xf32, #tpu.memory_space<vmem_shared>> -> memref<640xf32, #tpu.memory_space<vmem_shared>>
      tpu.wait_dma2 semaphore(%run_scoped3A : memref<!tpu.dma_semaphore, #tpu.memory_space<semaphore_mem>>) src(%arg17 : memref<640xf32, #tpu.memory_space<vmem>>) dst(%dma_wait3A_48 : memref<640xf32, #tpu.memory_space<vmem_shared>>)
      tpu.yield
    }) : () -> ()
    "tpu.region"() ({
      %run_scoped3A = tpu.sem_alloc : memref<!tpu.dma_semaphore, #tpu.memory_space<semaphore_mem>>
      %dma_start3A = tpu.memref_slice %arg20[%mul3A_13] : memref<10240xf32, #tpu.memory_space<vmem_shared>> -> memref<640xf32, #tpu.memory_space<vmem_shared>>
      %dma_start3A_47 = tpu.memref_slice %arg4[%mul3A_13] : memref<10240xf32, #tpu.memory_space<hbm>> -> memref<640xf32, #tpu.memory_space<hbm>>
      tpu.enqueue_dma source(%dma_start3A_47 : memref<640xf32, #tpu.memory_space<hbm>>) target(%dma_start3A : memref<640xf32, #tpu.memory_space<vmem_shared>>) target_semaphore(%run_scoped3A : memref<!tpu.dma_semaphore, #tpu.memory_space<semaphore_mem>>)
      %dma_wait3A = tpu.memref_slice %arg20[%mul3A_13] : memref<10240xf32, #tpu.memory_space<vmem_shared>> -> memref<640xf32, #tpu.memory_space<vmem_shared>>
      %dma_wait3A_48 = tpu.memref_slice %arg4[%mul3A_13] : memref<10240xf32, #tpu.memory_space<hbm>> -> memref<640xf32, #tpu.memory_space<hbm>>
      tpu.wait_dma2 semaphore(%run_scoped3A : memref<!tpu.dma_semaphore, #tpu.memory_space<semaphore_mem>>) src(%dma_wait3A_48 : memref<640xf32, #tpu.memory_space<hbm>>) dst(%dma_wait3A : memref<640xf32, #tpu.memory_space<vmem_shared>>)
      tpu.yield
    }) : () -> ()
    %barrier3A = arith.constant 0 : index
    tpu.barrier barrier_id(%barrier3A)
    %eq3A = arith.constant 0 : i32
    %eq3A_29 = arith.cmpi eq, %arg0, %eq3A : i32
    %convert_element_type3A = arith.extui %eq3A_29 : i1 to i32
    %cond3A = arith.constant 0 : i32
    %cond3A_30 = arith.cmpi ne, %convert_element_type3A, %cond3A : i32
    scf.if %cond3A_30 {
      %mul3A_47 = arith.constant 104 : i32
      %mul3A_48 = arith.muli %arg0, %mul3A_47 : i32
      %eq3A_49 = arith.constant 0 : i32
      %eq3A_50 = arith.cmpi eq, %arg0, %eq3A_49 : i32
      %jit3A = arith.constant 104 : i32
      %jit3A_51 = arith.constant 96 : i32
      %select_n3A = arith.select %eq3A_50, %jit3A, %jit3A_51 : i32
      %add3A_52 = arith.addi %mul3A_48, %select_n3A : i32
      %dma_start3A = arith.constant 0 : i32
      %dma_start3A_53 = arith.constant 0 : i32
      %dma_start3A_54 = arith.constant 0 : i32
      %dma_start3A_55 = tpu.memref_slice %arg11[%dma_start3A, %dma_start3A_53, %dma_start3A_54] : memref<2x8x100xi32, #tpu.memory_space<vmem>> -> memref<1x8x100xi32, #tpu.memory_space<vmem>>
      %dma_start3A_56 = tpu.memref_squeeze %dma_start3A_55 : memref<1x8x100xi32, #tpu.memory_space<vmem>> -> memref<8x100xi32, #tpu.memory_space<vmem>>
      %dma_start3A_57 = arith.constant 0 : i32
      %dma_start3A_58 = arith.constant 0 : i32
      %dma_start3A_59 = tpu.memref_slice %arg2[%arg1, %dma_start3A_57, %dma_start3A_58] : memref<16x200x100xi32, #tpu.memory_space<hbm>> -> memref<1x8x100xi32, #tpu.memory_space<hbm>>
      %dma_start3A_60 = tpu.memref_squeeze %dma_start3A_59 : memref<1x8x100xi32, #tpu.memory_space<hbm>> -> memref<8x100xi32, #tpu.memory_space<hbm>>
      %dma_start3A_61 = arith.constant 0 : i32
      %dma_start3A_62 = arith.constant 0 : i32
      %dma_start3A_63 = tpu.memref_slice %arg11[%dma_start3A, %dma_start3A_61, %dma_start3A_62] : memref<2x8x100xi32, #tpu.memory_space<vmem>> -> memref<1x8x100xi32, #tpu.memory_space<vmem>>
      %dma_start3A_64 = tpu.memref_squeeze %dma_start3A_63 : memref<1x8x100xi32, #tpu.memory_space<vmem>> -> memref<8x100xi32, #tpu.memory_space<vmem>>
      %dma_start3A_65 = arith.constant 0 : i32
      %dma_start3A_66 = arith.constant 0 : i32
      %dma_start3A_67 = tpu.memref_slice %arg2[%arg1, %dma_start3A_65, %dma_start3A_66] : memref<16x200x100xi32, #tpu.memory_space<hbm>> -> memref<1x8x100xi32, #tpu.memory_space<hbm>>
      %dma_start3A_68 = tpu.memref_squeeze %dma_start3A_67 : memref<1x8x100xi32, #tpu.memory_space<hbm>> -> memref<8x100xi32, #tpu.memory_space<hbm>>
      tpu.enqueue_dma source(%dma_start3A_68 : memref<8x100xi32, #tpu.memory_space<hbm>>) target(%dma_start3A_64 : memref<8x100xi32, #tpu.memory_space<vmem>>) target_semaphore(%arg21 : memref<!tpu.dma_semaphore, #tpu.memory_space<semaphore_mem>>)
      %dma_start3A_69 = arith.constant 0 : i32
      %dma_start3A_70 = arith.constant 0 : i32
      %dma_start3A_71 = arith.constant 0 : i32
      %dma_start3A_72 = tpu.memref_slice %arg12[%dma_start3A_69, %dma_start3A_70, %dma_start3A_71] : memref<2x8x100xi32, #tpu.memory_space<vmem>> -> memref<1x8x100xi32, #tpu.memory_space<vmem>>
      %dma_start3A_73 = tpu.memref_squeeze %dma_start3A_72 : memref<1x8x100xi32, #tpu.memory_space<vmem>> -> memref<8x100xi32, #tpu.memory_space<vmem>>
      %dma_start3A_74 = arith.constant 0 : i32
      %dma_start3A_75 = arith.constant 0 : i32
      %dma_start3A_76 = tpu.memref_slice %arg3[%arg1, %dma_start3A_74, %dma_start3A_75] : memref<16x200x100xi32, #tpu.memory_space<hbm>> -> memref<1x8x100xi32, #tpu.memory_space<hbm>>
      %dma_start3A_77 = tpu.memref_squeeze %dma_start3A_76 : memref<1x8x100xi32, #tpu.memory_space<hbm>> -> memref<8x100xi32, #tpu.memory_space<hbm>>
      %dma_start3A_78 = arith.constant 0 : i32
      %dma_start3A_79 = arith.constant 0 : i32
      %dma_start3A_80 = tpu.memref_slice %arg12[%dma_start3A_69, %dma_start3A_78, %dma_start3A_79] : memref<2x8x100xi32, #tpu.memory_space<vmem>> -> memref<1x8x100xi32, #tpu.memory_space<vmem>>
      %dma_start3A_81 = tpu.memref_squeeze %dma_start3A_80 : memref<1x8x100xi32, #tpu.memory_space<vmem>> -> memref<8x100xi32, #tpu.memory_space<vmem>>
      %dma_start3A_82 = arith.constant 0 : i32
      %dma_start3A_83 = arith.constant 0 : i32
      %dma_start3A_84 = tpu.memref_slice %arg3[%arg1, %dma_start3A_82, %dma_start3A_83] : memref<16x200x100xi32, #tpu.memory_space<hbm>> -> memref<1x8x100xi32, #tpu.memory_space<hbm>>
      %dma_start3A_85 = tpu.memref_squeeze %dma_start3A_84 : memref<1x8x100xi32, #tpu.memory_space<hbm>> -> memref<8x100xi32, #tpu.memory_space<hbm>>
      tpu.enqueue_dma source(%dma_start3A_85 : memref<8x100xi32, #tpu.memory_space<hbm>>) target(%dma_start3A_81 : memref<8x100xi32, #tpu.memory_space<vmem>>) target_semaphore(%arg21 : memref<!tpu.dma_semaphore, #tpu.memory_space<semaphore_mem>>)
      %dma_wait3A = arith.constant 0 : i32
      %dma_wait3A_86 = arith.constant 0 : i32
      %dma_wait3A_87 = arith.constant 0 : i32
      %dma_wait3A_88 = tpu.memref_slice %arg11[%dma_wait3A, %dma_wait3A_86, %dma_wait3A_87] : memref<2x8x100xi32, #tpu.memory_space<vmem>> -> memref<1x8x100xi32, #tpu.memory_space<vmem>>
      %dma_wait3A_89 = tpu.memref_squeeze %dma_wait3A_88 : memref<1x8x100xi32, #tpu.memory_space<vmem>> -> memref<8x100xi32, #tpu.memory_space<vmem>>
      %dma_wait3A_90 = arith.constant 0 : i32
      %dma_wait3A_91 = arith.constant 0 : i32
      %dma_wait3A_92 = tpu.memref_slice %arg2[%arg1, %dma_wait3A_90, %dma_wait3A_91] : memref<16x200x100xi32, #tpu.memory_space<hbm>> -> memref<1x8x100xi32, #tpu.memory_space<hbm>>
      %dma_wait3A_93 = tpu.memref_squeeze %dma_wait3A_92 : memref<1x8x100xi32, #tpu.memory_space<hbm>> -> memref<8x100xi32, #tpu.memory_space<hbm>>
      %dma_wait3A_94 = arith.constant 0 : i32
      %dma_wait3A_95 = arith.constant 0 : i32
      %dma_wait3A_96 = tpu.memref_slice %arg11[%dma_wait3A, %dma_wait3A_94, %dma_wait3A_95] : memref<2x8x100xi32, #tpu.memory_space<vmem>> -> memref<1x8x100xi32, #tpu.memory_space<vmem>>
      %dma_wait3A_97 = tpu.memref_squeeze %dma_wait3A_96 : memref<1x8x100xi32, #tpu.memory_space<vmem>> -> memref<8x100xi32, #tpu.memory_space<vmem>>
      %dma_wait3A_98 = arith.constant 0 : i32
      %dma_wait3A_99 = arith.constant 0 : i32
      %dma_wait3A_100 = tpu.memref_slice %arg2[%arg1, %dma_wait3A_98, %dma_wait3A_99] : memref<16x200x100xi32, #tpu.memory_space<hbm>> -> memref<1x8x100xi32, #tpu.memory_space<hbm>>
      %dma_wait3A_101 = tpu.memref_squeeze %dma_wait3A_100 : memref<1x8x100xi32, #tpu.memory_space<hbm>> -> memref<8x100xi32, #tpu.memory_space<hbm>>
      tpu.wait_dma2 semaphore(%arg21 : memref<!tpu.dma_semaphore, #tpu.memory_space<semaphore_mem>>) src(%dma_wait3A_101 : memref<8x100xi32, #tpu.memory_space<hbm>>) dst(%dma_wait3A_97 : memref<8x100xi32, #tpu.memory_space<vmem>>)
      %dma_wait3A_102 = arith.constant 0 : i32
      %dma_wait3A_103 = arith.constant 0 : i32
      %dma_wait3A_104 = arith.constant 0 : i32
      %dma_wait3A_105 = tpu.memref_slice %arg12[%dma_wait3A_102, %dma_wait3A_103, %dma_wait3A_104] : memref<2x8x100xi32, #tpu.memory_space<vmem>> -> memref<1x8x100xi32, #tpu.memory_space<vmem>>
      %dma_wait3A_106 = tpu.memref_squeeze %dma_wait3A_105 : memref<1x8x100xi32, #tpu.memory_space<vmem>> -> memref<8x100xi32, #tpu.memory_space<vmem>>
      %dma_wait3A_107 = arith.constant 0 : i32
      %dma_wait3A_108 = arith.constant 0 : i32
      %dma_wait3A_109 = tpu.memref_slice %arg3[%arg1, %dma_wait3A_107, %dma_wait3A_108] : memref<16x200x100xi32, #tpu.memory_space<hbm>> -> memref<1x8x100xi32, #tpu.memory_space<hbm>>
      %dma_wait3A_110 = tpu.memref_squeeze %dma_wait3A_109 : memref<1x8x100xi32, #tpu.memory_space<hbm>> -> memref<8x100xi32, #tpu.memory_space<hbm>>
      %dma_wait3A_111 = arith.constant 0 : i32
      %dma_wait3A_112 = arith.constant 0 : i32
      %dma_wait3A_113 = tpu.memref_slice %arg12[%dma_wait3A_102, %dma_wait3A_111, %dma_wait3A_112] : memref<2x8x100xi32, #tpu.memory_space<vmem>> -> memref<1x8x100xi32, #tpu.memory_space<vmem>>
      %dma_wait3A_114 = tpu.memref_squeeze %dma_wait3A_113 : memref<1x8x100xi32, #tpu.memory_space<vmem>> -> memref<8x100xi32, #tpu.memory_space<vmem>>
      %dma_wait3A_115 = arith.constant 0 : i32
      %dma_wait3A_116 = arith.constant 0 : i32
      %dma_wait3A_117 = tpu.memref_slice %arg3[%arg1, %dma_wait3A_115, %dma_wait3A_116] : memref<16x200x100xi32, #tpu.memory_space<hbm>> -> memref<1x8x100xi32, #tpu.memory_space<hbm>>
      %dma_wait3A_118 = tpu.memref_squeeze %dma_wait3A_117 : memref<1x8x100xi32, #tpu.memory_space<hbm>> -> memref<8x100xi32, #tpu.memory_space<hbm>>
      tpu.wait_dma2 semaphore(%arg21 : memref<!tpu.dma_semaphore, #tpu.memory_space<semaphore_mem>>) src(%dma_wait3A_118 : memref<8x100xi32, #tpu.memory_space<hbm>>) dst(%dma_wait3A_114 : memref<8x100xi32, #tpu.memory_space<vmem>>)
      %dma_start3A_119 = arith.constant 1 : i32
      %dma_start3A_120 = arith.constant 0 : i32
      %dma_start3A_121 = arith.constant 0 : i32
      %dma_start3A_122 = tpu.memref_slice %arg11[%dma_start3A_119, %dma_start3A_120, %dma_start3A_121] : memref<2x8x100xi32, #tpu.memory_space<vmem>> -> memref<1x8x100xi32, #tpu.memory_space<vmem>>
      %dma_start3A_123 = tpu.memref_squeeze %dma_start3A_122 : memref<1x8x100xi32, #tpu.memory_space<vmem>> -> memref<8x100xi32, #tpu.memory_space<vmem>>
      %dma_start3A_124 = arith.constant 8 : i32
      %dma_start3A_125 = arith.constant 0 : i32
      %dma_start3A_126 = tpu.memref_slice %arg2[%arg1, %dma_start3A_124, %dma_start3A_125] : memref<16x200x100xi32, #tpu.memory_space<hbm>> -> memref<1x8x100xi32, #tpu.memory_space<hbm>>
      %dma_start3A_127 = tpu.memref_squeeze %dma_start3A_126 : memref<1x8x100xi32, #tpu.memory_space<hbm>> -> memref<8x100xi32, #tpu.memory_space<hbm>>
      %dma_start3A_128 = arith.constant 0 : i32
      %dma_start3A_129 = arith.constant 0 : i32
      %dma_start3A_130 = tpu.memref_slice %arg11[%dma_start3A_119, %dma_start3A_128, %dma_start3A_129] : memref<2x8x100xi32, #tpu.memory_space<vmem>> -> memref<1x8x100xi32, #tpu.memory_space<vmem>>
      %dma_start3A_131 = tpu.memref_squeeze %dma_start3A_130 : memref<1x8x100xi32, #tpu.memory_space<vmem>> -> memref<8x100xi32, #tpu.memory_space<vmem>>
      %dma_start3A_132 = arith.constant 8 : i32
      %dma_start3A_133 = arith.constant 0 : i32
      %dma_start3A_134 = tpu.memref_slice %arg2[%arg1, %dma_start3A_132, %dma_start3A_133] : memref<16x200x100xi32, #tpu.memory_space<hbm>> -> memref<1x8x100xi32, #tpu.memory_space<hbm>>
      %dma_start3A_135 = tpu.memref_squeeze %dma_start3A_134 : memref<1x8x100xi32, #tpu.memory_space<hbm>> -> memref<8x100xi32, #tpu.memory_space<hbm>>
      tpu.enqueue_dma source(%dma_start3A_135 : memref<8x100xi32, #tpu.memory_space<hbm>>) target(%dma_start3A_131 : memref<8x100xi32, #tpu.memory_space<vmem>>) target_semaphore(%arg21 : memref<!tpu.dma_semaphore, #tpu.memory_space<semaphore_mem>>)
      %dma_start3A_136 = arith.constant 1 : i32
      %dma_start3A_137 = arith.constant 0 : i32
      %dma_start3A_138 = arith.constant 0 : i32
      %dma_start3A_139 = tpu.memref_slice %arg12[%dma_start3A_136, %dma_start3A_137, %dma_start3A_138] : memref<2x8x100xi32, #tpu.memory_space<vmem>> -> memref<1x8x100xi32, #tpu.memory_space<vmem>>
      %dma_start3A_140 = tpu.memref_squeeze %dma_start3A_139 : memref<1x8x100xi32, #tpu.memory_space<vmem>> -> memref<8x100xi32, #tpu.memory_space<vmem>>
      %dma_start3A_141 = arith.constant 8 : i32
      %dma_start3A_142 = arith.constant 0 : i32
      %dma_start3A_143 = tpu.memref_slice %arg3[%arg1, %dma_start3A_141, %dma_start3A_142] : memref<16x200x100xi32, #tpu.memory_space<hbm>> -> memref<1x8x100xi32, #tpu.memory_space<hbm>>
      %dma_start3A_144 = tpu.memref_squeeze %dma_start3A_143 : memref<1x8x100xi32, #tpu.memory_space<hbm>> -> memref<8x100xi32, #tpu.memory_space<hbm>>
      %dma_start3A_145 = arith.constant 0 : i32
      %dma_start3A_146 = arith.constant 0 : i32
      %dma_start3A_147 = tpu.memref_slice %arg12[%dma_start3A_136, %dma_start3A_145, %dma_start3A_146] : memref<2x8x100xi32, #tpu.memory_space<vmem>> -> memref<1x8x100xi32, #tpu.memory_space<vmem>>
      %dma_start3A_148 = tpu.memref_squeeze %dma_start3A_147 : memref<1x8x100xi32, #tpu.memory_space<vmem>> -> memref<8x100xi32, #tpu.memory_space<vmem>>
      %dma_start3A_149 = arith.constant 8 : i32
      %dma_start3A_150 = arith.constant 0 : i32
      %dma_start3A_151 = tpu.memref_slice %arg3[%arg1, %dma_start3A_149, %dma_start3A_150] : memref<16x200x100xi32, #tpu.memory_space<hbm>> -> memref<1x8x100xi32, #tpu.memory_space<hbm>>
      %dma_start3A_152 = tpu.memref_squeeze %dma_start3A_151 : memref<1x8x100xi32, #tpu.memory_space<hbm>> -> memref<8x100xi32, #tpu.memory_space<hbm>>
      tpu.enqueue_dma source(%dma_start3A_152 : memref<8x100xi32, #tpu.memory_space<hbm>>) target(%dma_start3A_148 : memref<8x100xi32, #tpu.memory_space<vmem>>) target_semaphore(%arg21 : memref<!tpu.dma_semaphore, #tpu.memory_space<semaphore_mem>>)
      %dma_start3A_153 = arith.constant 0 : i32
      %dma_start3A_154 = arith.constant 0 : i32
      %dma_start3A_155 = arith.constant 0 : i32
      %dma_start3A_156 = tpu.memref_slice %arg11[%dma_start3A_153, %dma_start3A_154, %dma_start3A_155] : memref<2x8x100xi32, #tpu.memory_space<vmem>> -> memref<1x1x100xi32, #tpu.memory_space<vmem>>
      %dma_start3A_157 = tpu.memref_squeeze %dma_start3A_156 : memref<1x1x100xi32, #tpu.memory_space<vmem>> -> memref<100xi32, #tpu.memory_space<vmem>>
      %dma_start3A_158 = arith.constant 0 : i32
      %dma_start3A_159 = arith.constant 0 : i32
      %dma_start3A_160 = tpu.memref_slice %arg5[%dma_start3A_158, %dma_start3A_159] : memref<10240x128xf32, #tpu.memory_space<hbm>> -> memref<10240x128xf32, #tpu.memory_space<hbm>>
      tpu.enqueue_indirect_dma source(%dma_start3A_160 : memref<10240x128xf32, #tpu.memory_space<hbm>>) target(%arg13 : memref<100x128xf32, #tpu.memory_space<vmem>>) offsets(%dma_start3A_157 : memref<100xi32, #tpu.memory_space<vmem>>) semaphore(%arg22 : memref<!tpu.dma_semaphore, #tpu.memory_space<semaphore_mem>>)
      %dma_start3A_161 = arith.constant 0 : i32
      %dma_start3A_162 = arith.constant 1 : i32
      %dma_start3A_163 = arith.constant 0 : i32
      %dma_start3A_164 = tpu.memref_slice %arg11[%dma_start3A_161, %dma_start3A_162, %dma_start3A_163] : memref<2x8x100xi32, #tpu.memory_space<vmem>> -> memref<1x1x100xi32, #tpu.memory_space<vmem>>
      %dma_start3A_165 = tpu.memref_squeeze %dma_start3A_164 : memref<1x1x100xi32, #tpu.memory_space<vmem>> -> memref<100xi32, #tpu.memory_space<vmem>>
      %dma_start3A_166 = arith.constant 0 : i32
      %dma_start3A_167 = arith.constant 0 : i32
      %dma_start3A_168 = tpu.memref_slice %arg5[%dma_start3A_166, %dma_start3A_167] : memref<10240x128xf32, #tpu.memory_space<hbm>> -> memref<10240x128xf32, #tpu.memory_space<hbm>>
      tpu.enqueue_indirect_dma source(%dma_start3A_168 : memref<10240x128xf32, #tpu.memory_space<hbm>>) target(%arg14 : memref<100x128xf32, #tpu.memory_space<vmem>>) offsets(%dma_start3A_165 : memref<100xi32, #tpu.memory_space<vmem>>) semaphore(%arg22 : memref<!tpu.dma_semaphore, #tpu.memory_space<semaphore_mem>>)
      %scan3A_169 = arith.constant 0 : i32
      %scan3A_170 = arith.constant 0 : i32
      %scan3A_171 = arith.constant 66 : i32
      %scan3A_172 = arith.addi %scan3A_170, %scan3A_171 : i32
      %scan3A_173 = arith.constant 1 : i32
      %scan3A_174 = scf.for %scan3A_312 = %scan3A_170 to %scan3A_172 step %scan3A_173 iter_args(%scan3A_313 = %scan3A_169) -> (i32)  : i32 {
        %mul3A_314 = arith.constant 3 : i32
        %mul3A_315 = arith.muli %mul3A_314, %scan3A_312 : i32
        %div3A_316 = arith.constant 8 : i32
        %div3A_317 = arith.divsi %mul3A_315, %div3A_316 : i32
        %rem3A_318 = arith.constant 8 : i32
        %rem3A_319 = arith.remsi %mul3A_315, %rem3A_318 : i32
        %rem3A_320 = arith.constant 2 : i32
        %rem3A_321 = arith.remsi %div3A_317, %rem3A_320 : i32
        %ge3A_322 = arith.cmpi sge, %mul3A_315, %mul3A_48 : i32
        %lt3A_323 = arith.cmpi slt, %mul3A_315, %add3A_52 : i32
        %and3A_324 = arith.andi %ge3A_322, %lt3A_323 : i1
        %gt3A_325 = arith.cmpi sgt, %mul3A_315, %mul3A_48 : i32
        %le3A_326 = arith.cmpi sle, %mul3A_315, %add3A_52 : i32
        %and3A_327 = arith.andi %gt3A_325, %le3A_326 : i1
        %convert_element_type3A_328 = arith.extui %and3A_327 : i1 to i32
        %cond3A_329 = arith.constant 0 : i32
        %cond3A_330 = arith.cmpi ne, %convert_element_type3A_328, %cond3A_329 : i32
        scf.if %cond3A_330 {
          %dma_wait3A_511 = arith.constant 0 : i32
          %dma_wait3A_512 = arith.constant 0 : i32
          %dma_wait3A_513 = arith.constant 0 : i32
          %dma_wait3A_514 = tpu.memref_slice %arg16[%dma_wait3A_513] : memref<128xf32, #tpu.memory_space<vmem>> -> memref<100xf32, #tpu.memory_space<vmem>>
          %dma_wait3A_515 = arith.constant 0 : i32
          %dma_wait3A_516 = tpu.memref_slice %arg11[%dma_wait3A_511, %dma_wait3A_512, %dma_wait3A_515] : memref<2x8x100xi32, #tpu.memory_space<vmem>> -> memref<1x1x100xi32, #tpu.memory_space<vmem>>
          %dma_wait3A_517 = tpu.memref_squeeze %dma_wait3A_516 : memref<1x1x100xi32, #tpu.memory_space<vmem>> -> memref<100xi32, #tpu.memory_space<vmem>>
          %dma_wait3A_518 = arith.constant 0 : i32
          %dma_wait3A_519 = tpu.memref_slice %arg19[%dma_wait3A_518] : memref<10240xf32, #tpu.memory_space<vmem_shared>> -> memref<10240xf32, #tpu.memory_space<vmem_shared>>
          tpu.wait_indirect_dma semaphore(%arg25 : memref<!tpu.dma_semaphore, #tpu.memory_space<semaphore_mem>>) src(%dma_wait3A_514 : memref<100xf32, #tpu.memory_space<vmem>>) dst(%dma_wait3A_519 : memref<10240xf32, #tpu.memory_space<vmem_shared>>)
        } else {
        }
        %convert_element_type3A_331 = arith.extui %and3A_324 : i1 to i32
        %cond3A_332 = arith.constant 0 : i32
        %cond3A_333 = arith.cmpi ne, %convert_element_type3A_331, %cond3A_332 : i32
        scf.if %cond3A_333 {
          %dma_start3A_511 = arith.constant 0 : i32
          %dma_start3A_512 = tpu.memref_slice %arg16[%dma_start3A_511] : memref<128xf32, #tpu.memory_space<vmem>> -> memref<100xf32, #tpu.memory_space<vmem>>
          %dma_start3A_513 = arith.constant 0 : i32
          %dma_start3A_514 = tpu.memref_slice %arg12[%rem3A_321, %rem3A_319, %dma_start3A_513] : memref<2x8x100xi32, #tpu.memory_space<vmem>> -> memref<1x1x100xi32, #tpu.memory_space<vmem>>
          %dma_start3A_515 = tpu.memref_squeeze %dma_start3A_514 : memref<1x1x100xi32, #tpu.memory_space<vmem>> -> memref<100xi32, #tpu.memory_space<vmem>>
          %dma_start3A_516 = arith.constant 0 : i32
          %dma_start3A_517 = tpu.memref_slice %arg20[%dma_start3A_516] : memref<10240xf32, #tpu.memory_space<vmem_shared>> -> memref<10240xf32, #tpu.memory_space<vmem_shared>>
          tpu.enqueue_indirect_dma source(%dma_start3A_517 : memref<10240xf32, #tpu.memory_space<vmem_shared>>) target(%dma_start3A_512 : memref<100xf32, #tpu.memory_space<vmem>>) offsets(%dma_start3A_515 : memref<100xi32, #tpu.memory_space<vmem>>) semaphore(%arg24 : memref<!tpu.dma_semaphore, #tpu.memory_space<semaphore_mem>>)
        } else {
        }
        %gt3A_334 = arith.constant 0 : i32
        %gt3A_335 = arith.cmpi sgt, %mul3A_315, %gt3A_334 : i32
        %convert_element_type3A_336 = arith.extui %gt3A_335 : i1 to i32
        %cond3A_337 = arith.constant 0 : i32
        %cond3A_338 = arith.cmpi ne, %convert_element_type3A_336, %cond3A_337 : i32
        scf.if %cond3A_338 {
          %dma_wait3A_511 = arith.constant 0 : i32
          %dma_wait3A_512 = arith.constant 0 : i32
          %dma_wait3A_513 = arith.constant 0 : i32
          %dma_wait3A_514 = tpu.memref_slice %arg12[%dma_wait3A_511, %dma_wait3A_512, %dma_wait3A_513] : memref<2x8x100xi32, #tpu.memory_space<vmem>> -> memref<1x1x100xi32, #tpu.memory_space<vmem>>
          %dma_wait3A_515 = tpu.memref_squeeze %dma_wait3A_514 : memref<1x1x100xi32, #tpu.memory_space<vmem>> -> memref<100xi32, #tpu.memory_space<vmem>>
          %dma_wait3A_516 = arith.constant 0 : i32
          %dma_wait3A_517 = arith.constant 0 : i32
          %dma_wait3A_518 = tpu.memref_slice %arg18[%dma_wait3A_516, %dma_wait3A_517] : memref<10240x128xf32, #tpu.memory_space<vmem_shared>> -> memref<10240x128xf32, #tpu.memory_space<vmem_shared>>
          tpu.wait_indirect_dma semaphore(%arg23 : memref<!tpu.dma_semaphore, #tpu.memory_space<semaphore_mem>>) src(%arg13 : memref<100x128xf32, #tpu.memory_space<vmem>>) dst(%dma_wait3A_518 : memref<10240x128xf32, #tpu.memory_space<vmem_shared>>)
        } else {
        }
        %eq3A_339 = arith.constant 0 : i32
        %eq3A_340 = arith.cmpi eq, %rem3A_319, %eq3A_339 : i32
        %gt3A_341 = arith.constant 0 : i32
        %gt3A_342 = arith.cmpi sgt, %mul3A_315, %gt3A_341 : i32
        %lt3A_343 = arith.constant 24 : i32
        %lt3A_344 = arith.cmpi slt, %div3A_317, %lt3A_343 : i32
        %and3A_345 = arith.andi %gt3A_342, %lt3A_344 : i1
        %and3A_346 = arith.andi %eq3A_340, %and3A_345 : i1
        %convert_element_type3A_347 = arith.extui %and3A_346 : i1 to i32
        %cond3A_348 = arith.constant 0 : i32
        %cond3A_349 = arith.cmpi ne, %convert_element_type3A_347, %cond3A_348 : i32
        scf.if %cond3A_349 {
          %add3A_511 = arith.constant 1 : i32
          %add3A_512 = arith.addi %div3A_317, %add3A_511 : i32
          %mul3A_513 = arith.constant 8 : i32
          %mul3A_514 = arith.muli %add3A_512, %mul3A_513 : i32
          %sub3A = arith.constant 1 : i32
          %sub3A_515 = arith.subi %sub3A, %rem3A_321 : i32
          %dma_start3A_516 = arith.constant 0 : i32
          %dma_start3A_517 = arith.constant 0 : i32
          %dma_start3A_518 = tpu.memref_slice %arg11[%sub3A_515, %dma_start3A_516, %dma_start3A_517] : memref<2x8x100xi32, #tpu.memory_space<vmem>> -> memref<1x8x100xi32, #tpu.memory_space<vmem>>
          %dma_start3A_519 = tpu.memref_squeeze %dma_start3A_518 : memref<1x8x100xi32, #tpu.memory_space<vmem>> -> memref<8x100xi32, #tpu.memory_space<vmem>>
          %dma_start3A_520 = arith.constant 0 : i32
          %dma_start3A_521 = tpu.memref_slice %arg2[%arg1, %mul3A_514, %dma_start3A_520] : memref<16x200x100xi32, #tpu.memory_space<hbm>> -> memref<1x8x100xi32, #tpu.memory_space<hbm>>
          %dma_start3A_522 = tpu.memref_squeeze %dma_start3A_521 : memref<1x8x100xi32, #tpu.memory_space<hbm>> -> memref<8x100xi32, #tpu.memory_space<hbm>>
          %dma_start3A_523 = arith.constant 0 : i32
          %dma_start3A_524 = arith.constant 0 : i32
          %dma_start3A_525 = tpu.memref_slice %arg11[%sub3A_515, %dma_start3A_523, %dma_start3A_524] : memref<2x8x100xi32, #tpu.memory_space<vmem>> -> memref<1x8x100xi32, #tpu.memory_space<vmem>>
          %dma_start3A_526 = tpu.memref_squeeze %dma_start3A_525 : memref<1x8x100xi32, #tpu.memory_space<vmem>> -> memref<8x100xi32, #tpu.memory_space<vmem>>
          %dma_start3A_527 = arith.constant 0 : i32
          %dma_start3A_528 = tpu.memref_slice %arg2[%arg1, %mul3A_514, %dma_start3A_527] : memref<16x200x100xi32, #tpu.memory_space<hbm>> -> memref<1x8x100xi32, #tpu.memory_space<hbm>>
          %dma_start3A_529 = tpu.memref_squeeze %dma_start3A_528 : memref<1x8x100xi32, #tpu.memory_space<hbm>> -> memref<8x100xi32, #tpu.memory_space<hbm>>
          tpu.enqueue_dma source(%dma_start3A_529 : memref<8x100xi32, #tpu.memory_space<hbm>>) target(%dma_start3A_526 : memref<8x100xi32, #tpu.memory_space<vmem>>) target_semaphore(%arg21 : memref<!tpu.dma_semaphore, #tpu.memory_space<semaphore_mem>>)
          %add3A_530 = arith.constant 1 : i32
          %add3A_531 = arith.addi %div3A_317, %add3A_530 : i32
          %mul3A_532 = arith.constant 8 : i32
          %mul3A_533 = arith.muli %add3A_531, %mul3A_532 : i32
          %sub3A_534 = arith.constant 1 : i32
          %sub3A_535 = arith.subi %sub3A_534, %rem3A_321 : i32
          %dma_start3A_536 = arith.constant 0 : i32
          %dma_start3A_537 = arith.constant 0 : i32
          %dma_start3A_538 = tpu.memref_slice %arg12[%sub3A_535, %dma_start3A_536, %dma_start3A_537] : memref<2x8x100xi32, #tpu.memory_space<vmem>> -> memref<1x8x100xi32, #tpu.memory_space<vmem>>
          %dma_start3A_539 = tpu.memref_squeeze %dma_start3A_538 : memref<1x8x100xi32, #tpu.memory_space<vmem>> -> memref<8x100xi32, #tpu.memory_space<vmem>>
          %dma_start3A_540 = arith.constant 0 : i32
          %dma_start3A_541 = tpu.memref_slice %arg3[%arg1, %mul3A_533, %dma_start3A_540] : memref<16x200x100xi32, #tpu.memory_space<hbm>> -> memref<1x8x100xi32, #tpu.memory_space<hbm>>
          %dma_start3A_542 = tpu.memref_squeeze %dma_start3A_541 : memref<1x8x100xi32, #tpu.memory_space<hbm>> -> memref<8x100xi32, #tpu.memory_space<hbm>>
          %dma_start3A_543 = arith.constant 0 : i32
          %dma_start3A_544 = arith.constant 0 : i32
          %dma_start3A_545 = tpu.memref_slice %arg12[%sub3A_535, %dma_start3A_543, %dma_start3A_544] : memref<2x8x100xi32, #tpu.memory_space<vmem>> -> memref<1x8x100xi32, #tpu.memory_space<vmem>>
          %dma_start3A_546 = tpu.memref_squeeze %dma_start3A_545 : memref<1x8x100xi32, #tpu.memory_space<vmem>> -> memref<8x100xi32, #tpu.memory_space<vmem>>
          %dma_start3A_547 = arith.constant 0 : i32
          %dma_start3A_548 = tpu.memref_slice %arg3[%arg1, %mul3A_533, %dma_start3A_547] : memref<16x200x100xi32, #tpu.memory_space<hbm>> -> memref<1x8x100xi32, #tpu.memory_space<hbm>>
          %dma_start3A_549 = tpu.memref_squeeze %dma_start3A_548 : memref<1x8x100xi32, #tpu.memory_space<hbm>> -> memref<8x100xi32, #tpu.memory_space<hbm>>
          tpu.enqueue_dma source(%dma_start3A_549 : memref<8x100xi32, #tpu.memory_space<hbm>>) target(%dma_start3A_546 : memref<8x100xi32, #tpu.memory_space<vmem>>) target_semaphore(%arg21 : memref<!tpu.dma_semaphore, #tpu.memory_space<semaphore_mem>>)
        } else {
        }
        %eq3A_350 = arith.constant 6 : i32
        %eq3A_351 = arith.cmpi eq, %rem3A_319, %eq3A_350 : i32
        %lt3A_352 = arith.constant 24 : i32
        %lt3A_353 = arith.cmpi slt, %div3A_317, %lt3A_352 : i32
        %and3A_354 = arith.andi %eq3A_351, %lt3A_353 : i1
        %convert_element_type3A_355 = arith.extui %and3A_354 : i1 to i32
        %cond3A_356 = arith.constant 0 : i32
        %cond3A_357 = arith.cmpi ne, %convert_element_type3A_355, %cond3A_356 : i32
        scf.if %cond3A_357 {
          %dma_wait3A_511 = arith.constant 0 : i32
          %dma_wait3A_512 = arith.constant 0 : i32
          %dma_wait3A_513 = arith.constant 0 : i32
          %dma_wait3A_514 = tpu.memref_slice %arg11[%dma_wait3A_511, %dma_wait3A_512, %dma_wait3A_513] : memref<2x8x100xi32, #tpu.memory_space<vmem>> -> memref<1x8x100xi32, #tpu.memory_space<vmem>>
          %dma_wait3A_515 = tpu.memref_squeeze %dma_wait3A_514 : memref<1x8x100xi32, #tpu.memory_space<vmem>> -> memref<8x100xi32, #tpu.memory_space<vmem>>
          %dma_wait3A_516 = arith.constant 0 : i32
          %dma_wait3A_517 = arith.constant 0 : i32
          %dma_wait3A_518 = tpu.memref_slice %arg2[%arg1, %dma_wait3A_516, %dma_wait3A_517] : memref<16x200x100xi32, #tpu.memory_space<hbm>> -> memref<1x8x100xi32, #tpu.memory_space<hbm>>
          %dma_wait3A_519 = tpu.memref_squeeze %dma_wait3A_518 : memref<1x8x100xi32, #tpu.memory_space<hbm>> -> memref<8x100xi32, #tpu.memory_space<hbm>>
          %dma_wait3A_520 = arith.constant 0 : i32
          %dma_wait3A_521 = arith.constant 0 : i32
          %dma_wait3A_522 = tpu.memref_slice %arg11[%dma_wait3A_511, %dma_wait3A_520, %dma_wait3A_521] : memref<2x8x100xi32, #tpu.memory_space<vmem>> -> memref<1x8x100xi32, #tpu.memory_space<vmem>>
          %dma_wait3A_523 = tpu.memref_squeeze %dma_wait3A_522 : memref<1x8x100xi32, #tpu.memory_space<vmem>> -> memref<8x100xi32, #tpu.memory_space<vmem>>
          %dma_wait3A_524 = arith.constant 0 : i32
          %dma_wait3A_525 = arith.constant 0 : i32
          %dma_wait3A_526 = tpu.memref_slice %arg2[%arg1, %dma_wait3A_524, %dma_wait3A_525] : memref<16x200x100xi32, #tpu.memory_space<hbm>> -> memref<1x8x100xi32, #tpu.memory_space<hbm>>
          %dma_wait3A_527 = tpu.memref_squeeze %dma_wait3A_526 : memref<1x8x100xi32, #tpu.memory_space<hbm>> -> memref<8x100xi32, #tpu.memory_space<hbm>>
          tpu.wait_dma2 semaphore(%arg21 : memref<!tpu.dma_semaphore, #tpu.memory_space<semaphore_mem>>) src(%dma_wait3A_527 : memref<8x100xi32, #tpu.memory_space<hbm>>) dst(%dma_wait3A_523 : memref<8x100xi32, #tpu.memory_space<vmem>>)
          %dma_wait3A_528 = arith.constant 0 : i32
          %dma_wait3A_529 = arith.constant 0 : i32
          %dma_wait3A_530 = arith.constant 0 : i32
          %dma_wait3A_531 = tpu.memref_slice %arg12[%dma_wait3A_528, %dma_wait3A_529, %dma_wait3A_530] : memref<2x8x100xi32, #tpu.memory_space<vmem>> -> memref<1x8x100xi32, #tpu.memory_space<vmem>>
          %dma_wait3A_532 = tpu.memref_squeeze %dma_wait3A_531 : memref<1x8x100xi32, #tpu.memory_space<vmem>> -> memref<8x100xi32, #tpu.memory_space<vmem>>
          %dma_wait3A_533 = arith.constant 0 : i32
          %dma_wait3A_534 = arith.constant 0 : i32
          %dma_wait3A_535 = tpu.memref_slice %arg3[%arg1, %dma_wait3A_533, %dma_wait3A_534] : memref<16x200x100xi32, #tpu.memory_space<hbm>> -> memref<1x8x100xi32, #tpu.memory_space<hbm>>
          %dma_wait3A_536 = tpu.memref_squeeze %dma_wait3A_535 : memref<1x8x100xi32, #tpu.memory_space<hbm>> -> memref<8x100xi32, #tpu.memory_space<hbm>>
          %dma_wait3A_537 = arith.constant 0 : i32
          %dma_wait3A_538 = arith.constant 0 : i32
          %dma_wait3A_539 = tpu.memref_slice %arg12[%dma_wait3A_528, %dma_wait3A_537, %dma_wait3A_538] : memref<2x8x100xi32, #tpu.memory_space<vmem>> -> memref<1x8x100xi32, #tpu.memory_space<vmem>>
          %dma_wait3A_540 = tpu.memref_squeeze %dma_wait3A_539 : memref<1x8x100xi32, #tpu.memory_space<vmem>> -> memref<8x100xi32, #tpu.memory_space<vmem>>
          %dma_wait3A_541 = arith.constant 0 : i32
          %dma_wait3A_542 = arith.constant 0 : i32
          %dma_wait3A_543 = tpu.memref_slice %arg3[%arg1, %dma_wait3A_541, %dma_wait3A_542] : memref<16x200x100xi32, #tpu.memory_space<hbm>> -> memref<1x8x100xi32, #tpu.memory_space<hbm>>
          %dma_wait3A_544 = tpu.memref_squeeze %dma_wait3A_543 : memref<1x8x100xi32, #tpu.memory_space<hbm>> -> memref<8x100xi32, #tpu.memory_space<hbm>>
          tpu.wait_dma2 semaphore(%arg21 : memref<!tpu.dma_semaphore, #tpu.memory_space<semaphore_mem>>) src(%dma_wait3A_544 : memref<8x100xi32, #tpu.memory_space<hbm>>) dst(%dma_wait3A_540 : memref<8x100xi32, #tpu.memory_space<vmem>>)
        } else {
        }
        %dma_wait3A_358 = arith.constant 0 : i32
        %dma_wait3A_359 = tpu.memref_slice %arg11[%rem3A_321, %rem3A_319, %dma_wait3A_358] : memref<2x8x100xi32, #tpu.memory_space<vmem>> -> memref<1x1x100xi32, #tpu.memory_space<vmem>>
        %dma_wait3A_360 = tpu.memref_squeeze %dma_wait3A_359 : memref<1x1x100xi32, #tpu.memory_space<vmem>> -> memref<100xi32, #tpu.memory_space<vmem>>
        %dma_wait3A_361 = arith.constant 0 : i32
        %dma_wait3A_362 = arith.constant 0 : i32
        %dma_wait3A_363 = tpu.memref_slice %arg5[%dma_wait3A_361, %dma_wait3A_362] : memref<10240x128xf32, #tpu.memory_space<hbm>> -> memref<10240x128xf32, #tpu.memory_space<hbm>>
        tpu.wait_indirect_dma semaphore(%arg22 : memref<!tpu.dma_semaphore, #tpu.memory_space<semaphore_mem>>) src(%dma_wait3A_363 : memref<10240x128xf32, #tpu.memory_space<hbm>>) dst(%arg13 : memref<100x128xf32, #tpu.memory_space<vmem>>)
        %dma_start3A_364 = arith.constant 0 : i32
        %dma_start3A_365 = tpu.memref_slice %arg12[%rem3A_321, %rem3A_319, %dma_start3A_364] : memref<2x8x100xi32, #tpu.memory_space<vmem>> -> memref<1x1x100xi32, #tpu.memory_space<vmem>>
        %dma_start3A_366 = tpu.memref_squeeze %dma_start3A_365 : memref<1x1x100xi32, #tpu.memory_space<vmem>> -> memref<100xi32, #tpu.memory_space<vmem>>
        %dma_start3A_367 = arith.constant 0 : i32
        %dma_start3A_368 = arith.constant 0 : i32
        %dma_start3A_369 = tpu.memref_slice %arg18[%dma_start3A_367, %dma_start3A_368] : memref<10240x128xf32, #tpu.memory_space<vmem_shared>> -> memref<10240x128xf32, #tpu.memory_space<vmem_shared>>
        tpu.enqueue_indirect_dma source(%arg13 : memref<100x128xf32, #tpu.memory_space<vmem>>) target(%dma_start3A_369 : memref<10240x128xf32, #tpu.memory_space<vmem_shared>>) offsets(%dma_start3A_366 : memref<100xi32, #tpu.memory_space<vmem>>) semaphore(%arg23 : memref<!tpu.dma_semaphore, #tpu.memory_space<semaphore_mem>>) {add = true}
        %lt3A_370 = arith.constant 198 : i32
        %lt3A_371 = arith.cmpi slt, %mul3A_315, %lt3A_370 : i32
        %convert_element_type3A_372 = arith.extui %lt3A_371 : i1 to i32
        %cond3A_373 = arith.constant 0 : i32
        %cond3A_374 = arith.cmpi ne, %convert_element_type3A_372, %cond3A_373 : i32
        scf.if %cond3A_374 {
          %add3A_511 = arith.constant 2 : i32
          %add3A_512 = arith.addi %mul3A_315, %add3A_511 : i32
          %div3A_513 = arith.constant 8 : i32
          %div3A_514 = arith.divsi %add3A_512, %div3A_513 : i32
          %rem3A_515 = arith.constant 2 : i32
          %rem3A_516 = arith.remsi %div3A_514, %rem3A_515 : i32
          %add3A_517 = arith.constant 2 : i32
          %add3A_518 = arith.addi %mul3A_315, %add3A_517 : i32
          %rem3A_519 = arith.constant 8 : i32
          %rem3A_520 = arith.remsi %add3A_518, %rem3A_519 : i32
          %dma_start3A_521 = arith.constant 0 : i32
          %dma_start3A_522 = tpu.memref_slice %arg11[%rem3A_516, %rem3A_520, %dma_start3A_521] : memref<2x8x100xi32, #tpu.memory_space<vmem>> -> memref<1x1x100xi32, #tpu.memory_space<vmem>>
          %dma_start3A_523 = tpu.memref_squeeze %dma_start3A_522 : memref<1x1x100xi32, #tpu.memory_space<vmem>> -> memref<100xi32, #tpu.memory_space<vmem>>
          %dma_start3A_524 = arith.constant 0 : i32
          %dma_start3A_525 = arith.constant 0 : i32
          %dma_start3A_526 = tpu.memref_slice %arg5[%dma_start3A_524, %dma_start3A_525] : memref<10240x128xf32, #tpu.memory_space<hbm>> -> memref<10240x128xf32, #tpu.memory_space<hbm>>
          tpu.enqueue_indirect_dma source(%dma_start3A_526 : memref<10240x128xf32, #tpu.memory_space<hbm>>) target(%arg15 : memref<100x128xf32, #tpu.memory_space<vmem>>) offsets(%dma_start3A_523 : memref<100xi32, #tpu.memory_space<vmem>>) semaphore(%arg22 : memref<!tpu.dma_semaphore, #tpu.memory_space<semaphore_mem>>)
        } else {
        }
        %convert_element_type3A_375 = arith.extui %and3A_324 : i1 to i32
        %cond3A_376 = arith.constant 0 : i32
        %cond3A_377 = arith.cmpi ne, %convert_element_type3A_375, %cond3A_376 : i32
        scf.if %cond3A_377 {
          %dma_wait3A_511 = arith.constant 0 : i32
          %dma_wait3A_512 = arith.constant 0 : i32
          %dma_wait3A_513 = arith.constant 0 : i32
          %dma_wait3A_514 = tpu.memref_slice %arg16[%dma_wait3A_513] : memref<128xf32, #tpu.memory_space<vmem>> -> memref<100xf32, #tpu.memory_space<vmem>>
          %dma_wait3A_515 = arith.constant 0 : i32
          %dma_wait3A_516 = tpu.memref_slice %arg12[%dma_wait3A_511, %dma_wait3A_512, %dma_wait3A_515] : memref<2x8x100xi32, #tpu.memory_space<vmem>> -> memref<1x1x100xi32, #tpu.memory_space<vmem>>
          %dma_wait3A_517 = tpu.memref_squeeze %dma_wait3A_516 : memref<1x1x100xi32, #tpu.memory_space<vmem>> -> memref<100xi32, #tpu.memory_space<vmem>>
          %dma_wait3A_518 = arith.constant 0 : i32
          %dma_wait3A_519 = tpu.memref_slice %arg20[%dma_wait3A_518] : memref<10240xf32, #tpu.memory_space<vmem_shared>> -> memref<10240xf32, #tpu.memory_space<vmem_shared>>
          tpu.wait_indirect_dma semaphore(%arg24 : memref<!tpu.dma_semaphore, #tpu.memory_space<semaphore_mem>>) src(%dma_wait3A_519 : memref<10240xf32, #tpu.memory_space<vmem_shared>>) dst(%dma_wait3A_514 : memref<100xf32, #tpu.memory_space<vmem>>)
          %dma_start3A_520 = arith.constant 0 : i32
          %dma_start3A_521 = tpu.memref_slice %arg16[%dma_start3A_520] : memref<128xf32, #tpu.memory_space<vmem>> -> memref<100xf32, #tpu.memory_space<vmem>>
          %dma_start3A_522 = arith.constant 0 : i32
          %dma_start3A_523 = tpu.memref_slice %arg11[%rem3A_321, %rem3A_319, %dma_start3A_522] : memref<2x8x100xi32, #tpu.memory_space<vmem>> -> memref<1x1x100xi32, #tpu.memory_space<vmem>>
          %dma_start3A_524 = tpu.memref_squeeze %dma_start3A_523 : memref<1x1x100xi32, #tpu.memory_space<vmem>> -> memref<100xi32, #tpu.memory_space<vmem>>
          %dma_start3A_525 = arith.constant 0 : i32
          %dma_start3A_526 = tpu.memref_slice %arg19[%dma_start3A_525] : memref<10240xf32, #tpu.memory_space<vmem_shared>> -> memref<10240xf32, #tpu.memory_space<vmem_shared>>
          tpu.enqueue_indirect_dma source(%dma_start3A_521 : memref<100xf32, #tpu.memory_space<vmem>>) target(%dma_start3A_526 : memref<10240xf32, #tpu.memory_space<vmem_shared>>) offsets(%dma_start3A_524 : memref<100xi32, #tpu.memory_space<vmem>>) semaphore(%arg25 : memref<!tpu.dma_semaphore, #tpu.memory_space<semaphore_mem>>) {add = true}
        } else {
        }
        %mul3A_378 = arith.constant 3 : i32
        %mul3A_379 = arith.muli %mul3A_378, %scan3A_312 : i32
        %add3A_380 = arith.constant 1 : i32
        %add3A_381 = arith.addi %mul3A_379, %add3A_380 : i32
        %div3A_382 = arith.constant 8 : i32
        %div3A_383 = arith.divsi %add3A_381, %div3A_382 : i32
        %rem3A_384 = arith.constant 8 : i32
        %rem3A_385 = arith.remsi %add3A_381, %rem3A_384 : i32
        %rem3A_386 = arith.constant 2 : i32
        %rem3A_387 = arith.remsi %div3A_383, %rem3A_386 : i32
        %ge3A_388 = arith.cmpi sge, %add3A_381, %mul3A_48 : i32
        %lt3A_389 = arith.cmpi slt, %add3A_381, %add3A_52 : i32
        %and3A_390 = arith.andi %ge3A_388, %lt3A_389 : i1
        %gt3A_391 = arith.cmpi sgt, %add3A_381, %mul3A_48 : i32
        %le3A_392 = arith.cmpi sle, %add3A_381, %add3A_52 : i32
        %and3A_393 = arith.andi %gt3A_391, %le3A_392 : i1
        %convert_element_type3A_394 = arith.extui %and3A_393 : i1 to i32
        %cond3A_395 = arith.constant 0 : i32
        %cond3A_396 = arith.cmpi ne, %convert_element_type3A_394, %cond3A_395 : i32
        scf.if %cond3A_396 {
          %dma_wait3A_511 = arith.constant 0 : i32
          %dma_wait3A_512 = arith.constant 0 : i32
          %dma_wait3A_513 = arith.constant 0 : i32
          %dma_wait3A_514 = tpu.memref_slice %arg16[%dma_wait3A_513] : memref<128xf32, #tpu.memory_space<vmem>> -> memref<100xf32, #tpu.memory_space<vmem>>
          %dma_wait3A_515 = arith.constant 0 : i32
          %dma_wait3A_516 = tpu.memref_slice %arg11[%dma_wait3A_511, %dma_wait3A_512, %dma_wait3A_515] : memref<2x8x100xi32, #tpu.memory_space<vmem>> -> memref<1x1x100xi32, #tpu.memory_space<vmem>>
          %dma_wait3A_517 = tpu.memref_squeeze %dma_wait3A_516 : memref<1x1x100xi32, #tpu.memory_space<vmem>> -> memref<100xi32, #tpu.memory_space<vmem>>
          %dma_wait3A_518 = arith.constant 0 : i32
          %dma_wait3A_519 = tpu.memref_slice %arg19[%dma_wait3A_518] : memref<10240xf32, #tpu.memory_space<vmem_shared>> -> memref<10240xf32, #tpu.memory_space<vmem_shared>>
          tpu.wait_indirect_dma semaphore(%arg25 : memref<!tpu.dma_semaphore, #tpu.memory_space<semaphore_mem>>) src(%dma_wait3A_514 : memref<100xf32, #tpu.memory_space<vmem>>) dst(%dma_wait3A_519 : memref<10240xf32, #tpu.memory_space<vmem_shared>>)
        } else {
        }
        %convert_element_type3A_397 = arith.extui %and3A_390 : i1 to i32
        %cond3A_398 = arith.constant 0 : i32
        %cond3A_399 = arith.cmpi ne, %convert_element_type3A_397, %cond3A_398 : i32
        scf.if %cond3A_399 {
          %dma_start3A_511 = arith.constant 0 : i32
          %dma_start3A_512 = tpu.memref_slice %arg16[%dma_start3A_511] : memref<128xf32, #tpu.memory_space<vmem>> -> memref<100xf32, #tpu.memory_space<vmem>>
          %dma_start3A_513 = arith.constant 0 : i32
          %dma_start3A_514 = tpu.memref_slice %arg12[%rem3A_387, %rem3A_385, %dma_start3A_513] : memref<2x8x100xi32, #tpu.memory_space<vmem>> -> memref<1x1x100xi32, #tpu.memory_space<vmem>>
          %dma_start3A_515 = tpu.memref_squeeze %dma_start3A_514 : memref<1x1x100xi32, #tpu.memory_space<vmem>> -> memref<100xi32, #tpu.memory_space<vmem>>
          %dma_start3A_516 = arith.constant 0 : i32
          %dma_start3A_517 = tpu.memref_slice %arg20[%dma_start3A_516] : memref<10240xf32, #tpu.memory_space<vmem_shared>> -> memref<10240xf32, #tpu.memory_space<vmem_shared>>
          tpu.enqueue_indirect_dma source(%dma_start3A_517 : memref<10240xf32, #tpu.memory_space<vmem_shared>>) target(%dma_start3A_512 : memref<100xf32, #tpu.memory_space<vmem>>) offsets(%dma_start3A_515 : memref<100xi32, #tpu.memory_space<vmem>>) semaphore(%arg24 : memref<!tpu.dma_semaphore, #tpu.memory_space<semaphore_mem>>)
        } else {
        }
        %gt3A_400 = arith.constant 0 : i32
        %gt3A_401 = arith.cmpi sgt, %add3A_381, %gt3A_400 : i32
        %convert_element_type3A_402 = arith.extui %gt3A_401 : i1 to i32
        %cond3A_403 = arith.constant 0 : i32
        %cond3A_404 = arith.cmpi ne, %convert_element_type3A_402, %cond3A_403 : i32
        scf.if %cond3A_404 {
          %dma_wait3A_511 = arith.constant 0 : i32
          %dma_wait3A_512 = arith.constant 0 : i32
          %dma_wait3A_513 = arith.constant 0 : i32
          %dma_wait3A_514 = tpu.memref_slice %arg12[%dma_wait3A_511, %dma_wait3A_512, %dma_wait3A_513] : memref<2x8x100xi32, #tpu.memory_space<vmem>> -> memref<1x1x100xi32, #tpu.memory_space<vmem>>
          %dma_wait3A_515 = tpu.memref_squeeze %dma_wait3A_514 : memref<1x1x100xi32, #tpu.memory_space<vmem>> -> memref<100xi32, #tpu.memory_space<vmem>>
          %dma_wait3A_516 = arith.constant 0 : i32
          %dma_wait3A_517 = arith.constant 0 : i32
          %dma_wait3A_518 = tpu.memref_slice %arg18[%dma_wait3A_516, %dma_wait3A_517] : memref<10240x128xf32, #tpu.memory_space<vmem_shared>> -> memref<10240x128xf32, #tpu.memory_space<vmem_shared>>
          tpu.wait_indirect_dma semaphore(%arg23 : memref<!tpu.dma_semaphore, #tpu.memory_space<semaphore_mem>>) src(%arg13 : memref<100x128xf32, #tpu.memory_space<vmem>>) dst(%dma_wait3A_518 : memref<10240x128xf32, #tpu.memory_space<vmem_shared>>)
        } else {
        }
        %eq3A_405 = arith.constant 0 : i32
        %eq3A_406 = arith.cmpi eq, %rem3A_385, %eq3A_405 : i32
        %gt3A_407 = arith.constant 0 : i32
        %gt3A_408 = arith.cmpi sgt, %add3A_381, %gt3A_407 : i32
        %lt3A_409 = arith.constant 24 : i32
        %lt3A_410 = arith.cmpi slt, %div3A_383, %lt3A_409 : i32
        %and3A_411 = arith.andi %gt3A_408, %lt3A_410 : i1
        %and3A_412 = arith.andi %eq3A_406, %and3A_411 : i1
        %convert_element_type3A_413 = arith.extui %and3A_412 : i1 to i32
        %cond3A_414 = arith.constant 0 : i32
        %cond3A_415 = arith.cmpi ne, %convert_element_type3A_413, %cond3A_414 : i32
        scf.if %cond3A_415 {
          %add3A_511 = arith.constant 1 : i32
          %add3A_512 = arith.addi %div3A_383, %add3A_511 : i32
          %mul3A_513 = arith.constant 8 : i32
          %mul3A_514 = arith.muli %add3A_512, %mul3A_513 : i32
          %sub3A = arith.constant 1 : i32
          %sub3A_515 = arith.subi %sub3A, %rem3A_387 : i32
          %dma_start3A_516 = arith.constant 0 : i32
          %dma_start3A_517 = arith.constant 0 : i32
          %dma_start3A_518 = tpu.memref_slice %arg11[%sub3A_515, %dma_start3A_516, %dma_start3A_517] : memref<2x8x100xi32, #tpu.memory_space<vmem>> -> memref<1x8x100xi32, #tpu.memory_space<vmem>>
          %dma_start3A_519 = tpu.memref_squeeze %dma_start3A_518 : memref<1x8x100xi32, #tpu.memory_space<vmem>> -> memref<8x100xi32, #tpu.memory_space<vmem>>
          %dma_start3A_520 = arith.constant 0 : i32
          %dma_start3A_521 = tpu.memref_slice %arg2[%arg1, %mul3A_514, %dma_start3A_520] : memref<16x200x100xi32, #tpu.memory_space<hbm>> -> memref<1x8x100xi32, #tpu.memory_space<hbm>>
          %dma_start3A_522 = tpu.memref_squeeze %dma_start3A_521 : memref<1x8x100xi32, #tpu.memory_space<hbm>> -> memref<8x100xi32, #tpu.memory_space<hbm>>
          %dma_start3A_523 = arith.constant 0 : i32
          %dma_start3A_524 = arith.constant 0 : i32
          %dma_start3A_525 = tpu.memref_slice %arg11[%sub3A_515, %dma_start3A_523, %dma_start3A_524] : memref<2x8x100xi32, #tpu.memory_space<vmem>> -> memref<1x8x100xi32, #tpu.memory_space<vmem>>
          %dma_start3A_526 = tpu.memref_squeeze %dma_start3A_525 : memref<1x8x100xi32, #tpu.memory_space<vmem>> -> memref<8x100xi32, #tpu.memory_space<vmem>>
          %dma_start3A_527 = arith.constant 0 : i32
          %dma_start3A_528 = tpu.memref_slice %arg2[%arg1, %mul3A_514, %dma_start3A_527] : memref<16x200x100xi32, #tpu.memory_space<hbm>> -> memref<1x8x100xi32, #tpu.memory_space<hbm>>
          %dma_start3A_529 = tpu.memref_squeeze %dma_start3A_528 : memref<1x8x100xi32, #tpu.memory_space<hbm>> -> memref<8x100xi32, #tpu.memory_space<hbm>>
          tpu.enqueue_dma source(%dma_start3A_529 : memref<8x100xi32, #tpu.memory_space<hbm>>) target(%dma_start3A_526 : memref<8x100xi32, #tpu.memory_space<vmem>>) target_semaphore(%arg21 : memref<!tpu.dma_semaphore, #tpu.memory_space<semaphore_mem>>)
          %add3A_530 = arith.constant 1 : i32
          %add3A_531 = arith.addi %div3A_383, %add3A_530 : i32
          %mul3A_532 = arith.constant 8 : i32
          %mul3A_533 = arith.muli %add3A_531, %mul3A_532 : i32
          %sub3A_534 = arith.constant 1 : i32
          %sub3A_535 = arith.subi %sub3A_534, %rem3A_387 : i32
          %dma_start3A_536 = arith.constant 0 : i32
          %dma_start3A_537 = arith.constant 0 : i32
          %dma_start3A_538 = tpu.memref_slice %arg12[%sub3A_535, %dma_start3A_536, %dma_start3A_537] : memref<2x8x100xi32, #tpu.memory_space<vmem>> -> memref<1x8x100xi32, #tpu.memory_space<vmem>>
          %dma_start3A_539 = tpu.memref_squeeze %dma_start3A_538 : memref<1x8x100xi32, #tpu.memory_space<vmem>> -> memref<8x100xi32, #tpu.memory_space<vmem>>
          %dma_start3A_540 = arith.constant 0 : i32
          %dma_start3A_541 = tpu.memref_slice %arg3[%arg1, %mul3A_533, %dma_start3A_540] : memref<16x200x100xi32, #tpu.memory_space<hbm>> -> memref<1x8x100xi32, #tpu.memory_space<hbm>>
          %dma_start3A_542 = tpu.memref_squeeze %dma_start3A_541 : memref<1x8x100xi32, #tpu.memory_space<hbm>> -> memref<8x100xi32, #tpu.memory_space<hbm>>
          %dma_start3A_543 = arith.constant 0 : i32
          %dma_start3A_544 = arith.constant 0 : i32
          %dma_start3A_545 = tpu.memref_slice %arg12[%sub3A_535, %dma_start3A_543, %dma_start3A_544] : memref<2x8x100xi32, #tpu.memory_space<vmem>> -> memref<1x8x100xi32, #tpu.memory_space<vmem>>
          %dma_start3A_546 = tpu.memref_squeeze %dma_start3A_545 : memref<1x8x100xi32, #tpu.memory_space<vmem>> -> memref<8x100xi32, #tpu.memory_space<vmem>>
          %dma_start3A_547 = arith.constant 0 : i32
          %dma_start3A_548 = tpu.memref_slice %arg3[%arg1, %mul3A_533, %dma_start3A_547] : memref<16x200x100xi32, #tpu.memory_space<hbm>> -> memref<1x8x100xi32, #tpu.memory_space<hbm>>
          %dma_start3A_549 = tpu.memref_squeeze %dma_start3A_548 : memref<1x8x100xi32, #tpu.memory_space<hbm>> -> memref<8x100xi32, #tpu.memory_space<hbm>>
          tpu.enqueue_dma source(%dma_start3A_549 : memref<8x100xi32, #tpu.memory_space<hbm>>) target(%dma_start3A_546 : memref<8x100xi32, #tpu.memory_space<vmem>>) target_semaphore(%arg21 : memref<!tpu.dma_semaphore, #tpu.memory_space<semaphore_mem>>)
        } else {
        }
        %eq3A_416 = arith.constant 6 : i32
        %eq3A_417 = arith.cmpi eq, %rem3A_385, %eq3A_416 : i32
        %lt3A_418 = arith.constant 24 : i32
        %lt3A_419 = arith.cmpi slt, %div3A_383, %lt3A_418 : i32
        %and3A_420 = arith.andi %eq3A_417, %lt3A_419 : i1
        %convert_element_type3A_421 = arith.extui %and3A_420 : i1 to i32
        %cond3A_422 = arith.constant 0 : i32
        %cond3A_423 = arith.cmpi ne, %convert_element_type3A_421, %cond3A_422 : i32
        scf.if %cond3A_423 {
          %dma_wait3A_511 = arith.constant 0 : i32
          %dma_wait3A_512 = arith.constant 0 : i32
          %dma_wait3A_513 = arith.constant 0 : i32
          %dma_wait3A_514 = tpu.memref_slice %arg11[%dma_wait3A_511, %dma_wait3A_512, %dma_wait3A_513] : memref<2x8x100xi32, #tpu.memory_space<vmem>> -> memref<1x8x100xi32, #tpu.memory_space<vmem>>
          %dma_wait3A_515 = tpu.memref_squeeze %dma_wait3A_514 : memref<1x8x100xi32, #tpu.memory_space<vmem>> -> memref<8x100xi32, #tpu.memory_space<vmem>>
          %dma_wait3A_516 = arith.constant 0 : i32
          %dma_wait3A_517 = arith.constant 0 : i32
          %dma_wait3A_518 = tpu.memref_slice %arg2[%arg1, %dma_wait3A_516, %dma_wait3A_517] : memref<16x200x100xi32, #tpu.memory_space<hbm>> -> memref<1x8x100xi32, #tpu.memory_space<hbm>>
          %dma_wait3A_519 = tpu.memref_squeeze %dma_wait3A_518 : memref<1x8x100xi32, #tpu.memory_space<hbm>> -> memref<8x100xi32, #tpu.memory_space<hbm>>
          %dma_wait3A_520 = arith.constant 0 : i32
          %dma_wait3A_521 = arith.constant 0 : i32
          %dma_wait3A_522 = tpu.memref_slice %arg11[%dma_wait3A_511, %dma_wait3A_520, %dma_wait3A_521] : memref<2x8x100xi32, #tpu.memory_space<vmem>> -> memref<1x8x100xi32, #tpu.memory_space<vmem>>
          %dma_wait3A_523 = tpu.memref_squeeze %dma_wait3A_522 : memref<1x8x100xi32, #tpu.memory_space<vmem>> -> memref<8x100xi32, #tpu.memory_space<vmem>>
          %dma_wait3A_524 = arith.constant 0 : i32
          %dma_wait3A_525 = arith.constant 0 : i32
          %dma_wait3A_526 = tpu.memref_slice %arg2[%arg1, %dma_wait3A_524, %dma_wait3A_525] : memref<16x200x100xi32, #tpu.memory_space<hbm>> -> memref<1x8x100xi32, #tpu.memory_space<hbm>>
          %dma_wait3A_527 = tpu.memref_squeeze %dma_wait3A_526 : memref<1x8x100xi32, #tpu.memory_space<hbm>> -> memref<8x100xi32, #tpu.memory_space<hbm>>
          tpu.wait_dma2 semaphore(%arg21 : memref<!tpu.dma_semaphore, #tpu.memory_space<semaphore_mem>>) src(%dma_wait3A_527 : memref<8x100xi32, #tpu.memory_space<hbm>>) dst(%dma_wait3A_523 : memref<8x100xi32, #tpu.memory_space<vmem>>)
          %dma_wait3A_528 = arith.constant 0 : i32
          %dma_wait3A_529 = arith.constant 0 : i32
          %dma_wait3A_530 = arith.constant 0 : i32
          %dma_wait3A_531 = tpu.memref_slice %arg12[%dma_wait3A_528, %dma_wait3A_529, %dma_wait3A_530] : memref<2x8x100xi32, #tpu.memory_space<vmem>> -> memref<1x8x100xi32, #tpu.memory_space<vmem>>
          %dma_wait3A_532 = tpu.memref_squeeze %dma_wait3A_531 : memref<1x8x100xi32, #tpu.memory_space<vmem>> -> memref<8x100xi32, #tpu.memory_space<vmem>>
          %dma_wait3A_533 = arith.constant 0 : i32
          %dma_wait3A_534 = arith.constant 0 : i32
          %dma_wait3A_535 = tpu.memref_slice %arg3[%arg1, %dma_wait3A_533, %dma_wait3A_534] : memref<16x200x100xi32, #tpu.memory_space<hbm>> -> memref<1x8x100xi32, #tpu.memory_space<hbm>>
          %dma_wait3A_536 = tpu.memref_squeeze %dma_wait3A_535 : memref<1x8x100xi32, #tpu.memory_space<hbm>> -> memref<8x100xi32, #tpu.memory_space<hbm>>
          %dma_wait3A_537 = arith.constant 0 : i32
          %dma_wait3A_538 = arith.constant 0 : i32
          %dma_wait3A_539 = tpu.memref_slice %arg12[%dma_wait3A_528, %dma_wait3A_537, %dma_wait3A_538] : memref<2x8x100xi32, #tpu.memory_space<vmem>> -> memref<1x8x100xi32, #tpu.memory_space<vmem>>
          %dma_wait3A_540 = tpu.memref_squeeze %dma_wait3A_539 : memref<1x8x100xi32, #tpu.memory_space<vmem>> -> memref<8x100xi32, #tpu.memory_space<vmem>>
          %dma_wait3A_541 = arith.constant 0 : i32
          %dma_wait3A_542 = arith.constant 0 : i32
          %dma_wait3A_543 = tpu.memref_slice %arg3[%arg1, %dma_wait3A_541, %dma_wait3A_542] : memref<16x200x100xi32, #tpu.memory_space<hbm>> -> memref<1x8x100xi32, #tpu.memory_space<hbm>>
          %dma_wait3A_544 = tpu.memref_squeeze %dma_wait3A_543 : memref<1x8x100xi32, #tpu.memory_space<hbm>> -> memref<8x100xi32, #tpu.memory_space<hbm>>
          tpu.wait_dma2 semaphore(%arg21 : memref<!tpu.dma_semaphore, #tpu.memory_space<semaphore_mem>>) src(%dma_wait3A_544 : memref<8x100xi32, #tpu.memory_space<hbm>>) dst(%dma_wait3A_540 : memref<8x100xi32, #tpu.memory_space<vmem>>)
        } else {
        }
        %dma_wait3A_424 = arith.constant 0 : i32
        %dma_wait3A_425 = tpu.memref_slice %arg11[%rem3A_387, %rem3A_385, %dma_wait3A_424] : memref<2x8x100xi32, #tpu.memory_space<vmem>> -> memref<1x1x100xi32, #tpu.memory_space<vmem>>
        %dma_wait3A_426 = tpu.memref_squeeze %dma_wait3A_425 : memref<1x1x100xi32, #tpu.memory_space<vmem>> -> memref<100xi32, #tpu.memory_space<vmem>>
        %dma_wait3A_427 = arith.constant 0 : i32
        %dma_wait3A_428 = arith.constant 0 : i32
        %dma_wait3A_429 = tpu.memref_slice %arg5[%dma_wait3A_427, %dma_wait3A_428] : memref<10240x128xf32, #tpu.memory_space<hbm>> -> memref<10240x128xf32, #tpu.memory_space<hbm>>
        tpu.wait_indirect_dma semaphore(%arg22 : memref<!tpu.dma_semaphore, #tpu.memory_space<semaphore_mem>>) src(%dma_wait3A_429 : memref<10240x128xf32, #tpu.memory_space<hbm>>) dst(%arg14 : memref<100x128xf32, #tpu.memory_space<vmem>>)
        %dma_start3A_430 = arith.constant 0 : i32
        %dma_start3A_431 = tpu.memref_slice %arg12[%rem3A_387, %rem3A_385, %dma_start3A_430] : memref<2x8x100xi32, #tpu.memory_space<vmem>> -> memref<1x1x100xi32, #tpu.memory_space<vmem>>
        %dma_start3A_432 = tpu.memref_squeeze %dma_start3A_431 : memref<1x1x100xi32, #tpu.memory_space<vmem>> -> memref<100xi32, #tpu.memory_space<vmem>>
        %dma_start3A_433 = arith.constant 0 : i32
        %dma_start3A_434 = arith.constant 0 : i32
        %dma_start3A_435 = tpu.memref_slice %arg18[%dma_start3A_433, %dma_start3A_434] : memref<10240x128xf32, #tpu.memory_space<vmem_shared>> -> memref<10240x128xf32, #tpu.memory_space<vmem_shared>>
        tpu.enqueue_indirect_dma source(%arg14 : memref<100x128xf32, #tpu.memory_space<vmem>>) target(%dma_start3A_435 : memref<10240x128xf32, #tpu.memory_space<vmem_shared>>) offsets(%dma_start3A_432 : memref<100xi32, #tpu.memory_space<vmem>>) semaphore(%arg23 : memref<!tpu.dma_semaphore, #tpu.memory_space<semaphore_mem>>) {add = true}
        %lt3A_436 = arith.constant 198 : i32
        %lt3A_437 = arith.cmpi slt, %add3A_381, %lt3A_436 : i32
        %convert_element_type3A_438 = arith.extui %lt3A_437 : i1 to i32
        %cond3A_439 = arith.constant 0 : i32
        %cond3A_440 = arith.cmpi ne, %convert_element_type3A_438, %cond3A_439 : i32
        scf.if %cond3A_440 {
          %add3A_511 = arith.constant 2 : i32
          %add3A_512 = arith.addi %add3A_381, %add3A_511 : i32
          %div3A_513 = arith.constant 8 : i32
          %div3A_514 = arith.divsi %add3A_512, %div3A_513 : i32
          %rem3A_515 = arith.constant 2 : i32
          %rem3A_516 = arith.remsi %div3A_514, %rem3A_515 : i32
          %add3A_517 = arith.constant 2 : i32
          %add3A_518 = arith.addi %add3A_381, %add3A_517 : i32
          %rem3A_519 = arith.constant 8 : i32
          %rem3A_520 = arith.remsi %add3A_518, %rem3A_519 : i32
          %dma_start3A_521 = arith.constant 0 : i32
          %dma_start3A_522 = tpu.memref_slice %arg11[%rem3A_516, %rem3A_520, %dma_start3A_521] : memref<2x8x100xi32, #tpu.memory_space<vmem>> -> memref<1x1x100xi32, #tpu.memory_space<vmem>>
          %dma_start3A_523 = tpu.memref_squeeze %dma_start3A_522 : memref<1x1x100xi32, #tpu.memory_space<vmem>> -> memref<100xi32, #tpu.memory_space<vmem>>
          %dma_start3A_524 = arith.constant 0 : i32
          %dma_start3A_525 = arith.constant 0 : i32
          %dma_start3A_526 = tpu.memref_slice %arg5[%dma_start3A_524, %dma_start3A_525] : memref<10240x128xf32, #tpu.memory_space<hbm>> -> memref<10240x128xf32, #tpu.memory_space<hbm>>
          tpu.enqueue_indirect_dma source(%dma_start3A_526 : memref<10240x128xf32, #tpu.memory_space<hbm>>) target(%arg13 : memref<100x128xf32, #tpu.memory_space<vmem>>) offsets(%dma_start3A_523 : memref<100xi32, #tpu.memory_space<vmem>>) semaphore(%arg22 : memref<!tpu.dma_semaphore, #tpu.memory_space<semaphore_mem>>)
        } else {
        }
        %convert_element_type3A_441 = arith.extui %and3A_390 : i1 to i32
        %cond3A_442 = arith.constant 0 : i32
        %cond3A_443 = arith.cmpi ne, %convert_element_type3A_441, %cond3A_442 : i32
        scf.if %cond3A_443 {
          %dma_wait3A_511 = arith.constant 0 : i32
          %dma_wait3A_512 = arith.constant 0 : i32
          %dma_wait3A_513 = arith.constant 0 : i32
          %dma_wait3A_514 = tpu.memref_slice %arg16[%dma_wait3A_513] : memref<128xf32, #tpu.memory_space<vmem>> -> memref<100xf32, #tpu.memory_space<vmem>>
          %dma_wait3A_515 = arith.constant 0 : i32
          %dma_wait3A_516 = tpu.memref_slice %arg12[%dma_wait3A_511, %dma_wait3A_512, %dma_wait3A_515] : memref<2x8x100xi32, #tpu.memory_space<vmem>> -> memref<1x1x100xi32, #tpu.memory_space<vmem>>
          %dma_wait3A_517 = tpu.memref_squeeze %dma_wait3A_516 : memref<1x1x100xi32, #tpu.memory_space<vmem>> -> memref<100xi32, #tpu.memory_space<vmem>>
          %dma_wait3A_518 = arith.constant 0 : i32
          %dma_wait3A_519 = tpu.memref_slice %arg20[%dma_wait3A_518] : memref<10240xf32, #tpu.memory_space<vmem_shared>> -> memref<10240xf32, #tpu.memory_space<vmem_shared>>
          tpu.wait_indirect_dma semaphore(%arg24 : memref<!tpu.dma_semaphore, #tpu.memory_space<semaphore_mem>>) src(%dma_wait3A_519 : memref<10240xf32, #tpu.memory_space<vmem_shared>>) dst(%dma_wait3A_514 : memref<100xf32, #tpu.memory_space<vmem>>)
          %dma_start3A_520 = arith.constant 0 : i32
          %dma_start3A_521 = tpu.memref_slice %arg16[%dma_start3A_520] : memref<128xf32, #tpu.memory_space<vmem>> -> memref<100xf32, #tpu.memory_space<vmem>>
          %dma_start3A_522 = arith.constant 0 : i32
          %dma_start3A_523 = tpu.memref_slice %arg11[%rem3A_387, %rem3A_385, %dma_start3A_522] : memref<2x8x100xi32, #tpu.memory_space<vmem>> -> memref<1x1x100xi32, #tpu.memory_space<vmem>>
          %dma_start3A_524 = tpu.memref_squeeze %dma_start3A_523 : memref<1x1x100xi32, #tpu.memory_space<vmem>> -> memref<100xi32, #tpu.memory_space<vmem>>
          %dma_start3A_525 = arith.constant 0 : i32
          %dma_start3A_526 = tpu.memref_slice %arg19[%dma_start3A_525] : memref<10240xf32, #tpu.memory_space<vmem_shared>> -> memref<10240xf32, #tpu.memory_space<vmem_shared>>
          tpu.enqueue_indirect_dma source(%dma_start3A_521 : memref<100xf32, #tpu.memory_space<vmem>>) target(%dma_start3A_526 : memref<10240xf32, #tpu.memory_space<vmem_shared>>) offsets(%dma_start3A_524 : memref<100xi32, #tpu.memory_space<vmem>>) semaphore(%arg25 : memref<!tpu.dma_semaphore, #tpu.memory_space<semaphore_mem>>) {add = true}
        } else {
        }
        %mul3A_444 = arith.constant 3 : i32
        %mul3A_445 = arith.muli %mul3A_444, %scan3A_312 : i32
        %add3A_446 = arith.constant 2 : i32
        %add3A_447 = arith.addi %mul3A_445, %add3A_446 : i32
        %div3A_448 = arith.constant 8 : i32
        %div3A_449 = arith.divsi %add3A_447, %div3A_448 : i32
        %rem3A_450 = arith.constant 8 : i32
        %rem3A_451 = arith.remsi %add3A_447, %rem3A_450 : i32
        %rem3A_452 = arith.constant 2 : i32
        %rem3A_453 = arith.remsi %div3A_449, %rem3A_452 : i32
        %ge3A_454 = arith.cmpi sge, %add3A_447, %mul3A_48 : i32
        %lt3A_455 = arith.cmpi slt, %add3A_447, %add3A_52 : i32
        %and3A_456 = arith.andi %ge3A_454, %lt3A_455 : i1
        %gt3A_457 = arith.cmpi sgt, %add3A_447, %mul3A_48 : i32
        %le3A_458 = arith.cmpi sle, %add3A_447, %add3A_52 : i32
        %and3A_459 = arith.andi %gt3A_457, %le3A_458 : i1
        %convert_element_type3A_460 = arith.extui %and3A_459 : i1 to i32
        %cond3A_461 = arith.constant 0 : i32
        %cond3A_462 = arith.cmpi ne, %convert_element_type3A_460, %cond3A_461 : i32
        scf.if %cond3A_462 {
          %dma_wait3A_511 = arith.constant 0 : i32
          %dma_wait3A_512 = arith.constant 0 : i32
          %dma_wait3A_513 = arith.constant 0 : i32
          %dma_wait3A_514 = tpu.memref_slice %arg16[%dma_wait3A_513] : memref<128xf32, #tpu.memory_space<vmem>> -> memref<100xf32, #tpu.memory_space<vmem>>
          %dma_wait3A_515 = arith.constant 0 : i32
          %dma_wait3A_516 = tpu.memref_slice %arg11[%dma_wait3A_511, %dma_wait3A_512, %dma_wait3A_515] : memref<2x8x100xi32, #tpu.memory_space<vmem>> -> memref<1x1x100xi32, #tpu.memory_space<vmem>>
          %dma_wait3A_517 = tpu.memref_squeeze %dma_wait3A_516 : memref<1x1x100xi32, #tpu.memory_space<vmem>> -> memref<100xi32, #tpu.memory_space<vmem>>
          %dma_wait3A_518 = arith.constant 0 : i32
          %dma_wait3A_519 = tpu.memref_slice %arg19[%dma_wait3A_518] : memref<10240xf32, #tpu.memory_space<vmem_shared>> -> memref<10240xf32, #tpu.memory_space<vmem_shared>>
          tpu.wait_indirect_dma semaphore(%arg25 : memref<!tpu.dma_semaphore, #tpu.memory_space<semaphore_mem>>) src(%dma_wait3A_514 : memref<100xf32, #tpu.memory_space<vmem>>) dst(%dma_wait3A_519 : memref<10240xf32, #tpu.memory_space<vmem_shared>>)
        } else {
        }
        %convert_element_type3A_463 = arith.extui %and3A_456 : i1 to i32
        %cond3A_464 = arith.constant 0 : i32
        %cond3A_465 = arith.cmpi ne, %convert_element_type3A_463, %cond3A_464 : i32
        scf.if %cond3A_465 {
          %dma_start3A_511 = arith.constant 0 : i32
          %dma_start3A_512 = tpu.memref_slice %arg16[%dma_start3A_511] : memref<128xf32, #tpu.memory_space<vmem>> -> memref<100xf32, #tpu.memory_space<vmem>>
          %dma_start3A_513 = arith.constant 0 : i32
          %dma_start3A_514 = tpu.memref_slice %arg12[%rem3A_453, %rem3A_451, %dma_start3A_513] : memref<2x8x100xi32, #tpu.memory_space<vmem>> -> memref<1x1x100xi32, #tpu.memory_space<vmem>>
          %dma_start3A_515 = tpu.memref_squeeze %dma_start3A_514 : memref<1x1x100xi32, #tpu.memory_space<vmem>> -> memref<100xi32, #tpu.memory_space<vmem>>
          %dma_start3A_516 = arith.constant 0 : i32
          %dma_start3A_517 = tpu.memref_slice %arg20[%dma_start3A_516] : memref<10240xf32, #tpu.memory_space<vmem_shared>> -> memref<10240xf32, #tpu.memory_space<vmem_shared>>
          tpu.enqueue_indirect_dma source(%dma_start3A_517 : memref<10240xf32, #tpu.memory_space<vmem_shared>>) target(%dma_start3A_512 : memref<100xf32, #tpu.memory_space<vmem>>) offsets(%dma_start3A_515 : memref<100xi32, #tpu.memory_space<vmem>>) semaphore(%arg24 : memref<!tpu.dma_semaphore, #tpu.memory_space<semaphore_mem>>)
        } else {
        }
        %gt3A_466 = arith.constant 0 : i32
        %gt3A_467 = arith.cmpi sgt, %add3A_447, %gt3A_466 : i32
        %convert_element_type3A_468 = arith.extui %gt3A_467 : i1 to i32
        %cond3A_469 = arith.constant 0 : i32
        %cond3A_470 = arith.cmpi ne, %convert_element_type3A_468, %cond3A_469 : i32
        scf.if %cond3A_470 {
          %dma_wait3A_511 = arith.constant 0 : i32
          %dma_wait3A_512 = arith.constant 0 : i32
          %dma_wait3A_513 = arith.constant 0 : i32
          %dma_wait3A_514 = tpu.memref_slice %arg12[%dma_wait3A_511, %dma_wait3A_512, %dma_wait3A_513] : memref<2x8x100xi32, #tpu.memory_space<vmem>> -> memref<1x1x100xi32, #tpu.memory_space<vmem>>
          %dma_wait3A_515 = tpu.memref_squeeze %dma_wait3A_514 : memref<1x1x100xi32, #tpu.memory_space<vmem>> -> memref<100xi32, #tpu.memory_space<vmem>>
          %dma_wait3A_516 = arith.constant 0 : i32
          %dma_wait3A_517 = arith.constant 0 : i32
          %dma_wait3A_518 = tpu.memref_slice %arg18[%dma_wait3A_516, %dma_wait3A_517] : memref<10240x128xf32, #tpu.memory_space<vmem_shared>> -> memref<10240x128xf32, #tpu.memory_space<vmem_shared>>
          tpu.wait_indirect_dma semaphore(%arg23 : memref<!tpu.dma_semaphore, #tpu.memory_space<semaphore_mem>>) src(%arg13 : memref<100x128xf32, #tpu.memory_space<vmem>>) dst(%dma_wait3A_518 : memref<10240x128xf32, #tpu.memory_space<vmem_shared>>)
        } else {
        }
        %eq3A_471 = arith.constant 0 : i32
        %eq3A_472 = arith.cmpi eq, %rem3A_451, %eq3A_471 : i32
        %gt3A_473 = arith.constant 0 : i32
        %gt3A_474 = arith.cmpi sgt, %add3A_447, %gt3A_473 : i32
        %lt3A_475 = arith.constant 24 : i32
        %lt3A_476 = arith.cmpi slt, %div3A_449, %lt3A_475 : i32
        %and3A_477 = arith.andi %gt3A_474, %lt3A_476 : i1
        %and3A_478 = arith.andi %eq3A_472, %and3A_477 : i1
        %convert_element_type3A_479 = arith.extui %and3A_478 : i1 to i32
        %cond3A_480 = arith.constant 0 : i32
        %cond3A_481 = arith.cmpi ne, %convert_element_type3A_479, %cond3A_480 : i32
        scf.if %cond3A_481 {
          %add3A_511 = arith.constant 1 : i32
          %add3A_512 = arith.addi %div3A_449, %add3A_511 : i32
          %mul3A_513 = arith.constant 8 : i32
          %mul3A_514 = arith.muli %add3A_512, %mul3A_513 : i32
          %sub3A = arith.constant 1 : i32
          %sub3A_515 = arith.subi %sub3A, %rem3A_453 : i32
          %dma_start3A_516 = arith.constant 0 : i32
          %dma_start3A_517 = arith.constant 0 : i32
          %dma_start3A_518 = tpu.memref_slice %arg11[%sub3A_515, %dma_start3A_516, %dma_start3A_517] : memref<2x8x100xi32, #tpu.memory_space<vmem>> -> memref<1x8x100xi32, #tpu.memory_space<vmem>>
          %dma_start3A_519 = tpu.memref_squeeze %dma_start3A_518 : memref<1x8x100xi32, #tpu.memory_space<vmem>> -> memref<8x100xi32, #tpu.memory_space<vmem>>
          %dma_start3A_520 = arith.constant 0 : i32
          %dma_start3A_521 = tpu.memref_slice %arg2[%arg1, %mul3A_514, %dma_start3A_520] : memref<16x200x100xi32, #tpu.memory_space<hbm>> -> memref<1x8x100xi32, #tpu.memory_space<hbm>>
          %dma_start3A_522 = tpu.memref_squeeze %dma_start3A_521 : memref<1x8x100xi32, #tpu.memory_space<hbm>> -> memref<8x100xi32, #tpu.memory_space<hbm>>
          %dma_start3A_523 = arith.constant 0 : i32
          %dma_start3A_524 = arith.constant 0 : i32
          %dma_start3A_525 = tpu.memref_slice %arg11[%sub3A_515, %dma_start3A_523, %dma_start3A_524] : memref<2x8x100xi32, #tpu.memory_space<vmem>> -> memref<1x8x100xi32, #tpu.memory_space<vmem>>
          %dma_start3A_526 = tpu.memref_squeeze %dma_start3A_525 : memref<1x8x100xi32, #tpu.memory_space<vmem>> -> memref<8x100xi32, #tpu.memory_space<vmem>>
          %dma_start3A_527 = arith.constant 0 : i32
          %dma_start3A_528 = tpu.memref_slice %arg2[%arg1, %mul3A_514, %dma_start3A_527] : memref<16x200x100xi32, #tpu.memory_space<hbm>> -> memref<1x8x100xi32, #tpu.memory_space<hbm>>
          %dma_start3A_529 = tpu.memref_squeeze %dma_start3A_528 : memref<1x8x100xi32, #tpu.memory_space<hbm>> -> memref<8x100xi32, #tpu.memory_space<hbm>>
          tpu.enqueue_dma source(%dma_start3A_529 : memref<8x100xi32, #tpu.memory_space<hbm>>) target(%dma_start3A_526 : memref<8x100xi32, #tpu.memory_space<vmem>>) target_semaphore(%arg21 : memref<!tpu.dma_semaphore, #tpu.memory_space<semaphore_mem>>)
          %add3A_530 = arith.constant 1 : i32
          %add3A_531 = arith.addi %div3A_449, %add3A_530 : i32
          %mul3A_532 = arith.constant 8 : i32
          %mul3A_533 = arith.muli %add3A_531, %mul3A_532 : i32
          %sub3A_534 = arith.constant 1 : i32
          %sub3A_535 = arith.subi %sub3A_534, %rem3A_453 : i32
          %dma_start3A_536 = arith.constant 0 : i32
          %dma_start3A_537 = arith.constant 0 : i32
          %dma_start3A_538 = tpu.memref_slice %arg12[%sub3A_535, %dma_start3A_536, %dma_start3A_537] : memref<2x8x100xi32, #tpu.memory_space<vmem>> -> memref<1x8x100xi32, #tpu.memory_space<vmem>>
          %dma_start3A_539 = tpu.memref_squeeze %dma_start3A_538 : memref<1x8x100xi32, #tpu.memory_space<vmem>> -> memref<8x100xi32, #tpu.memory_space<vmem>>
          %dma_start3A_540 = arith.constant 0 : i32
          %dma_start3A_541 = tpu.memref_slice %arg3[%arg1, %mul3A_533, %dma_start3A_540] : memref<16x200x100xi32, #tpu.memory_space<hbm>> -> memref<1x8x100xi32, #tpu.memory_space<hbm>>
          %dma_start3A_542 = tpu.memref_squeeze %dma_start3A_541 : memref<1x8x100xi32, #tpu.memory_space<hbm>> -> memref<8x100xi32, #tpu.memory_space<hbm>>
          %dma_start3A_543 = arith.constant 0 : i32
          %dma_start3A_544 = arith.constant 0 : i32
          %dma_start3A_545 = tpu.memref_slice %arg12[%sub3A_535, %dma_start3A_543, %dma_start3A_544] : memref<2x8x100xi32, #tpu.memory_space<vmem>> -> memref<1x8x100xi32, #tpu.memory_space<vmem>>
          %dma_start3A_546 = tpu.memref_squeeze %dma_start3A_545 : memref<1x8x100xi32, #tpu.memory_space<vmem>> -> memref<8x100xi32, #tpu.memory_space<vmem>>
          %dma_start3A_547 = arith.constant 0 : i32
          %dma_start3A_548 = tpu.memref_slice %arg3[%arg1, %mul3A_533, %dma_start3A_547] : memref<16x200x100xi32, #tpu.memory_space<hbm>> -> memref<1x8x100xi32, #tpu.memory_space<hbm>>
          %dma_start3A_549 = tpu.memref_squeeze %dma_start3A_548 : memref<1x8x100xi32, #tpu.memory_space<hbm>> -> memref<8x100xi32, #tpu.memory_space<hbm>>
          tpu.enqueue_dma source(%dma_start3A_549 : memref<8x100xi32, #tpu.memory_space<hbm>>) target(%dma_start3A_546 : memref<8x100xi32, #tpu.memory_space<vmem>>) target_semaphore(%arg21 : memref<!tpu.dma_semaphore, #tpu.memory_space<semaphore_mem>>)
        } else {
        }
        %eq3A_482 = arith.constant 6 : i32
        %eq3A_483 = arith.cmpi eq, %rem3A_451, %eq3A_482 : i32
        %lt3A_484 = arith.constant 24 : i32
        %lt3A_485 = arith.cmpi slt, %div3A_449, %lt3A_484 : i32
        %and3A_486 = arith.andi %eq3A_483, %lt3A_485 : i1
        %convert_element_type3A_487 = arith.extui %and3A_486 : i1 to i32
        %cond3A_488 = arith.constant 0 : i32
        %cond3A_489 = arith.cmpi ne, %convert_element_type3A_487, %cond3A_488 : i32
        scf.if %cond3A_489 {
          %dma_wait3A_511 = arith.constant 0 : i32
          %dma_wait3A_512 = arith.constant 0 : i32
          %dma_wait3A_513 = arith.constant 0 : i32
          %dma_wait3A_514 = tpu.memref_slice %arg11[%dma_wait3A_511, %dma_wait3A_512, %dma_wait3A_513] : memref<2x8x100xi32, #tpu.memory_space<vmem>> -> memref<1x8x100xi32, #tpu.memory_space<vmem>>
          %dma_wait3A_515 = tpu.memref_squeeze %dma_wait3A_514 : memref<1x8x100xi32, #tpu.memory_space<vmem>> -> memref<8x100xi32, #tpu.memory_space<vmem>>
          %dma_wait3A_516 = arith.constant 0 : i32
          %dma_wait3A_517 = arith.constant 0 : i32
          %dma_wait3A_518 = tpu.memref_slice %arg2[%arg1, %dma_wait3A_516, %dma_wait3A_517] : memref<16x200x100xi32, #tpu.memory_space<hbm>> -> memref<1x8x100xi32, #tpu.memory_space<hbm>>
          %dma_wait3A_519 = tpu.memref_squeeze %dma_wait3A_518 : memref<1x8x100xi32, #tpu.memory_space<hbm>> -> memref<8x100xi32, #tpu.memory_space<hbm>>
          %dma_wait3A_520 = arith.constant 0 : i32
          %dma_wait3A_521 = arith.constant 0 : i32
          %dma_wait3A_522 = tpu.memref_slice %arg11[%dma_wait3A_511, %dma_wait3A_520, %dma_wait3A_521] : memref<2x8x100xi32, #tpu.memory_space<vmem>> -> memref<1x8x100xi32, #tpu.memory_space<vmem>>
          %dma_wait3A_523 = tpu.memref_squeeze %dma_wait3A_522 : memref<1x8x100xi32, #tpu.memory_space<vmem>> -> memref<8x100xi32, #tpu.memory_space<vmem>>
          %dma_wait3A_524 = arith.constant 0 : i32
          %dma_wait3A_525 = arith.constant 0 : i32
          %dma_wait3A_526 = tpu.memref_slice %arg2[%arg1, %dma_wait3A_524, %dma_wait3A_525] : memref<16x200x100xi32, #tpu.memory_space<hbm>> -> memref<1x8x100xi32, #tpu.memory_space<hbm>>
          %dma_wait3A_527 = tpu.memref_squeeze %dma_wait3A_526 : memref<1x8x100xi32, #tpu.memory_space<hbm>> -> memref<8x100xi32, #tpu.memory_space<hbm>>
          tpu.wait_dma2 semaphore(%arg21 : memref<!tpu.dma_semaphore, #tpu.memory_space<semaphore_mem>>) src(%dma_wait3A_527 : memref<8x100xi32, #tpu.memory_space<hbm>>) dst(%dma_wait3A_523 : memref<8x100xi32, #tpu.memory_space<vmem>>)
          %dma_wait3A_528 = arith.constant 0 : i32
          %dma_wait3A_529 = arith.constant 0 : i32
          %dma_wait3A_530 = arith.constant 0 : i32
          %dma_wait3A_531 = tpu.memref_slice %arg12[%dma_wait3A_528, %dma_wait3A_529, %dma_wait3A_530] : memref<2x8x100xi32, #tpu.memory_space<vmem>> -> memref<1x8x100xi32, #tpu.memory_space<vmem>>
          %dma_wait3A_532 = tpu.memref_squeeze %dma_wait3A_531 : memref<1x8x100xi32, #tpu.memory_space<vmem>> -> memref<8x100xi32, #tpu.memory_space<vmem>>
          %dma_wait3A_533 = arith.constant 0 : i32
          %dma_wait3A_534 = arith.constant 0 : i32
          %dma_wait3A_535 = tpu.memref_slice %arg3[%arg1, %dma_wait3A_533, %dma_wait3A_534] : memref<16x200x100xi32, #tpu.memory_space<hbm>> -> memref<1x8x100xi32, #tpu.memory_space<hbm>>
          %dma_wait3A_536 = tpu.memref_squeeze %dma_wait3A_535 : memref<1x8x100xi32, #tpu.memory_space<hbm>> -> memref<8x100xi32, #tpu.memory_space<hbm>>
          %dma_wait3A_537 = arith.constant 0 : i32
          %dma_wait3A_538 = arith.constant 0 : i32
          %dma_wait3A_539 = tpu.memref_slice %arg12[%dma_wait3A_528, %dma_wait3A_537, %dma_wait3A_538] : memref<2x8x100xi32, #tpu.memory_space<vmem>> -> memref<1x8x100xi32, #tpu.memory_space<vmem>>
          %dma_wait3A_540 = tpu.memref_squeeze %dma_wait3A_539 : memref<1x8x100xi32, #tpu.memory_space<vmem>> -> memref<8x100xi32, #tpu.memory_space<vmem>>
          %dma_wait3A_541 = arith.constant 0 : i32
          %dma_wait3A_542 = arith.constant 0 : i32
          %dma_wait3A_543 = tpu.memref_slice %arg3[%arg1, %dma_wait3A_541, %dma_wait3A_542] : memref<16x200x100xi32, #tpu.memory_space<hbm>> -> memref<1x8x100xi32, #tpu.memory_space<hbm>>
          %dma_wait3A_544 = tpu.memref_squeeze %dma_wait3A_543 : memref<1x8x100xi32, #tpu.memory_space<hbm>> -> memref<8x100xi32, #tpu.memory_space<hbm>>
          tpu.wait_dma2 semaphore(%arg21 : memref<!tpu.dma_semaphore, #tpu.memory_space<semaphore_mem>>) src(%dma_wait3A_544 : memref<8x100xi32, #tpu.memory_space<hbm>>) dst(%dma_wait3A_540 : memref<8x100xi32, #tpu.memory_space<vmem>>)
        } else {
        }
        %dma_wait3A_490 = arith.constant 0 : i32
        %dma_wait3A_491 = tpu.memref_slice %arg11[%rem3A_453, %rem3A_451, %dma_wait3A_490] : memref<2x8x100xi32, #tpu.memory_space<vmem>> -> memref<1x1x100xi32, #tpu.memory_space<vmem>>
        %dma_wait3A_492 = tpu.memref_squeeze %dma_wait3A_491 : memref<1x1x100xi32, #tpu.memory_space<vmem>> -> memref<100xi32, #tpu.memory_space<vmem>>
        %dma_wait3A_493 = arith.constant 0 : i32
        %dma_wait3A_494 = arith.constant 0 : i32
        %dma_wait3A_495 = tpu.memref_slice %arg5[%dma_wait3A_493, %dma_wait3A_494] : memref<10240x128xf32, #tpu.memory_space<hbm>> -> memref<10240x128xf32, #tpu.memory_space<hbm>>
        tpu.wait_indirect_dma semaphore(%arg22 : memref<!tpu.dma_semaphore, #tpu.memory_space<semaphore_mem>>) src(%dma_wait3A_495 : memref<10240x128xf32, #tpu.memory_space<hbm>>) dst(%arg15 : memref<100x128xf32, #tpu.memory_space<vmem>>)
        %dma_start3A_496 = arith.constant 0 : i32
        %dma_start3A_497 = tpu.memref_slice %arg12[%rem3A_453, %rem3A_451, %dma_start3A_496] : memref<2x8x100xi32, #tpu.memory_space<vmem>> -> memref<1x1x100xi32, #tpu.memory_space<vmem>>
        %dma_start3A_498 = tpu.memref_squeeze %dma_start3A_497 : memref<1x1x100xi32, #tpu.memory_space<vmem>> -> memref<100xi32, #tpu.memory_space<vmem>>
        %dma_start3A_499 = arith.constant 0 : i32
        %dma_start3A_500 = arith.constant 0 : i32
        %dma_start3A_501 = tpu.memref_slice %arg18[%dma_start3A_499, %dma_start3A_500] : memref<10240x128xf32, #tpu.memory_space<vmem_shared>> -> memref<10240x128xf32, #tpu.memory_space<vmem_shared>>
        tpu.enqueue_indirect_dma source(%arg15 : memref<100x128xf32, #tpu.memory_space<vmem>>) target(%dma_start3A_501 : memref<10240x128xf32, #tpu.memory_space<vmem_shared>>) offsets(%dma_start3A_498 : memref<100xi32, #tpu.memory_space<vmem>>) semaphore(%arg23 : memref<!tpu.dma_semaphore, #tpu.memory_space<semaphore_mem>>) {add = true}
        %lt3A_502 = arith.constant 198 : i32
        %lt3A_503 = arith.cmpi slt, %add3A_447, %lt3A_502 : i32
        %convert_element_type3A_504 = arith.extui %lt3A_503 : i1 to i32
        %cond3A_505 = arith.constant 0 : i32
        %cond3A_506 = arith.cmpi ne, %convert_element_type3A_504, %cond3A_505 : i32
        scf.if %cond3A_506 {
          %add3A_511 = arith.constant 2 : i32
          %add3A_512 = arith.addi %add3A_447, %add3A_511 : i32
          %div3A_513 = arith.constant 8 : i32
          %div3A_514 = arith.divsi %add3A_512, %div3A_513 : i32
          %rem3A_515 = arith.constant 2 : i32
          %rem3A_516 = arith.remsi %div3A_514, %rem3A_515 : i32
          %add3A_517 = arith.constant 2 : i32
          %add3A_518 = arith.addi %add3A_447, %add3A_517 : i32
          %rem3A_519 = arith.constant 8 : i32
          %rem3A_520 = arith.remsi %add3A_518, %rem3A_519 : i32
          %dma_start3A_521 = arith.constant 0 : i32
          %dma_start3A_522 = tpu.memref_slice %arg11[%rem3A_516, %rem3A_520, %dma_start3A_521] : memref<2x8x100xi32, #tpu.memory_space<vmem>> -> memref<1x1x100xi32, #tpu.memory_space<vmem>>
          %dma_start3A_523 = tpu.memref_squeeze %dma_start3A_522 : memref<1x1x100xi32, #tpu.memory_space<vmem>> -> memref<100xi32, #tpu.memory_space<vmem>>
          %dma_start3A_524 = arith.constant 0 : i32
          %dma_start3A_525 = arith.constant 0 : i32
          %dma_start3A_526 = tpu.memref_slice %arg5[%dma_start3A_524, %dma_start3A_525] : memref<10240x128xf32, #tpu.memory_space<hbm>> -> memref<10240x128xf32, #tpu.memory_space<hbm>>
          tpu.enqueue_indirect_dma source(%dma_start3A_526 : memref<10240x128xf32, #tpu.memory_space<hbm>>) target(%arg14 : memref<100x128xf32, #tpu.memory_space<vmem>>) offsets(%dma_start3A_523 : memref<100xi32, #tpu.memory_space<vmem>>) semaphore(%arg22 : memref<!tpu.dma_semaphore, #tpu.memory_space<semaphore_mem>>)
        } else {
        }
        %convert_element_type3A_507 = arith.extui %and3A_456 : i1 to i32
        %cond3A_508 = arith.constant 0 : i32
        %cond3A_509 = arith.cmpi ne, %convert_element_type3A_507, %cond3A_508 : i32
        scf.if %cond3A_509 {
          %dma_wait3A_511 = arith.constant 0 : i32
          %dma_wait3A_512 = arith.constant 0 : i32
          %dma_wait3A_513 = arith.constant 0 : i32
          %dma_wait3A_514 = tpu.memref_slice %arg16[%dma_wait3A_513] : memref<128xf32, #tpu.memory_space<vmem>> -> memref<100xf32, #tpu.memory_space<vmem>>
          %dma_wait3A_515 = arith.constant 0 : i32
          %dma_wait3A_516 = tpu.memref_slice %arg12[%dma_wait3A_511, %dma_wait3A_512, %dma_wait3A_515] : memref<2x8x100xi32, #tpu.memory_space<vmem>> -> memref<1x1x100xi32, #tpu.memory_space<vmem>>
          %dma_wait3A_517 = tpu.memref_squeeze %dma_wait3A_516 : memref<1x1x100xi32, #tpu.memory_space<vmem>> -> memref<100xi32, #tpu.memory_space<vmem>>
          %dma_wait3A_518 = arith.constant 0 : i32
          %dma_wait3A_519 = tpu.memref_slice %arg20[%dma_wait3A_518] : memref<10240xf32, #tpu.memory_space<vmem_shared>> -> memref<10240xf32, #tpu.memory_space<vmem_shared>>
          tpu.wait_indirect_dma semaphore(%arg24 : memref<!tpu.dma_semaphore, #tpu.memory_space<semaphore_mem>>) src(%dma_wait3A_519 : memref<10240xf32, #tpu.memory_space<vmem_shared>>) dst(%dma_wait3A_514 : memref<100xf32, #tpu.memory_space<vmem>>)
          %dma_start3A_520 = arith.constant 0 : i32
          %dma_start3A_521 = tpu.memref_slice %arg16[%dma_start3A_520] : memref<128xf32, #tpu.memory_space<vmem>> -> memref<100xf32, #tpu.memory_space<vmem>>
          %dma_start3A_522 = arith.constant 0 : i32
          %dma_start3A_523 = tpu.memref_slice %arg11[%rem3A_453, %rem3A_451, %dma_start3A_522] : memref<2x8x100xi32, #tpu.memory_space<vmem>> -> memref<1x1x100xi32, #tpu.memory_space<vmem>>
          %dma_start3A_524 = tpu.memref_squeeze %dma_start3A_523 : memref<1x1x100xi32, #tpu.memory_space<vmem>> -> memref<100xi32, #tpu.memory_space<vmem>>
          %dma_start3A_525 = arith.constant 0 : i32
          %dma_start3A_526 = tpu.memref_slice %arg19[%dma_start3A_525] : memref<10240xf32, #tpu.memory_space<vmem_shared>> -> memref<10240xf32, #tpu.memory_space<vmem_shared>>
          tpu.enqueue_indirect_dma source(%dma_start3A_521 : memref<100xf32, #tpu.memory_space<vmem>>) target(%dma_start3A_526 : memref<10240xf32, #tpu.memory_space<vmem_shared>>) offsets(%dma_start3A_524 : memref<100xi32, #tpu.memory_space<vmem>>) semaphore(%arg25 : memref<!tpu.dma_semaphore, #tpu.memory_space<semaphore_mem>>) {add = true}
        } else {
        }
        %scan3A_510 = arith.constant 0 : i32
        scf.yield %scan3A_510 : i32
      }
      %scan3A_175 = arith.constant 66 : i32
      %div3A = arith.constant 198 : i32
      %div3A_176 = arith.constant 8 : i32
      %div3A_177 = arith.divsi %div3A, %div3A_176 : i32
      %rem3A = arith.constant 198 : i32
      %rem3A_178 = arith.constant 8 : i32
      %rem3A_179 = arith.remsi %rem3A, %rem3A_178 : i32
      %rem3A_180 = arith.constant 2 : i32
      %rem3A_181 = arith.remsi %div3A_177, %rem3A_180 : i32
      %le3A = arith.constant 198 : i32
      %le3A_182 = arith.cmpi sle, %mul3A_48, %le3A : i32
      %gt3A = arith.constant 198 : i32
      %gt3A_183 = arith.cmpi sgt, %add3A_52, %gt3A : i32
      %and3A = arith.andi %le3A_182, %gt3A_183 : i1
      %lt3A = arith.constant 198 : i32
      %lt3A_184 = arith.cmpi slt, %mul3A_48, %lt3A : i32
      %ge3A = arith.constant 198 : i32
      %ge3A_185 = arith.cmpi sge, %add3A_52, %ge3A : i32
      %and3A_186 = arith.andi %lt3A_184, %ge3A_185 : i1
      %convert_element_type3A_187 = arith.extui %and3A_186 : i1 to i32
      %cond3A_188 = arith.constant 0 : i32
      %cond3A_189 = arith.cmpi ne, %convert_element_type3A_187, %cond3A_188 : i32
      scf.if %cond3A_189 {
        %dma_wait3A_312 = arith.constant 0 : i32
        %dma_wait3A_313 = arith.constant 0 : i32
        %dma_wait3A_314 = arith.constant 0 : i32
        %dma_wait3A_315 = tpu.memref_slice %arg16[%dma_wait3A_314] : memref<128xf32, #tpu.memory_space<vmem>> -> memref<100xf32, #tpu.memory_space<vmem>>
        %dma_wait3A_316 = arith.constant 0 : i32
        %dma_wait3A_317 = tpu.memref_slice %arg11[%dma_wait3A_312, %dma_wait3A_313, %dma_wait3A_316] : memref<2x8x100xi32, #tpu.memory_space<vmem>> -> memref<1x1x100xi32, #tpu.memory_space<vmem>>
        %dma_wait3A_318 = tpu.memref_squeeze %dma_wait3A_317 : memref<1x1x100xi32, #tpu.memory_space<vmem>> -> memref<100xi32, #tpu.memory_space<vmem>>
        %dma_wait3A_319 = arith.constant 0 : i32
        %dma_wait3A_320 = tpu.memref_slice %arg19[%dma_wait3A_319] : memref<10240xf32, #tpu.memory_space<vmem_shared>> -> memref<10240xf32, #tpu.memory_space<vmem_shared>>
        tpu.wait_indirect_dma semaphore(%arg25 : memref<!tpu.dma_semaphore, #tpu.memory_space<semaphore_mem>>) src(%dma_wait3A_315 : memref<100xf32, #tpu.memory_space<vmem>>) dst(%dma_wait3A_320 : memref<10240xf32, #tpu.memory_space<vmem_shared>>)
      } else {
      }
      %convert_element_type3A_190 = arith.extui %and3A : i1 to i32
      %cond3A_191 = arith.constant 0 : i32
      %cond3A_192 = arith.cmpi ne, %convert_element_type3A_190, %cond3A_191 : i32
      scf.if %cond3A_192 {
        %dma_start3A_312 = arith.constant 0 : i32
        %dma_start3A_313 = tpu.memref_slice %arg16[%dma_start3A_312] : memref<128xf32, #tpu.memory_space<vmem>> -> memref<100xf32, #tpu.memory_space<vmem>>
        %dma_start3A_314 = arith.constant 0 : i32
        %dma_start3A_315 = tpu.memref_slice %arg12[%rem3A_181, %rem3A_179, %dma_start3A_314] : memref<2x8x100xi32, #tpu.memory_space<vmem>> -> memref<1x1x100xi32, #tpu.memory_space<vmem>>
        %dma_start3A_316 = tpu.memref_squeeze %dma_start3A_315 : memref<1x1x100xi32, #tpu.memory_space<vmem>> -> memref<100xi32, #tpu.memory_space<vmem>>
        %dma_start3A_317 = arith.constant 0 : i32
        %dma_start3A_318 = tpu.memref_slice %arg20[%dma_start3A_317] : memref<10240xf32, #tpu.memory_space<vmem_shared>> -> memref<10240xf32, #tpu.memory_space<vmem_shared>>
        tpu.enqueue_indirect_dma source(%dma_start3A_318 : memref<10240xf32, #tpu.memory_space<vmem_shared>>) target(%dma_start3A_313 : memref<100xf32, #tpu.memory_space<vmem>>) offsets(%dma_start3A_316 : memref<100xi32, #tpu.memory_space<vmem>>) semaphore(%arg24 : memref<!tpu.dma_semaphore, #tpu.memory_space<semaphore_mem>>)
      } else {
      }
      %dma_wait3A_193 = arith.constant 0 : i32
      %dma_wait3A_194 = arith.constant 0 : i32
      %dma_wait3A_195 = arith.constant 0 : i32
      %dma_wait3A_196 = tpu.memref_slice %arg12[%dma_wait3A_193, %dma_wait3A_194, %dma_wait3A_195] : memref<2x8x100xi32, #tpu.memory_space<vmem>> -> memref<1x1x100xi32, #tpu.memory_space<vmem>>
      %dma_wait3A_197 = tpu.memref_squeeze %dma_wait3A_196 : memref<1x1x100xi32, #tpu.memory_space<vmem>> -> memref<100xi32, #tpu.memory_space<vmem>>
      %dma_wait3A_198 = arith.constant 0 : i32
      %dma_wait3A_199 = arith.constant 0 : i32
      %dma_wait3A_200 = tpu.memref_slice %arg18[%dma_wait3A_198, %dma_wait3A_199] : memref<10240x128xf32, #tpu.memory_space<vmem_shared>> -> memref<10240x128xf32, #tpu.memory_space<vmem_shared>>
      tpu.wait_indirect_dma semaphore(%arg23 : memref<!tpu.dma_semaphore, #tpu.memory_space<semaphore_mem>>) src(%arg13 : memref<100x128xf32, #tpu.memory_space<vmem>>) dst(%dma_wait3A_200 : memref<10240x128xf32, #tpu.memory_space<vmem_shared>>)
      %eq3A_201 = arith.constant 0 : i32
      %eq3A_202 = arith.cmpi eq, %rem3A_179, %eq3A_201 : i32
      %lt3A_203 = arith.constant 24 : i32
      %lt3A_204 = arith.cmpi slt, %div3A_177, %lt3A_203 : i32
      %and3A_205 = arith.constant true
      %and3A_206 = arith.andi %and3A_205, %lt3A_204 : i1
      %and3A_207 = arith.andi %eq3A_202, %and3A_206 : i1
      %convert_element_type3A_208 = arith.extui %and3A_207 : i1 to i32
      %cond3A_209 = arith.constant 0 : i32
      %cond3A_210 = arith.cmpi ne, %convert_element_type3A_208, %cond3A_209 : i32
      scf.if %cond3A_210 {
        %add3A_312 = arith.constant 1 : i32
        %add3A_313 = arith.addi %div3A_177, %add3A_312 : i32
        %mul3A_314 = arith.constant 8 : i32
        %mul3A_315 = arith.muli %add3A_313, %mul3A_314 : i32
        %sub3A = arith.constant 1 : i32
        %sub3A_316 = arith.subi %sub3A, %rem3A_181 : i32
        %dma_start3A_317 = arith.constant 0 : i32
        %dma_start3A_318 = arith.constant 0 : i32
        %dma_start3A_319 = tpu.memref_slice %arg11[%sub3A_316, %dma_start3A_317, %dma_start3A_318] : memref<2x8x100xi32, #tpu.memory_space<vmem>> -> memref<1x8x100xi32, #tpu.memory_space<vmem>>
        %dma_start3A_320 = tpu.memref_squeeze %dma_start3A_319 : memref<1x8x100xi32, #tpu.memory_space<vmem>> -> memref<8x100xi32, #tpu.memory_space<vmem>>
        %dma_start3A_321 = arith.constant 0 : i32
        %dma_start3A_322 = tpu.memref_slice %arg2[%arg1, %mul3A_315, %dma_start3A_321] : memref<16x200x100xi32, #tpu.memory_space<hbm>> -> memref<1x8x100xi32, #tpu.memory_space<hbm>>
        %dma_start3A_323 = tpu.memref_squeeze %dma_start3A_322 : memref<1x8x100xi32, #tpu.memory_space<hbm>> -> memref<8x100xi32, #tpu.memory_space<hbm>>
        %dma_start3A_324 = arith.constant 0 : i32
        %dma_start3A_325 = arith.constant 0 : i32
        %dma_start3A_326 = tpu.memref_slice %arg11[%sub3A_316, %dma_start3A_324, %dma_start3A_325] : memref<2x8x100xi32, #tpu.memory_space<vmem>> -> memref<1x8x100xi32, #tpu.memory_space<vmem>>
        %dma_start3A_327 = tpu.memref_squeeze %dma_start3A_326 : memref<1x8x100xi32, #tpu.memory_space<vmem>> -> memref<8x100xi32, #tpu.memory_space<vmem>>
        %dma_start3A_328 = arith.constant 0 : i32
        %dma_start3A_329 = tpu.memref_slice %arg2[%arg1, %mul3A_315, %dma_start3A_328] : memref<16x200x100xi32, #tpu.memory_space<hbm>> -> memref<1x8x100xi32, #tpu.memory_space<hbm>>
        %dma_start3A_330 = tpu.memref_squeeze %dma_start3A_329 : memref<1x8x100xi32, #tpu.memory_space<hbm>> -> memref<8x100xi32, #tpu.memory_space<hbm>>
        tpu.enqueue_dma source(%dma_start3A_330 : memref<8x100xi32, #tpu.memory_space<hbm>>) target(%dma_start3A_327 : memref<8x100xi32, #tpu.memory_space<vmem>>) target_semaphore(%arg21 : memref<!tpu.dma_semaphore, #tpu.memory_space<semaphore_mem>>)
        %add3A_331 = arith.constant 1 : i32
        %add3A_332 = arith.addi %div3A_177, %add3A_331 : i32
        %mul3A_333 = arith.constant 8 : i32
        %mul3A_334 = arith.muli %add3A_332, %mul3A_333 : i32
        %sub3A_335 = arith.constant 1 : i32
        %sub3A_336 = arith.subi %sub3A_335, %rem3A_181 : i32
        %dma_start3A_337 = arith.constant 0 : i32
        %dma_start3A_338 = arith.constant 0 : i32
        %dma_start3A_339 = tpu.memref_slice %arg12[%sub3A_336, %dma_start3A_337, %dma_start3A_338] : memref<2x8x100xi32, #tpu.memory_space<vmem>> -> memref<1x8x100xi32, #tpu.memory_space<vmem>>
        %dma_start3A_340 = tpu.memref_squeeze %dma_start3A_339 : memref<1x8x100xi32, #tpu.memory_space<vmem>> -> memref<8x100xi32, #tpu.memory_space<vmem>>
        %dma_start3A_341 = arith.constant 0 : i32
        %dma_start3A_342 = tpu.memref_slice %arg3[%arg1, %mul3A_334, %dma_start3A_341] : memref<16x200x100xi32, #tpu.memory_space<hbm>> -> memref<1x8x100xi32, #tpu.memory_space<hbm>>
        %dma_start3A_343 = tpu.memref_squeeze %dma_start3A_342 : memref<1x8x100xi32, #tpu.memory_space<hbm>> -> memref<8x100xi32, #tpu.memory_space<hbm>>
        %dma_start3A_344 = arith.constant 0 : i32
        %dma_start3A_345 = arith.constant 0 : i32
        %dma_start3A_346 = tpu.memref_slice %arg12[%sub3A_336, %dma_start3A_344, %dma_start3A_345] : memref<2x8x100xi32, #tpu.memory_space<vmem>> -> memref<1x8x100xi32, #tpu.memory_space<vmem>>
        %dma_start3A_347 = tpu.memref_squeeze %dma_start3A_346 : memref<1x8x100xi32, #tpu.memory_space<vmem>> -> memref<8x100xi32, #tpu.memory_space<vmem>>
        %dma_start3A_348 = arith.constant 0 : i32
        %dma_start3A_349 = tpu.memref_slice %arg3[%arg1, %mul3A_334, %dma_start3A_348] : memref<16x200x100xi32, #tpu.memory_space<hbm>> -> memref<1x8x100xi32, #tpu.memory_space<hbm>>
        %dma_start3A_350 = tpu.memref_squeeze %dma_start3A_349 : memref<1x8x100xi32, #tpu.memory_space<hbm>> -> memref<8x100xi32, #tpu.memory_space<hbm>>
        tpu.enqueue_dma source(%dma_start3A_350 : memref<8x100xi32, #tpu.memory_space<hbm>>) target(%dma_start3A_347 : memref<8x100xi32, #tpu.memory_space<vmem>>) target_semaphore(%arg21 : memref<!tpu.dma_semaphore, #tpu.memory_space<semaphore_mem>>)
      } else {
      }
      %eq3A_211 = arith.constant 6 : i32
      %eq3A_212 = arith.cmpi eq, %rem3A_179, %eq3A_211 : i32
      %lt3A_213 = arith.constant 24 : i32
      %lt3A_214 = arith.cmpi slt, %div3A_177, %lt3A_213 : i32
      %and3A_215 = arith.andi %eq3A_212, %lt3A_214 : i1
      %convert_element_type3A_216 = arith.extui %and3A_215 : i1 to i32
      %cond3A_217 = arith.constant 0 : i32
      %cond3A_218 = arith.cmpi ne, %convert_element_type3A_216, %cond3A_217 : i32
      scf.if %cond3A_218 {
        %dma_wait3A_312 = arith.constant 0 : i32
        %dma_wait3A_313 = arith.constant 0 : i32
        %dma_wait3A_314 = arith.constant 0 : i32
        %dma_wait3A_315 = tpu.memref_slice %arg11[%dma_wait3A_312, %dma_wait3A_313, %dma_wait3A_314] : memref<2x8x100xi32, #tpu.memory_space<vmem>> -> memref<1x8x100xi32, #tpu.memory_space<vmem>>
        %dma_wait3A_316 = tpu.memref_squeeze %dma_wait3A_315 : memref<1x8x100xi32, #tpu.memory_space<vmem>> -> memref<8x100xi32, #tpu.memory_space<vmem>>
        %dma_wait3A_317 = arith.constant 0 : i32
        %dma_wait3A_318 = arith.constant 0 : i32
        %dma_wait3A_319 = tpu.memref_slice %arg2[%arg1, %dma_wait3A_317, %dma_wait3A_318] : memref<16x200x100xi32, #tpu.memory_space<hbm>> -> memref<1x8x100xi32, #tpu.memory_space<hbm>>
        %dma_wait3A_320 = tpu.memref_squeeze %dma_wait3A_319 : memref<1x8x100xi32, #tpu.memory_space<hbm>> -> memref<8x100xi32, #tpu.memory_space<hbm>>
        %dma_wait3A_321 = arith.constant 0 : i32
        %dma_wait3A_322 = arith.constant 0 : i32
        %dma_wait3A_323 = tpu.memref_slice %arg11[%dma_wait3A_312, %dma_wait3A_321, %dma_wait3A_322] : memref<2x8x100xi32, #tpu.memory_space<vmem>> -> memref<1x8x100xi32, #tpu.memory_space<vmem>>
        %dma_wait3A_324 = tpu.memref_squeeze %dma_wait3A_323 : memref<1x8x100xi32, #tpu.memory_space<vmem>> -> memref<8x100xi32, #tpu.memory_space<vmem>>
        %dma_wait3A_325 = arith.constant 0 : i32
        %dma_wait3A_326 = arith.constant 0 : i32
        %dma_wait3A_327 = tpu.memref_slice %arg2[%arg1, %dma_wait3A_325, %dma_wait3A_326] : memref<16x200x100xi32, #tpu.memory_space<hbm>> -> memref<1x8x100xi32, #tpu.memory_space<hbm>>
        %dma_wait3A_328 = tpu.memref_squeeze %dma_wait3A_327 : memref<1x8x100xi32, #tpu.memory_space<hbm>> -> memref<8x100xi32, #tpu.memory_space<hbm>>
        tpu.wait_dma2 semaphore(%arg21 : memref<!tpu.dma_semaphore, #tpu.memory_space<semaphore_mem>>) src(%dma_wait3A_328 : memref<8x100xi32, #tpu.memory_space<hbm>>) dst(%dma_wait3A_324 : memref<8x100xi32, #tpu.memory_space<vmem>>)
        %dma_wait3A_329 = arith.constant 0 : i32
        %dma_wait3A_330 = arith.constant 0 : i32
        %dma_wait3A_331 = arith.constant 0 : i32
        %dma_wait3A_332 = tpu.memref_slice %arg12[%dma_wait3A_329, %dma_wait3A_330, %dma_wait3A_331] : memref<2x8x100xi32, #tpu.memory_space<vmem>> -> memref<1x8x100xi32, #tpu.memory_space<vmem>>
        %dma_wait3A_333 = tpu.memref_squeeze %dma_wait3A_332 : memref<1x8x100xi32, #tpu.memory_space<vmem>> -> memref<8x100xi32, #tpu.memory_space<vmem>>
        %dma_wait3A_334 = arith.constant 0 : i32
        %dma_wait3A_335 = arith.constant 0 : i32
        %dma_wait3A_336 = tpu.memref_slice %arg3[%arg1, %dma_wait3A_334, %dma_wait3A_335] : memref<16x200x100xi32, #tpu.memory_space<hbm>> -> memref<1x8x100xi32, #tpu.memory_space<hbm>>
        %dma_wait3A_337 = tpu.memref_squeeze %dma_wait3A_336 : memref<1x8x100xi32, #tpu.memory_space<hbm>> -> memref<8x100xi32, #tpu.memory_space<hbm>>
        %dma_wait3A_338 = arith.constant 0 : i32
        %dma_wait3A_339 = arith.constant 0 : i32
        %dma_wait3A_340 = tpu.memref_slice %arg12[%dma_wait3A_329, %dma_wait3A_338, %dma_wait3A_339] : memref<2x8x100xi32, #tpu.memory_space<vmem>> -> memref<1x8x100xi32, #tpu.memory_space<vmem>>
        %dma_wait3A_341 = tpu.memref_squeeze %dma_wait3A_340 : memref<1x8x100xi32, #tpu.memory_space<vmem>> -> memref<8x100xi32, #tpu.memory_space<vmem>>
        %dma_wait3A_342 = arith.constant 0 : i32
        %dma_wait3A_343 = arith.constant 0 : i32
        %dma_wait3A_344 = tpu.memref_slice %arg3[%arg1, %dma_wait3A_342, %dma_wait3A_343] : memref<16x200x100xi32, #tpu.memory_space<hbm>> -> memref<1x8x100xi32, #tpu.memory_space<hbm>>
        %dma_wait3A_345 = tpu.memref_squeeze %dma_wait3A_344 : memref<1x8x100xi32, #tpu.memory_space<hbm>> -> memref<8x100xi32, #tpu.memory_space<hbm>>
        tpu.wait_dma2 semaphore(%arg21 : memref<!tpu.dma_semaphore, #tpu.memory_space<semaphore_mem>>) src(%dma_wait3A_345 : memref<8x100xi32, #tpu.memory_space<hbm>>) dst(%dma_wait3A_341 : memref<8x100xi32, #tpu.memory_space<vmem>>)
      } else {
      }
      %dma_wait3A_219 = arith.constant 0 : i32
      %dma_wait3A_220 = tpu.memref_slice %arg11[%rem3A_181, %rem3A_179, %dma_wait3A_219] : memref<2x8x100xi32, #tpu.memory_space<vmem>> -> memref<1x1x100xi32, #tpu.memory_space<vmem>>
      %dma_wait3A_221 = tpu.memref_squeeze %dma_wait3A_220 : memref<1x1x100xi32, #tpu.memory_space<vmem>> -> memref<100xi32, #tpu.memory_space<vmem>>
      %dma_wait3A_222 = arith.constant 0 : i32
      %dma_wait3A_223 = arith.constant 0 : i32
      %dma_wait3A_224 = tpu.memref_slice %arg5[%dma_wait3A_222, %dma_wait3A_223] : memref<10240x128xf32, #tpu.memory_space<hbm>> -> memref<10240x128xf32, #tpu.memory_space<hbm>>
      tpu.wait_indirect_dma semaphore(%arg22 : memref<!tpu.dma_semaphore, #tpu.memory_space<semaphore_mem>>) src(%dma_wait3A_224 : memref<10240x128xf32, #tpu.memory_space<hbm>>) dst(%arg13 : memref<100x128xf32, #tpu.memory_space<vmem>>)
      %dma_start3A_225 = arith.constant 0 : i32
      %dma_start3A_226 = tpu.memref_slice %arg12[%rem3A_181, %rem3A_179, %dma_start3A_225] : memref<2x8x100xi32, #tpu.memory_space<vmem>> -> memref<1x1x100xi32, #tpu.memory_space<vmem>>
      %dma_start3A_227 = tpu.memref_squeeze %dma_start3A_226 : memref<1x1x100xi32, #tpu.memory_space<vmem>> -> memref<100xi32, #tpu.memory_space<vmem>>
      %dma_start3A_228 = arith.constant 0 : i32
      %dma_start3A_229 = arith.constant 0 : i32
      %dma_start3A_230 = tpu.memref_slice %arg18[%dma_start3A_228, %dma_start3A_229] : memref<10240x128xf32, #tpu.memory_space<vmem_shared>> -> memref<10240x128xf32, #tpu.memory_space<vmem_shared>>
      tpu.enqueue_indirect_dma source(%arg13 : memref<100x128xf32, #tpu.memory_space<vmem>>) target(%dma_start3A_230 : memref<10240x128xf32, #tpu.memory_space<vmem_shared>>) offsets(%dma_start3A_227 : memref<100xi32, #tpu.memory_space<vmem>>) semaphore(%arg23 : memref<!tpu.dma_semaphore, #tpu.memory_space<semaphore_mem>>) {add = true}
      %convert_element_type3A_231 = arith.extui %and3A : i1 to i32
      %cond3A_232 = arith.constant 0 : i32
      %cond3A_233 = arith.cmpi ne, %convert_element_type3A_231, %cond3A_232 : i32
      scf.if %cond3A_233 {
        %dma_wait3A_312 = arith.constant 0 : i32
        %dma_wait3A_313 = arith.constant 0 : i32
        %dma_wait3A_314 = arith.constant 0 : i32
        %dma_wait3A_315 = tpu.memref_slice %arg16[%dma_wait3A_314] : memref<128xf32, #tpu.memory_space<vmem>> -> memref<100xf32, #tpu.memory_space<vmem>>
        %dma_wait3A_316 = arith.constant 0 : i32
        %dma_wait3A_317 = tpu.memref_slice %arg12[%dma_wait3A_312, %dma_wait3A_313, %dma_wait3A_316] : memref<2x8x100xi32, #tpu.memory_space<vmem>> -> memref<1x1x100xi32, #tpu.memory_space<vmem>>
        %dma_wait3A_318 = tpu.memref_squeeze %dma_wait3A_317 : memref<1x1x100xi32, #tpu.memory_space<vmem>> -> memref<100xi32, #tpu.memory_space<vmem>>
        %dma_wait3A_319 = arith.constant 0 : i32
        %dma_wait3A_320 = tpu.memref_slice %arg20[%dma_wait3A_319] : memref<10240xf32, #tpu.memory_space<vmem_shared>> -> memref<10240xf32, #tpu.memory_space<vmem_shared>>
        tpu.wait_indirect_dma semaphore(%arg24 : memref<!tpu.dma_semaphore, #tpu.memory_space<semaphore_mem>>) src(%dma_wait3A_320 : memref<10240xf32, #tpu.memory_space<vmem_shared>>) dst(%dma_wait3A_315 : memref<100xf32, #tpu.memory_space<vmem>>)
        %dma_start3A_321 = arith.constant 0 : i32
        %dma_start3A_322 = tpu.memref_slice %arg16[%dma_start3A_321] : memref<128xf32, #tpu.memory_space<vmem>> -> memref<100xf32, #tpu.memory_space<vmem>>
        %dma_start3A_323 = arith.constant 0 : i32
        %dma_start3A_324 = tpu.memref_slice %arg11[%rem3A_181, %rem3A_179, %dma_start3A_323] : memref<2x8x100xi32, #tpu.memory_space<vmem>> -> memref<1x1x100xi32, #tpu.memory_space<vmem>>
        %dma_start3A_325 = tpu.memref_squeeze %dma_start3A_324 : memref<1x1x100xi32, #tpu.memory_space<vmem>> -> memref<100xi32, #tpu.memory_space<vmem>>
        %dma_start3A_326 = arith.constant 0 : i32
        %dma_start3A_327 = tpu.memref_slice %arg19[%dma_start3A_326] : memref<10240xf32, #tpu.memory_space<vmem_shared>> -> memref<10240xf32, #tpu.memory_space<vmem_shared>>
        tpu.enqueue_indirect_dma source(%dma_start3A_322 : memref<100xf32, #tpu.memory_space<vmem>>) target(%dma_start3A_327 : memref<10240xf32, #tpu.memory_space<vmem_shared>>) offsets(%dma_start3A_325 : memref<100xi32, #tpu.memory_space<vmem>>) semaphore(%arg25 : memref<!tpu.dma_semaphore, #tpu.memory_space<semaphore_mem>>) {add = true}
      } else {
      }
      %div3A_234 = arith.constant 199 : i32
      %div3A_235 = arith.constant 8 : i32
      %div3A_236 = arith.divsi %div3A_234, %div3A_235 : i32
      %rem3A_237 = arith.constant 199 : i32
      %rem3A_238 = arith.constant 8 : i32
      %rem3A_239 = arith.remsi %rem3A_237, %rem3A_238 : i32
      %rem3A_240 = arith.constant 2 : i32
      %rem3A_241 = arith.remsi %div3A_236, %rem3A_240 : i32
      %le3A_242 = arith.constant 199 : i32
      %le3A_243 = arith.cmpi sle, %mul3A_48, %le3A_242 : i32
      %gt3A_244 = arith.constant 199 : i32
      %gt3A_245 = arith.cmpi sgt, %add3A_52, %gt3A_244 : i32
      %and3A_246 = arith.andi %le3A_243, %gt3A_245 : i1
      %lt3A_247 = arith.constant 199 : i32
      %lt3A_248 = arith.cmpi slt, %mul3A_48, %lt3A_247 : i32
      %ge3A_249 = arith.constant 199 : i32
      %ge3A_250 = arith.cmpi sge, %add3A_52, %ge3A_249 : i32
      %and3A_251 = arith.andi %lt3A_248, %ge3A_250 : i1
      %convert_element_type3A_252 = arith.extui %and3A_251 : i1 to i32
      %cond3A_253 = arith.constant 0 : i32
      %cond3A_254 = arith.cmpi ne, %convert_element_type3A_252, %cond3A_253 : i32
      scf.if %cond3A_254 {
        %dma_wait3A_312 = arith.constant 0 : i32
        %dma_wait3A_313 = arith.constant 0 : i32
        %dma_wait3A_314 = arith.constant 0 : i32
        %dma_wait3A_315 = tpu.memref_slice %arg16[%dma_wait3A_314] : memref<128xf32, #tpu.memory_space<vmem>> -> memref<100xf32, #tpu.memory_space<vmem>>
        %dma_wait3A_316 = arith.constant 0 : i32
        %dma_wait3A_317 = tpu.memref_slice %arg11[%dma_wait3A_312, %dma_wait3A_313, %dma_wait3A_316] : memref<2x8x100xi32, #tpu.memory_space<vmem>> -> memref<1x1x100xi32, #tpu.memory_space<vmem>>
        %dma_wait3A_318 = tpu.memref_squeeze %dma_wait3A_317 : memref<1x1x100xi32, #tpu.memory_space<vmem>> -> memref<100xi32, #tpu.memory_space<vmem>>
        %dma_wait3A_319 = arith.constant 0 : i32
        %dma_wait3A_320 = tpu.memref_slice %arg19[%dma_wait3A_319] : memref<10240xf32, #tpu.memory_space<vmem_shared>> -> memref<10240xf32, #tpu.memory_space<vmem_shared>>
        tpu.wait_indirect_dma semaphore(%arg25 : memref<!tpu.dma_semaphore, #tpu.memory_space<semaphore_mem>>) src(%dma_wait3A_315 : memref<100xf32, #tpu.memory_space<vmem>>) dst(%dma_wait3A_320 : memref<10240xf32, #tpu.memory_space<vmem_shared>>)
      } else {
      }
      %convert_element_type3A_255 = arith.extui %and3A_246 : i1 to i32
      %cond3A_256 = arith.constant 0 : i32
      %cond3A_257 = arith.cmpi ne, %convert_element_type3A_255, %cond3A_256 : i32
      scf.if %cond3A_257 {
        %dma_start3A_312 = arith.constant 0 : i32
        %dma_start3A_313 = tpu.memref_slice %arg16[%dma_start3A_312] : memref<128xf32, #tpu.memory_space<vmem>> -> memref<100xf32, #tpu.memory_space<vmem>>
        %dma_start3A_314 = arith.constant 0 : i32
        %dma_start3A_315 = tpu.memref_slice %arg12[%rem3A_241, %rem3A_239, %dma_start3A_314] : memref<2x8x100xi32, #tpu.memory_space<vmem>> -> memref<1x1x100xi32, #tpu.memory_space<vmem>>
        %dma_start3A_316 = tpu.memref_squeeze %dma_start3A_315 : memref<1x1x100xi32, #tpu.memory_space<vmem>> -> memref<100xi32, #tpu.memory_space<vmem>>
        %dma_start3A_317 = arith.constant 0 : i32
        %dma_start3A_318 = tpu.memref_slice %arg20[%dma_start3A_317] : memref<10240xf32, #tpu.memory_space<vmem_shared>> -> memref<10240xf32, #tpu.memory_space<vmem_shared>>
        tpu.enqueue_indirect_dma source(%dma_start3A_318 : memref<10240xf32, #tpu.memory_space<vmem_shared>>) target(%dma_start3A_313 : memref<100xf32, #tpu.memory_space<vmem>>) offsets(%dma_start3A_316 : memref<100xi32, #tpu.memory_space<vmem>>) semaphore(%arg24 : memref<!tpu.dma_semaphore, #tpu.memory_space<semaphore_mem>>)
      } else {
      }
      %dma_wait3A_258 = arith.constant 0 : i32
      %dma_wait3A_259 = arith.constant 0 : i32
      %dma_wait3A_260 = arith.constant 0 : i32
      %dma_wait3A_261 = tpu.memref_slice %arg12[%dma_wait3A_258, %dma_wait3A_259, %dma_wait3A_260] : memref<2x8x100xi32, #tpu.memory_space<vmem>> -> memref<1x1x100xi32, #tpu.memory_space<vmem>>
      %dma_wait3A_262 = tpu.memref_squeeze %dma_wait3A_261 : memref<1x1x100xi32, #tpu.memory_space<vmem>> -> memref<100xi32, #tpu.memory_space<vmem>>
      %dma_wait3A_263 = arith.constant 0 : i32
      %dma_wait3A_264 = arith.constant 0 : i32
      %dma_wait3A_265 = tpu.memref_slice %arg18[%dma_wait3A_263, %dma_wait3A_264] : memref<10240x128xf32, #tpu.memory_space<vmem_shared>> -> memref<10240x128xf32, #tpu.memory_space<vmem_shared>>
      tpu.wait_indirect_dma semaphore(%arg23 : memref<!tpu.dma_semaphore, #tpu.memory_space<semaphore_mem>>) src(%arg13 : memref<100x128xf32, #tpu.memory_space<vmem>>) dst(%dma_wait3A_265 : memref<10240x128xf32, #tpu.memory_space<vmem_shared>>)
      %eq3A_266 = arith.constant 0 : i32
      %eq3A_267 = arith.cmpi eq, %rem3A_239, %eq3A_266 : i32
      %lt3A_268 = arith.constant 24 : i32
      %lt3A_269 = arith.cmpi slt, %div3A_236, %lt3A_268 : i32
      %and3A_270 = arith.constant true
      %and3A_271 = arith.andi %and3A_270, %lt3A_269 : i1
      %and3A_272 = arith.andi %eq3A_267, %and3A_271 : i1
      %convert_element_type3A_273 = arith.extui %and3A_272 : i1 to i32
      %cond3A_274 = arith.constant 0 : i32
      %cond3A_275 = arith.cmpi ne, %convert_element_type3A_273, %cond3A_274 : i32
      scf.if %cond3A_275 {
        %add3A_312 = arith.constant 1 : i32
        %add3A_313 = arith.addi %div3A_236, %add3A_312 : i32
        %mul3A_314 = arith.constant 8 : i32
        %mul3A_315 = arith.muli %add3A_313, %mul3A_314 : i32
        %sub3A = arith.constant 1 : i32
        %sub3A_316 = arith.subi %sub3A, %rem3A_241 : i32
        %dma_start3A_317 = arith.constant 0 : i32
        %dma_start3A_318 = arith.constant 0 : i32
        %dma_start3A_319 = tpu.memref_slice %arg11[%sub3A_316, %dma_start3A_317, %dma_start3A_318] : memref<2x8x100xi32, #tpu.memory_space<vmem>> -> memref<1x8x100xi32, #tpu.memory_space<vmem>>
        %dma_start3A_320 = tpu.memref_squeeze %dma_start3A_319 : memref<1x8x100xi32, #tpu.memory_space<vmem>> -> memref<8x100xi32, #tpu.memory_space<vmem>>
        %dma_start3A_321 = arith.constant 0 : i32
        %dma_start3A_322 = tpu.memref_slice %arg2[%arg1, %mul3A_315, %dma_start3A_321] : memref<16x200x100xi32, #tpu.memory_space<hbm>> -> memref<1x8x100xi32, #tpu.memory_space<hbm>>
        %dma_start3A_323 = tpu.memref_squeeze %dma_start3A_322 : memref<1x8x100xi32, #tpu.memory_space<hbm>> -> memref<8x100xi32, #tpu.memory_space<hbm>>
        %dma_start3A_324 = arith.constant 0 : i32
        %dma_start3A_325 = arith.constant 0 : i32
        %dma_start3A_326 = tpu.memref_slice %arg11[%sub3A_316, %dma_start3A_324, %dma_start3A_325] : memref<2x8x100xi32, #tpu.memory_space<vmem>> -> memref<1x8x100xi32, #tpu.memory_space<vmem>>
        %dma_start3A_327 = tpu.memref_squeeze %dma_start3A_326 : memref<1x8x100xi32, #tpu.memory_space<vmem>> -> memref<8x100xi32, #tpu.memory_space<vmem>>
        %dma_start3A_328 = arith.constant 0 : i32
        %dma_start3A_329 = tpu.memref_slice %arg2[%arg1, %mul3A_315, %dma_start3A_328] : memref<16x200x100xi32, #tpu.memory_space<hbm>> -> memref<1x8x100xi32, #tpu.memory_space<hbm>>
        %dma_start3A_330 = tpu.memref_squeeze %dma_start3A_329 : memref<1x8x100xi32, #tpu.memory_space<hbm>> -> memref<8x100xi32, #tpu.memory_space<hbm>>
        tpu.enqueue_dma source(%dma_start3A_330 : memref<8x100xi32, #tpu.memory_space<hbm>>) target(%dma_start3A_327 : memref<8x100xi32, #tpu.memory_space<vmem>>) target_semaphore(%arg21 : memref<!tpu.dma_semaphore, #tpu.memory_space<semaphore_mem>>)
        %add3A_331 = arith.constant 1 : i32
        %add3A_332 = arith.addi %div3A_236, %add3A_331 : i32
        %mul3A_333 = arith.constant 8 : i32
        %mul3A_334 = arith.muli %add3A_332, %mul3A_333 : i32
        %sub3A_335 = arith.constant 1 : i32
        %sub3A_336 = arith.subi %sub3A_335, %rem3A_241 : i32
        %dma_start3A_337 = arith.constant 0 : i32
        %dma_start3A_338 = arith.constant 0 : i32
        %dma_start3A_339 = tpu.memref_slice %arg12[%sub3A_336, %dma_start3A_337, %dma_start3A_338] : memref<2x8x100xi32, #tpu.memory_space<vmem>> -> memref<1x8x100xi32, #tpu.memory_space<vmem>>
        %dma_start3A_340 = tpu.memref_squeeze %dma_start3A_339 : memref<1x8x100xi32, #tpu.memory_space<vmem>> -> memref<8x100xi32, #tpu.memory_space<vmem>>
        %dma_start3A_341 = arith.constant 0 : i32
        %dma_start3A_342 = tpu.memref_slice %arg3[%arg1, %mul3A_334, %dma_start3A_341] : memref<16x200x100xi32, #tpu.memory_space<hbm>> -> memref<1x8x100xi32, #tpu.memory_space<hbm>>
        %dma_start3A_343 = tpu.memref_squeeze %dma_start3A_342 : memref<1x8x100xi32, #tpu.memory_space<hbm>> -> memref<8x100xi32, #tpu.memory_space<hbm>>
        %dma_start3A_344 = arith.constant 0 : i32
        %dma_start3A_345 = arith.constant 0 : i32
        %dma_start3A_346 = tpu.memref_slice %arg12[%sub3A_336, %dma_start3A_344, %dma_start3A_345] : memref<2x8x100xi32, #tpu.memory_space<vmem>> -> memref<1x8x100xi32, #tpu.memory_space<vmem>>
        %dma_start3A_347 = tpu.memref_squeeze %dma_start3A_346 : memref<1x8x100xi32, #tpu.memory_space<vmem>> -> memref<8x100xi32, #tpu.memory_space<vmem>>
        %dma_start3A_348 = arith.constant 0 : i32
        %dma_start3A_349 = tpu.memref_slice %arg3[%arg1, %mul3A_334, %dma_start3A_348] : memref<16x200x100xi32, #tpu.memory_space<hbm>> -> memref<1x8x100xi32, #tpu.memory_space<hbm>>
        %dma_start3A_350 = tpu.memref_squeeze %dma_start3A_349 : memref<1x8x100xi32, #tpu.memory_space<hbm>> -> memref<8x100xi32, #tpu.memory_space<hbm>>
        tpu.enqueue_dma source(%dma_start3A_350 : memref<8x100xi32, #tpu.memory_space<hbm>>) target(%dma_start3A_347 : memref<8x100xi32, #tpu.memory_space<vmem>>) target_semaphore(%arg21 : memref<!tpu.dma_semaphore, #tpu.memory_space<semaphore_mem>>)
      } else {
      }
      %eq3A_276 = arith.constant 6 : i32
      %eq3A_277 = arith.cmpi eq, %rem3A_239, %eq3A_276 : i32
      %lt3A_278 = arith.constant 24 : i32
      %lt3A_279 = arith.cmpi slt, %div3A_236, %lt3A_278 : i32
      %and3A_280 = arith.andi %eq3A_277, %lt3A_279 : i1
      %convert_element_type3A_281 = arith.extui %and3A_280 : i1 to i32
      %cond3A_282 = arith.constant 0 : i32
      %cond3A_283 = arith.cmpi ne, %convert_element_type3A_281, %cond3A_282 : i32
      scf.if %cond3A_283 {
        %dma_wait3A_312 = arith.constant 0 : i32
        %dma_wait3A_313 = arith.constant 0 : i32
        %dma_wait3A_314 = arith.constant 0 : i32
        %dma_wait3A_315 = tpu.memref_slice %arg11[%dma_wait3A_312, %dma_wait3A_313, %dma_wait3A_314] : memref<2x8x100xi32, #tpu.memory_space<vmem>> -> memref<1x8x100xi32, #tpu.memory_space<vmem>>
        %dma_wait3A_316 = tpu.memref_squeeze %dma_wait3A_315 : memref<1x8x100xi32, #tpu.memory_space<vmem>> -> memref<8x100xi32, #tpu.memory_space<vmem>>
        %dma_wait3A_317 = arith.constant 0 : i32
        %dma_wait3A_318 = arith.constant 0 : i32
        %dma_wait3A_319 = tpu.memref_slice %arg2[%arg1, %dma_wait3A_317, %dma_wait3A_318] : memref<16x200x100xi32, #tpu.memory_space<hbm>> -> memref<1x8x100xi32, #tpu.memory_space<hbm>>
        %dma_wait3A_320 = tpu.memref_squeeze %dma_wait3A_319 : memref<1x8x100xi32, #tpu.memory_space<hbm>> -> memref<8x100xi32, #tpu.memory_space<hbm>>
        %dma_wait3A_321 = arith.constant 0 : i32
        %dma_wait3A_322 = arith.constant 0 : i32
        %dma_wait3A_323 = tpu.memref_slice %arg11[%dma_wait3A_312, %dma_wait3A_321, %dma_wait3A_322] : memref<2x8x100xi32, #tpu.memory_space<vmem>> -> memref<1x8x100xi32, #tpu.memory_space<vmem>>
        %dma_wait3A_324 = tpu.memref_squeeze %dma_wait3A_323 : memref<1x8x100xi32, #tpu.memory_space<vmem>> -> memref<8x100xi32, #tpu.memory_space<vmem>>
        %dma_wait3A_325 = arith.constant 0 : i32
        %dma_wait3A_326 = arith.constant 0 : i32
        %dma_wait3A_327 = tpu.memref_slice %arg2[%arg1, %dma_wait3A_325, %dma_wait3A_326] : memref<16x200x100xi32, #tpu.memory_space<hbm>> -> memref<1x8x100xi32, #tpu.memory_space<hbm>>
        %dma_wait3A_328 = tpu.memref_squeeze %dma_wait3A_327 : memref<1x8x100xi32, #tpu.memory_space<hbm>> -> memref<8x100xi32, #tpu.memory_space<hbm>>
        tpu.wait_dma2 semaphore(%arg21 : memref<!tpu.dma_semaphore, #tpu.memory_space<semaphore_mem>>) src(%dma_wait3A_328 : memref<8x100xi32, #tpu.memory_space<hbm>>) dst(%dma_wait3A_324 : memref<8x100xi32, #tpu.memory_space<vmem>>)
        %dma_wait3A_329 = arith.constant 0 : i32
        %dma_wait3A_330 = arith.constant 0 : i32
        %dma_wait3A_331 = arith.constant 0 : i32
        %dma_wait3A_332 = tpu.memref_slice %arg12[%dma_wait3A_329, %dma_wait3A_330, %dma_wait3A_331] : memref<2x8x100xi32, #tpu.memory_space<vmem>> -> memref<1x8x100xi32, #tpu.memory_space<vmem>>
        %dma_wait3A_333 = tpu.memref_squeeze %dma_wait3A_332 : memref<1x8x100xi32, #tpu.memory_space<vmem>> -> memref<8x100xi32, #tpu.memory_space<vmem>>
        %dma_wait3A_334 = arith.constant 0 : i32
        %dma_wait3A_335 = arith.constant 0 : i32
        %dma_wait3A_336 = tpu.memref_slice %arg3[%arg1, %dma_wait3A_334, %dma_wait3A_335] : memref<16x200x100xi32, #tpu.memory_space<hbm>> -> memref<1x8x100xi32, #tpu.memory_space<hbm>>
        %dma_wait3A_337 = tpu.memref_squeeze %dma_wait3A_336 : memref<1x8x100xi32, #tpu.memory_space<hbm>> -> memref<8x100xi32, #tpu.memory_space<hbm>>
        %dma_wait3A_338 = arith.constant 0 : i32
        %dma_wait3A_339 = arith.constant 0 : i32
        %dma_wait3A_340 = tpu.memref_slice %arg12[%dma_wait3A_329, %dma_wait3A_338, %dma_wait3A_339] : memref<2x8x100xi32, #tpu.memory_space<vmem>> -> memref<1x8x100xi32, #tpu.memory_space<vmem>>
        %dma_wait3A_341 = tpu.memref_squeeze %dma_wait3A_340 : memref<1x8x100xi32, #tpu.memory_space<vmem>> -> memref<8x100xi32, #tpu.memory_space<vmem>>
        %dma_wait3A_342 = arith.constant 0 : i32
        %dma_wait3A_343 = arith.constant 0 : i32
        %dma_wait3A_344 = tpu.memref_slice %arg3[%arg1, %dma_wait3A_342, %dma_wait3A_343] : memref<16x200x100xi32, #tpu.memory_space<hbm>> -> memref<1x8x100xi32, #tpu.memory_space<hbm>>
        %dma_wait3A_345 = tpu.memref_squeeze %dma_wait3A_344 : memref<1x8x100xi32, #tpu.memory_space<hbm>> -> memref<8x100xi32, #tpu.memory_space<hbm>>
        tpu.wait_dma2 semaphore(%arg21 : memref<!tpu.dma_semaphore, #tpu.memory_space<semaphore_mem>>) src(%dma_wait3A_345 : memref<8x100xi32, #tpu.memory_space<hbm>>) dst(%dma_wait3A_341 : memref<8x100xi32, #tpu.memory_space<vmem>>)
      } else {
      }
      %dma_wait3A_284 = arith.constant 0 : i32
      %dma_wait3A_285 = tpu.memref_slice %arg11[%rem3A_241, %rem3A_239, %dma_wait3A_284] : memref<2x8x100xi32, #tpu.memory_space<vmem>> -> memref<1x1x100xi32, #tpu.memory_space<vmem>>
      %dma_wait3A_286 = tpu.memref_squeeze %dma_wait3A_285 : memref<1x1x100xi32, #tpu.memory_space<vmem>> -> memref<100xi32, #tpu.memory_space<vmem>>
      %dma_wait3A_287 = arith.constant 0 : i32
      %dma_wait3A_288 = arith.constant 0 : i32
      %dma_wait3A_289 = tpu.memref_slice %arg5[%dma_wait3A_287, %dma_wait3A_288] : memref<10240x128xf32, #tpu.memory_space<hbm>> -> memref<10240x128xf32, #tpu.memory_space<hbm>>
      tpu.wait_indirect_dma semaphore(%arg22 : memref<!tpu.dma_semaphore, #tpu.memory_space<semaphore_mem>>) src(%dma_wait3A_289 : memref<10240x128xf32, #tpu.memory_space<hbm>>) dst(%arg14 : memref<100x128xf32, #tpu.memory_space<vmem>>)
      %dma_start3A_290 = arith.constant 0 : i32
      %dma_start3A_291 = tpu.memref_slice %arg12[%rem3A_241, %rem3A_239, %dma_start3A_290] : memref<2x8x100xi32, #tpu.memory_space<vmem>> -> memref<1x1x100xi32, #tpu.memory_space<vmem>>
      %dma_start3A_292 = tpu.memref_squeeze %dma_start3A_291 : memref<1x1x100xi32, #tpu.memory_space<vmem>> -> memref<100xi32, #tpu.memory_space<vmem>>
      %dma_start3A_293 = arith.constant 0 : i32
      %dma_start3A_294 = arith.constant 0 : i32
      %dma_start3A_295 = tpu.memref_slice %arg18[%dma_start3A_293, %dma_start3A_294] : memref<10240x128xf32, #tpu.memory_space<vmem_shared>> -> memref<10240x128xf32, #tpu.memory_space<vmem_shared>>
      tpu.enqueue_indirect_dma source(%arg14 : memref<100x128xf32, #tpu.memory_space<vmem>>) target(%dma_start3A_295 : memref<10240x128xf32, #tpu.memory_space<vmem_shared>>) offsets(%dma_start3A_292 : memref<100xi32, #tpu.memory_space<vmem>>) semaphore(%arg23 : memref<!tpu.dma_semaphore, #tpu.memory_space<semaphore_mem>>) {add = true}
      %convert_element_type3A_296 = arith.extui %and3A_246 : i1 to i32
      %cond3A_297 = arith.constant 0 : i32
      %cond3A_298 = arith.cmpi ne, %convert_element_type3A_296, %cond3A_297 : i32
      scf.if %cond3A_298 {
        %dma_wait3A_312 = arith.constant 0 : i32
        %dma_wait3A_313 = arith.constant 0 : i32
        %dma_wait3A_314 = arith.constant 0 : i32
        %dma_wait3A_315 = tpu.memref_slice %arg16[%dma_wait3A_314] : memref<128xf32, #tpu.memory_space<vmem>> -> memref<100xf32, #tpu.memory_space<vmem>>
        %dma_wait3A_316 = arith.constant 0 : i32
        %dma_wait3A_317 = tpu.memref_slice %arg12[%dma_wait3A_312, %dma_wait3A_313, %dma_wait3A_316] : memref<2x8x100xi32, #tpu.memory_space<vmem>> -> memref<1x1x100xi32, #tpu.memory_space<vmem>>
        %dma_wait3A_318 = tpu.memref_squeeze %dma_wait3A_317 : memref<1x1x100xi32, #tpu.memory_space<vmem>> -> memref<100xi32, #tpu.memory_space<vmem>>
        %dma_wait3A_319 = arith.constant 0 : i32
        %dma_wait3A_320 = tpu.memref_slice %arg20[%dma_wait3A_319] : memref<10240xf32, #tpu.memory_space<vmem_shared>> -> memref<10240xf32, #tpu.memory_space<vmem_shared>>
        tpu.wait_indirect_dma semaphore(%arg24 : memref<!tpu.dma_semaphore, #tpu.memory_space<semaphore_mem>>) src(%dma_wait3A_320 : memref<10240xf32, #tpu.memory_space<vmem_shared>>) dst(%dma_wait3A_315 : memref<100xf32, #tpu.memory_space<vmem>>)
        %dma_start3A_321 = arith.constant 0 : i32
        %dma_start3A_322 = tpu.memref_slice %arg16[%dma_start3A_321] : memref<128xf32, #tpu.memory_space<vmem>> -> memref<100xf32, #tpu.memory_space<vmem>>
        %dma_start3A_323 = arith.constant 0 : i32
        %dma_start3A_324 = tpu.memref_slice %arg11[%rem3A_241, %rem3A_239, %dma_start3A_323] : memref<2x8x100xi32, #tpu.memory_space<vmem>> -> memref<1x1x100xi32, #tpu.memory_space<vmem>>
        %dma_start3A_325 = tpu.memref_squeeze %dma_start3A_324 : memref<1x1x100xi32, #tpu.memory_space<vmem>> -> memref<100xi32, #tpu.memory_space<vmem>>
        %dma_start3A_326 = arith.constant 0 : i32
        %dma_start3A_327 = tpu.memref_slice %arg19[%dma_start3A_326] : memref<10240xf32, #tpu.memory_space<vmem_shared>> -> memref<10240xf32, #tpu.memory_space<vmem_shared>>
        tpu.enqueue_indirect_dma source(%dma_start3A_322 : memref<100xf32, #tpu.memory_space<vmem>>) target(%dma_start3A_327 : memref<10240xf32, #tpu.memory_space<vmem_shared>>) offsets(%dma_start3A_325 : memref<100xi32, #tpu.memory_space<vmem>>) semaphore(%arg25 : memref<!tpu.dma_semaphore, #tpu.memory_space<semaphore_mem>>) {add = true}
      } else {
      }
      %dma_wait3A_299 = arith.constant 0 : i32
      %dma_wait3A_300 = arith.constant 0 : i32
      %dma_wait3A_301 = arith.constant 0 : i32
      %dma_wait3A_302 = tpu.memref_slice %arg12[%dma_wait3A_299, %dma_wait3A_300, %dma_wait3A_301] : memref<2x8x100xi32, #tpu.memory_space<vmem>> -> memref<1x1x100xi32, #tpu.memory_space<vmem>>
      %dma_wait3A_303 = tpu.memref_squeeze %dma_wait3A_302 : memref<1x1x100xi32, #tpu.memory_space<vmem>> -> memref<100xi32, #tpu.memory_space<vmem>>
      %dma_wait3A_304 = arith.constant 0 : i32
      %dma_wait3A_305 = arith.constant 0 : i32
      %dma_wait3A_306 = tpu.memref_slice %arg18[%dma_wait3A_304, %dma_wait3A_305] : memref<10240x128xf32, #tpu.memory_space<vmem_shared>> -> memref<10240x128xf32, #tpu.memory_space<vmem_shared>>
      tpu.wait_indirect_dma semaphore(%arg23 : memref<!tpu.dma_semaphore, #tpu.memory_space<semaphore_mem>>) src(%arg13 : memref<100x128xf32, #tpu.memory_space<vmem>>) dst(%dma_wait3A_306 : memref<10240x128xf32, #tpu.memory_space<vmem_shared>>)
      %eq3A_307 = arith.constant 200 : i32
      %eq3A_308 = arith.cmpi eq, %add3A_52, %eq3A_307 : i32
      %convert_element_type3A_309 = arith.extui %eq3A_308 : i1 to i32
      %cond3A_310 = arith.constant 0 : i32
      %cond3A_311 = arith.cmpi ne, %convert_element_type3A_309, %cond3A_310 : i32
      scf.if %cond3A_311 {
        %dma_wait3A_312 = arith.constant 0 : i32
        %dma_wait3A_313 = arith.constant 0 : i32
        %dma_wait3A_314 = arith.constant 0 : i32
        %dma_wait3A_315 = tpu.memref_slice %arg16[%dma_wait3A_314] : memref<128xf32, #tpu.memory_space<vmem>> -> memref<100xf32, #tpu.memory_space<vmem>>
        %dma_wait3A_316 = arith.constant 0 : i32
        %dma_wait3A_317 = tpu.memref_slice %arg11[%dma_wait3A_312, %dma_wait3A_313, %dma_wait3A_316] : memref<2x8x100xi32, #tpu.memory_space<vmem>> -> memref<1x1x100xi32, #tpu.memory_space<vmem>>
        %dma_wait3A_318 = tpu.memref_squeeze %dma_wait3A_317 : memref<1x1x100xi32, #tpu.memory_space<vmem>> -> memref<100xi32, #tpu.memory_space<vmem>>
        %dma_wait3A_319 = arith.constant 0 : i32
        %dma_wait3A_320 = tpu.memref_slice %arg19[%dma_wait3A_319] : memref<10240xf32, #tpu.memory_space<vmem_shared>> -> memref<10240xf32, #tpu.memory_space<vmem_shared>>
        tpu.wait_indirect_dma semaphore(%arg25 : memref<!tpu.dma_semaphore, #tpu.memory_space<semaphore_mem>>) src(%dma_wait3A_315 : memref<100xf32, #tpu.memory_space<vmem>>) dst(%dma_wait3A_320 : memref<10240xf32, #tpu.memory_space<vmem_shared>>)
      } else {
      }
    } else {
    }
    %eq3A_31 = arith.constant 1 : i32
    %eq3A_32 = arith.cmpi eq, %arg0, %eq3A_31 : i32
    %convert_element_type3A_33 = arith.extui %eq3A_32 : i1 to i32
    %cond3A_34 = arith.constant 0 : i32
    %cond3A_35 = arith.cmpi ne, %convert_element_type3A_33, %cond3A_34 : i32
    scf.if %cond3A_35 {
      %mul3A_47 = arith.constant 104 : i32
      %mul3A_48 = arith.muli %arg0, %mul3A_47 : i32
      %eq3A_49 = arith.constant 0 : i32
      %eq3A_50 = arith.cmpi eq, %arg0, %eq3A_49 : i32
      %jit3A = arith.constant 104 : i32
      %jit3A_51 = arith.constant 96 : i32
      %select_n3A = arith.select %eq3A_50, %jit3A, %jit3A_51 : i32
      %add3A_52 = arith.addi %mul3A_48, %select_n3A : i32
      %dma_start3A = arith.constant 0 : i32
      %dma_start3A_53 = arith.constant 0 : i32
      %dma_start3A_54 = arith.constant 0 : i32
      %dma_start3A_55 = tpu.memref_slice %arg11[%dma_start3A, %dma_start3A_53, %dma_start3A_54] : memref<2x8x100xi32, #tpu.memory_space<vmem>> -> memref<1x8x100xi32, #tpu.memory_space<vmem>>
      %dma_start3A_56 = tpu.memref_squeeze %dma_start3A_55 : memref<1x8x100xi32, #tpu.memory_space<vmem>> -> memref<8x100xi32, #tpu.memory_space<vmem>>
      %dma_start3A_57 = arith.constant 0 : i32
      %dma_start3A_58 = arith.constant 0 : i32
      %dma_start3A_59 = tpu.memref_slice %arg2[%arg1, %dma_start3A_57, %dma_start3A_58] : memref<16x200x100xi32, #tpu.memory_space<hbm>> -> memref<1x8x100xi32, #tpu.memory_space<hbm>>
      %dma_start3A_60 = tpu.memref_squeeze %dma_start3A_59 : memref<1x8x100xi32, #tpu.memory_space<hbm>> -> memref<8x100xi32, #tpu.memory_space<hbm>>
      %dma_start3A_61 = arith.constant 0 : i32
      %dma_start3A_62 = arith.constant 0 : i32
      %dma_start3A_63 = tpu.memref_slice %arg11[%dma_start3A, %dma_start3A_61, %dma_start3A_62] : memref<2x8x100xi32, #tpu.memory_space<vmem>> -> memref<1x8x100xi32, #tpu.memory_space<vmem>>
      %dma_start3A_64 = tpu.memref_squeeze %dma_start3A_63 : memref<1x8x100xi32, #tpu.memory_space<vmem>> -> memref<8x100xi32, #tpu.memory_space<vmem>>
      %dma_start3A_65 = arith.constant 0 : i32
      %dma_start3A_66 = arith.constant 0 : i32
      %dma_start3A_67 = tpu.memref_slice %arg2[%arg1, %dma_start3A_65, %dma_start3A_66] : memref<16x200x100xi32, #tpu.memory_space<hbm>> -> memref<1x8x100xi32, #tpu.memory_space<hbm>>
      %dma_start3A_68 = tpu.memref_squeeze %dma_start3A_67 : memref<1x8x100xi32, #tpu.memory_space<hbm>> -> memref<8x100xi32, #tpu.memory_space<hbm>>
      tpu.enqueue_dma source(%dma_start3A_68 : memref<8x100xi32, #tpu.memory_space<hbm>>) target(%dma_start3A_64 : memref<8x100xi32, #tpu.memory_space<vmem>>) target_semaphore(%arg21 : memref<!tpu.dma_semaphore, #tpu.memory_space<semaphore_mem>>)
      %dma_start3A_69 = arith.constant 0 : i32
      %dma_start3A_70 = arith.constant 0 : i32
      %dma_start3A_71 = arith.constant 0 : i32
      %dma_start3A_72 = tpu.memref_slice %arg12[%dma_start3A_69, %dma_start3A_70, %dma_start3A_71] : memref<2x8x100xi32, #tpu.memory_space<vmem>> -> memref<1x8x100xi32, #tpu.memory_space<vmem>>
      %dma_start3A_73 = tpu.memref_squeeze %dma_start3A_72 : memref<1x8x100xi32, #tpu.memory_space<vmem>> -> memref<8x100xi32, #tpu.memory_space<vmem>>
      %dma_start3A_74 = arith.constant 0 : i32
      %dma_start3A_75 = arith.constant 0 : i32
      %dma_start3A_76 = tpu.memref_slice %arg3[%arg1, %dma_start3A_74, %dma_start3A_75] : memref<16x200x100xi32, #tpu.memory_space<hbm>> -> memref<1x8x100xi32, #tpu.memory_space<hbm>>
      %dma_start3A_77 = tpu.memref_squeeze %dma_start3A_76 : memref<1x8x100xi32, #tpu.memory_space<hbm>> -> memref<8x100xi32, #tpu.memory_space<hbm>>
      %dma_start3A_78 = arith.constant 0 : i32
      %dma_start3A_79 = arith.constant 0 : i32
      %dma_start3A_80 = tpu.memref_slice %arg12[%dma_start3A_69, %dma_start3A_78, %dma_start3A_79] : memref<2x8x100xi32, #tpu.memory_space<vmem>> -> memref<1x8x100xi32, #tpu.memory_space<vmem>>
      %dma_start3A_81 = tpu.memref_squeeze %dma_start3A_80 : memref<1x8x100xi32, #tpu.memory_space<vmem>> -> memref<8x100xi32, #tpu.memory_space<vmem>>
      %dma_start3A_82 = arith.constant 0 : i32
      %dma_start3A_83 = arith.constant 0 : i32
      %dma_start3A_84 = tpu.memref_slice %arg3[%arg1, %dma_start3A_82, %dma_start3A_83] : memref<16x200x100xi32, #tpu.memory_space<hbm>> -> memref<1x8x100xi32, #tpu.memory_space<hbm>>
      %dma_start3A_85 = tpu.memref_squeeze %dma_start3A_84 : memref<1x8x100xi32, #tpu.memory_space<hbm>> -> memref<8x100xi32, #tpu.memory_space<hbm>>
      tpu.enqueue_dma source(%dma_start3A_85 : memref<8x100xi32, #tpu.memory_space<hbm>>) target(%dma_start3A_81 : memref<8x100xi32, #tpu.memory_space<vmem>>) target_semaphore(%arg21 : memref<!tpu.dma_semaphore, #tpu.memory_space<semaphore_mem>>)
      %dma_wait3A = arith.constant 0 : i32
      %dma_wait3A_86 = arith.constant 0 : i32
      %dma_wait3A_87 = arith.constant 0 : i32
      %dma_wait3A_88 = tpu.memref_slice %arg11[%dma_wait3A, %dma_wait3A_86, %dma_wait3A_87] : memref<2x8x100xi32, #tpu.memory_space<vmem>> -> memref<1x8x100xi32, #tpu.memory_space<vmem>>
      %dma_wait3A_89 = tpu.memref_squeeze %dma_wait3A_88 : memref<1x8x100xi32, #tpu.memory_space<vmem>> -> memref<8x100xi32, #tpu.memory_space<vmem>>
      %dma_wait3A_90 = arith.constant 0 : i32
      %dma_wait3A_91 = arith.constant 0 : i32
      %dma_wait3A_92 = tpu.memref_slice %arg2[%arg1, %dma_wait3A_90, %dma_wait3A_91] : memref<16x200x100xi32, #tpu.memory_space<hbm>> -> memref<1x8x100xi32, #tpu.memory_space<hbm>>
      %dma_wait3A_93 = tpu.memref_squeeze %dma_wait3A_92 : memref<1x8x100xi32, #tpu.memory_space<hbm>> -> memref<8x100xi32, #tpu.memory_space<hbm>>
      %dma_wait3A_94 = arith.constant 0 : i32
      %dma_wait3A_95 = arith.constant 0 : i32
      %dma_wait3A_96 = tpu.memref_slice %arg11[%dma_wait3A, %dma_wait3A_94, %dma_wait3A_95] : memref<2x8x100xi32, #tpu.memory_space<vmem>> -> memref<1x8x100xi32, #tpu.memory_space<vmem>>
      %dma_wait3A_97 = tpu.memref_squeeze %dma_wait3A_96 : memref<1x8x100xi32, #tpu.memory_space<vmem>> -> memref<8x100xi32, #tpu.memory_space<vmem>>
      %dma_wait3A_98 = arith.constant 0 : i32
      %dma_wait3A_99 = arith.constant 0 : i32
      %dma_wait3A_100 = tpu.memref_slice %arg2[%arg1, %dma_wait3A_98, %dma_wait3A_99] : memref<16x200x100xi32, #tpu.memory_space<hbm>> -> memref<1x8x100xi32, #tpu.memory_space<hbm>>
      %dma_wait3A_101 = tpu.memref_squeeze %dma_wait3A_100 : memref<1x8x100xi32, #tpu.memory_space<hbm>> -> memref<8x100xi32, #tpu.memory_space<hbm>>
      tpu.wait_dma2 semaphore(%arg21 : memref<!tpu.dma_semaphore, #tpu.memory_space<semaphore_mem>>) src(%dma_wait3A_101 : memref<8x100xi32, #tpu.memory_space<hbm>>) dst(%dma_wait3A_97 : memref<8x100xi32, #tpu.memory_space<vmem>>)
      %dma_wait3A_102 = arith.constant 0 : i32
      %dma_wait3A_103 = arith.constant 0 : i32
      %dma_wait3A_104 = arith.constant 0 : i32
      %dma_wait3A_105 = tpu.memref_slice %arg12[%dma_wait3A_102, %dma_wait3A_103, %dma_wait3A_104] : memref<2x8x100xi32, #tpu.memory_space<vmem>> -> memref<1x8x100xi32, #tpu.memory_space<vmem>>
      %dma_wait3A_106 = tpu.memref_squeeze %dma_wait3A_105 : memref<1x8x100xi32, #tpu.memory_space<vmem>> -> memref<8x100xi32, #tpu.memory_space<vmem>>
      %dma_wait3A_107 = arith.constant 0 : i32
      %dma_wait3A_108 = arith.constant 0 : i32
      %dma_wait3A_109 = tpu.memref_slice %arg3[%arg1, %dma_wait3A_107, %dma_wait3A_108] : memref<16x200x100xi32, #tpu.memory_space<hbm>> -> memref<1x8x100xi32, #tpu.memory_space<hbm>>
      %dma_wait3A_110 = tpu.memref_squeeze %dma_wait3A_109 : memref<1x8x100xi32, #tpu.memory_space<hbm>> -> memref<8x100xi32, #tpu.memory_space<hbm>>
      %dma_wait3A_111 = arith.constant 0 : i32
      %dma_wait3A_112 = arith.constant 0 : i32
      %dma_wait3A_113 = tpu.memref_slice %arg12[%dma_wait3A_102, %dma_wait3A_111, %dma_wait3A_112] : memref<2x8x100xi32, #tpu.memory_space<vmem>> -> memref<1x8x100xi32, #tpu.memory_space<vmem>>
      %dma_wait3A_114 = tpu.memref_squeeze %dma_wait3A_113 : memref<1x8x100xi32, #tpu.memory_space<vmem>> -> memref<8x100xi32, #tpu.memory_space<vmem>>
      %dma_wait3A_115 = arith.constant 0 : i32
      %dma_wait3A_116 = arith.constant 0 : i32
      %dma_wait3A_117 = tpu.memref_slice %arg3[%arg1, %dma_wait3A_115, %dma_wait3A_116] : memref<16x200x100xi32, #tpu.memory_space<hbm>> -> memref<1x8x100xi32, #tpu.memory_space<hbm>>
      %dma_wait3A_118 = tpu.memref_squeeze %dma_wait3A_117 : memref<1x8x100xi32, #tpu.memory_space<hbm>> -> memref<8x100xi32, #tpu.memory_space<hbm>>
      tpu.wait_dma2 semaphore(%arg21 : memref<!tpu.dma_semaphore, #tpu.memory_space<semaphore_mem>>) src(%dma_wait3A_118 : memref<8x100xi32, #tpu.memory_space<hbm>>) dst(%dma_wait3A_114 : memref<8x100xi32, #tpu.memory_space<vmem>>)
      %dma_start3A_119 = arith.constant 1 : i32
      %dma_start3A_120 = arith.constant 0 : i32
      %dma_start3A_121 = arith.constant 0 : i32
      %dma_start3A_122 = tpu.memref_slice %arg11[%dma_start3A_119, %dma_start3A_120, %dma_start3A_121] : memref<2x8x100xi32, #tpu.memory_space<vmem>> -> memref<1x8x100xi32, #tpu.memory_space<vmem>>
      %dma_start3A_123 = tpu.memref_squeeze %dma_start3A_122 : memref<1x8x100xi32, #tpu.memory_space<vmem>> -> memref<8x100xi32, #tpu.memory_space<vmem>>
      %dma_start3A_124 = arith.constant 8 : i32
      %dma_start3A_125 = arith.constant 0 : i32
      %dma_start3A_126 = tpu.memref_slice %arg2[%arg1, %dma_start3A_124, %dma_start3A_125] : memref<16x200x100xi32, #tpu.memory_space<hbm>> -> memref<1x8x100xi32, #tpu.memory_space<hbm>>
      %dma_start3A_127 = tpu.memref_squeeze %dma_start3A_126 : memref<1x8x100xi32, #tpu.memory_space<hbm>> -> memref<8x100xi32, #tpu.memory_space<hbm>>
      %dma_start3A_128 = arith.constant 0 : i32
      %dma_start3A_129 = arith.constant 0 : i32
      %dma_start3A_130 = tpu.memref_slice %arg11[%dma_start3A_119, %dma_start3A_128, %dma_start3A_129] : memref<2x8x100xi32, #tpu.memory_space<vmem>> -> memref<1x8x100xi32, #tpu.memory_space<vmem>>
      %dma_start3A_131 = tpu.memref_squeeze %dma_start3A_130 : memref<1x8x100xi32, #tpu.memory_space<vmem>> -> memref<8x100xi32, #tpu.memory_space<vmem>>
      %dma_start3A_132 = arith.constant 8 : i32
      %dma_start3A_133 = arith.constant 0 : i32
      %dma_start3A_134 = tpu.memref_slice %arg2[%arg1, %dma_start3A_132, %dma_start3A_133] : memref<16x200x100xi32, #tpu.memory_space<hbm>> -> memref<1x8x100xi32, #tpu.memory_space<hbm>>
      %dma_start3A_135 = tpu.memref_squeeze %dma_start3A_134 : memref<1x8x100xi32, #tpu.memory_space<hbm>> -> memref<8x100xi32, #tpu.memory_space<hbm>>
      tpu.enqueue_dma source(%dma_start3A_135 : memref<8x100xi32, #tpu.memory_space<hbm>>) target(%dma_start3A_131 : memref<8x100xi32, #tpu.memory_space<vmem>>) target_semaphore(%arg21 : memref<!tpu.dma_semaphore, #tpu.memory_space<semaphore_mem>>)
      %dma_start3A_136 = arith.constant 1 : i32
      %dma_start3A_137 = arith.constant 0 : i32
      %dma_start3A_138 = arith.constant 0 : i32
      %dma_start3A_139 = tpu.memref_slice %arg12[%dma_start3A_136, %dma_start3A_137, %dma_start3A_138] : memref<2x8x100xi32, #tpu.memory_space<vmem>> -> memref<1x8x100xi32, #tpu.memory_space<vmem>>
      %dma_start3A_140 = tpu.memref_squeeze %dma_start3A_139 : memref<1x8x100xi32, #tpu.memory_space<vmem>> -> memref<8x100xi32, #tpu.memory_space<vmem>>
      %dma_start3A_141 = arith.constant 8 : i32
      %dma_start3A_142 = arith.constant 0 : i32
      %dma_start3A_143 = tpu.memref_slice %arg3[%arg1, %dma_start3A_141, %dma_start3A_142] : memref<16x200x100xi32, #tpu.memory_space<hbm>> -> memref<1x8x100xi32, #tpu.memory_space<hbm>>
      %dma_start3A_144 = tpu.memref_squeeze %dma_start3A_143 : memref<1x8x100xi32, #tpu.memory_space<hbm>> -> memref<8x100xi32, #tpu.memory_space<hbm>>
      %dma_start3A_145 = arith.constant 0 : i32
      %dma_start3A_146 = arith.constant 0 : i32
      %dma_start3A_147 = tpu.memref_slice %arg12[%dma_start3A_136, %dma_start3A_145, %dma_start3A_146] : memref<2x8x100xi32, #tpu.memory_space<vmem>> -> memref<1x8x100xi32, #tpu.memory_space<vmem>>
      %dma_start3A_148 = tpu.memref_squeeze %dma_start3A_147 : memref<1x8x100xi32, #tpu.memory_space<vmem>> -> memref<8x100xi32, #tpu.memory_space<vmem>>
      %dma_start3A_149 = arith.constant 8 : i32
      %dma_start3A_150 = arith.constant 0 : i32
      %dma_start3A_151 = tpu.memref_slice %arg3[%arg1, %dma_start3A_149, %dma_start3A_150] : memref<16x200x100xi32, #tpu.memory_space<hbm>> -> memref<1x8x100xi32, #tpu.memory_space<hbm>>
      %dma_start3A_152 = tpu.memref_squeeze %dma_start3A_151 : memref<1x8x100xi32, #tpu.memory_space<hbm>> -> memref<8x100xi32, #tpu.memory_space<hbm>>
      tpu.enqueue_dma source(%dma_start3A_152 : memref<8x100xi32, #tpu.memory_space<hbm>>) target(%dma_start3A_148 : memref<8x100xi32, #tpu.memory_space<vmem>>) target_semaphore(%arg21 : memref<!tpu.dma_semaphore, #tpu.memory_space<semaphore_mem>>)
      %dma_start3A_153 = arith.constant 0 : i32
      %dma_start3A_154 = arith.constant 0 : i32
      %dma_start3A_155 = arith.constant 0 : i32
      %dma_start3A_156 = tpu.memref_slice %arg11[%dma_start3A_153, %dma_start3A_154, %dma_start3A_155] : memref<2x8x100xi32, #tpu.memory_space<vmem>> -> memref<1x1x100xi32, #tpu.memory_space<vmem>>
      %dma_start3A_157 = tpu.memref_squeeze %dma_start3A_156 : memref<1x1x100xi32, #tpu.memory_space<vmem>> -> memref<100xi32, #tpu.memory_space<vmem>>
      %dma_start3A_158 = arith.constant 0 : i32
      %dma_start3A_159 = arith.constant 0 : i32
      %dma_start3A_160 = tpu.memref_slice %arg6[%dma_start3A_158, %dma_start3A_159] : memref<10240x128xf32, #tpu.memory_space<hbm>> -> memref<10240x128xf32, #tpu.memory_space<hbm>>
      tpu.enqueue_indirect_dma source(%dma_start3A_160 : memref<10240x128xf32, #tpu.memory_space<hbm>>) target(%arg13 : memref<100x128xf32, #tpu.memory_space<vmem>>) offsets(%dma_start3A_157 : memref<100xi32, #tpu.memory_space<vmem>>) semaphore(%arg22 : memref<!tpu.dma_semaphore, #tpu.memory_space<semaphore_mem>>)
      %dma_start3A_161 = arith.constant 0 : i32
      %dma_start3A_162 = arith.constant 1 : i32
      %dma_start3A_163 = arith.constant 0 : i32
      %dma_start3A_164 = tpu.memref_slice %arg11[%dma_start3A_161, %dma_start3A_162, %dma_start3A_163] : memref<2x8x100xi32, #tpu.memory_space<vmem>> -> memref<1x1x100xi32, #tpu.memory_space<vmem>>
      %dma_start3A_165 = tpu.memref_squeeze %dma_start3A_164 : memref<1x1x100xi32, #tpu.memory_space<vmem>> -> memref<100xi32, #tpu.memory_space<vmem>>
      %dma_start3A_166 = arith.constant 0 : i32
      %dma_start3A_167 = arith.constant 0 : i32
      %dma_start3A_168 = tpu.memref_slice %arg6[%dma_start3A_166, %dma_start3A_167] : memref<10240x128xf32, #tpu.memory_space<hbm>> -> memref<10240x128xf32, #tpu.memory_space<hbm>>
      tpu.enqueue_indirect_dma source(%dma_start3A_168 : memref<10240x128xf32, #tpu.memory_space<hbm>>) target(%arg14 : memref<100x128xf32, #tpu.memory_space<vmem>>) offsets(%dma_start3A_165 : memref<100xi32, #tpu.memory_space<vmem>>) semaphore(%arg22 : memref<!tpu.dma_semaphore, #tpu.memory_space<semaphore_mem>>)
      %scan3A_169 = arith.constant 0 : i32
      %scan3A_170 = arith.constant 0 : i32
      %scan3A_171 = arith.constant 66 : i32
      %scan3A_172 = arith.addi %scan3A_170, %scan3A_171 : i32
      %scan3A_173 = arith.constant 1 : i32
      %scan3A_174 = scf.for %scan3A_312 = %scan3A_170 to %scan3A_172 step %scan3A_173 iter_args(%scan3A_313 = %scan3A_169) -> (i32)  : i32 {
        %mul3A_314 = arith.constant 3 : i32
        %mul3A_315 = arith.muli %mul3A_314, %scan3A_312 : i32
        %div3A_316 = arith.constant 8 : i32
        %div3A_317 = arith.divsi %mul3A_315, %div3A_316 : i32
        %rem3A_318 = arith.constant 8 : i32
        %rem3A_319 = arith.remsi %mul3A_315, %rem3A_318 : i32
        %rem3A_320 = arith.constant 2 : i32
        %rem3A_321 = arith.remsi %div3A_317, %rem3A_320 : i32
        %ge3A_322 = arith.cmpi sge, %mul3A_315, %mul3A_48 : i32
        %lt3A_323 = arith.cmpi slt, %mul3A_315, %add3A_52 : i32
        %and3A_324 = arith.andi %ge3A_322, %lt3A_323 : i1
        %gt3A_325 = arith.cmpi sgt, %mul3A_315, %mul3A_48 : i32
        %le3A_326 = arith.cmpi sle, %mul3A_315, %add3A_52 : i32
        %and3A_327 = arith.andi %gt3A_325, %le3A_326 : i1
        %convert_element_type3A_328 = arith.extui %and3A_327 : i1 to i32
        %cond3A_329 = arith.constant 0 : i32
        %cond3A_330 = arith.cmpi ne, %convert_element_type3A_328, %cond3A_329 : i32
        scf.if %cond3A_330 {
          %dma_wait3A_511 = arith.constant 0 : i32
          %dma_wait3A_512 = arith.constant 0 : i32
          %dma_wait3A_513 = arith.constant 0 : i32
          %dma_wait3A_514 = tpu.memref_slice %arg16[%dma_wait3A_513] : memref<128xf32, #tpu.memory_space<vmem>> -> memref<100xf32, #tpu.memory_space<vmem>>
          %dma_wait3A_515 = arith.constant 0 : i32
          %dma_wait3A_516 = tpu.memref_slice %arg11[%dma_wait3A_511, %dma_wait3A_512, %dma_wait3A_515] : memref<2x8x100xi32, #tpu.memory_space<vmem>> -> memref<1x1x100xi32, #tpu.memory_space<vmem>>
          %dma_wait3A_517 = tpu.memref_squeeze %dma_wait3A_516 : memref<1x1x100xi32, #tpu.memory_space<vmem>> -> memref<100xi32, #tpu.memory_space<vmem>>
          %dma_wait3A_518 = arith.constant 0 : i32
          %dma_wait3A_519 = tpu.memref_slice %arg19[%dma_wait3A_518] : memref<10240xf32, #tpu.memory_space<vmem_shared>> -> memref<10240xf32, #tpu.memory_space<vmem_shared>>
          tpu.wait_indirect_dma semaphore(%arg25 : memref<!tpu.dma_semaphore, #tpu.memory_space<semaphore_mem>>) src(%dma_wait3A_514 : memref<100xf32, #tpu.memory_space<vmem>>) dst(%dma_wait3A_519 : memref<10240xf32, #tpu.memory_space<vmem_shared>>)
        } else {
        }
        %convert_element_type3A_331 = arith.extui %and3A_324 : i1 to i32
        %cond3A_332 = arith.constant 0 : i32
        %cond3A_333 = arith.cmpi ne, %convert_element_type3A_331, %cond3A_332 : i32
        scf.if %cond3A_333 {
          %dma_start3A_511 = arith.constant 0 : i32
          %dma_start3A_512 = tpu.memref_slice %arg16[%dma_start3A_511] : memref<128xf32, #tpu.memory_space<vmem>> -> memref<100xf32, #tpu.memory_space<vmem>>
          %dma_start3A_513 = arith.constant 0 : i32
          %dma_start3A_514 = tpu.memref_slice %arg12[%rem3A_321, %rem3A_319, %dma_start3A_513] : memref<2x8x100xi32, #tpu.memory_space<vmem>> -> memref<1x1x100xi32, #tpu.memory_space<vmem>>
          %dma_start3A_515 = tpu.memref_squeeze %dma_start3A_514 : memref<1x1x100xi32, #tpu.memory_space<vmem>> -> memref<100xi32, #tpu.memory_space<vmem>>
          %dma_start3A_516 = arith.constant 0 : i32
          %dma_start3A_517 = tpu.memref_slice %arg20[%dma_start3A_516] : memref<10240xf32, #tpu.memory_space<vmem_shared>> -> memref<10240xf32, #tpu.memory_space<vmem_shared>>
          tpu.enqueue_indirect_dma source(%dma_start3A_517 : memref<10240xf32, #tpu.memory_space<vmem_shared>>) target(%dma_start3A_512 : memref<100xf32, #tpu.memory_space<vmem>>) offsets(%dma_start3A_515 : memref<100xi32, #tpu.memory_space<vmem>>) semaphore(%arg24 : memref<!tpu.dma_semaphore, #tpu.memory_space<semaphore_mem>>)
        } else {
        }
        %gt3A_334 = arith.constant 0 : i32
        %gt3A_335 = arith.cmpi sgt, %mul3A_315, %gt3A_334 : i32
        %convert_element_type3A_336 = arith.extui %gt3A_335 : i1 to i32
        %cond3A_337 = arith.constant 0 : i32
        %cond3A_338 = arith.cmpi ne, %convert_element_type3A_336, %cond3A_337 : i32
        scf.if %cond3A_338 {
          %dma_wait3A_511 = arith.constant 0 : i32
          %dma_wait3A_512 = arith.constant 0 : i32
          %dma_wait3A_513 = arith.constant 0 : i32
          %dma_wait3A_514 = tpu.memref_slice %arg12[%dma_wait3A_511, %dma_wait3A_512, %dma_wait3A_513] : memref<2x8x100xi32, #tpu.memory_space<vmem>> -> memref<1x1x100xi32, #tpu.memory_space<vmem>>
          %dma_wait3A_515 = tpu.memref_squeeze %dma_wait3A_514 : memref<1x1x100xi32, #tpu.memory_space<vmem>> -> memref<100xi32, #tpu.memory_space<vmem>>
          %dma_wait3A_516 = arith.constant 0 : i32
          %dma_wait3A_517 = arith.constant 0 : i32
          %dma_wait3A_518 = tpu.memref_slice %arg18[%dma_wait3A_516, %dma_wait3A_517] : memref<10240x128xf32, #tpu.memory_space<vmem_shared>> -> memref<10240x128xf32, #tpu.memory_space<vmem_shared>>
          tpu.wait_indirect_dma semaphore(%arg23 : memref<!tpu.dma_semaphore, #tpu.memory_space<semaphore_mem>>) src(%arg13 : memref<100x128xf32, #tpu.memory_space<vmem>>) dst(%dma_wait3A_518 : memref<10240x128xf32, #tpu.memory_space<vmem_shared>>)
        } else {
        }
        %eq3A_339 = arith.constant 0 : i32
        %eq3A_340 = arith.cmpi eq, %rem3A_319, %eq3A_339 : i32
        %gt3A_341 = arith.constant 0 : i32
        %gt3A_342 = arith.cmpi sgt, %mul3A_315, %gt3A_341 : i32
        %lt3A_343 = arith.constant 24 : i32
        %lt3A_344 = arith.cmpi slt, %div3A_317, %lt3A_343 : i32
        %and3A_345 = arith.andi %gt3A_342, %lt3A_344 : i1
        %and3A_346 = arith.andi %eq3A_340, %and3A_345 : i1
        %convert_element_type3A_347 = arith.extui %and3A_346 : i1 to i32
        %cond3A_348 = arith.constant 0 : i32
        %cond3A_349 = arith.cmpi ne, %convert_element_type3A_347, %cond3A_348 : i32
        scf.if %cond3A_349 {
          %add3A_511 = arith.constant 1 : i32
          %add3A_512 = arith.addi %div3A_317, %add3A_511 : i32
          %mul3A_513 = arith.constant 8 : i32
          %mul3A_514 = arith.muli %add3A_512, %mul3A_513 : i32
          %sub3A = arith.constant 1 : i32
          %sub3A_515 = arith.subi %sub3A, %rem3A_321 : i32
          %dma_start3A_516 = arith.constant 0 : i32
          %dma_start3A_517 = arith.constant 0 : i32
          %dma_start3A_518 = tpu.memref_slice %arg11[%sub3A_515, %dma_start3A_516, %dma_start3A_517] : memref<2x8x100xi32, #tpu.memory_space<vmem>> -> memref<1x8x100xi32, #tpu.memory_space<vmem>>
          %dma_start3A_519 = tpu.memref_squeeze %dma_start3A_518 : memref<1x8x100xi32, #tpu.memory_space<vmem>> -> memref<8x100xi32, #tpu.memory_space<vmem>>
          %dma_start3A_520 = arith.constant 0 : i32
          %dma_start3A_521 = tpu.memref_slice %arg2[%arg1, %mul3A_514, %dma_start3A_520] : memref<16x200x100xi32, #tpu.memory_space<hbm>> -> memref<1x8x100xi32, #tpu.memory_space<hbm>>
          %dma_start3A_522 = tpu.memref_squeeze %dma_start3A_521 : memref<1x8x100xi32, #tpu.memory_space<hbm>> -> memref<8x100xi32, #tpu.memory_space<hbm>>
          %dma_start3A_523 = arith.constant 0 : i32
          %dma_start3A_524 = arith.constant 0 : i32
          %dma_start3A_525 = tpu.memref_slice %arg11[%sub3A_515, %dma_start3A_523, %dma_start3A_524] : memref<2x8x100xi32, #tpu.memory_space<vmem>> -> memref<1x8x100xi32, #tpu.memory_space<vmem>>
          %dma_start3A_526 = tpu.memref_squeeze %dma_start3A_525 : memref<1x8x100xi32, #tpu.memory_space<vmem>> -> memref<8x100xi32, #tpu.memory_space<vmem>>
          %dma_start3A_527 = arith.constant 0 : i32
          %dma_start3A_528 = tpu.memref_slice %arg2[%arg1, %mul3A_514, %dma_start3A_527] : memref<16x200x100xi32, #tpu.memory_space<hbm>> -> memref<1x8x100xi32, #tpu.memory_space<hbm>>
          %dma_start3A_529 = tpu.memref_squeeze %dma_start3A_528 : memref<1x8x100xi32, #tpu.memory_space<hbm>> -> memref<8x100xi32, #tpu.memory_space<hbm>>
          tpu.enqueue_dma source(%dma_start3A_529 : memref<8x100xi32, #tpu.memory_space<hbm>>) target(%dma_start3A_526 : memref<8x100xi32, #tpu.memory_space<vmem>>) target_semaphore(%arg21 : memref<!tpu.dma_semaphore, #tpu.memory_space<semaphore_mem>>)
          %add3A_530 = arith.constant 1 : i32
          %add3A_531 = arith.addi %div3A_317, %add3A_530 : i32
          %mul3A_532 = arith.constant 8 : i32
          %mul3A_533 = arith.muli %add3A_531, %mul3A_532 : i32
          %sub3A_534 = arith.constant 1 : i32
          %sub3A_535 = arith.subi %sub3A_534, %rem3A_321 : i32
          %dma_start3A_536 = arith.constant 0 : i32
          %dma_start3A_537 = arith.constant 0 : i32
          %dma_start3A_538 = tpu.memref_slice %arg12[%sub3A_535, %dma_start3A_536, %dma_start3A_537] : memref<2x8x100xi32, #tpu.memory_space<vmem>> -> memref<1x8x100xi32, #tpu.memory_space<vmem>>
          %dma_start3A_539 = tpu.memref_squeeze %dma_start3A_538 : memref<1x8x100xi32, #tpu.memory_space<vmem>> -> memref<8x100xi32, #tpu.memory_space<vmem>>
          %dma_start3A_540 = arith.constant 0 : i32
          %dma_start3A_541 = tpu.memref_slice %arg3[%arg1, %mul3A_533, %dma_start3A_540] : memref<16x200x100xi32, #tpu.memory_space<hbm>> -> memref<1x8x100xi32, #tpu.memory_space<hbm>>
          %dma_start3A_542 = tpu.memref_squeeze %dma_start3A_541 : memref<1x8x100xi32, #tpu.memory_space<hbm>> -> memref<8x100xi32, #tpu.memory_space<hbm>>
          %dma_start3A_543 = arith.constant 0 : i32
          %dma_start3A_544 = arith.constant 0 : i32
          %dma_start3A_545 = tpu.memref_slice %arg12[%sub3A_535, %dma_start3A_543, %dma_start3A_544] : memref<2x8x100xi32, #tpu.memory_space<vmem>> -> memref<1x8x100xi32, #tpu.memory_space<vmem>>
          %dma_start3A_546 = tpu.memref_squeeze %dma_start3A_545 : memref<1x8x100xi32, #tpu.memory_space<vmem>> -> memref<8x100xi32, #tpu.memory_space<vmem>>
          %dma_start3A_547 = arith.constant 0 : i32
          %dma_start3A_548 = tpu.memref_slice %arg3[%arg1, %mul3A_533, %dma_start3A_547] : memref<16x200x100xi32, #tpu.memory_space<hbm>> -> memref<1x8x100xi32, #tpu.memory_space<hbm>>
          %dma_start3A_549 = tpu.memref_squeeze %dma_start3A_548 : memref<1x8x100xi32, #tpu.memory_space<hbm>> -> memref<8x100xi32, #tpu.memory_space<hbm>>
          tpu.enqueue_dma source(%dma_start3A_549 : memref<8x100xi32, #tpu.memory_space<hbm>>) target(%dma_start3A_546 : memref<8x100xi32, #tpu.memory_space<vmem>>) target_semaphore(%arg21 : memref<!tpu.dma_semaphore, #tpu.memory_space<semaphore_mem>>)
        } else {
        }
        %eq3A_350 = arith.constant 6 : i32
        %eq3A_351 = arith.cmpi eq, %rem3A_319, %eq3A_350 : i32
        %lt3A_352 = arith.constant 24 : i32
        %lt3A_353 = arith.cmpi slt, %div3A_317, %lt3A_352 : i32
        %and3A_354 = arith.andi %eq3A_351, %lt3A_353 : i1
        %convert_element_type3A_355 = arith.extui %and3A_354 : i1 to i32
        %cond3A_356 = arith.constant 0 : i32
        %cond3A_357 = arith.cmpi ne, %convert_element_type3A_355, %cond3A_356 : i32
        scf.if %cond3A_357 {
          %dma_wait3A_511 = arith.constant 0 : i32
          %dma_wait3A_512 = arith.constant 0 : i32
          %dma_wait3A_513 = arith.constant 0 : i32
          %dma_wait3A_514 = tpu.memref_slice %arg11[%dma_wait3A_511, %dma_wait3A_512, %dma_wait3A_513] : memref<2x8x100xi32, #tpu.memory_space<vmem>> -> memref<1x8x100xi32, #tpu.memory_space<vmem>>
          %dma_wait3A_515 = tpu.memref_squeeze %dma_wait3A_514 : memref<1x8x100xi32, #tpu.memory_space<vmem>> -> memref<8x100xi32, #tpu.memory_space<vmem>>
          %dma_wait3A_516 = arith.constant 0 : i32
          %dma_wait3A_517 = arith.constant 0 : i32
          %dma_wait3A_518 = tpu.memref_slice %arg2[%arg1, %dma_wait3A_516, %dma_wait3A_517] : memref<16x200x100xi32, #tpu.memory_space<hbm>> -> memref<1x8x100xi32, #tpu.memory_space<hbm>>
          %dma_wait3A_519 = tpu.memref_squeeze %dma_wait3A_518 : memref<1x8x100xi32, #tpu.memory_space<hbm>> -> memref<8x100xi32, #tpu.memory_space<hbm>>
          %dma_wait3A_520 = arith.constant 0 : i32
          %dma_wait3A_521 = arith.constant 0 : i32
          %dma_wait3A_522 = tpu.memref_slice %arg11[%dma_wait3A_511, %dma_wait3A_520, %dma_wait3A_521] : memref<2x8x100xi32, #tpu.memory_space<vmem>> -> memref<1x8x100xi32, #tpu.memory_space<vmem>>
          %dma_wait3A_523 = tpu.memref_squeeze %dma_wait3A_522 : memref<1x8x100xi32, #tpu.memory_space<vmem>> -> memref<8x100xi32, #tpu.memory_space<vmem>>
          %dma_wait3A_524 = arith.constant 0 : i32
          %dma_wait3A_525 = arith.constant 0 : i32
          %dma_wait3A_526 = tpu.memref_slice %arg2[%arg1, %dma_wait3A_524, %dma_wait3A_525] : memref<16x200x100xi32, #tpu.memory_space<hbm>> -> memref<1x8x100xi32, #tpu.memory_space<hbm>>
          %dma_wait3A_527 = tpu.memref_squeeze %dma_wait3A_526 : memref<1x8x100xi32, #tpu.memory_space<hbm>> -> memref<8x100xi32, #tpu.memory_space<hbm>>
          tpu.wait_dma2 semaphore(%arg21 : memref<!tpu.dma_semaphore, #tpu.memory_space<semaphore_mem>>) src(%dma_wait3A_527 : memref<8x100xi32, #tpu.memory_space<hbm>>) dst(%dma_wait3A_523 : memref<8x100xi32, #tpu.memory_space<vmem>>)
          %dma_wait3A_528 = arith.constant 0 : i32
          %dma_wait3A_529 = arith.constant 0 : i32
          %dma_wait3A_530 = arith.constant 0 : i32
          %dma_wait3A_531 = tpu.memref_slice %arg12[%dma_wait3A_528, %dma_wait3A_529, %dma_wait3A_530] : memref<2x8x100xi32, #tpu.memory_space<vmem>> -> memref<1x8x100xi32, #tpu.memory_space<vmem>>
          %dma_wait3A_532 = tpu.memref_squeeze %dma_wait3A_531 : memref<1x8x100xi32, #tpu.memory_space<vmem>> -> memref<8x100xi32, #tpu.memory_space<vmem>>
          %dma_wait3A_533 = arith.constant 0 : i32
          %dma_wait3A_534 = arith.constant 0 : i32
          %dma_wait3A_535 = tpu.memref_slice %arg3[%arg1, %dma_wait3A_533, %dma_wait3A_534] : memref<16x200x100xi32, #tpu.memory_space<hbm>> -> memref<1x8x100xi32, #tpu.memory_space<hbm>>
          %dma_wait3A_536 = tpu.memref_squeeze %dma_wait3A_535 : memref<1x8x100xi32, #tpu.memory_space<hbm>> -> memref<8x100xi32, #tpu.memory_space<hbm>>
          %dma_wait3A_537 = arith.constant 0 : i32
          %dma_wait3A_538 = arith.constant 0 : i32
          %dma_wait3A_539 = tpu.memref_slice %arg12[%dma_wait3A_528, %dma_wait3A_537, %dma_wait3A_538] : memref<2x8x100xi32, #tpu.memory_space<vmem>> -> memref<1x8x100xi32, #tpu.memory_space<vmem>>
          %dma_wait3A_540 = tpu.memref_squeeze %dma_wait3A_539 : memref<1x8x100xi32, #tpu.memory_space<vmem>> -> memref<8x100xi32, #tpu.memory_space<vmem>>
          %dma_wait3A_541 = arith.constant 0 : i32
          %dma_wait3A_542 = arith.constant 0 : i32
          %dma_wait3A_543 = tpu.memref_slice %arg3[%arg1, %dma_wait3A_541, %dma_wait3A_542] : memref<16x200x100xi32, #tpu.memory_space<hbm>> -> memref<1x8x100xi32, #tpu.memory_space<hbm>>
          %dma_wait3A_544 = tpu.memref_squeeze %dma_wait3A_543 : memref<1x8x100xi32, #tpu.memory_space<hbm>> -> memref<8x100xi32, #tpu.memory_space<hbm>>
          tpu.wait_dma2 semaphore(%arg21 : memref<!tpu.dma_semaphore, #tpu.memory_space<semaphore_mem>>) src(%dma_wait3A_544 : memref<8x100xi32, #tpu.memory_space<hbm>>) dst(%dma_wait3A_540 : memref<8x100xi32, #tpu.memory_space<vmem>>)
        } else {
        }
        %dma_wait3A_358 = arith.constant 0 : i32
        %dma_wait3A_359 = tpu.memref_slice %arg11[%rem3A_321, %rem3A_319, %dma_wait3A_358] : memref<2x8x100xi32, #tpu.memory_space<vmem>> -> memref<1x1x100xi32, #tpu.memory_space<vmem>>
        %dma_wait3A_360 = tpu.memref_squeeze %dma_wait3A_359 : memref<1x1x100xi32, #tpu.memory_space<vmem>> -> memref<100xi32, #tpu.memory_space<vmem>>
        %dma_wait3A_361 = arith.constant 0 : i32
        %dma_wait3A_362 = arith.constant 0 : i32
        %dma_wait3A_363 = tpu.memref_slice %arg6[%dma_wait3A_361, %dma_wait3A_362] : memref<10240x128xf32, #tpu.memory_space<hbm>> -> memref<10240x128xf32, #tpu.memory_space<hbm>>
        tpu.wait_indirect_dma semaphore(%arg22 : memref<!tpu.dma_semaphore, #tpu.memory_space<semaphore_mem>>) src(%dma_wait3A_363 : memref<10240x128xf32, #tpu.memory_space<hbm>>) dst(%arg13 : memref<100x128xf32, #tpu.memory_space<vmem>>)
        %dma_start3A_364 = arith.constant 0 : i32
        %dma_start3A_365 = tpu.memref_slice %arg12[%rem3A_321, %rem3A_319, %dma_start3A_364] : memref<2x8x100xi32, #tpu.memory_space<vmem>> -> memref<1x1x100xi32, #tpu.memory_space<vmem>>
        %dma_start3A_366 = tpu.memref_squeeze %dma_start3A_365 : memref<1x1x100xi32, #tpu.memory_space<vmem>> -> memref<100xi32, #tpu.memory_space<vmem>>
        %dma_start3A_367 = arith.constant 0 : i32
        %dma_start3A_368 = arith.constant 0 : i32
        %dma_start3A_369 = tpu.memref_slice %arg18[%dma_start3A_367, %dma_start3A_368] : memref<10240x128xf32, #tpu.memory_space<vmem_shared>> -> memref<10240x128xf32, #tpu.memory_space<vmem_shared>>
        tpu.enqueue_indirect_dma source(%arg13 : memref<100x128xf32, #tpu.memory_space<vmem>>) target(%dma_start3A_369 : memref<10240x128xf32, #tpu.memory_space<vmem_shared>>) offsets(%dma_start3A_366 : memref<100xi32, #tpu.memory_space<vmem>>) semaphore(%arg23 : memref<!tpu.dma_semaphore, #tpu.memory_space<semaphore_mem>>) {add = true}
        %lt3A_370 = arith.constant 198 : i32
        %lt3A_371 = arith.cmpi slt, %mul3A_315, %lt3A_370 : i32
        %convert_element_type3A_372 = arith.extui %lt3A_371 : i1 to i32
        %cond3A_373 = arith.constant 0 : i32
        %cond3A_374 = arith.cmpi ne, %convert_element_type3A_372, %cond3A_373 : i32
        scf.if %cond3A_374 {
          %add3A_511 = arith.constant 2 : i32
          %add3A_512 = arith.addi %mul3A_315, %add3A_511 : i32
          %div3A_513 = arith.constant 8 : i32
          %div3A_514 = arith.divsi %add3A_512, %div3A_513 : i32
          %rem3A_515 = arith.constant 2 : i32
          %rem3A_516 = arith.remsi %div3A_514, %rem3A_515 : i32
          %add3A_517 = arith.constant 2 : i32
          %add3A_518 = arith.addi %mul3A_315, %add3A_517 : i32
          %rem3A_519 = arith.constant 8 : i32
          %rem3A_520 = arith.remsi %add3A_518, %rem3A_519 : i32
          %dma_start3A_521 = arith.constant 0 : i32
          %dma_start3A_522 = tpu.memref_slice %arg11[%rem3A_516, %rem3A_520, %dma_start3A_521] : memref<2x8x100xi32, #tpu.memory_space<vmem>> -> memref<1x1x100xi32, #tpu.memory_space<vmem>>
          %dma_start3A_523 = tpu.memref_squeeze %dma_start3A_522 : memref<1x1x100xi32, #tpu.memory_space<vmem>> -> memref<100xi32, #tpu.memory_space<vmem>>
          %dma_start3A_524 = arith.constant 0 : i32
          %dma_start3A_525 = arith.constant 0 : i32
          %dma_start3A_526 = tpu.memref_slice %arg6[%dma_start3A_524, %dma_start3A_525] : memref<10240x128xf32, #tpu.memory_space<hbm>> -> memref<10240x128xf32, #tpu.memory_space<hbm>>
          tpu.enqueue_indirect_dma source(%dma_start3A_526 : memref<10240x128xf32, #tpu.memory_space<hbm>>) target(%arg15 : memref<100x128xf32, #tpu.memory_space<vmem>>) offsets(%dma_start3A_523 : memref<100xi32, #tpu.memory_space<vmem>>) semaphore(%arg22 : memref<!tpu.dma_semaphore, #tpu.memory_space<semaphore_mem>>)
        } else {
        }
        %convert_element_type3A_375 = arith.extui %and3A_324 : i1 to i32
        %cond3A_376 = arith.constant 0 : i32
        %cond3A_377 = arith.cmpi ne, %convert_element_type3A_375, %cond3A_376 : i32
        scf.if %cond3A_377 {
          %dma_wait3A_511 = arith.constant 0 : i32
          %dma_wait3A_512 = arith.constant 0 : i32
          %dma_wait3A_513 = arith.constant 0 : i32
          %dma_wait3A_514 = tpu.memref_slice %arg16[%dma_wait3A_513] : memref<128xf32, #tpu.memory_space<vmem>> -> memref<100xf32, #tpu.memory_space<vmem>>
          %dma_wait3A_515 = arith.constant 0 : i32
          %dma_wait3A_516 = tpu.memref_slice %arg12[%dma_wait3A_511, %dma_wait3A_512, %dma_wait3A_515] : memref<2x8x100xi32, #tpu.memory_space<vmem>> -> memref<1x1x100xi32, #tpu.memory_space<vmem>>
          %dma_wait3A_517 = tpu.memref_squeeze %dma_wait3A_516 : memref<1x1x100xi32, #tpu.memory_space<vmem>> -> memref<100xi32, #tpu.memory_space<vmem>>
          %dma_wait3A_518 = arith.constant 0 : i32
          %dma_wait3A_519 = tpu.memref_slice %arg20[%dma_wait3A_518] : memref<10240xf32, #tpu.memory_space<vmem_shared>> -> memref<10240xf32, #tpu.memory_space<vmem_shared>>
          tpu.wait_indirect_dma semaphore(%arg24 : memref<!tpu.dma_semaphore, #tpu.memory_space<semaphore_mem>>) src(%dma_wait3A_519 : memref<10240xf32, #tpu.memory_space<vmem_shared>>) dst(%dma_wait3A_514 : memref<100xf32, #tpu.memory_space<vmem>>)
          %dma_start3A_520 = arith.constant 0 : i32
          %dma_start3A_521 = tpu.memref_slice %arg16[%dma_start3A_520] : memref<128xf32, #tpu.memory_space<vmem>> -> memref<100xf32, #tpu.memory_space<vmem>>
          %dma_start3A_522 = arith.constant 0 : i32
          %dma_start3A_523 = tpu.memref_slice %arg11[%rem3A_321, %rem3A_319, %dma_start3A_522] : memref<2x8x100xi32, #tpu.memory_space<vmem>> -> memref<1x1x100xi32, #tpu.memory_space<vmem>>
          %dma_start3A_524 = tpu.memref_squeeze %dma_start3A_523 : memref<1x1x100xi32, #tpu.memory_space<vmem>> -> memref<100xi32, #tpu.memory_space<vmem>>
          %dma_start3A_525 = arith.constant 0 : i32
          %dma_start3A_526 = tpu.memref_slice %arg19[%dma_start3A_525] : memref<10240xf32, #tpu.memory_space<vmem_shared>> -> memref<10240xf32, #tpu.memory_space<vmem_shared>>
          tpu.enqueue_indirect_dma source(%dma_start3A_521 : memref<100xf32, #tpu.memory_space<vmem>>) target(%dma_start3A_526 : memref<10240xf32, #tpu.memory_space<vmem_shared>>) offsets(%dma_start3A_524 : memref<100xi32, #tpu.memory_space<vmem>>) semaphore(%arg25 : memref<!tpu.dma_semaphore, #tpu.memory_space<semaphore_mem>>) {add = true}
        } else {
        }
        %mul3A_378 = arith.constant 3 : i32
        %mul3A_379 = arith.muli %mul3A_378, %scan3A_312 : i32
        %add3A_380 = arith.constant 1 : i32
        %add3A_381 = arith.addi %mul3A_379, %add3A_380 : i32
        %div3A_382 = arith.constant 8 : i32
        %div3A_383 = arith.divsi %add3A_381, %div3A_382 : i32
        %rem3A_384 = arith.constant 8 : i32
        %rem3A_385 = arith.remsi %add3A_381, %rem3A_384 : i32
        %rem3A_386 = arith.constant 2 : i32
        %rem3A_387 = arith.remsi %div3A_383, %rem3A_386 : i32
        %ge3A_388 = arith.cmpi sge, %add3A_381, %mul3A_48 : i32
        %lt3A_389 = arith.cmpi slt, %add3A_381, %add3A_52 : i32
        %and3A_390 = arith.andi %ge3A_388, %lt3A_389 : i1
        %gt3A_391 = arith.cmpi sgt, %add3A_381, %mul3A_48 : i32
        %le3A_392 = arith.cmpi sle, %add3A_381, %add3A_52 : i32
        %and3A_393 = arith.andi %gt3A_391, %le3A_392 : i1
        %convert_element_type3A_394 = arith.extui %and3A_393 : i1 to i32
        %cond3A_395 = arith.constant 0 : i32
        %cond3A_396 = arith.cmpi ne, %convert_element_type3A_394, %cond3A_395 : i32
        scf.if %cond3A_396 {
          %dma_wait3A_511 = arith.constant 0 : i32
          %dma_wait3A_512 = arith.constant 0 : i32
          %dma_wait3A_513 = arith.constant 0 : i32
          %dma_wait3A_514 = tpu.memref_slice %arg16[%dma_wait3A_513] : memref<128xf32, #tpu.memory_space<vmem>> -> memref<100xf32, #tpu.memory_space<vmem>>
          %dma_wait3A_515 = arith.constant 0 : i32
          %dma_wait3A_516 = tpu.memref_slice %arg11[%dma_wait3A_511, %dma_wait3A_512, %dma_wait3A_515] : memref<2x8x100xi32, #tpu.memory_space<vmem>> -> memref<1x1x100xi32, #tpu.memory_space<vmem>>
          %dma_wait3A_517 = tpu.memref_squeeze %dma_wait3A_516 : memref<1x1x100xi32, #tpu.memory_space<vmem>> -> memref<100xi32, #tpu.memory_space<vmem>>
          %dma_wait3A_518 = arith.constant 0 : i32
          %dma_wait3A_519 = tpu.memref_slice %arg19[%dma_wait3A_518] : memref<10240xf32, #tpu.memory_space<vmem_shared>> -> memref<10240xf32, #tpu.memory_space<vmem_shared>>
          tpu.wait_indirect_dma semaphore(%arg25 : memref<!tpu.dma_semaphore, #tpu.memory_space<semaphore_mem>>) src(%dma_wait3A_514 : memref<100xf32, #tpu.memory_space<vmem>>) dst(%dma_wait3A_519 : memref<10240xf32, #tpu.memory_space<vmem_shared>>)
        } else {
        }
        %convert_element_type3A_397 = arith.extui %and3A_390 : i1 to i32
        %cond3A_398 = arith.constant 0 : i32
        %cond3A_399 = arith.cmpi ne, %convert_element_type3A_397, %cond3A_398 : i32
        scf.if %cond3A_399 {
          %dma_start3A_511 = arith.constant 0 : i32
          %dma_start3A_512 = tpu.memref_slice %arg16[%dma_start3A_511] : memref<128xf32, #tpu.memory_space<vmem>> -> memref<100xf32, #tpu.memory_space<vmem>>
          %dma_start3A_513 = arith.constant 0 : i32
          %dma_start3A_514 = tpu.memref_slice %arg12[%rem3A_387, %rem3A_385, %dma_start3A_513] : memref<2x8x100xi32, #tpu.memory_space<vmem>> -> memref<1x1x100xi32, #tpu.memory_space<vmem>>
          %dma_start3A_515 = tpu.memref_squeeze %dma_start3A_514 : memref<1x1x100xi32, #tpu.memory_space<vmem>> -> memref<100xi32, #tpu.memory_space<vmem>>
          %dma_start3A_516 = arith.constant 0 : i32
          %dma_start3A_517 = tpu.memref_slice %arg20[%dma_start3A_516] : memref<10240xf32, #tpu.memory_space<vmem_shared>> -> memref<10240xf32, #tpu.memory_space<vmem_shared>>
          tpu.enqueue_indirect_dma source(%dma_start3A_517 : memref<10240xf32, #tpu.memory_space<vmem_shared>>) target(%dma_start3A_512 : memref<100xf32, #tpu.memory_space<vmem>>) offsets(%dma_start3A_515 : memref<100xi32, #tpu.memory_space<vmem>>) semaphore(%arg24 : memref<!tpu.dma_semaphore, #tpu.memory_space<semaphore_mem>>)
        } else {
        }
        %gt3A_400 = arith.constant 0 : i32
        %gt3A_401 = arith.cmpi sgt, %add3A_381, %gt3A_400 : i32
        %convert_element_type3A_402 = arith.extui %gt3A_401 : i1 to i32
        %cond3A_403 = arith.constant 0 : i32
        %cond3A_404 = arith.cmpi ne, %convert_element_type3A_402, %cond3A_403 : i32
        scf.if %cond3A_404 {
          %dma_wait3A_511 = arith.constant 0 : i32
          %dma_wait3A_512 = arith.constant 0 : i32
          %dma_wait3A_513 = arith.constant 0 : i32
          %dma_wait3A_514 = tpu.memref_slice %arg12[%dma_wait3A_511, %dma_wait3A_512, %dma_wait3A_513] : memref<2x8x100xi32, #tpu.memory_space<vmem>> -> memref<1x1x100xi32, #tpu.memory_space<vmem>>
          %dma_wait3A_515 = tpu.memref_squeeze %dma_wait3A_514 : memref<1x1x100xi32, #tpu.memory_space<vmem>> -> memref<100xi32, #tpu.memory_space<vmem>>
          %dma_wait3A_516 = arith.constant 0 : i32
          %dma_wait3A_517 = arith.constant 0 : i32
          %dma_wait3A_518 = tpu.memref_slice %arg18[%dma_wait3A_516, %dma_wait3A_517] : memref<10240x128xf32, #tpu.memory_space<vmem_shared>> -> memref<10240x128xf32, #tpu.memory_space<vmem_shared>>
          tpu.wait_indirect_dma semaphore(%arg23 : memref<!tpu.dma_semaphore, #tpu.memory_space<semaphore_mem>>) src(%arg13 : memref<100x128xf32, #tpu.memory_space<vmem>>) dst(%dma_wait3A_518 : memref<10240x128xf32, #tpu.memory_space<vmem_shared>>)
        } else {
        }
        %eq3A_405 = arith.constant 0 : i32
        %eq3A_406 = arith.cmpi eq, %rem3A_385, %eq3A_405 : i32
        %gt3A_407 = arith.constant 0 : i32
        %gt3A_408 = arith.cmpi sgt, %add3A_381, %gt3A_407 : i32
        %lt3A_409 = arith.constant 24 : i32
        %lt3A_410 = arith.cmpi slt, %div3A_383, %lt3A_409 : i32
        %and3A_411 = arith.andi %gt3A_408, %lt3A_410 : i1
        %and3A_412 = arith.andi %eq3A_406, %and3A_411 : i1
        %convert_element_type3A_413 = arith.extui %and3A_412 : i1 to i32
        %cond3A_414 = arith.constant 0 : i32
        %cond3A_415 = arith.cmpi ne, %convert_element_type3A_413, %cond3A_414 : i32
        scf.if %cond3A_415 {
          %add3A_511 = arith.constant 1 : i32
          %add3A_512 = arith.addi %div3A_383, %add3A_511 : i32
          %mul3A_513 = arith.constant 8 : i32
          %mul3A_514 = arith.muli %add3A_512, %mul3A_513 : i32
          %sub3A = arith.constant 1 : i32
          %sub3A_515 = arith.subi %sub3A, %rem3A_387 : i32
          %dma_start3A_516 = arith.constant 0 : i32
          %dma_start3A_517 = arith.constant 0 : i32
          %dma_start3A_518 = tpu.memref_slice %arg11[%sub3A_515, %dma_start3A_516, %dma_start3A_517] : memref<2x8x100xi32, #tpu.memory_space<vmem>> -> memref<1x8x100xi32, #tpu.memory_space<vmem>>
          %dma_start3A_519 = tpu.memref_squeeze %dma_start3A_518 : memref<1x8x100xi32, #tpu.memory_space<vmem>> -> memref<8x100xi32, #tpu.memory_space<vmem>>
          %dma_start3A_520 = arith.constant 0 : i32
          %dma_start3A_521 = tpu.memref_slice %arg2[%arg1, %mul3A_514, %dma_start3A_520] : memref<16x200x100xi32, #tpu.memory_space<hbm>> -> memref<1x8x100xi32, #tpu.memory_space<hbm>>
          %dma_start3A_522 = tpu.memref_squeeze %dma_start3A_521 : memref<1x8x100xi32, #tpu.memory_space<hbm>> -> memref<8x100xi32, #tpu.memory_space<hbm>>
          %dma_start3A_523 = arith.constant 0 : i32
          %dma_start3A_524 = arith.constant 0 : i32
          %dma_start3A_525 = tpu.memref_slice %arg11[%sub3A_515, %dma_start3A_523, %dma_start3A_524] : memref<2x8x100xi32, #tpu.memory_space<vmem>> -> memref<1x8x100xi32, #tpu.memory_space<vmem>>
          %dma_start3A_526 = tpu.memref_squeeze %dma_start3A_525 : memref<1x8x100xi32, #tpu.memory_space<vmem>> -> memref<8x100xi32, #tpu.memory_space<vmem>>
          %dma_start3A_527 = arith.constant 0 : i32
          %dma_start3A_528 = tpu.memref_slice %arg2[%arg1, %mul3A_514, %dma_start3A_527] : memref<16x200x100xi32, #tpu.memory_space<hbm>> -> memref<1x8x100xi32, #tpu.memory_space<hbm>>
          %dma_start3A_529 = tpu.memref_squeeze %dma_start3A_528 : memref<1x8x100xi32, #tpu.memory_space<hbm>> -> memref<8x100xi32, #tpu.memory_space<hbm>>
          tpu.enqueue_dma source(%dma_start3A_529 : memref<8x100xi32, #tpu.memory_space<hbm>>) target(%dma_start3A_526 : memref<8x100xi32, #tpu.memory_space<vmem>>) target_semaphore(%arg21 : memref<!tpu.dma_semaphore, #tpu.memory_space<semaphore_mem>>)
          %add3A_530 = arith.constant 1 : i32
          %add3A_531 = arith.addi %div3A_383, %add3A_530 : i32
          %mul3A_532 = arith.constant 8 : i32
          %mul3A_533 = arith.muli %add3A_531, %mul3A_532 : i32
          %sub3A_534 = arith.constant 1 : i32
          %sub3A_535 = arith.subi %sub3A_534, %rem3A_387 : i32
          %dma_start3A_536 = arith.constant 0 : i32
          %dma_start3A_537 = arith.constant 0 : i32
          %dma_start3A_538 = tpu.memref_slice %arg12[%sub3A_535, %dma_start3A_536, %dma_start3A_537] : memref<2x8x100xi32, #tpu.memory_space<vmem>> -> memref<1x8x100xi32, #tpu.memory_space<vmem>>
          %dma_start3A_539 = tpu.memref_squeeze %dma_start3A_538 : memref<1x8x100xi32, #tpu.memory_space<vmem>> -> memref<8x100xi32, #tpu.memory_space<vmem>>
          %dma_start3A_540 = arith.constant 0 : i32
          %dma_start3A_541 = tpu.memref_slice %arg3[%arg1, %mul3A_533, %dma_start3A_540] : memref<16x200x100xi32, #tpu.memory_space<hbm>> -> memref<1x8x100xi32, #tpu.memory_space<hbm>>
          %dma_start3A_542 = tpu.memref_squeeze %dma_start3A_541 : memref<1x8x100xi32, #tpu.memory_space<hbm>> -> memref<8x100xi32, #tpu.memory_space<hbm>>
          %dma_start3A_543 = arith.constant 0 : i32
          %dma_start3A_544 = arith.constant 0 : i32
          %dma_start3A_545 = tpu.memref_slice %arg12[%sub3A_535, %dma_start3A_543, %dma_start3A_544] : memref<2x8x100xi32, #tpu.memory_space<vmem>> -> memref<1x8x100xi32, #tpu.memory_space<vmem>>
          %dma_start3A_546 = tpu.memref_squeeze %dma_start3A_545 : memref<1x8x100xi32, #tpu.memory_space<vmem>> -> memref<8x100xi32, #tpu.memory_space<vmem>>
          %dma_start3A_547 = arith.constant 0 : i32
          %dma_start3A_548 = tpu.memref_slice %arg3[%arg1, %mul3A_533, %dma_start3A_547] : memref<16x200x100xi32, #tpu.memory_space<hbm>> -> memref<1x8x100xi32, #tpu.memory_space<hbm>>
          %dma_start3A_549 = tpu.memref_squeeze %dma_start3A_548 : memref<1x8x100xi32, #tpu.memory_space<hbm>> -> memref<8x100xi32, #tpu.memory_space<hbm>>
          tpu.enqueue_dma source(%dma_start3A_549 : memref<8x100xi32, #tpu.memory_space<hbm>>) target(%dma_start3A_546 : memref<8x100xi32, #tpu.memory_space<vmem>>) target_semaphore(%arg21 : memref<!tpu.dma_semaphore, #tpu.memory_space<semaphore_mem>>)
        } else {
        }
        %eq3A_416 = arith.constant 6 : i32
        %eq3A_417 = arith.cmpi eq, %rem3A_385, %eq3A_416 : i32
        %lt3A_418 = arith.constant 24 : i32
        %lt3A_419 = arith.cmpi slt, %div3A_383, %lt3A_418 : i32
        %and3A_420 = arith.andi %eq3A_417, %lt3A_419 : i1
        %convert_element_type3A_421 = arith.extui %and3A_420 : i1 to i32
        %cond3A_422 = arith.constant 0 : i32
        %cond3A_423 = arith.cmpi ne, %convert_element_type3A_421, %cond3A_422 : i32
        scf.if %cond3A_423 {
          %dma_wait3A_511 = arith.constant 0 : i32
          %dma_wait3A_512 = arith.constant 0 : i32
          %dma_wait3A_513 = arith.constant 0 : i32
          %dma_wait3A_514 = tpu.memref_slice %arg11[%dma_wait3A_511, %dma_wait3A_512, %dma_wait3A_513] : memref<2x8x100xi32, #tpu.memory_space<vmem>> -> memref<1x8x100xi32, #tpu.memory_space<vmem>>
          %dma_wait3A_515 = tpu.memref_squeeze %dma_wait3A_514 : memref<1x8x100xi32, #tpu.memory_space<vmem>> -> memref<8x100xi32, #tpu.memory_space<vmem>>
          %dma_wait3A_516 = arith.constant 0 : i32
          %dma_wait3A_517 = arith.constant 0 : i32
          %dma_wait3A_518 = tpu.memref_slice %arg2[%arg1, %dma_wait3A_516, %dma_wait3A_517] : memref<16x200x100xi32, #tpu.memory_space<hbm>> -> memref<1x8x100xi32, #tpu.memory_space<hbm>>
          %dma_wait3A_519 = tpu.memref_squeeze %dma_wait3A_518 : memref<1x8x100xi32, #tpu.memory_space<hbm>> -> memref<8x100xi32, #tpu.memory_space<hbm>>
          %dma_wait3A_520 = arith.constant 0 : i32
          %dma_wait3A_521 = arith.constant 0 : i32
          %dma_wait3A_522 = tpu.memref_slice %arg11[%dma_wait3A_511, %dma_wait3A_520, %dma_wait3A_521] : memref<2x8x100xi32, #tpu.memory_space<vmem>> -> memref<1x8x100xi32, #tpu.memory_space<vmem>>
          %dma_wait3A_523 = tpu.memref_squeeze %dma_wait3A_522 : memref<1x8x100xi32, #tpu.memory_space<vmem>> -> memref<8x100xi32, #tpu.memory_space<vmem>>
          %dma_wait3A_524 = arith.constant 0 : i32
          %dma_wait3A_525 = arith.constant 0 : i32
          %dma_wait3A_526 = tpu.memref_slice %arg2[%arg1, %dma_wait3A_524, %dma_wait3A_525] : memref<16x200x100xi32, #tpu.memory_space<hbm>> -> memref<1x8x100xi32, #tpu.memory_space<hbm>>
          %dma_wait3A_527 = tpu.memref_squeeze %dma_wait3A_526 : memref<1x8x100xi32, #tpu.memory_space<hbm>> -> memref<8x100xi32, #tpu.memory_space<hbm>>
          tpu.wait_dma2 semaphore(%arg21 : memref<!tpu.dma_semaphore, #tpu.memory_space<semaphore_mem>>) src(%dma_wait3A_527 : memref<8x100xi32, #tpu.memory_space<hbm>>) dst(%dma_wait3A_523 : memref<8x100xi32, #tpu.memory_space<vmem>>)
          %dma_wait3A_528 = arith.constant 0 : i32
          %dma_wait3A_529 = arith.constant 0 : i32
          %dma_wait3A_530 = arith.constant 0 : i32
          %dma_wait3A_531 = tpu.memref_slice %arg12[%dma_wait3A_528, %dma_wait3A_529, %dma_wait3A_530] : memref<2x8x100xi32, #tpu.memory_space<vmem>> -> memref<1x8x100xi32, #tpu.memory_space<vmem>>
          %dma_wait3A_532 = tpu.memref_squeeze %dma_wait3A_531 : memref<1x8x100xi32, #tpu.memory_space<vmem>> -> memref<8x100xi32, #tpu.memory_space<vmem>>
          %dma_wait3A_533 = arith.constant 0 : i32
          %dma_wait3A_534 = arith.constant 0 : i32
          %dma_wait3A_535 = tpu.memref_slice %arg3[%arg1, %dma_wait3A_533, %dma_wait3A_534] : memref<16x200x100xi32, #tpu.memory_space<hbm>> -> memref<1x8x100xi32, #tpu.memory_space<hbm>>
          %dma_wait3A_536 = tpu.memref_squeeze %dma_wait3A_535 : memref<1x8x100xi32, #tpu.memory_space<hbm>> -> memref<8x100xi32, #tpu.memory_space<hbm>>
          %dma_wait3A_537 = arith.constant 0 : i32
          %dma_wait3A_538 = arith.constant 0 : i32
          %dma_wait3A_539 = tpu.memref_slice %arg12[%dma_wait3A_528, %dma_wait3A_537, %dma_wait3A_538] : memref<2x8x100xi32, #tpu.memory_space<vmem>> -> memref<1x8x100xi32, #tpu.memory_space<vmem>>
          %dma_wait3A_540 = tpu.memref_squeeze %dma_wait3A_539 : memref<1x8x100xi32, #tpu.memory_space<vmem>> -> memref<8x100xi32, #tpu.memory_space<vmem>>
          %dma_wait3A_541 = arith.constant 0 : i32
          %dma_wait3A_542 = arith.constant 0 : i32
          %dma_wait3A_543 = tpu.memref_slice %arg3[%arg1, %dma_wait3A_541, %dma_wait3A_542] : memref<16x200x100xi32, #tpu.memory_space<hbm>> -> memref<1x8x100xi32, #tpu.memory_space<hbm>>
          %dma_wait3A_544 = tpu.memref_squeeze %dma_wait3A_543 : memref<1x8x100xi32, #tpu.memory_space<hbm>> -> memref<8x100xi32, #tpu.memory_space<hbm>>
          tpu.wait_dma2 semaphore(%arg21 : memref<!tpu.dma_semaphore, #tpu.memory_space<semaphore_mem>>) src(%dma_wait3A_544 : memref<8x100xi32, #tpu.memory_space<hbm>>) dst(%dma_wait3A_540 : memref<8x100xi32, #tpu.memory_space<vmem>>)
        } else {
        }
        %dma_wait3A_424 = arith.constant 0 : i32
        %dma_wait3A_425 = tpu.memref_slice %arg11[%rem3A_387, %rem3A_385, %dma_wait3A_424] : memref<2x8x100xi32, #tpu.memory_space<vmem>> -> memref<1x1x100xi32, #tpu.memory_space<vmem>>
        %dma_wait3A_426 = tpu.memref_squeeze %dma_wait3A_425 : memref<1x1x100xi32, #tpu.memory_space<vmem>> -> memref<100xi32, #tpu.memory_space<vmem>>
        %dma_wait3A_427 = arith.constant 0 : i32
        %dma_wait3A_428 = arith.constant 0 : i32
        %dma_wait3A_429 = tpu.memref_slice %arg6[%dma_wait3A_427, %dma_wait3A_428] : memref<10240x128xf32, #tpu.memory_space<hbm>> -> memref<10240x128xf32, #tpu.memory_space<hbm>>
        tpu.wait_indirect_dma semaphore(%arg22 : memref<!tpu.dma_semaphore, #tpu.memory_space<semaphore_mem>>) src(%dma_wait3A_429 : memref<10240x128xf32, #tpu.memory_space<hbm>>) dst(%arg14 : memref<100x128xf32, #tpu.memory_space<vmem>>)
        %dma_start3A_430 = arith.constant 0 : i32
        %dma_start3A_431 = tpu.memref_slice %arg12[%rem3A_387, %rem3A_385, %dma_start3A_430] : memref<2x8x100xi32, #tpu.memory_space<vmem>> -> memref<1x1x100xi32, #tpu.memory_space<vmem>>
        %dma_start3A_432 = tpu.memref_squeeze %dma_start3A_431 : memref<1x1x100xi32, #tpu.memory_space<vmem>> -> memref<100xi32, #tpu.memory_space<vmem>>
        %dma_start3A_433 = arith.constant 0 : i32
        %dma_start3A_434 = arith.constant 0 : i32
        %dma_start3A_435 = tpu.memref_slice %arg18[%dma_start3A_433, %dma_start3A_434] : memref<10240x128xf32, #tpu.memory_space<vmem_shared>> -> memref<10240x128xf32, #tpu.memory_space<vmem_shared>>
        tpu.enqueue_indirect_dma source(%arg14 : memref<100x128xf32, #tpu.memory_space<vmem>>) target(%dma_start3A_435 : memref<10240x128xf32, #tpu.memory_space<vmem_shared>>) offsets(%dma_start3A_432 : memref<100xi32, #tpu.memory_space<vmem>>) semaphore(%arg23 : memref<!tpu.dma_semaphore, #tpu.memory_space<semaphore_mem>>) {add = true}
        %lt3A_436 = arith.constant 198 : i32
        %lt3A_437 = arith.cmpi slt, %add3A_381, %lt3A_436 : i32
        %convert_element_type3A_438 = arith.extui %lt3A_437 : i1 to i32
        %cond3A_439 = arith.constant 0 : i32
        %cond3A_440 = arith.cmpi ne, %convert_element_type3A_438, %cond3A_439 : i32
        scf.if %cond3A_440 {
          %add3A_511 = arith.constant 2 : i32
          %add3A_512 = arith.addi %add3A_381, %add3A_511 : i32
          %div3A_513 = arith.constant 8 : i32
          %div3A_514 = arith.divsi %add3A_512, %div3A_513 : i32
          %rem3A_515 = arith.constant 2 : i32
          %rem3A_516 = arith.remsi %div3A_514, %rem3A_515 : i32
          %add3A_517 = arith.constant 2 : i32
          %add3A_518 = arith.addi %add3A_381, %add3A_517 : i32
          %rem3A_519 = arith.constant 8 : i32
          %rem3A_520 = arith.remsi %add3A_518, %rem3A_519 : i32
          %dma_start3A_521 = arith.constant 0 : i32
          %dma_start3A_522 = tpu.memref_slice %arg11[%rem3A_516, %rem3A_520, %dma_start3A_521] : memref<2x8x100xi32, #tpu.memory_space<vmem>> -> memref<1x1x100xi32, #tpu.memory_space<vmem>>
          %dma_start3A_523 = tpu.memref_squeeze %dma_start3A_522 : memref<1x1x100xi32, #tpu.memory_space<vmem>> -> memref<100xi32, #tpu.memory_space<vmem>>
          %dma_start3A_524 = arith.constant 0 : i32
          %dma_start3A_525 = arith.constant 0 : i32
          %dma_start3A_526 = tpu.memref_slice %arg6[%dma_start3A_524, %dma_start3A_525] : memref<10240x128xf32, #tpu.memory_space<hbm>> -> memref<10240x128xf32, #tpu.memory_space<hbm>>
          tpu.enqueue_indirect_dma source(%dma_start3A_526 : memref<10240x128xf32, #tpu.memory_space<hbm>>) target(%arg13 : memref<100x128xf32, #tpu.memory_space<vmem>>) offsets(%dma_start3A_523 : memref<100xi32, #tpu.memory_space<vmem>>) semaphore(%arg22 : memref<!tpu.dma_semaphore, #tpu.memory_space<semaphore_mem>>)
        } else {
        }
        %convert_element_type3A_441 = arith.extui %and3A_390 : i1 to i32
        %cond3A_442 = arith.constant 0 : i32
        %cond3A_443 = arith.cmpi ne, %convert_element_type3A_441, %cond3A_442 : i32
        scf.if %cond3A_443 {
          %dma_wait3A_511 = arith.constant 0 : i32
          %dma_wait3A_512 = arith.constant 0 : i32
          %dma_wait3A_513 = arith.constant 0 : i32
          %dma_wait3A_514 = tpu.memref_slice %arg16[%dma_wait3A_513] : memref<128xf32, #tpu.memory_space<vmem>> -> memref<100xf32, #tpu.memory_space<vmem>>
          %dma_wait3A_515 = arith.constant 0 : i32
          %dma_wait3A_516 = tpu.memref_slice %arg12[%dma_wait3A_511, %dma_wait3A_512, %dma_wait3A_515] : memref<2x8x100xi32, #tpu.memory_space<vmem>> -> memref<1x1x100xi32, #tpu.memory_space<vmem>>
          %dma_wait3A_517 = tpu.memref_squeeze %dma_wait3A_516 : memref<1x1x100xi32, #tpu.memory_space<vmem>> -> memref<100xi32, #tpu.memory_space<vmem>>
          %dma_wait3A_518 = arith.constant 0 : i32
          %dma_wait3A_519 = tpu.memref_slice %arg20[%dma_wait3A_518] : memref<10240xf32, #tpu.memory_space<vmem_shared>> -> memref<10240xf32, #tpu.memory_space<vmem_shared>>
          tpu.wait_indirect_dma semaphore(%arg24 : memref<!tpu.dma_semaphore, #tpu.memory_space<semaphore_mem>>) src(%dma_wait3A_519 : memref<10240xf32, #tpu.memory_space<vmem_shared>>) dst(%dma_wait3A_514 : memref<100xf32, #tpu.memory_space<vmem>>)
          %dma_start3A_520 = arith.constant 0 : i32
          %dma_start3A_521 = tpu.memref_slice %arg16[%dma_start3A_520] : memref<128xf32, #tpu.memory_space<vmem>> -> memref<100xf32, #tpu.memory_space<vmem>>
          %dma_start3A_522 = arith.constant 0 : i32
          %dma_start3A_523 = tpu.memref_slice %arg11[%rem3A_387, %rem3A_385, %dma_start3A_522] : memref<2x8x100xi32, #tpu.memory_space<vmem>> -> memref<1x1x100xi32, #tpu.memory_space<vmem>>
          %dma_start3A_524 = tpu.memref_squeeze %dma_start3A_523 : memref<1x1x100xi32, #tpu.memory_space<vmem>> -> memref<100xi32, #tpu.memory_space<vmem>>
          %dma_start3A_525 = arith.constant 0 : i32
          %dma_start3A_526 = tpu.memref_slice %arg19[%dma_start3A_525] : memref<10240xf32, #tpu.memory_space<vmem_shared>> -> memref<10240xf32, #tpu.memory_space<vmem_shared>>
          tpu.enqueue_indirect_dma source(%dma_start3A_521 : memref<100xf32, #tpu.memory_space<vmem>>) target(%dma_start3A_526 : memref<10240xf32, #tpu.memory_space<vmem_shared>>) offsets(%dma_start3A_524 : memref<100xi32, #tpu.memory_space<vmem>>) semaphore(%arg25 : memref<!tpu.dma_semaphore, #tpu.memory_space<semaphore_mem>>) {add = true}
        } else {
        }
        %mul3A_444 = arith.constant 3 : i32
        %mul3A_445 = arith.muli %mul3A_444, %scan3A_312 : i32
        %add3A_446 = arith.constant 2 : i32
        %add3A_447 = arith.addi %mul3A_445, %add3A_446 : i32
        %div3A_448 = arith.constant 8 : i32
        %div3A_449 = arith.divsi %add3A_447, %div3A_448 : i32
        %rem3A_450 = arith.constant 8 : i32
        %rem3A_451 = arith.remsi %add3A_447, %rem3A_450 : i32
        %rem3A_452 = arith.constant 2 : i32
        %rem3A_453 = arith.remsi %div3A_449, %rem3A_452 : i32
        %ge3A_454 = arith.cmpi sge, %add3A_447, %mul3A_48 : i32
        %lt3A_455 = arith.cmpi slt, %add3A_447, %add3A_52 : i32
        %and3A_456 = arith.andi %ge3A_454, %lt3A_455 : i1
        %gt3A_457 = arith.cmpi sgt, %add3A_447, %mul3A_48 : i32
        %le3A_458 = arith.cmpi sle, %add3A_447, %add3A_52 : i32
        %and3A_459 = arith.andi %gt3A_457, %le3A_458 : i1
        %convert_element_type3A_460 = arith.extui %and3A_459 : i1 to i32
        %cond3A_461 = arith.constant 0 : i32
        %cond3A_462 = arith.cmpi ne, %convert_element_type3A_460, %cond3A_461 : i32
        scf.if %cond3A_462 {
          %dma_wait3A_511 = arith.constant 0 : i32
          %dma_wait3A_512 = arith.constant 0 : i32
          %dma_wait3A_513 = arith.constant 0 : i32
          %dma_wait3A_514 = tpu.memref_slice %arg16[%dma_wait3A_513] : memref<128xf32, #tpu.memory_space<vmem>> -> memref<100xf32, #tpu.memory_space<vmem>>
          %dma_wait3A_515 = arith.constant 0 : i32
          %dma_wait3A_516 = tpu.memref_slice %arg11[%dma_wait3A_511, %dma_wait3A_512, %dma_wait3A_515] : memref<2x8x100xi32, #tpu.memory_space<vmem>> -> memref<1x1x100xi32, #tpu.memory_space<vmem>>
          %dma_wait3A_517 = tpu.memref_squeeze %dma_wait3A_516 : memref<1x1x100xi32, #tpu.memory_space<vmem>> -> memref<100xi32, #tpu.memory_space<vmem>>
          %dma_wait3A_518 = arith.constant 0 : i32
          %dma_wait3A_519 = tpu.memref_slice %arg19[%dma_wait3A_518] : memref<10240xf32, #tpu.memory_space<vmem_shared>> -> memref<10240xf32, #tpu.memory_space<vmem_shared>>
          tpu.wait_indirect_dma semaphore(%arg25 : memref<!tpu.dma_semaphore, #tpu.memory_space<semaphore_mem>>) src(%dma_wait3A_514 : memref<100xf32, #tpu.memory_space<vmem>>) dst(%dma_wait3A_519 : memref<10240xf32, #tpu.memory_space<vmem_shared>>)
        } else {
        }
        %convert_element_type3A_463 = arith.extui %and3A_456 : i1 to i32
        %cond3A_464 = arith.constant 0 : i32
        %cond3A_465 = arith.cmpi ne, %convert_element_type3A_463, %cond3A_464 : i32
        scf.if %cond3A_465 {
          %dma_start3A_511 = arith.constant 0 : i32
          %dma_start3A_512 = tpu.memref_slice %arg16[%dma_start3A_511] : memref<128xf32, #tpu.memory_space<vmem>> -> memref<100xf32, #tpu.memory_space<vmem>>
          %dma_start3A_513 = arith.constant 0 : i32
          %dma_start3A_514 = tpu.memref_slice %arg12[%rem3A_453, %rem3A_451, %dma_start3A_513] : memref<2x8x100xi32, #tpu.memory_space<vmem>> -> memref<1x1x100xi32, #tpu.memory_space<vmem>>
          %dma_start3A_515 = tpu.memref_squeeze %dma_start3A_514 : memref<1x1x100xi32, #tpu.memory_space<vmem>> -> memref<100xi32, #tpu.memory_space<vmem>>
          %dma_start3A_516 = arith.constant 0 : i32
          %dma_start3A_517 = tpu.memref_slice %arg20[%dma_start3A_516] : memref<10240xf32, #tpu.memory_space<vmem_shared>> -> memref<10240xf32, #tpu.memory_space<vmem_shared>>
          tpu.enqueue_indirect_dma source(%dma_start3A_517 : memref<10240xf32, #tpu.memory_space<vmem_shared>>) target(%dma_start3A_512 : memref<100xf32, #tpu.memory_space<vmem>>) offsets(%dma_start3A_515 : memref<100xi32, #tpu.memory_space<vmem>>) semaphore(%arg24 : memref<!tpu.dma_semaphore, #tpu.memory_space<semaphore_mem>>)
        } else {
        }
        %gt3A_466 = arith.constant 0 : i32
        %gt3A_467 = arith.cmpi sgt, %add3A_447, %gt3A_466 : i32
        %convert_element_type3A_468 = arith.extui %gt3A_467 : i1 to i32
        %cond3A_469 = arith.constant 0 : i32
        %cond3A_470 = arith.cmpi ne, %convert_element_type3A_468, %cond3A_469 : i32
        scf.if %cond3A_470 {
          %dma_wait3A_511 = arith.constant 0 : i32
          %dma_wait3A_512 = arith.constant 0 : i32
          %dma_wait3A_513 = arith.constant 0 : i32
          %dma_wait3A_514 = tpu.memref_slice %arg12[%dma_wait3A_511, %dma_wait3A_512, %dma_wait3A_513] : memref<2x8x100xi32, #tpu.memory_space<vmem>> -> memref<1x1x100xi32, #tpu.memory_space<vmem>>
          %dma_wait3A_515 = tpu.memref_squeeze %dma_wait3A_514 : memref<1x1x100xi32, #tpu.memory_space<vmem>> -> memref<100xi32, #tpu.memory_space<vmem>>
          %dma_wait3A_516 = arith.constant 0 : i32
          %dma_wait3A_517 = arith.constant 0 : i32
          %dma_wait3A_518 = tpu.memref_slice %arg18[%dma_wait3A_516, %dma_wait3A_517] : memref<10240x128xf32, #tpu.memory_space<vmem_shared>> -> memref<10240x128xf32, #tpu.memory_space<vmem_shared>>
          tpu.wait_indirect_dma semaphore(%arg23 : memref<!tpu.dma_semaphore, #tpu.memory_space<semaphore_mem>>) src(%arg13 : memref<100x128xf32, #tpu.memory_space<vmem>>) dst(%dma_wait3A_518 : memref<10240x128xf32, #tpu.memory_space<vmem_shared>>)
        } else {
        }
        %eq3A_471 = arith.constant 0 : i32
        %eq3A_472 = arith.cmpi eq, %rem3A_451, %eq3A_471 : i32
        %gt3A_473 = arith.constant 0 : i32
        %gt3A_474 = arith.cmpi sgt, %add3A_447, %gt3A_473 : i32
        %lt3A_475 = arith.constant 24 : i32
        %lt3A_476 = arith.cmpi slt, %div3A_449, %lt3A_475 : i32
        %and3A_477 = arith.andi %gt3A_474, %lt3A_476 : i1
        %and3A_478 = arith.andi %eq3A_472, %and3A_477 : i1
        %convert_element_type3A_479 = arith.extui %and3A_478 : i1 to i32
        %cond3A_480 = arith.constant 0 : i32
        %cond3A_481 = arith.cmpi ne, %convert_element_type3A_479, %cond3A_480 : i32
        scf.if %cond3A_481 {
          %add3A_511 = arith.constant 1 : i32
          %add3A_512 = arith.addi %div3A_449, %add3A_511 : i32
          %mul3A_513 = arith.constant 8 : i32
          %mul3A_514 = arith.muli %add3A_512, %mul3A_513 : i32
          %sub3A = arith.constant 1 : i32
          %sub3A_515 = arith.subi %sub3A, %rem3A_453 : i32
          %dma_start3A_516 = arith.constant 0 : i32
          %dma_start3A_517 = arith.constant 0 : i32
          %dma_start3A_518 = tpu.memref_slice %arg11[%sub3A_515, %dma_start3A_516, %dma_start3A_517] : memref<2x8x100xi32, #tpu.memory_space<vmem>> -> memref<1x8x100xi32, #tpu.memory_space<vmem>>
          %dma_start3A_519 = tpu.memref_squeeze %dma_start3A_518 : memref<1x8x100xi32, #tpu.memory_space<vmem>> -> memref<8x100xi32, #tpu.memory_space<vmem>>
          %dma_start3A_520 = arith.constant 0 : i32
          %dma_start3A_521 = tpu.memref_slice %arg2[%arg1, %mul3A_514, %dma_start3A_520] : memref<16x200x100xi32, #tpu.memory_space<hbm>> -> memref<1x8x100xi32, #tpu.memory_space<hbm>>
          %dma_start3A_522 = tpu.memref_squeeze %dma_start3A_521 : memref<1x8x100xi32, #tpu.memory_space<hbm>> -> memref<8x100xi32, #tpu.memory_space<hbm>>
          %dma_start3A_523 = arith.constant 0 : i32
          %dma_start3A_524 = arith.constant 0 : i32
          %dma_start3A_525 = tpu.memref_slice %arg11[%sub3A_515, %dma_start3A_523, %dma_start3A_524] : memref<2x8x100xi32, #tpu.memory_space<vmem>> -> memref<1x8x100xi32, #tpu.memory_space<vmem>>
          %dma_start3A_526 = tpu.memref_squeeze %dma_start3A_525 : memref<1x8x100xi32, #tpu.memory_space<vmem>> -> memref<8x100xi32, #tpu.memory_space<vmem>>
          %dma_start3A_527 = arith.constant 0 : i32
          %dma_start3A_528 = tpu.memref_slice %arg2[%arg1, %mul3A_514, %dma_start3A_527] : memref<16x200x100xi32, #tpu.memory_space<hbm>> -> memref<1x8x100xi32, #tpu.memory_space<hbm>>
          %dma_start3A_529 = tpu.memref_squeeze %dma_start3A_528 : memref<1x8x100xi32, #tpu.memory_space<hbm>> -> memref<8x100xi32, #tpu.memory_space<hbm>>
          tpu.enqueue_dma source(%dma_start3A_529 : memref<8x100xi32, #tpu.memory_space<hbm>>) target(%dma_start3A_526 : memref<8x100xi32, #tpu.memory_space<vmem>>) target_semaphore(%arg21 : memref<!tpu.dma_semaphore, #tpu.memory_space<semaphore_mem>>)
          %add3A_530 = arith.constant 1 : i32
          %add3A_531 = arith.addi %div3A_449, %add3A_530 : i32
          %mul3A_532 = arith.constant 8 : i32
          %mul3A_533 = arith.muli %add3A_531, %mul3A_532 : i32
          %sub3A_534 = arith.constant 1 : i32
          %sub3A_535 = arith.subi %sub3A_534, %rem3A_453 : i32
          %dma_start3A_536 = arith.constant 0 : i32
          %dma_start3A_537 = arith.constant 0 : i32
          %dma_start3A_538 = tpu.memref_slice %arg12[%sub3A_535, %dma_start3A_536, %dma_start3A_537] : memref<2x8x100xi32, #tpu.memory_space<vmem>> -> memref<1x8x100xi32, #tpu.memory_space<vmem>>
          %dma_start3A_539 = tpu.memref_squeeze %dma_start3A_538 : memref<1x8x100xi32, #tpu.memory_space<vmem>> -> memref<8x100xi32, #tpu.memory_space<vmem>>
          %dma_start3A_540 = arith.constant 0 : i32
          %dma_start3A_541 = tpu.memref_slice %arg3[%arg1, %mul3A_533, %dma_start3A_540] : memref<16x200x100xi32, #tpu.memory_space<hbm>> -> memref<1x8x100xi32, #tpu.memory_space<hbm>>
          %dma_start3A_542 = tpu.memref_squeeze %dma_start3A_541 : memref<1x8x100xi32, #tpu.memory_space<hbm>> -> memref<8x100xi32, #tpu.memory_space<hbm>>
          %dma_start3A_543 = arith.constant 0 : i32
          %dma_start3A_544 = arith.constant 0 : i32
          %dma_start3A_545 = tpu.memref_slice %arg12[%sub3A_535, %dma_start3A_543, %dma_start3A_544] : memref<2x8x100xi32, #tpu.memory_space<vmem>> -> memref<1x8x100xi32, #tpu.memory_space<vmem>>
          %dma_start3A_546 = tpu.memref_squeeze %dma_start3A_545 : memref<1x8x100xi32, #tpu.memory_space<vmem>> -> memref<8x100xi32, #tpu.memory_space<vmem>>
          %dma_start3A_547 = arith.constant 0 : i32
          %dma_start3A_548 = tpu.memref_slice %arg3[%arg1, %mul3A_533, %dma_start3A_547] : memref<16x200x100xi32, #tpu.memory_space<hbm>> -> memref<1x8x100xi32, #tpu.memory_space<hbm>>
          %dma_start3A_549 = tpu.memref_squeeze %dma_start3A_548 : memref<1x8x100xi32, #tpu.memory_space<hbm>> -> memref<8x100xi32, #tpu.memory_space<hbm>>
          tpu.enqueue_dma source(%dma_start3A_549 : memref<8x100xi32, #tpu.memory_space<hbm>>) target(%dma_start3A_546 : memref<8x100xi32, #tpu.memory_space<vmem>>) target_semaphore(%arg21 : memref<!tpu.dma_semaphore, #tpu.memory_space<semaphore_mem>>)
        } else {
        }
        %eq3A_482 = arith.constant 6 : i32
        %eq3A_483 = arith.cmpi eq, %rem3A_451, %eq3A_482 : i32
        %lt3A_484 = arith.constant 24 : i32
        %lt3A_485 = arith.cmpi slt, %div3A_449, %lt3A_484 : i32
        %and3A_486 = arith.andi %eq3A_483, %lt3A_485 : i1
        %convert_element_type3A_487 = arith.extui %and3A_486 : i1 to i32
        %cond3A_488 = arith.constant 0 : i32
        %cond3A_489 = arith.cmpi ne, %convert_element_type3A_487, %cond3A_488 : i32
        scf.if %cond3A_489 {
          %dma_wait3A_511 = arith.constant 0 : i32
          %dma_wait3A_512 = arith.constant 0 : i32
          %dma_wait3A_513 = arith.constant 0 : i32
          %dma_wait3A_514 = tpu.memref_slice %arg11[%dma_wait3A_511, %dma_wait3A_512, %dma_wait3A_513] : memref<2x8x100xi32, #tpu.memory_space<vmem>> -> memref<1x8x100xi32, #tpu.memory_space<vmem>>
          %dma_wait3A_515 = tpu.memref_squeeze %dma_wait3A_514 : memref<1x8x100xi32, #tpu.memory_space<vmem>> -> memref<8x100xi32, #tpu.memory_space<vmem>>
          %dma_wait3A_516 = arith.constant 0 : i32
          %dma_wait3A_517 = arith.constant 0 : i32
          %dma_wait3A_518 = tpu.memref_slice %arg2[%arg1, %dma_wait3A_516, %dma_wait3A_517] : memref<16x200x100xi32, #tpu.memory_space<hbm>> -> memref<1x8x100xi32, #tpu.memory_space<hbm>>
          %dma_wait3A_519 = tpu.memref_squeeze %dma_wait3A_518 : memref<1x8x100xi32, #tpu.memory_space<hbm>> -> memref<8x100xi32, #tpu.memory_space<hbm>>
          %dma_wait3A_520 = arith.constant 0 : i32
          %dma_wait3A_521 = arith.constant 0 : i32
          %dma_wait3A_522 = tpu.memref_slice %arg11[%dma_wait3A_511, %dma_wait3A_520, %dma_wait3A_521] : memref<2x8x100xi32, #tpu.memory_space<vmem>> -> memref<1x8x100xi32, #tpu.memory_space<vmem>>
          %dma_wait3A_523 = tpu.memref_squeeze %dma_wait3A_522 : memref<1x8x100xi32, #tpu.memory_space<vmem>> -> memref<8x100xi32, #tpu.memory_space<vmem>>
          %dma_wait3A_524 = arith.constant 0 : i32
          %dma_wait3A_525 = arith.constant 0 : i32
          %dma_wait3A_526 = tpu.memref_slice %arg2[%arg1, %dma_wait3A_524, %dma_wait3A_525] : memref<16x200x100xi32, #tpu.memory_space<hbm>> -> memref<1x8x100xi32, #tpu.memory_space<hbm>>
          %dma_wait3A_527 = tpu.memref_squeeze %dma_wait3A_526 : memref<1x8x100xi32, #tpu.memory_space<hbm>> -> memref<8x100xi32, #tpu.memory_space<hbm>>
          tpu.wait_dma2 semaphore(%arg21 : memref<!tpu.dma_semaphore, #tpu.memory_space<semaphore_mem>>) src(%dma_wait3A_527 : memref<8x100xi32, #tpu.memory_space<hbm>>) dst(%dma_wait3A_523 : memref<8x100xi32, #tpu.memory_space<vmem>>)
          %dma_wait3A_528 = arith.constant 0 : i32
          %dma_wait3A_529 = arith.constant 0 : i32
          %dma_wait3A_530 = arith.constant 0 : i32
          %dma_wait3A_531 = tpu.memref_slice %arg12[%dma_wait3A_528, %dma_wait3A_529, %dma_wait3A_530] : memref<2x8x100xi32, #tpu.memory_space<vmem>> -> memref<1x8x100xi32, #tpu.memory_space<vmem>>
          %dma_wait3A_532 = tpu.memref_squeeze %dma_wait3A_531 : memref<1x8x100xi32, #tpu.memory_space<vmem>> -> memref<8x100xi32, #tpu.memory_space<vmem>>
          %dma_wait3A_533 = arith.constant 0 : i32
          %dma_wait3A_534 = arith.constant 0 : i32
          %dma_wait3A_535 = tpu.memref_slice %arg3[%arg1, %dma_wait3A_533, %dma_wait3A_534] : memref<16x200x100xi32, #tpu.memory_space<hbm>> -> memref<1x8x100xi32, #tpu.memory_space<hbm>>
          %dma_wait3A_536 = tpu.memref_squeeze %dma_wait3A_535 : memref<1x8x100xi32, #tpu.memory_space<hbm>> -> memref<8x100xi32, #tpu.memory_space<hbm>>
          %dma_wait3A_537 = arith.constant 0 : i32
          %dma_wait3A_538 = arith.constant 0 : i32
          %dma_wait3A_539 = tpu.memref_slice %arg12[%dma_wait3A_528, %dma_wait3A_537, %dma_wait3A_538] : memref<2x8x100xi32, #tpu.memory_space<vmem>> -> memref<1x8x100xi32, #tpu.memory_space<vmem>>
          %dma_wait3A_540 = tpu.memref_squeeze %dma_wait3A_539 : memref<1x8x100xi32, #tpu.memory_space<vmem>> -> memref<8x100xi32, #tpu.memory_space<vmem>>
          %dma_wait3A_541 = arith.constant 0 : i32
          %dma_wait3A_542 = arith.constant 0 : i32
          %dma_wait3A_543 = tpu.memref_slice %arg3[%arg1, %dma_wait3A_541, %dma_wait3A_542] : memref<16x200x100xi32, #tpu.memory_space<hbm>> -> memref<1x8x100xi32, #tpu.memory_space<hbm>>
          %dma_wait3A_544 = tpu.memref_squeeze %dma_wait3A_543 : memref<1x8x100xi32, #tpu.memory_space<hbm>> -> memref<8x100xi32, #tpu.memory_space<hbm>>
          tpu.wait_dma2 semaphore(%arg21 : memref<!tpu.dma_semaphore, #tpu.memory_space<semaphore_mem>>) src(%dma_wait3A_544 : memref<8x100xi32, #tpu.memory_space<hbm>>) dst(%dma_wait3A_540 : memref<8x100xi32, #tpu.memory_space<vmem>>)
        } else {
        }
        %dma_wait3A_490 = arith.constant 0 : i32
        %dma_wait3A_491 = tpu.memref_slice %arg11[%rem3A_453, %rem3A_451, %dma_wait3A_490] : memref<2x8x100xi32, #tpu.memory_space<vmem>> -> memref<1x1x100xi32, #tpu.memory_space<vmem>>
        %dma_wait3A_492 = tpu.memref_squeeze %dma_wait3A_491 : memref<1x1x100xi32, #tpu.memory_space<vmem>> -> memref<100xi32, #tpu.memory_space<vmem>>
        %dma_wait3A_493 = arith.constant 0 : i32
        %dma_wait3A_494 = arith.constant 0 : i32
        %dma_wait3A_495 = tpu.memref_slice %arg6[%dma_wait3A_493, %dma_wait3A_494] : memref<10240x128xf32, #tpu.memory_space<hbm>> -> memref<10240x128xf32, #tpu.memory_space<hbm>>
        tpu.wait_indirect_dma semaphore(%arg22 : memref<!tpu.dma_semaphore, #tpu.memory_space<semaphore_mem>>) src(%dma_wait3A_495 : memref<10240x128xf32, #tpu.memory_space<hbm>>) dst(%arg15 : memref<100x128xf32, #tpu.memory_space<vmem>>)
        %dma_start3A_496 = arith.constant 0 : i32
        %dma_start3A_497 = tpu.memref_slice %arg12[%rem3A_453, %rem3A_451, %dma_start3A_496] : memref<2x8x100xi32, #tpu.memory_space<vmem>> -> memref<1x1x100xi32, #tpu.memory_space<vmem>>
        %dma_start3A_498 = tpu.memref_squeeze %dma_start3A_497 : memref<1x1x100xi32, #tpu.memory_space<vmem>> -> memref<100xi32, #tpu.memory_space<vmem>>
        %dma_start3A_499 = arith.constant 0 : i32
        %dma_start3A_500 = arith.constant 0 : i32
        %dma_start3A_501 = tpu.memref_slice %arg18[%dma_start3A_499, %dma_start3A_500] : memref<10240x128xf32, #tpu.memory_space<vmem_shared>> -> memref<10240x128xf32, #tpu.memory_space<vmem_shared>>
        tpu.enqueue_indirect_dma source(%arg15 : memref<100x128xf32, #tpu.memory_space<vmem>>) target(%dma_start3A_501 : memref<10240x128xf32, #tpu.memory_space<vmem_shared>>) offsets(%dma_start3A_498 : memref<100xi32, #tpu.memory_space<vmem>>) semaphore(%arg23 : memref<!tpu.dma_semaphore, #tpu.memory_space<semaphore_mem>>) {add = true}
        %lt3A_502 = arith.constant 198 : i32
        %lt3A_503 = arith.cmpi slt, %add3A_447, %lt3A_502 : i32
        %convert_element_type3A_504 = arith.extui %lt3A_503 : i1 to i32
        %cond3A_505 = arith.constant 0 : i32
        %cond3A_506 = arith.cmpi ne, %convert_element_type3A_504, %cond3A_505 : i32
        scf.if %cond3A_506 {
          %add3A_511 = arith.constant 2 : i32
          %add3A_512 = arith.addi %add3A_447, %add3A_511 : i32
          %div3A_513 = arith.constant 8 : i32
          %div3A_514 = arith.divsi %add3A_512, %div3A_513 : i32
          %rem3A_515 = arith.constant 2 : i32
          %rem3A_516 = arith.remsi %div3A_514, %rem3A_515 : i32
          %add3A_517 = arith.constant 2 : i32
          %add3A_518 = arith.addi %add3A_447, %add3A_517 : i32
          %rem3A_519 = arith.constant 8 : i32
          %rem3A_520 = arith.remsi %add3A_518, %rem3A_519 : i32
          %dma_start3A_521 = arith.constant 0 : i32
          %dma_start3A_522 = tpu.memref_slice %arg11[%rem3A_516, %rem3A_520, %dma_start3A_521] : memref<2x8x100xi32, #tpu.memory_space<vmem>> -> memref<1x1x100xi32, #tpu.memory_space<vmem>>
          %dma_start3A_523 = tpu.memref_squeeze %dma_start3A_522 : memref<1x1x100xi32, #tpu.memory_space<vmem>> -> memref<100xi32, #tpu.memory_space<vmem>>
          %dma_start3A_524 = arith.constant 0 : i32
          %dma_start3A_525 = arith.constant 0 : i32
          %dma_start3A_526 = tpu.memref_slice %arg6[%dma_start3A_524, %dma_start3A_525] : memref<10240x128xf32, #tpu.memory_space<hbm>> -> memref<10240x128xf32, #tpu.memory_space<hbm>>
          tpu.enqueue_indirect_dma source(%dma_start3A_526 : memref<10240x128xf32, #tpu.memory_space<hbm>>) target(%arg14 : memref<100x128xf32, #tpu.memory_space<vmem>>) offsets(%dma_start3A_523 : memref<100xi32, #tpu.memory_space<vmem>>) semaphore(%arg22 : memref<!tpu.dma_semaphore, #tpu.memory_space<semaphore_mem>>)
        } else {
        }
        %convert_element_type3A_507 = arith.extui %and3A_456 : i1 to i32
        %cond3A_508 = arith.constant 0 : i32
        %cond3A_509 = arith.cmpi ne, %convert_element_type3A_507, %cond3A_508 : i32
        scf.if %cond3A_509 {
          %dma_wait3A_511 = arith.constant 0 : i32
          %dma_wait3A_512 = arith.constant 0 : i32
          %dma_wait3A_513 = arith.constant 0 : i32
          %dma_wait3A_514 = tpu.memref_slice %arg16[%dma_wait3A_513] : memref<128xf32, #tpu.memory_space<vmem>> -> memref<100xf32, #tpu.memory_space<vmem>>
          %dma_wait3A_515 = arith.constant 0 : i32
          %dma_wait3A_516 = tpu.memref_slice %arg12[%dma_wait3A_511, %dma_wait3A_512, %dma_wait3A_515] : memref<2x8x100xi32, #tpu.memory_space<vmem>> -> memref<1x1x100xi32, #tpu.memory_space<vmem>>
          %dma_wait3A_517 = tpu.memref_squeeze %dma_wait3A_516 : memref<1x1x100xi32, #tpu.memory_space<vmem>> -> memref<100xi32, #tpu.memory_space<vmem>>
          %dma_wait3A_518 = arith.constant 0 : i32
          %dma_wait3A_519 = tpu.memref_slice %arg20[%dma_wait3A_518] : memref<10240xf32, #tpu.memory_space<vmem_shared>> -> memref<10240xf32, #tpu.memory_space<vmem_shared>>
          tpu.wait_indirect_dma semaphore(%arg24 : memref<!tpu.dma_semaphore, #tpu.memory_space<semaphore_mem>>) src(%dma_wait3A_519 : memref<10240xf32, #tpu.memory_space<vmem_shared>>) dst(%dma_wait3A_514 : memref<100xf32, #tpu.memory_space<vmem>>)
          %dma_start3A_520 = arith.constant 0 : i32
          %dma_start3A_521 = tpu.memref_slice %arg16[%dma_start3A_520] : memref<128xf32, #tpu.memory_space<vmem>> -> memref<100xf32, #tpu.memory_space<vmem>>
          %dma_start3A_522 = arith.constant 0 : i32
          %dma_start3A_523 = tpu.memref_slice %arg11[%rem3A_453, %rem3A_451, %dma_start3A_522] : memref<2x8x100xi32, #tpu.memory_space<vmem>> -> memref<1x1x100xi32, #tpu.memory_space<vmem>>
          %dma_start3A_524 = tpu.memref_squeeze %dma_start3A_523 : memref<1x1x100xi32, #tpu.memory_space<vmem>> -> memref<100xi32, #tpu.memory_space<vmem>>
          %dma_start3A_525 = arith.constant 0 : i32
          %dma_start3A_526 = tpu.memref_slice %arg19[%dma_start3A_525] : memref<10240xf32, #tpu.memory_space<vmem_shared>> -> memref<10240xf32, #tpu.memory_space<vmem_shared>>
          tpu.enqueue_indirect_dma source(%dma_start3A_521 : memref<100xf32, #tpu.memory_space<vmem>>) target(%dma_start3A_526 : memref<10240xf32, #tpu.memory_space<vmem_shared>>) offsets(%dma_start3A_524 : memref<100xi32, #tpu.memory_space<vmem>>) semaphore(%arg25 : memref<!tpu.dma_semaphore, #tpu.memory_space<semaphore_mem>>) {add = true}
        } else {
        }
        %scan3A_510 = arith.constant 0 : i32
        scf.yield %scan3A_510 : i32
      }
      %scan3A_175 = arith.constant 66 : i32
      %div3A = arith.constant 198 : i32
      %div3A_176 = arith.constant 8 : i32
      %div3A_177 = arith.divsi %div3A, %div3A_176 : i32
      %rem3A = arith.constant 198 : i32
      %rem3A_178 = arith.constant 8 : i32
      %rem3A_179 = arith.remsi %rem3A, %rem3A_178 : i32
      %rem3A_180 = arith.constant 2 : i32
      %rem3A_181 = arith.remsi %div3A_177, %rem3A_180 : i32
      %le3A = arith.constant 198 : i32
      %le3A_182 = arith.cmpi sle, %mul3A_48, %le3A : i32
      %gt3A = arith.constant 198 : i32
      %gt3A_183 = arith.cmpi sgt, %add3A_52, %gt3A : i32
      %and3A = arith.andi %le3A_182, %gt3A_183 : i1
      %lt3A = arith.constant 198 : i32
      %lt3A_184 = arith.cmpi slt, %mul3A_48, %lt3A : i32
      %ge3A = arith.constant 198 : i32
      %ge3A_185 = arith.cmpi sge, %add3A_52, %ge3A : i32
      %and3A_186 = arith.andi %lt3A_184, %ge3A_185 : i1
      %convert_element_type3A_187 = arith.extui %and3A_186 : i1 to i32
      %cond3A_188 = arith.constant 0 : i32
      %cond3A_189 = arith.cmpi ne, %convert_element_type3A_187, %cond3A_188 : i32
      scf.if %cond3A_189 {
        %dma_wait3A_312 = arith.constant 0 : i32
        %dma_wait3A_313 = arith.constant 0 : i32
        %dma_wait3A_314 = arith.constant 0 : i32
        %dma_wait3A_315 = tpu.memref_slice %arg16[%dma_wait3A_314] : memref<128xf32, #tpu.memory_space<vmem>> -> memref<100xf32, #tpu.memory_space<vmem>>
        %dma_wait3A_316 = arith.constant 0 : i32
        %dma_wait3A_317 = tpu.memref_slice %arg11[%dma_wait3A_312, %dma_wait3A_313, %dma_wait3A_316] : memref<2x8x100xi32, #tpu.memory_space<vmem>> -> memref<1x1x100xi32, #tpu.memory_space<vmem>>
        %dma_wait3A_318 = tpu.memref_squeeze %dma_wait3A_317 : memref<1x1x100xi32, #tpu.memory_space<vmem>> -> memref<100xi32, #tpu.memory_space<vmem>>
        %dma_wait3A_319 = arith.constant 0 : i32
        %dma_wait3A_320 = tpu.memref_slice %arg19[%dma_wait3A_319] : memref<10240xf32, #tpu.memory_space<vmem_shared>> -> memref<10240xf32, #tpu.memory_space<vmem_shared>>
        tpu.wait_indirect_dma semaphore(%arg25 : memref<!tpu.dma_semaphore, #tpu.memory_space<semaphore_mem>>) src(%dma_wait3A_315 : memref<100xf32, #tpu.memory_space<vmem>>) dst(%dma_wait3A_320 : memref<10240xf32, #tpu.memory_space<vmem_shared>>)
      } else {
      }
      %convert_element_type3A_190 = arith.extui %and3A : i1 to i32
      %cond3A_191 = arith.constant 0 : i32
      %cond3A_192 = arith.cmpi ne, %convert_element_type3A_190, %cond3A_191 : i32
      scf.if %cond3A_192 {
        %dma_start3A_312 = arith.constant 0 : i32
        %dma_start3A_313 = tpu.memref_slice %arg16[%dma_start3A_312] : memref<128xf32, #tpu.memory_space<vmem>> -> memref<100xf32, #tpu.memory_space<vmem>>
        %dma_start3A_314 = arith.constant 0 : i32
        %dma_start3A_315 = tpu.memref_slice %arg12[%rem3A_181, %rem3A_179, %dma_start3A_314] : memref<2x8x100xi32, #tpu.memory_space<vmem>> -> memref<1x1x100xi32, #tpu.memory_space<vmem>>
        %dma_start3A_316 = tpu.memref_squeeze %dma_start3A_315 : memref<1x1x100xi32, #tpu.memory_space<vmem>> -> memref<100xi32, #tpu.memory_space<vmem>>
        %dma_start3A_317 = arith.constant 0 : i32
        %dma_start3A_318 = tpu.memref_slice %arg20[%dma_start3A_317] : memref<10240xf32, #tpu.memory_space<vmem_shared>> -> memref<10240xf32, #tpu.memory_space<vmem_shared>>
        tpu.enqueue_indirect_dma source(%dma_start3A_318 : memref<10240xf32, #tpu.memory_space<vmem_shared>>) target(%dma_start3A_313 : memref<100xf32, #tpu.memory_space<vmem>>) offsets(%dma_start3A_316 : memref<100xi32, #tpu.memory_space<vmem>>) semaphore(%arg24 : memref<!tpu.dma_semaphore, #tpu.memory_space<semaphore_mem>>)
      } else {
      }
      %dma_wait3A_193 = arith.constant 0 : i32
      %dma_wait3A_194 = arith.constant 0 : i32
      %dma_wait3A_195 = arith.constant 0 : i32
      %dma_wait3A_196 = tpu.memref_slice %arg12[%dma_wait3A_193, %dma_wait3A_194, %dma_wait3A_195] : memref<2x8x100xi32, #tpu.memory_space<vmem>> -> memref<1x1x100xi32, #tpu.memory_space<vmem>>
      %dma_wait3A_197 = tpu.memref_squeeze %dma_wait3A_196 : memref<1x1x100xi32, #tpu.memory_space<vmem>> -> memref<100xi32, #tpu.memory_space<vmem>>
      %dma_wait3A_198 = arith.constant 0 : i32
      %dma_wait3A_199 = arith.constant 0 : i32
      %dma_wait3A_200 = tpu.memref_slice %arg18[%dma_wait3A_198, %dma_wait3A_199] : memref<10240x128xf32, #tpu.memory_space<vmem_shared>> -> memref<10240x128xf32, #tpu.memory_space<vmem_shared>>
      tpu.wait_indirect_dma semaphore(%arg23 : memref<!tpu.dma_semaphore, #tpu.memory_space<semaphore_mem>>) src(%arg13 : memref<100x128xf32, #tpu.memory_space<vmem>>) dst(%dma_wait3A_200 : memref<10240x128xf32, #tpu.memory_space<vmem_shared>>)
      %eq3A_201 = arith.constant 0 : i32
      %eq3A_202 = arith.cmpi eq, %rem3A_179, %eq3A_201 : i32
      %lt3A_203 = arith.constant 24 : i32
      %lt3A_204 = arith.cmpi slt, %div3A_177, %lt3A_203 : i32
      %and3A_205 = arith.constant true
      %and3A_206 = arith.andi %and3A_205, %lt3A_204 : i1
      %and3A_207 = arith.andi %eq3A_202, %and3A_206 : i1
      %convert_element_type3A_208 = arith.extui %and3A_207 : i1 to i32
      %cond3A_209 = arith.constant 0 : i32
      %cond3A_210 = arith.cmpi ne, %convert_element_type3A_208, %cond3A_209 : i32
      scf.if %cond3A_210 {
        %add3A_312 = arith.constant 1 : i32
        %add3A_313 = arith.addi %div3A_177, %add3A_312 : i32
        %mul3A_314 = arith.constant 8 : i32
        %mul3A_315 = arith.muli %add3A_313, %mul3A_314 : i32
        %sub3A = arith.constant 1 : i32
        %sub3A_316 = arith.subi %sub3A, %rem3A_181 : i32
        %dma_start3A_317 = arith.constant 0 : i32
        %dma_start3A_318 = arith.constant 0 : i32
        %dma_start3A_319 = tpu.memref_slice %arg11[%sub3A_316, %dma_start3A_317, %dma_start3A_318] : memref<2x8x100xi32, #tpu.memory_space<vmem>> -> memref<1x8x100xi32, #tpu.memory_space<vmem>>
        %dma_start3A_320 = tpu.memref_squeeze %dma_start3A_319 : memref<1x8x100xi32, #tpu.memory_space<vmem>> -> memref<8x100xi32, #tpu.memory_space<vmem>>
        %dma_start3A_321 = arith.constant 0 : i32
        %dma_start3A_322 = tpu.memref_slice %arg2[%arg1, %mul3A_315, %dma_start3A_321] : memref<16x200x100xi32, #tpu.memory_space<hbm>> -> memref<1x8x100xi32, #tpu.memory_space<hbm>>
        %dma_start3A_323 = tpu.memref_squeeze %dma_start3A_322 : memref<1x8x100xi32, #tpu.memory_space<hbm>> -> memref<8x100xi32, #tpu.memory_space<hbm>>
        %dma_start3A_324 = arith.constant 0 : i32
        %dma_start3A_325 = arith.constant 0 : i32
        %dma_start3A_326 = tpu.memref_slice %arg11[%sub3A_316, %dma_start3A_324, %dma_start3A_325] : memref<2x8x100xi32, #tpu.memory_space<vmem>> -> memref<1x8x100xi32, #tpu.memory_space<vmem>>
        %dma_start3A_327 = tpu.memref_squeeze %dma_start3A_326 : memref<1x8x100xi32, #tpu.memory_space<vmem>> -> memref<8x100xi32, #tpu.memory_space<vmem>>
        %dma_start3A_328 = arith.constant 0 : i32
        %dma_start3A_329 = tpu.memref_slice %arg2[%arg1, %mul3A_315, %dma_start3A_328] : memref<16x200x100xi32, #tpu.memory_space<hbm>> -> memref<1x8x100xi32, #tpu.memory_space<hbm>>
        %dma_start3A_330 = tpu.memref_squeeze %dma_start3A_329 : memref<1x8x100xi32, #tpu.memory_space<hbm>> -> memref<8x100xi32, #tpu.memory_space<hbm>>
        tpu.enqueue_dma source(%dma_start3A_330 : memref<8x100xi32, #tpu.memory_space<hbm>>) target(%dma_start3A_327 : memref<8x100xi32, #tpu.memory_space<vmem>>) target_semaphore(%arg21 : memref<!tpu.dma_semaphore, #tpu.memory_space<semaphore_mem>>)
        %add3A_331 = arith.constant 1 : i32
        %add3A_332 = arith.addi %div3A_177, %add3A_331 : i32
        %mul3A_333 = arith.constant 8 : i32
        %mul3A_334 = arith.muli %add3A_332, %mul3A_333 : i32
        %sub3A_335 = arith.constant 1 : i32
        %sub3A_336 = arith.subi %sub3A_335, %rem3A_181 : i32
        %dma_start3A_337 = arith.constant 0 : i32
        %dma_start3A_338 = arith.constant 0 : i32
        %dma_start3A_339 = tpu.memref_slice %arg12[%sub3A_336, %dma_start3A_337, %dma_start3A_338] : memref<2x8x100xi32, #tpu.memory_space<vmem>> -> memref<1x8x100xi32, #tpu.memory_space<vmem>>
        %dma_start3A_340 = tpu.memref_squeeze %dma_start3A_339 : memref<1x8x100xi32, #tpu.memory_space<vmem>> -> memref<8x100xi32, #tpu.memory_space<vmem>>
        %dma_start3A_341 = arith.constant 0 : i32
        %dma_start3A_342 = tpu.memref_slice %arg3[%arg1, %mul3A_334, %dma_start3A_341] : memref<16x200x100xi32, #tpu.memory_space<hbm>> -> memref<1x8x100xi32, #tpu.memory_space<hbm>>
        %dma_start3A_343 = tpu.memref_squeeze %dma_start3A_342 : memref<1x8x100xi32, #tpu.memory_space<hbm>> -> memref<8x100xi32, #tpu.memory_space<hbm>>
        %dma_start3A_344 = arith.constant 0 : i32
        %dma_start3A_345 = arith.constant 0 : i32
        %dma_start3A_346 = tpu.memref_slice %arg12[%sub3A_336, %dma_start3A_344, %dma_start3A_345] : memref<2x8x100xi32, #tpu.memory_space<vmem>> -> memref<1x8x100xi32, #tpu.memory_space<vmem>>
        %dma_start3A_347 = tpu.memref_squeeze %dma_start3A_346 : memref<1x8x100xi32, #tpu.memory_space<vmem>> -> memref<8x100xi32, #tpu.memory_space<vmem>>
        %dma_start3A_348 = arith.constant 0 : i32
        %dma_start3A_349 = tpu.memref_slice %arg3[%arg1, %mul3A_334, %dma_start3A_348] : memref<16x200x100xi32, #tpu.memory_space<hbm>> -> memref<1x8x100xi32, #tpu.memory_space<hbm>>
        %dma_start3A_350 = tpu.memref_squeeze %dma_start3A_349 : memref<1x8x100xi32, #tpu.memory_space<hbm>> -> memref<8x100xi32, #tpu.memory_space<hbm>>
        tpu.enqueue_dma source(%dma_start3A_350 : memref<8x100xi32, #tpu.memory_space<hbm>>) target(%dma_start3A_347 : memref<8x100xi32, #tpu.memory_space<vmem>>) target_semaphore(%arg21 : memref<!tpu.dma_semaphore, #tpu.memory_space<semaphore_mem>>)
      } else {
      }
      %eq3A_211 = arith.constant 6 : i32
      %eq3A_212 = arith.cmpi eq, %rem3A_179, %eq3A_211 : i32
      %lt3A_213 = arith.constant 24 : i32
      %lt3A_214 = arith.cmpi slt, %div3A_177, %lt3A_213 : i32
      %and3A_215 = arith.andi %eq3A_212, %lt3A_214 : i1
      %convert_element_type3A_216 = arith.extui %and3A_215 : i1 to i32
      %cond3A_217 = arith.constant 0 : i32
      %cond3A_218 = arith.cmpi ne, %convert_element_type3A_216, %cond3A_217 : i32
      scf.if %cond3A_218 {
        %dma_wait3A_312 = arith.constant 0 : i32
        %dma_wait3A_313 = arith.constant 0 : i32
        %dma_wait3A_314 = arith.constant 0 : i32
        %dma_wait3A_315 = tpu.memref_slice %arg11[%dma_wait3A_312, %dma_wait3A_313, %dma_wait3A_314] : memref<2x8x100xi32, #tpu.memory_space<vmem>> -> memref<1x8x100xi32, #tpu.memory_space<vmem>>
        %dma_wait3A_316 = tpu.memref_squeeze %dma_wait3A_315 : memref<1x8x100xi32, #tpu.memory_space<vmem>> -> memref<8x100xi32, #tpu.memory_space<vmem>>
        %dma_wait3A_317 = arith.constant 0 : i32
        %dma_wait3A_318 = arith.constant 0 : i32
        %dma_wait3A_319 = tpu.memref_slice %arg2[%arg1, %dma_wait3A_317, %dma_wait3A_318] : memref<16x200x100xi32, #tpu.memory_space<hbm>> -> memref<1x8x100xi32, #tpu.memory_space<hbm>>
        %dma_wait3A_320 = tpu.memref_squeeze %dma_wait3A_319 : memref<1x8x100xi32, #tpu.memory_space<hbm>> -> memref<8x100xi32, #tpu.memory_space<hbm>>
        %dma_wait3A_321 = arith.constant 0 : i32
        %dma_wait3A_322 = arith.constant 0 : i32
        %dma_wait3A_323 = tpu.memref_slice %arg11[%dma_wait3A_312, %dma_wait3A_321, %dma_wait3A_322] : memref<2x8x100xi32, #tpu.memory_space<vmem>> -> memref<1x8x100xi32, #tpu.memory_space<vmem>>
        %dma_wait3A_324 = tpu.memref_squeeze %dma_wait3A_323 : memref<1x8x100xi32, #tpu.memory_space<vmem>> -> memref<8x100xi32, #tpu.memory_space<vmem>>
        %dma_wait3A_325 = arith.constant 0 : i32
        %dma_wait3A_326 = arith.constant 0 : i32
        %dma_wait3A_327 = tpu.memref_slice %arg2[%arg1, %dma_wait3A_325, %dma_wait3A_326] : memref<16x200x100xi32, #tpu.memory_space<hbm>> -> memref<1x8x100xi32, #tpu.memory_space<hbm>>
        %dma_wait3A_328 = tpu.memref_squeeze %dma_wait3A_327 : memref<1x8x100xi32, #tpu.memory_space<hbm>> -> memref<8x100xi32, #tpu.memory_space<hbm>>
        tpu.wait_dma2 semaphore(%arg21 : memref<!tpu.dma_semaphore, #tpu.memory_space<semaphore_mem>>) src(%dma_wait3A_328 : memref<8x100xi32, #tpu.memory_space<hbm>>) dst(%dma_wait3A_324 : memref<8x100xi32, #tpu.memory_space<vmem>>)
        %dma_wait3A_329 = arith.constant 0 : i32
        %dma_wait3A_330 = arith.constant 0 : i32
        %dma_wait3A_331 = arith.constant 0 : i32
        %dma_wait3A_332 = tpu.memref_slice %arg12[%dma_wait3A_329, %dma_wait3A_330, %dma_wait3A_331] : memref<2x8x100xi32, #tpu.memory_space<vmem>> -> memref<1x8x100xi32, #tpu.memory_space<vmem>>
        %dma_wait3A_333 = tpu.memref_squeeze %dma_wait3A_332 : memref<1x8x100xi32, #tpu.memory_space<vmem>> -> memref<8x100xi32, #tpu.memory_space<vmem>>
        %dma_wait3A_334 = arith.constant 0 : i32
        %dma_wait3A_335 = arith.constant 0 : i32
        %dma_wait3A_336 = tpu.memref_slice %arg3[%arg1, %dma_wait3A_334, %dma_wait3A_335] : memref<16x200x100xi32, #tpu.memory_space<hbm>> -> memref<1x8x100xi32, #tpu.memory_space<hbm>>
        %dma_wait3A_337 = tpu.memref_squeeze %dma_wait3A_336 : memref<1x8x100xi32, #tpu.memory_space<hbm>> -> memref<8x100xi32, #tpu.memory_space<hbm>>
        %dma_wait3A_338 = arith.constant 0 : i32
        %dma_wait3A_339 = arith.constant 0 : i32
        %dma_wait3A_340 = tpu.memref_slice %arg12[%dma_wait3A_329, %dma_wait3A_338, %dma_wait3A_339] : memref<2x8x100xi32, #tpu.memory_space<vmem>> -> memref<1x8x100xi32, #tpu.memory_space<vmem>>
        %dma_wait3A_341 = tpu.memref_squeeze %dma_wait3A_340 : memref<1x8x100xi32, #tpu.memory_space<vmem>> -> memref<8x100xi32, #tpu.memory_space<vmem>>
        %dma_wait3A_342 = arith.constant 0 : i32
        %dma_wait3A_343 = arith.constant 0 : i32
        %dma_wait3A_344 = tpu.memref_slice %arg3[%arg1, %dma_wait3A_342, %dma_wait3A_343] : memref<16x200x100xi32, #tpu.memory_space<hbm>> -> memref<1x8x100xi32, #tpu.memory_space<hbm>>
        %dma_wait3A_345 = tpu.memref_squeeze %dma_wait3A_344 : memref<1x8x100xi32, #tpu.memory_space<hbm>> -> memref<8x100xi32, #tpu.memory_space<hbm>>
        tpu.wait_dma2 semaphore(%arg21 : memref<!tpu.dma_semaphore, #tpu.memory_space<semaphore_mem>>) src(%dma_wait3A_345 : memref<8x100xi32, #tpu.memory_space<hbm>>) dst(%dma_wait3A_341 : memref<8x100xi32, #tpu.memory_space<vmem>>)
      } else {
      }
      %dma_wait3A_219 = arith.constant 0 : i32
      %dma_wait3A_220 = tpu.memref_slice %arg11[%rem3A_181, %rem3A_179, %dma_wait3A_219] : memref<2x8x100xi32, #tpu.memory_space<vmem>> -> memref<1x1x100xi32, #tpu.memory_space<vmem>>
      %dma_wait3A_221 = tpu.memref_squeeze %dma_wait3A_220 : memref<1x1x100xi32, #tpu.memory_space<vmem>> -> memref<100xi32, #tpu.memory_space<vmem>>
      %dma_wait3A_222 = arith.constant 0 : i32
      %dma_wait3A_223 = arith.constant 0 : i32
      %dma_wait3A_224 = tpu.memref_slice %arg6[%dma_wait3A_222, %dma_wait3A_223] : memref<10240x128xf32, #tpu.memory_space<hbm>> -> memref<10240x128xf32, #tpu.memory_space<hbm>>
      tpu.wait_indirect_dma semaphore(%arg22 : memref<!tpu.dma_semaphore, #tpu.memory_space<semaphore_mem>>) src(%dma_wait3A_224 : memref<10240x128xf32, #tpu.memory_space<hbm>>) dst(%arg13 : memref<100x128xf32, #tpu.memory_space<vmem>>)
      %dma_start3A_225 = arith.constant 0 : i32
      %dma_start3A_226 = tpu.memref_slice %arg12[%rem3A_181, %rem3A_179, %dma_start3A_225] : memref<2x8x100xi32, #tpu.memory_space<vmem>> -> memref<1x1x100xi32, #tpu.memory_space<vmem>>
      %dma_start3A_227 = tpu.memref_squeeze %dma_start3A_226 : memref<1x1x100xi32, #tpu.memory_space<vmem>> -> memref<100xi32, #tpu.memory_space<vmem>>
      %dma_start3A_228 = arith.constant 0 : i32
      %dma_start3A_229 = arith.constant 0 : i32
      %dma_start3A_230 = tpu.memref_slice %arg18[%dma_start3A_228, %dma_start3A_229] : memref<10240x128xf32, #tpu.memory_space<vmem_shared>> -> memref<10240x128xf32, #tpu.memory_space<vmem_shared>>
      tpu.enqueue_indirect_dma source(%arg13 : memref<100x128xf32, #tpu.memory_space<vmem>>) target(%dma_start3A_230 : memref<10240x128xf32, #tpu.memory_space<vmem_shared>>) offsets(%dma_start3A_227 : memref<100xi32, #tpu.memory_space<vmem>>) semaphore(%arg23 : memref<!tpu.dma_semaphore, #tpu.memory_space<semaphore_mem>>) {add = true}
      %convert_element_type3A_231 = arith.extui %and3A : i1 to i32
      %cond3A_232 = arith.constant 0 : i32
      %cond3A_233 = arith.cmpi ne, %convert_element_type3A_231, %cond3A_232 : i32
      scf.if %cond3A_233 {
        %dma_wait3A_312 = arith.constant 0 : i32
        %dma_wait3A_313 = arith.constant 0 : i32
        %dma_wait3A_314 = arith.constant 0 : i32
        %dma_wait3A_315 = tpu.memref_slice %arg16[%dma_wait3A_314] : memref<128xf32, #tpu.memory_space<vmem>> -> memref<100xf32, #tpu.memory_space<vmem>>
        %dma_wait3A_316 = arith.constant 0 : i32
        %dma_wait3A_317 = tpu.memref_slice %arg12[%dma_wait3A_312, %dma_wait3A_313, %dma_wait3A_316] : memref<2x8x100xi32, #tpu.memory_space<vmem>> -> memref<1x1x100xi32, #tpu.memory_space<vmem>>
        %dma_wait3A_318 = tpu.memref_squeeze %dma_wait3A_317 : memref<1x1x100xi32, #tpu.memory_space<vmem>> -> memref<100xi32, #tpu.memory_space<vmem>>
        %dma_wait3A_319 = arith.constant 0 : i32
        %dma_wait3A_320 = tpu.memref_slice %arg20[%dma_wait3A_319] : memref<10240xf32, #tpu.memory_space<vmem_shared>> -> memref<10240xf32, #tpu.memory_space<vmem_shared>>
        tpu.wait_indirect_dma semaphore(%arg24 : memref<!tpu.dma_semaphore, #tpu.memory_space<semaphore_mem>>) src(%dma_wait3A_320 : memref<10240xf32, #tpu.memory_space<vmem_shared>>) dst(%dma_wait3A_315 : memref<100xf32, #tpu.memory_space<vmem>>)
        %dma_start3A_321 = arith.constant 0 : i32
        %dma_start3A_322 = tpu.memref_slice %arg16[%dma_start3A_321] : memref<128xf32, #tpu.memory_space<vmem>> -> memref<100xf32, #tpu.memory_space<vmem>>
        %dma_start3A_323 = arith.constant 0 : i32
        %dma_start3A_324 = tpu.memref_slice %arg11[%rem3A_181, %rem3A_179, %dma_start3A_323] : memref<2x8x100xi32, #tpu.memory_space<vmem>> -> memref<1x1x100xi32, #tpu.memory_space<vmem>>
        %dma_start3A_325 = tpu.memref_squeeze %dma_start3A_324 : memref<1x1x100xi32, #tpu.memory_space<vmem>> -> memref<100xi32, #tpu.memory_space<vmem>>
        %dma_start3A_326 = arith.constant 0 : i32
        %dma_start3A_327 = tpu.memref_slice %arg19[%dma_start3A_326] : memref<10240xf32, #tpu.memory_space<vmem_shared>> -> memref<10240xf32, #tpu.memory_space<vmem_shared>>
        tpu.enqueue_indirect_dma source(%dma_start3A_322 : memref<100xf32, #tpu.memory_space<vmem>>) target(%dma_start3A_327 : memref<10240xf32, #tpu.memory_space<vmem_shared>>) offsets(%dma_start3A_325 : memref<100xi32, #tpu.memory_space<vmem>>) semaphore(%arg25 : memref<!tpu.dma_semaphore, #tpu.memory_space<semaphore_mem>>) {add = true}
      } else {
      }
      %div3A_234 = arith.constant 199 : i32
      %div3A_235 = arith.constant 8 : i32
      %div3A_236 = arith.divsi %div3A_234, %div3A_235 : i32
      %rem3A_237 = arith.constant 199 : i32
      %rem3A_238 = arith.constant 8 : i32
      %rem3A_239 = arith.remsi %rem3A_237, %rem3A_238 : i32
      %rem3A_240 = arith.constant 2 : i32
      %rem3A_241 = arith.remsi %div3A_236, %rem3A_240 : i32
      %le3A_242 = arith.constant 199 : i32
      %le3A_243 = arith.cmpi sle, %mul3A_48, %le3A_242 : i32
      %gt3A_244 = arith.constant 199 : i32
      %gt3A_245 = arith.cmpi sgt, %add3A_52, %gt3A_244 : i32
      %and3A_246 = arith.andi %le3A_243, %gt3A_245 : i1
      %lt3A_247 = arith.constant 199 : i32
      %lt3A_248 = arith.cmpi slt, %mul3A_48, %lt3A_247 : i32
      %ge3A_249 = arith.constant 199 : i32
      %ge3A_250 = arith.cmpi sge, %add3A_52, %ge3A_249 : i32
      %and3A_251 = arith.andi %lt3A_248, %ge3A_250 : i1
      %convert_element_type3A_252 = arith.extui %and3A_251 : i1 to i32
      %cond3A_253 = arith.constant 0 : i32
      %cond3A_254 = arith.cmpi ne, %convert_element_type3A_252, %cond3A_253 : i32
      scf.if %cond3A_254 {
        %dma_wait3A_312 = arith.constant 0 : i32
        %dma_wait3A_313 = arith.constant 0 : i32
        %dma_wait3A_314 = arith.constant 0 : i32
        %dma_wait3A_315 = tpu.memref_slice %arg16[%dma_wait3A_314] : memref<128xf32, #tpu.memory_space<vmem>> -> memref<100xf32, #tpu.memory_space<vmem>>
        %dma_wait3A_316 = arith.constant 0 : i32
        %dma_wait3A_317 = tpu.memref_slice %arg11[%dma_wait3A_312, %dma_wait3A_313, %dma_wait3A_316] : memref<2x8x100xi32, #tpu.memory_space<vmem>> -> memref<1x1x100xi32, #tpu.memory_space<vmem>>
        %dma_wait3A_318 = tpu.memref_squeeze %dma_wait3A_317 : memref<1x1x100xi32, #tpu.memory_space<vmem>> -> memref<100xi32, #tpu.memory_space<vmem>>
        %dma_wait3A_319 = arith.constant 0 : i32
        %dma_wait3A_320 = tpu.memref_slice %arg19[%dma_wait3A_319] : memref<10240xf32, #tpu.memory_space<vmem_shared>> -> memref<10240xf32, #tpu.memory_space<vmem_shared>>
        tpu.wait_indirect_dma semaphore(%arg25 : memref<!tpu.dma_semaphore, #tpu.memory_space<semaphore_mem>>) src(%dma_wait3A_315 : memref<100xf32, #tpu.memory_space<vmem>>) dst(%dma_wait3A_320 : memref<10240xf32, #tpu.memory_space<vmem_shared>>)
      } else {
      }
      %convert_element_type3A_255 = arith.extui %and3A_246 : i1 to i32
      %cond3A_256 = arith.constant 0 : i32
      %cond3A_257 = arith.cmpi ne, %convert_element_type3A_255, %cond3A_256 : i32
      scf.if %cond3A_257 {
        %dma_start3A_312 = arith.constant 0 : i32
        %dma_start3A_313 = tpu.memref_slice %arg16[%dma_start3A_312] : memref<128xf32, #tpu.memory_space<vmem>> -> memref<100xf32, #tpu.memory_space<vmem>>
        %dma_start3A_314 = arith.constant 0 : i32
        %dma_start3A_315 = tpu.memref_slice %arg12[%rem3A_241, %rem3A_239, %dma_start3A_314] : memref<2x8x100xi32, #tpu.memory_space<vmem>> -> memref<1x1x100xi32, #tpu.memory_space<vmem>>
        %dma_start3A_316 = tpu.memref_squeeze %dma_start3A_315 : memref<1x1x100xi32, #tpu.memory_space<vmem>> -> memref<100xi32, #tpu.memory_space<vmem>>
        %dma_start3A_317 = arith.constant 0 : i32
        %dma_start3A_318 = tpu.memref_slice %arg20[%dma_start3A_317] : memref<10240xf32, #tpu.memory_space<vmem_shared>> -> memref<10240xf32, #tpu.memory_space<vmem_shared>>
        tpu.enqueue_indirect_dma source(%dma_start3A_318 : memref<10240xf32, #tpu.memory_space<vmem_shared>>) target(%dma_start3A_313 : memref<100xf32, #tpu.memory_space<vmem>>) offsets(%dma_start3A_316 : memref<100xi32, #tpu.memory_space<vmem>>) semaphore(%arg24 : memref<!tpu.dma_semaphore, #tpu.memory_space<semaphore_mem>>)
      } else {
      }
      %dma_wait3A_258 = arith.constant 0 : i32
      %dma_wait3A_259 = arith.constant 0 : i32
      %dma_wait3A_260 = arith.constant 0 : i32
      %dma_wait3A_261 = tpu.memref_slice %arg12[%dma_wait3A_258, %dma_wait3A_259, %dma_wait3A_260] : memref<2x8x100xi32, #tpu.memory_space<vmem>> -> memref<1x1x100xi32, #tpu.memory_space<vmem>>
      %dma_wait3A_262 = tpu.memref_squeeze %dma_wait3A_261 : memref<1x1x100xi32, #tpu.memory_space<vmem>> -> memref<100xi32, #tpu.memory_space<vmem>>
      %dma_wait3A_263 = arith.constant 0 : i32
      %dma_wait3A_264 = arith.constant 0 : i32
      %dma_wait3A_265 = tpu.memref_slice %arg18[%dma_wait3A_263, %dma_wait3A_264] : memref<10240x128xf32, #tpu.memory_space<vmem_shared>> -> memref<10240x128xf32, #tpu.memory_space<vmem_shared>>
      tpu.wait_indirect_dma semaphore(%arg23 : memref<!tpu.dma_semaphore, #tpu.memory_space<semaphore_mem>>) src(%arg13 : memref<100x128xf32, #tpu.memory_space<vmem>>) dst(%dma_wait3A_265 : memref<10240x128xf32, #tpu.memory_space<vmem_shared>>)
      %eq3A_266 = arith.constant 0 : i32
      %eq3A_267 = arith.cmpi eq, %rem3A_239, %eq3A_266 : i32
      %lt3A_268 = arith.constant 24 : i32
      %lt3A_269 = arith.cmpi slt, %div3A_236, %lt3A_268 : i32
      %and3A_270 = arith.constant true
      %and3A_271 = arith.andi %and3A_270, %lt3A_269 : i1
      %and3A_272 = arith.andi %eq3A_267, %and3A_271 : i1
      %convert_element_type3A_273 = arith.extui %and3A_272 : i1 to i32
      %cond3A_274 = arith.constant 0 : i32
      %cond3A_275 = arith.cmpi ne, %convert_element_type3A_273, %cond3A_274 : i32
      scf.if %cond3A_275 {
        %add3A_312 = arith.constant 1 : i32
        %add3A_313 = arith.addi %div3A_236, %add3A_312 : i32
        %mul3A_314 = arith.constant 8 : i32
        %mul3A_315 = arith.muli %add3A_313, %mul3A_314 : i32
        %sub3A = arith.constant 1 : i32
        %sub3A_316 = arith.subi %sub3A, %rem3A_241 : i32
        %dma_start3A_317 = arith.constant 0 : i32
        %dma_start3A_318 = arith.constant 0 : i32
        %dma_start3A_319 = tpu.memref_slice %arg11[%sub3A_316, %dma_start3A_317, %dma_start3A_318] : memref<2x8x100xi32, #tpu.memory_space<vmem>> -> memref<1x8x100xi32, #tpu.memory_space<vmem>>
        %dma_start3A_320 = tpu.memref_squeeze %dma_start3A_319 : memref<1x8x100xi32, #tpu.memory_space<vmem>> -> memref<8x100xi32, #tpu.memory_space<vmem>>
        %dma_start3A_321 = arith.constant 0 : i32
        %dma_start3A_322 = tpu.memref_slice %arg2[%arg1, %mul3A_315, %dma_start3A_321] : memref<16x200x100xi32, #tpu.memory_space<hbm>> -> memref<1x8x100xi32, #tpu.memory_space<hbm>>
        %dma_start3A_323 = tpu.memref_squeeze %dma_start3A_322 : memref<1x8x100xi32, #tpu.memory_space<hbm>> -> memref<8x100xi32, #tpu.memory_space<hbm>>
        %dma_start3A_324 = arith.constant 0 : i32
        %dma_start3A_325 = arith.constant 0 : i32
        %dma_start3A_326 = tpu.memref_slice %arg11[%sub3A_316, %dma_start3A_324, %dma_start3A_325] : memref<2x8x100xi32, #tpu.memory_space<vmem>> -> memref<1x8x100xi32, #tpu.memory_space<vmem>>
        %dma_start3A_327 = tpu.memref_squeeze %dma_start3A_326 : memref<1x8x100xi32, #tpu.memory_space<vmem>> -> memref<8x100xi32, #tpu.memory_space<vmem>>
        %dma_start3A_328 = arith.constant 0 : i32
        %dma_start3A_329 = tpu.memref_slice %arg2[%arg1, %mul3A_315, %dma_start3A_328] : memref<16x200x100xi32, #tpu.memory_space<hbm>> -> memref<1x8x100xi32, #tpu.memory_space<hbm>>
        %dma_start3A_330 = tpu.memref_squeeze %dma_start3A_329 : memref<1x8x100xi32, #tpu.memory_space<hbm>> -> memref<8x100xi32, #tpu.memory_space<hbm>>
        tpu.enqueue_dma source(%dma_start3A_330 : memref<8x100xi32, #tpu.memory_space<hbm>>) target(%dma_start3A_327 : memref<8x100xi32, #tpu.memory_space<vmem>>) target_semaphore(%arg21 : memref<!tpu.dma_semaphore, #tpu.memory_space<semaphore_mem>>)
        %add3A_331 = arith.constant 1 : i32
        %add3A_332 = arith.addi %div3A_236, %add3A_331 : i32
        %mul3A_333 = arith.constant 8 : i32
        %mul3A_334 = arith.muli %add3A_332, %mul3A_333 : i32
        %sub3A_335 = arith.constant 1 : i32
        %sub3A_336 = arith.subi %sub3A_335, %rem3A_241 : i32
        %dma_start3A_337 = arith.constant 0 : i32
        %dma_start3A_338 = arith.constant 0 : i32
        %dma_start3A_339 = tpu.memref_slice %arg12[%sub3A_336, %dma_start3A_337, %dma_start3A_338] : memref<2x8x100xi32, #tpu.memory_space<vmem>> -> memref<1x8x100xi32, #tpu.memory_space<vmem>>
        %dma_start3A_340 = tpu.memref_squeeze %dma_start3A_339 : memref<1x8x100xi32, #tpu.memory_space<vmem>> -> memref<8x100xi32, #tpu.memory_space<vmem>>
        %dma_start3A_341 = arith.constant 0 : i32
        %dma_start3A_342 = tpu.memref_slice %arg3[%arg1, %mul3A_334, %dma_start3A_341] : memref<16x200x100xi32, #tpu.memory_space<hbm>> -> memref<1x8x100xi32, #tpu.memory_space<hbm>>
        %dma_start3A_343 = tpu.memref_squeeze %dma_start3A_342 : memref<1x8x100xi32, #tpu.memory_space<hbm>> -> memref<8x100xi32, #tpu.memory_space<hbm>>
        %dma_start3A_344 = arith.constant 0 : i32
        %dma_start3A_345 = arith.constant 0 : i32
        %dma_start3A_346 = tpu.memref_slice %arg12[%sub3A_336, %dma_start3A_344, %dma_start3A_345] : memref<2x8x100xi32, #tpu.memory_space<vmem>> -> memref<1x8x100xi32, #tpu.memory_space<vmem>>
        %dma_start3A_347 = tpu.memref_squeeze %dma_start3A_346 : memref<1x8x100xi32, #tpu.memory_space<vmem>> -> memref<8x100xi32, #tpu.memory_space<vmem>>
        %dma_start3A_348 = arith.constant 0 : i32
        %dma_start3A_349 = tpu.memref_slice %arg3[%arg1, %mul3A_334, %dma_start3A_348] : memref<16x200x100xi32, #tpu.memory_space<hbm>> -> memref<1x8x100xi32, #tpu.memory_space<hbm>>
        %dma_start3A_350 = tpu.memref_squeeze %dma_start3A_349 : memref<1x8x100xi32, #tpu.memory_space<hbm>> -> memref<8x100xi32, #tpu.memory_space<hbm>>
        tpu.enqueue_dma source(%dma_start3A_350 : memref<8x100xi32, #tpu.memory_space<hbm>>) target(%dma_start3A_347 : memref<8x100xi32, #tpu.memory_space<vmem>>) target_semaphore(%arg21 : memref<!tpu.dma_semaphore, #tpu.memory_space<semaphore_mem>>)
      } else {
      }
      %eq3A_276 = arith.constant 6 : i32
      %eq3A_277 = arith.cmpi eq, %rem3A_239, %eq3A_276 : i32
      %lt3A_278 = arith.constant 24 : i32
      %lt3A_279 = arith.cmpi slt, %div3A_236, %lt3A_278 : i32
      %and3A_280 = arith.andi %eq3A_277, %lt3A_279 : i1
      %convert_element_type3A_281 = arith.extui %and3A_280 : i1 to i32
      %cond3A_282 = arith.constant 0 : i32
      %cond3A_283 = arith.cmpi ne, %convert_element_type3A_281, %cond3A_282 : i32
      scf.if %cond3A_283 {
        %dma_wait3A_312 = arith.constant 0 : i32
        %dma_wait3A_313 = arith.constant 0 : i32
        %dma_wait3A_314 = arith.constant 0 : i32
        %dma_wait3A_315 = tpu.memref_slice %arg11[%dma_wait3A_312, %dma_wait3A_313, %dma_wait3A_314] : memref<2x8x100xi32, #tpu.memory_space<vmem>> -> memref<1x8x100xi32, #tpu.memory_space<vmem>>
        %dma_wait3A_316 = tpu.memref_squeeze %dma_wait3A_315 : memref<1x8x100xi32, #tpu.memory_space<vmem>> -> memref<8x100xi32, #tpu.memory_space<vmem>>
        %dma_wait3A_317 = arith.constant 0 : i32
        %dma_wait3A_318 = arith.constant 0 : i32
        %dma_wait3A_319 = tpu.memref_slice %arg2[%arg1, %dma_wait3A_317, %dma_wait3A_318] : memref<16x200x100xi32, #tpu.memory_space<hbm>> -> memref<1x8x100xi32, #tpu.memory_space<hbm>>
        %dma_wait3A_320 = tpu.memref_squeeze %dma_wait3A_319 : memref<1x8x100xi32, #tpu.memory_space<hbm>> -> memref<8x100xi32, #tpu.memory_space<hbm>>
        %dma_wait3A_321 = arith.constant 0 : i32
        %dma_wait3A_322 = arith.constant 0 : i32
        %dma_wait3A_323 = tpu.memref_slice %arg11[%dma_wait3A_312, %dma_wait3A_321, %dma_wait3A_322] : memref<2x8x100xi32, #tpu.memory_space<vmem>> -> memref<1x8x100xi32, #tpu.memory_space<vmem>>
        %dma_wait3A_324 = tpu.memref_squeeze %dma_wait3A_323 : memref<1x8x100xi32, #tpu.memory_space<vmem>> -> memref<8x100xi32, #tpu.memory_space<vmem>>
        %dma_wait3A_325 = arith.constant 0 : i32
        %dma_wait3A_326 = arith.constant 0 : i32
        %dma_wait3A_327 = tpu.memref_slice %arg2[%arg1, %dma_wait3A_325, %dma_wait3A_326] : memref<16x200x100xi32, #tpu.memory_space<hbm>> -> memref<1x8x100xi32, #tpu.memory_space<hbm>>
        %dma_wait3A_328 = tpu.memref_squeeze %dma_wait3A_327 : memref<1x8x100xi32, #tpu.memory_space<hbm>> -> memref<8x100xi32, #tpu.memory_space<hbm>>
        tpu.wait_dma2 semaphore(%arg21 : memref<!tpu.dma_semaphore, #tpu.memory_space<semaphore_mem>>) src(%dma_wait3A_328 : memref<8x100xi32, #tpu.memory_space<hbm>>) dst(%dma_wait3A_324 : memref<8x100xi32, #tpu.memory_space<vmem>>)
        %dma_wait3A_329 = arith.constant 0 : i32
        %dma_wait3A_330 = arith.constant 0 : i32
        %dma_wait3A_331 = arith.constant 0 : i32
        %dma_wait3A_332 = tpu.memref_slice %arg12[%dma_wait3A_329, %dma_wait3A_330, %dma_wait3A_331] : memref<2x8x100xi32, #tpu.memory_space<vmem>> -> memref<1x8x100xi32, #tpu.memory_space<vmem>>
        %dma_wait3A_333 = tpu.memref_squeeze %dma_wait3A_332 : memref<1x8x100xi32, #tpu.memory_space<vmem>> -> memref<8x100xi32, #tpu.memory_space<vmem>>
        %dma_wait3A_334 = arith.constant 0 : i32
        %dma_wait3A_335 = arith.constant 0 : i32
        %dma_wait3A_336 = tpu.memref_slice %arg3[%arg1, %dma_wait3A_334, %dma_wait3A_335] : memref<16x200x100xi32, #tpu.memory_space<hbm>> -> memref<1x8x100xi32, #tpu.memory_space<hbm>>
        %dma_wait3A_337 = tpu.memref_squeeze %dma_wait3A_336 : memref<1x8x100xi32, #tpu.memory_space<hbm>> -> memref<8x100xi32, #tpu.memory_space<hbm>>
        %dma_wait3A_338 = arith.constant 0 : i32
        %dma_wait3A_339 = arith.constant 0 : i32
        %dma_wait3A_340 = tpu.memref_slice %arg12[%dma_wait3A_329, %dma_wait3A_338, %dma_wait3A_339] : memref<2x8x100xi32, #tpu.memory_space<vmem>> -> memref<1x8x100xi32, #tpu.memory_space<vmem>>
        %dma_wait3A_341 = tpu.memref_squeeze %dma_wait3A_340 : memref<1x8x100xi32, #tpu.memory_space<vmem>> -> memref<8x100xi32, #tpu.memory_space<vmem>>
        %dma_wait3A_342 = arith.constant 0 : i32
        %dma_wait3A_343 = arith.constant 0 : i32
        %dma_wait3A_344 = tpu.memref_slice %arg3[%arg1, %dma_wait3A_342, %dma_wait3A_343] : memref<16x200x100xi32, #tpu.memory_space<hbm>> -> memref<1x8x100xi32, #tpu.memory_space<hbm>>
        %dma_wait3A_345 = tpu.memref_squeeze %dma_wait3A_344 : memref<1x8x100xi32, #tpu.memory_space<hbm>> -> memref<8x100xi32, #tpu.memory_space<hbm>>
        tpu.wait_dma2 semaphore(%arg21 : memref<!tpu.dma_semaphore, #tpu.memory_space<semaphore_mem>>) src(%dma_wait3A_345 : memref<8x100xi32, #tpu.memory_space<hbm>>) dst(%dma_wait3A_341 : memref<8x100xi32, #tpu.memory_space<vmem>>)
      } else {
      }
      %dma_wait3A_284 = arith.constant 0 : i32
      %dma_wait3A_285 = tpu.memref_slice %arg11[%rem3A_241, %rem3A_239, %dma_wait3A_284] : memref<2x8x100xi32, #tpu.memory_space<vmem>> -> memref<1x1x100xi32, #tpu.memory_space<vmem>>
      %dma_wait3A_286 = tpu.memref_squeeze %dma_wait3A_285 : memref<1x1x100xi32, #tpu.memory_space<vmem>> -> memref<100xi32, #tpu.memory_space<vmem>>
      %dma_wait3A_287 = arith.constant 0 : i32
      %dma_wait3A_288 = arith.constant 0 : i32
      %dma_wait3A_289 = tpu.memref_slice %arg6[%dma_wait3A_287, %dma_wait3A_288] : memref<10240x128xf32, #tpu.memory_space<hbm>> -> memref<10240x128xf32, #tpu.memory_space<hbm>>
      tpu.wait_indirect_dma semaphore(%arg22 : memref<!tpu.dma_semaphore, #tpu.memory_space<semaphore_mem>>) src(%dma_wait3A_289 : memref<10240x128xf32, #tpu.memory_space<hbm>>) dst(%arg14 : memref<100x128xf32, #tpu.memory_space<vmem>>)
      %dma_start3A_290 = arith.constant 0 : i32
      %dma_start3A_291 = tpu.memref_slice %arg12[%rem3A_241, %rem3A_239, %dma_start3A_290] : memref<2x8x100xi32, #tpu.memory_space<vmem>> -> memref<1x1x100xi32, #tpu.memory_space<vmem>>
      %dma_start3A_292 = tpu.memref_squeeze %dma_start3A_291 : memref<1x1x100xi32, #tpu.memory_space<vmem>> -> memref<100xi32, #tpu.memory_space<vmem>>
      %dma_start3A_293 = arith.constant 0 : i32
      %dma_start3A_294 = arith.constant 0 : i32
      %dma_start3A_295 = tpu.memref_slice %arg18[%dma_start3A_293, %dma_start3A_294] : memref<10240x128xf32, #tpu.memory_space<vmem_shared>> -> memref<10240x128xf32, #tpu.memory_space<vmem_shared>>
      tpu.enqueue_indirect_dma source(%arg14 : memref<100x128xf32, #tpu.memory_space<vmem>>) target(%dma_start3A_295 : memref<10240x128xf32, #tpu.memory_space<vmem_shared>>) offsets(%dma_start3A_292 : memref<100xi32, #tpu.memory_space<vmem>>) semaphore(%arg23 : memref<!tpu.dma_semaphore, #tpu.memory_space<semaphore_mem>>) {add = true}
      %convert_element_type3A_296 = arith.extui %and3A_246 : i1 to i32
      %cond3A_297 = arith.constant 0 : i32
      %cond3A_298 = arith.cmpi ne, %convert_element_type3A_296, %cond3A_297 : i32
      scf.if %cond3A_298 {
        %dma_wait3A_312 = arith.constant 0 : i32
        %dma_wait3A_313 = arith.constant 0 : i32
        %dma_wait3A_314 = arith.constant 0 : i32
        %dma_wait3A_315 = tpu.memref_slice %arg16[%dma_wait3A_314] : memref<128xf32, #tpu.memory_space<vmem>> -> memref<100xf32, #tpu.memory_space<vmem>>
        %dma_wait3A_316 = arith.constant 0 : i32
        %dma_wait3A_317 = tpu.memref_slice %arg12[%dma_wait3A_312, %dma_wait3A_313, %dma_wait3A_316] : memref<2x8x100xi32, #tpu.memory_space<vmem>> -> memref<1x1x100xi32, #tpu.memory_space<vmem>>
        %dma_wait3A_318 = tpu.memref_squeeze %dma_wait3A_317 : memref<1x1x100xi32, #tpu.memory_space<vmem>> -> memref<100xi32, #tpu.memory_space<vmem>>
        %dma_wait3A_319 = arith.constant 0 : i32
        %dma_wait3A_320 = tpu.memref_slice %arg20[%dma_wait3A_319] : memref<10240xf32, #tpu.memory_space<vmem_shared>> -> memref<10240xf32, #tpu.memory_space<vmem_shared>>
        tpu.wait_indirect_dma semaphore(%arg24 : memref<!tpu.dma_semaphore, #tpu.memory_space<semaphore_mem>>) src(%dma_wait3A_320 : memref<10240xf32, #tpu.memory_space<vmem_shared>>) dst(%dma_wait3A_315 : memref<100xf32, #tpu.memory_space<vmem>>)
        %dma_start3A_321 = arith.constant 0 : i32
        %dma_start3A_322 = tpu.memref_slice %arg16[%dma_start3A_321] : memref<128xf32, #tpu.memory_space<vmem>> -> memref<100xf32, #tpu.memory_space<vmem>>
        %dma_start3A_323 = arith.constant 0 : i32
        %dma_start3A_324 = tpu.memref_slice %arg11[%rem3A_241, %rem3A_239, %dma_start3A_323] : memref<2x8x100xi32, #tpu.memory_space<vmem>> -> memref<1x1x100xi32, #tpu.memory_space<vmem>>
        %dma_start3A_325 = tpu.memref_squeeze %dma_start3A_324 : memref<1x1x100xi32, #tpu.memory_space<vmem>> -> memref<100xi32, #tpu.memory_space<vmem>>
        %dma_start3A_326 = arith.constant 0 : i32
        %dma_start3A_327 = tpu.memref_slice %arg19[%dma_start3A_326] : memref<10240xf32, #tpu.memory_space<vmem_shared>> -> memref<10240xf32, #tpu.memory_space<vmem_shared>>
        tpu.enqueue_indirect_dma source(%dma_start3A_322 : memref<100xf32, #tpu.memory_space<vmem>>) target(%dma_start3A_327 : memref<10240xf32, #tpu.memory_space<vmem_shared>>) offsets(%dma_start3A_325 : memref<100xi32, #tpu.memory_space<vmem>>) semaphore(%arg25 : memref<!tpu.dma_semaphore, #tpu.memory_space<semaphore_mem>>) {add = true}
      } else {
      }
      %dma_wait3A_299 = arith.constant 0 : i32
      %dma_wait3A_300 = arith.constant 0 : i32
      %dma_wait3A_301 = arith.constant 0 : i32
      %dma_wait3A_302 = tpu.memref_slice %arg12[%dma_wait3A_299, %dma_wait3A_300, %dma_wait3A_301] : memref<2x8x100xi32, #tpu.memory_space<vmem>> -> memref<1x1x100xi32, #tpu.memory_space<vmem>>
      %dma_wait3A_303 = tpu.memref_squeeze %dma_wait3A_302 : memref<1x1x100xi32, #tpu.memory_space<vmem>> -> memref<100xi32, #tpu.memory_space<vmem>>
      %dma_wait3A_304 = arith.constant 0 : i32
      %dma_wait3A_305 = arith.constant 0 : i32
      %dma_wait3A_306 = tpu.memref_slice %arg18[%dma_wait3A_304, %dma_wait3A_305] : memref<10240x128xf32, #tpu.memory_space<vmem_shared>> -> memref<10240x128xf32, #tpu.memory_space<vmem_shared>>
      tpu.wait_indirect_dma semaphore(%arg23 : memref<!tpu.dma_semaphore, #tpu.memory_space<semaphore_mem>>) src(%arg13 : memref<100x128xf32, #tpu.memory_space<vmem>>) dst(%dma_wait3A_306 : memref<10240x128xf32, #tpu.memory_space<vmem_shared>>)
      %eq3A_307 = arith.constant 200 : i32
      %eq3A_308 = arith.cmpi eq, %add3A_52, %eq3A_307 : i32
      %convert_element_type3A_309 = arith.extui %eq3A_308 : i1 to i32
      %cond3A_310 = arith.constant 0 : i32
      %cond3A_311 = arith.cmpi ne, %convert_element_type3A_309, %cond3A_310 : i32
      scf.if %cond3A_311 {
        %dma_wait3A_312 = arith.constant 0 : i32
        %dma_wait3A_313 = arith.constant 0 : i32
        %dma_wait3A_314 = arith.constant 0 : i32
        %dma_wait3A_315 = tpu.memref_slice %arg16[%dma_wait3A_314] : memref<128xf32, #tpu.memory_space<vmem>> -> memref<100xf32, #tpu.memory_space<vmem>>
        %dma_wait3A_316 = arith.constant 0 : i32
        %dma_wait3A_317 = tpu.memref_slice %arg11[%dma_wait3A_312, %dma_wait3A_313, %dma_wait3A_316] : memref<2x8x100xi32, #tpu.memory_space<vmem>> -> memref<1x1x100xi32, #tpu.memory_space<vmem>>
        %dma_wait3A_318 = tpu.memref_squeeze %dma_wait3A_317 : memref<1x1x100xi32, #tpu.memory_space<vmem>> -> memref<100xi32, #tpu.memory_space<vmem>>
        %dma_wait3A_319 = arith.constant 0 : i32
        %dma_wait3A_320 = tpu.memref_slice %arg19[%dma_wait3A_319] : memref<10240xf32, #tpu.memory_space<vmem_shared>> -> memref<10240xf32, #tpu.memory_space<vmem_shared>>
        tpu.wait_indirect_dma semaphore(%arg25 : memref<!tpu.dma_semaphore, #tpu.memory_space<semaphore_mem>>) src(%dma_wait3A_315 : memref<100xf32, #tpu.memory_space<vmem>>) dst(%dma_wait3A_320 : memref<10240xf32, #tpu.memory_space<vmem_shared>>)
      } else {
      }
    } else {
    }
    %barrier3A_36 = arith.constant 0 : index
    tpu.barrier barrier_id(%barrier3A_36)
    %eq3A_37 = arith.constant 0 : i32
    %eq3A_38 = arith.cmpi eq, %arg0, %eq3A_37 : i32
    %convert_element_type3A_39 = arith.extui %eq3A_38 : i1 to i32
    %cond3A_40 = arith.constant 0 : i32
    %cond3A_41 = arith.cmpi ne, %convert_element_type3A_39, %cond3A_40 : i32
    scf.if %cond3A_41 {
      %mul3A_47 = arith.constant 640 : i32
      %mul3A_48 = arith.muli %arg1, %mul3A_47 : i32
      "tpu.region"() ({
        %run_scoped3A = tpu.sem_alloc : memref<!tpu.dma_semaphore, #tpu.memory_space<semaphore_mem>>
        %dma_start3A = arith.constant 0 : i32
        %dma_start3A_49 = tpu.memref_slice %arg7[%mul3A_48, %dma_start3A] : memref<10240x128xf32, #tpu.memory_space<hbm>> -> memref<640x128xf32, #tpu.memory_space<hbm>>
        %dma_start3A_50 = arith.constant 0 : i32
        %dma_start3A_51 = tpu.memref_slice %arg18[%mul3A_48, %dma_start3A_50] : memref<10240x128xf32, #tpu.memory_space<vmem_shared>> -> memref<640x128xf32, #tpu.memory_space<vmem_shared>>
        tpu.enqueue_dma source(%dma_start3A_51 : memref<640x128xf32, #tpu.memory_space<vmem_shared>>) target(%dma_start3A_49 : memref<640x128xf32, #tpu.memory_space<hbm>>) target_semaphore(%run_scoped3A : memref<!tpu.dma_semaphore, #tpu.memory_space<semaphore_mem>>)
        %dma_wait3A = arith.constant 0 : i32
        %dma_wait3A_52 = tpu.memref_slice %arg7[%mul3A_48, %dma_wait3A] : memref<10240x128xf32, #tpu.memory_space<hbm>> -> memref<640x128xf32, #tpu.memory_space<hbm>>
        %dma_wait3A_53 = arith.constant 0 : i32
        %dma_wait3A_54 = tpu.memref_slice %arg18[%mul3A_48, %dma_wait3A_53] : memref<10240x128xf32, #tpu.memory_space<vmem_shared>> -> memref<640x128xf32, #tpu.memory_space<vmem_shared>>
        tpu.wait_dma2 semaphore(%run_scoped3A : memref<!tpu.dma_semaphore, #tpu.memory_space<semaphore_mem>>) src(%dma_wait3A_54 : memref<640x128xf32, #tpu.memory_space<vmem_shared>>) dst(%dma_wait3A_52 : memref<640x128xf32, #tpu.memory_space<hbm>>)
        tpu.yield
      }) : () -> ()
      "tpu.region"() ({
        %run_scoped3A = tpu.sem_alloc : memref<!tpu.dma_semaphore, #tpu.memory_space<semaphore_mem>>
        %dma_start3A = tpu.memref_slice %arg9[%mul3A_48] : memref<10240xf32, #tpu.memory_space<hbm>> -> memref<640xf32, #tpu.memory_space<hbm>>
        %dma_start3A_49 = tpu.memref_slice %arg19[%mul3A_48] : memref<10240xf32, #tpu.memory_space<vmem_shared>> -> memref<640xf32, #tpu.memory_space<vmem_shared>>
        tpu.enqueue_dma source(%dma_start3A_49 : memref<640xf32, #tpu.memory_space<vmem_shared>>) target(%dma_start3A : memref<640xf32, #tpu.memory_space<hbm>>) target_semaphore(%run_scoped3A : memref<!tpu.dma_semaphore, #tpu.memory_space<semaphore_mem>>)
        %dma_wait3A = tpu.memref_slice %arg9[%mul3A_48] : memref<10240xf32, #tpu.memory_space<hbm>> -> memref<640xf32, #tpu.memory_space<hbm>>
        %dma_wait3A_50 = tpu.memref_slice %arg19[%mul3A_48] : memref<10240xf32, #tpu.memory_space<vmem_shared>> -> memref<640xf32, #tpu.memory_space<vmem_shared>>
        tpu.wait_dma2 semaphore(%run_scoped3A : memref<!tpu.dma_semaphore, #tpu.memory_space<semaphore_mem>>) src(%dma_wait3A_50 : memref<640xf32, #tpu.memory_space<vmem_shared>>) dst(%dma_wait3A : memref<640xf32, #tpu.memory_space<hbm>>)
        tpu.yield
      }) : () -> ()
    } else {
    }
    %eq3A_42 = arith.constant 1 : i32
    %eq3A_43 = arith.cmpi eq, %arg0, %eq3A_42 : i32
    %convert_element_type3A_44 = arith.extui %eq3A_43 : i1 to i32
    %cond3A_45 = arith.constant 0 : i32
    %cond3A_46 = arith.cmpi ne, %convert_element_type3A_44, %cond3A_45 : i32
    scf.if %cond3A_46 {
      %mul3A_47 = arith.constant 640 : i32
      %mul3A_48 = arith.muli %arg1, %mul3A_47 : i32
      "tpu.region"() ({
        %run_scoped3A = tpu.sem_alloc : memref<!tpu.dma_semaphore, #tpu.memory_space<semaphore_mem>>
        %dma_start3A = arith.constant 0 : i32
        %dma_start3A_49 = tpu.memref_slice %arg8[%mul3A_48, %dma_start3A] : memref<10240x128xf32, #tpu.memory_space<hbm>> -> memref<640x128xf32, #tpu.memory_space<hbm>>
        %dma_start3A_50 = arith.constant 0 : i32
        %dma_start3A_51 = tpu.memref_slice %arg18[%mul3A_48, %dma_start3A_50] : memref<10240x128xf32, #tpu.memory_space<vmem_shared>> -> memref<640x128xf32, #tpu.memory_space<vmem_shared>>
        tpu.enqueue_dma source(%dma_start3A_51 : memref<640x128xf32, #tpu.memory_space<vmem_shared>>) target(%dma_start3A_49 : memref<640x128xf32, #tpu.memory_space<hbm>>) target_semaphore(%run_scoped3A : memref<!tpu.dma_semaphore, #tpu.memory_space<semaphore_mem>>)
        %dma_wait3A = arith.constant 0 : i32
        %dma_wait3A_52 = tpu.memref_slice %arg8[%mul3A_48, %dma_wait3A] : memref<10240x128xf32, #tpu.memory_space<hbm>> -> memref<640x128xf32, #tpu.memory_space<hbm>>
        %dma_wait3A_53 = arith.constant 0 : i32
        %dma_wait3A_54 = tpu.memref_slice %arg18[%mul3A_48, %dma_wait3A_53] : memref<10240x128xf32, #tpu.memory_space<vmem_shared>> -> memref<640x128xf32, #tpu.memory_space<vmem_shared>>
        tpu.wait_dma2 semaphore(%run_scoped3A : memref<!tpu.dma_semaphore, #tpu.memory_space<semaphore_mem>>) src(%dma_wait3A_54 : memref<640x128xf32, #tpu.memory_space<vmem_shared>>) dst(%dma_wait3A_52 : memref<640x128xf32, #tpu.memory_space<hbm>>)
        tpu.yield
      }) : () -> ()
      "tpu.region"() ({
        %run_scoped3A = tpu.sem_alloc : memref<!tpu.dma_semaphore, #tpu.memory_space<semaphore_mem>>
        %dma_start3A = tpu.memref_slice %arg10[%mul3A_48] : memref<10240xf32, #tpu.memory_space<hbm>> -> memref<640xf32, #tpu.memory_space<hbm>>
        %dma_start3A_49 = tpu.memref_slice %arg19[%mul3A_48] : memref<10240xf32, #tpu.memory_space<vmem_shared>> -> memref<640xf32, #tpu.memory_space<vmem_shared>>
        tpu.enqueue_dma source(%dma_start3A_49 : memref<640xf32, #tpu.memory_space<vmem_shared>>) target(%dma_start3A : memref<640xf32, #tpu.memory_space<hbm>>) target_semaphore(%run_scoped3A : memref<!tpu.dma_semaphore, #tpu.memory_space<semaphore_mem>>)
        %dma_wait3A = tpu.memref_slice %arg10[%mul3A_48] : memref<10240xf32, #tpu.memory_space<hbm>> -> memref<640xf32, #tpu.memory_space<hbm>>
        %dma_wait3A_50 = tpu.memref_slice %arg19[%mul3A_48] : memref<10240xf32, #tpu.memory_space<vmem_shared>> -> memref<640xf32, #tpu.memory_space<vmem_shared>>
        tpu.wait_dma2 semaphore(%run_scoped3A : memref<!tpu.dma_semaphore, #tpu.memory_space<semaphore_mem>>) src(%dma_wait3A_50 : memref<640xf32, #tpu.memory_space<vmem_shared>>) dst(%dma_wait3A : memref<640xf32, #tpu.memory_space<hbm>>)
        tpu.yield
      }) : () -> ()
    } else {
    }
    return
  }
}

module attributes {stable_mosaic.version = 14 : i64} {
  func.func @_tc_scale_kernel(%arg0: i32, %arg1: memref<512x128xf32, #tpu.memory_space<vmem>>, %arg2: memref<128x256xf32, #tpu.memory_space<vmem>>, %arg3: memref<512xf32, #tpu.memory_space<vmem>>, %arg4: memref<512xf32, #tpu.memory_space<vmem>>, %arg5: memref<512xf32, #tpu.memory_space<vmem>>, %arg6: memref<512x128xf32, #tpu.memory_space<vmem>>, %arg7: memref<512x128xf32, #tpu.memory_space<vmem>>) attributes {dimension_semantics = [#tpu.dimension_semantics<arbitrary>], iteration_bounds = array<i64: 20>, scalar_prefetch = 0 : i64, scratch_operands = 0 : i64, tpu.core_type = #tpu.core_type<tc>, window_params = [{transform_indices = @transform_0, window_bounds = array<i64: 512, 128>}, {pipeline_mode = #tpu.pipeline_mode<synchronous>, transform_indices = @transform_1, window_bounds = array<i64: 128, 256>}, {transform_indices = @transform_2, window_bounds = array<i64: 512>}, {transform_indices = @transform_3, window_bounds = array<i64: 512>}, {transform_indices = @transform_4, window_bounds = array<i64: 512>}, {transform_indices = @transform_5, window_bounds = array<i64: 512, 128>}, {transform_indices = @transform_6, window_bounds = array<i64: 512, 128>}]} {
    %get3A = arith.constant 0 : index
    %get3A_0 = arith.constant 0 : index
    %get3A_1 = vector.load %arg1[%get3A, %get3A_0] : memref<512x128xf32, #tpu.memory_space<vmem>>, vector<512x128xf32>
    %get3A_2 = arith.constant 0 : index
    %get3A_3 = arith.constant 0 : index
    %get3A_4 = vector.load %arg2[%get3A_2, %get3A_3] : memref<128x256xf32, #tpu.memory_space<vmem>>, vector<128x256xf32>
    %dot_general3A = arith.constant dense<0.000000e+00> : vector<512x256xf32>
    %dot_general3A_5 = tpu.matmul %get3A_1, %get3A_4, %dot_general3A {dimension_numbers = #tpu.dot_dimension_numbers<[1], [0], [0], [1], [0, 0, 1, 1], [], []>, transpose_lhs_hint = false} : vector<512x128xf32>, vector<128x256xf32>, vector<512x256xf32> -> vector<512x256xf32>
    %get3A_6 = arith.constant 0 : index
    %get3A_7 = vector.load %arg3[%get3A_6] : memref<512xf32, #tpu.memory_space<vmem>>, vector<512xf32>
    %get3A_8 = arith.constant 0 : index
    %get3A_9 = vector.load %arg4[%get3A_8] : memref<512xf32, #tpu.memory_space<vmem>>, vector<512xf32>
    %add3A = arith.addf %get3A_7, %get3A_9 : vector<512xf32>
    %add3A_10 = arith.constant 1.000000e+00 : f32
    %add3A_11 = vector.broadcast %add3A_10 : f32 to vector<512xf32>
    %add3A_12 = arith.addf %add3A, %add3A_11 : vector<512xf32>
    %rsqrt3A = math.rsqrt %add3A_12 : vector<512xf32>
    %swap3A = arith.constant 0 : index
    %swap3A_13 = vector.load %arg5[%swap3A] : memref<512xf32, #tpu.memory_space<vmem>>, vector<512xf32>
    tpu.vector_store %arg5[%swap3A], %rsqrt3A {strides = array<i32>} : memref<512xf32, #tpu.memory_space<vmem>>, vector<512xf32>,
    %reshape3A = vector.shape_cast %rsqrt3A : vector<512xf32> to vector<512x1xf32>
    %mul3A = vector.broadcast %reshape3A : vector<512x1xf32> to vector<512x256xf32>
    %mul3A_14 = arith.mulf %dot_general3A_5, %mul3A : vector<512x256xf32>
    %slice3A = vector.extract_strided_slice %mul3A_14 {offsets = [0, 0], sizes = [512, 128], strides = [1, 1]} : vector<512x256xf32> to vector<512x128xf32>
    %swap3A_15 = arith.constant 0 : index
    %swap3A_16 = arith.constant 0 : index
    %swap3A_17 = vector.load %arg6[%swap3A_15, %swap3A_16] : memref<512x128xf32, #tpu.memory_space<vmem>>, vector<512x128xf32>
    tpu.vector_store %arg6[%swap3A_15, %swap3A_16], %slice3A {strides = array<i32>} : memref<512x128xf32, #tpu.memory_space<vmem>>, vector<512x128xf32>,
    %slice3A_18 = vector.extract_strided_slice %mul3A_14 {offsets = [0, 128], sizes = [512, 128], strides = [1, 1]} : vector<512x256xf32> to vector<512x128xf32>
    %swap3A_19 = arith.constant 0 : index
    %swap3A_20 = arith.constant 0 : index
    %swap3A_21 = vector.load %arg7[%swap3A_19, %swap3A_20] : memref<512x128xf32, #tpu.memory_space<vmem>>, vector<512x128xf32>
    tpu.vector_store %arg7[%swap3A_19, %swap3A_20], %slice3A_18 {strides = array<i32>} : memref<512x128xf32, #tpu.memory_space<vmem>>, vector<512x128xf32>,
    return
  }
  func.func @transform_0(%arg0: i32) -> (i32, i32) {
    %c0_i32 = arith.constant 0 : i32
    %c0_i32_0 = arith.constant 0 : i32
    return %arg0, %c0_i32 : i32, i32
  }
  func.func @transform_1(%arg0: i32) -> (i32, i32) {
    %c0_i32 = arith.constant 0 : i32
    %c0_i32_0 = arith.constant 0 : i32
    %c0_i32_1 = arith.constant 0 : i32
    return %c0_i32, %c0_i32_0 : i32, i32
  }
  func.func @transform_2(%arg0: i32) -> i32 {
    %c0_i32 = arith.constant 0 : i32
    return %arg0 : i32
  }
  func.func @transform_3(%arg0: i32) -> i32 {
    %c0_i32 = arith.constant 0 : i32
    return %arg0 : i32
  }
  func.func @transform_4(%arg0: i32) -> i32 {
    %c0_i32 = arith.constant 0 : i32
    return %arg0 : i32
  }
  func.func @transform_5(%arg0: i32) -> (i32, i32) {
    %c0_i32 = arith.constant 0 : i32
    %c0_i32_0 = arith.constant 0 : i32
    return %arg0, %c0_i32 : i32, i32
  }
  func.func @transform_6(%arg0: i32) -> (i32, i32) {
    %c0_i32 = arith.constant 0 : i32
    %c0_i32_0 = arith.constant 0 : i32
    return %arg0, %c0_i32 : i32, i32
  }
}

module attributes {stable_mosaic.version = 14 : i64} {
  func.func @_tc_final_kernel(%arg0: i32, %arg1: memref<512x128xf32, #tpu.memory_space<vmem>>, %arg2: memref<512x128xf32, #tpu.memory_space<vmem>>, %arg3: memref<512x128xf32, #tpu.memory_space<vmem>>, %arg4: memref<512x128xf32, #tpu.memory_space<vmem>>, %arg5: memref<512xf32, #tpu.memory_space<vmem>>, %arg6: memref<512xf32, #tpu.memory_space<vmem>>, %arg7: memref<512xf32, #tpu.memory_space<vmem>>, %arg8: memref<256xf32, #tpu.memory_space<vmem>>, %arg9: memref<256x128xf32, #tpu.memory_space<vmem>>, %arg10: memref<1x128xf32, #tpu.memory_space<vmem>>, %arg11: memref<1x128xf32, #tpu.memory_space<vmem>>, %arg12: memref<1x256xf32, #tpu.memory_space<vmem>>) attributes {dimension_semantics = [#tpu.dimension_semantics<arbitrary>], iteration_bounds = array<i64: 20>, scalar_prefetch = 0 : i64, scratch_operands = 1 : i64, tpu.core_type = #tpu.core_type<tc>, window_params = [{transform_indices = @transform_0, window_bounds = array<i64: 512, 128>}, {transform_indices = @transform_1, window_bounds = array<i64: 512, 128>}, {transform_indices = @transform_2, window_bounds = array<i64: 512, 128>}, {transform_indices = @transform_3, window_bounds = array<i64: 512, 128>}, {transform_indices = @transform_4, window_bounds = array<i64: 512>}, {transform_indices = @transform_5, window_bounds = array<i64: 512>}, {transform_indices = @transform_6, window_bounds = array<i64: 512>}, {pipeline_mode = #tpu.pipeline_mode<synchronous>, transform_indices = @transform_7, window_bounds = array<i64: 256>}, {pipeline_mode = #tpu.pipeline_mode<synchronous>, transform_indices = @transform_8, window_bounds = array<i64: 256, 128>}, {pipeline_mode = #tpu.pipeline_mode<synchronous>, transform_indices = @transform_9, window_bounds = array<i64: 1, 128>}, {pipeline_mode = #tpu.pipeline_mode<synchronous>, transform_indices = @transform_10, window_bounds = array<i64: 1, 128>}]} {
    %get3A = arith.constant 0 : index
    %get3A_0 = vector.load %arg5[%get3A] : memref<512xf32, #tpu.memory_space<vmem>>, vector<512xf32>
    %reshape3A = vector.shape_cast %get3A_0 : vector<512xf32> to vector<512x1xf32>
    %get3A_1 = arith.constant 0 : index
    %get3A_2 = vector.load %arg8[%get3A_1] : memref<256xf32, #tpu.memory_space<vmem>>, vector<256xf32>
    %reshape3A_3 = vector.shape_cast %get3A_2 : vector<256xf32> to vector<1x256xf32>
    %get3A_4 = arith.constant 0 : index
    %get3A_5 = arith.constant 0 : index
    %get3A_6 = vector.load %arg1[%get3A_4, %get3A_5] : memref<512x128xf32, #tpu.memory_space<vmem>>, vector<512x128xf32>
    %get3A_7 = arith.constant 0 : index
    %get3A_8 = arith.constant 0 : index
    %get3A_9 = vector.load %arg3[%get3A_7, %get3A_8] : memref<512x128xf32, #tpu.memory_space<vmem>>, vector<512x128xf32>
    %add3A = arith.addf %get3A_6, %get3A_9 : vector<512x128xf32>
    %mul3A = vector.broadcast %reshape3A : vector<512x1xf32> to vector<512x128xf32>
    %mul3A_10 = arith.mulf %mul3A, %add3A : vector<512x128xf32>
    %slice3A = vector.extract_strided_slice %reshape3A_3 {offsets = [0, 0], sizes = [1, 128], strides = [1, 1]} : vector<1x256xf32> to vector<1x128xf32>
    %add3A_11 = vector.broadcast %slice3A : vector<1x128xf32> to vector<512x128xf32>
    %add3A_12 = arith.addf %mul3A_10, %add3A_11 : vector<512x128xf32>
    %max3A = arith.constant 0.000000e+00 : f32
    %max3A_13 = vector.broadcast %max3A : f32 to vector<512x128xf32>
    %max3A_14 = arith.maximumf %add3A_12, %max3A_13 : vector<512x128xf32>
    %get3A_15 = arith.constant 0 : index
    %get3A_16 = arith.constant 0 : index
    %get3A_17 = vector.load %arg2[%get3A_15, %get3A_16] : memref<512x128xf32, #tpu.memory_space<vmem>>, vector<512x128xf32>
    %get3A_18 = arith.constant 0 : index
    %get3A_19 = arith.constant 0 : index
    %get3A_20 = vector.load %arg4[%get3A_18, %get3A_19] : memref<512x128xf32, #tpu.memory_space<vmem>>, vector<512x128xf32>
    %add3A_21 = arith.addf %get3A_17, %get3A_20 : vector<512x128xf32>
    %mul3A_22 = vector.broadcast %reshape3A : vector<512x1xf32> to vector<512x128xf32>
    %mul3A_23 = arith.mulf %mul3A_22, %add3A_21 : vector<512x128xf32>
    %slice3A_24 = vector.extract_strided_slice %reshape3A_3 {offsets = [0, 128], sizes = [1, 128], strides = [1, 1]} : vector<1x256xf32> to vector<1x128xf32>
    %add3A_25 = vector.broadcast %slice3A_24 : vector<1x128xf32> to vector<512x128xf32>
    %add3A_26 = arith.addf %mul3A_23, %add3A_25 : vector<512x128xf32>
    %max3A_27 = arith.constant 0.000000e+00 : f32
    %max3A_28 = vector.broadcast %max3A_27 : f32 to vector<512x128xf32>
    %max3A_29 = arith.maximumf %add3A_26, %max3A_28 : vector<512x128xf32>
    %get3A_30 = arith.constant 0 : index
    %get3A_31 = vector.load %arg6[%get3A_30] : memref<512xf32, #tpu.memory_space<vmem>>, vector<512xf32>
    %get3A_32 = arith.constant 0 : index
    %get3A_33 = vector.load %arg7[%get3A_32] : memref<512xf32, #tpu.memory_space<vmem>>, vector<512xf32>
    %add3A_34 = arith.addf %get3A_31, %get3A_33 : vector<512xf32>
    %add3A_35 = arith.addf %add3A_34, %get3A_0 : vector<512xf32>
    %mul3A_36 = arith.mulf %get3A_0, %add3A_35 : vector<512xf32>
    %reshape3A_37 = vector.shape_cast %mul3A_36 : vector<512xf32> to vector<512x1xf32>
    %iota3A = tpu.iota {dimensions = array<i32: 0>} : vector<512x1xi32>
    %mul3A_38 = arith.constant 512 : i32
    %mul3A_39 = arith.muli %arg0, %mul3A_38 : i32
    %add3A_40 = vector.broadcast %mul3A_39 : i32 to vector<512x1xi32>
    %add3A_41 = arith.addi %iota3A, %add3A_40 : vector<512x1xi32>
    %lt3A = arith.constant 10000 : i32
    %lt3A_42 = vector.broadcast %lt3A : i32 to vector<512x1xi32>
    %lt3A_43 = arith.cmpi slt, %add3A_41, %lt3A_42 : vector<512x1xi32>
    %jit3A = arith.constant 0.000000e+00 : f32
    %broadcast_in_dim3A = vector.broadcast %jit3A : f32 to vector<512x1xf32>
    %select_n3A = arith.select %lt3A_43, %reshape3A_37, %broadcast_in_dim3A : vector<512x1xi1>, vector<512x1xf32>
    %mul3A_44 = vector.broadcast %select_n3A : vector<512x1xf32> to vector<512x128xf32>
    %mul3A_45 = arith.mulf %mul3A_44, %max3A_14 : vector<512x128xf32>
    %reduce_sum3A = arith.constant dense<0.000000e+00> : vector<128xf32>
    %reduce_sum3A_46 = vector.multi_reduction <add>, %mul3A_45, %reduce_sum3A [0] : vector<512x128xf32> to vector<128xf32>
    %broadcast_in_dim3A_47 = vector.shape_cast %reduce_sum3A_46 : vector<128xf32> to vector<1x128xf32>
    %mul3A_48 = vector.broadcast %select_n3A : vector<512x1xf32> to vector<512x128xf32>
    %mul3A_49 = arith.mulf %mul3A_48, %max3A_29 : vector<512x128xf32>
    %reduce_sum3A_50 = arith.constant dense<0.000000e+00> : vector<128xf32>
    %reduce_sum3A_51 = vector.multi_reduction <add>, %mul3A_49, %reduce_sum3A_50 [0] : vector<512x128xf32> to vector<128xf32>
    %broadcast_in_dim3A_52 = vector.shape_cast %reduce_sum3A_51 : vector<128xf32> to vector<1x128xf32>
    %concatenate3A = tpu.concatenate %broadcast_in_dim3A_47, %broadcast_in_dim3A_52 in 1 : vector<1x128xf32>, vector<1x128xf32> -> vector<1x256xf32>
    %eq3A = arith.constant 0 : i32
    %eq3A_53 = arith.cmpi eq, %arg0, %eq3A : i32
    %convert_element_type3A = arith.extui %eq3A_53 : i1 to i32
    %cond3A = arith.constant 0 : i32
    %cond3A_54 = arith.cmpi ne, %convert_element_type3A, %cond3A : i32
    scf.if %cond3A_54 {
      %swap3A = arith.constant 0 : index
      %swap3A_64 = arith.constant 0 : index
      %swap3A_65 = vector.load %arg12[%swap3A, %swap3A_64] : memref<1x256xf32, #tpu.memory_space<vmem>>, vector<1x256xf32>
      tpu.vector_store %arg12[%swap3A, %swap3A_64], %concatenate3A {strides = array<i32>} : memref<1x256xf32, #tpu.memory_space<vmem>>, vector<1x256xf32>,
    } else {
    }
    %gt3A = arith.constant 0 : i32
    %gt3A_55 = arith.cmpi sgt, %arg0, %gt3A : i32
    %convert_element_type3A_56 = arith.extui %gt3A_55 : i1 to i32
    %cond3A_57 = arith.constant 0 : i32
    %cond3A_58 = arith.cmpi ne, %convert_element_type3A_56, %cond3A_57 : i32
    scf.if %cond3A_58 {
      %get3A_64 = arith.constant 0 : index
      %get3A_65 = arith.constant 0 : index
      %get3A_66 = vector.load %arg12[%get3A_64, %get3A_65] : memref<1x256xf32, #tpu.memory_space<vmem>>, vector<1x256xf32>
      %add3A_67 = arith.addf %get3A_66, %concatenate3A : vector<1x256xf32>
      %swap3A = arith.constant 0 : index
      %swap3A_68 = arith.constant 0 : index
      %swap3A_69 = vector.load %arg12[%swap3A, %swap3A_68] : memref<1x256xf32, #tpu.memory_space<vmem>>, vector<1x256xf32>
      tpu.vector_store %arg12[%swap3A, %swap3A_68], %add3A_67 {strides = array<i32>} : memref<1x256xf32, #tpu.memory_space<vmem>>, vector<1x256xf32>,
    } else {
    }
    %eq3A_59 = arith.constant 19 : i32
    %eq3A_60 = arith.cmpi eq, %arg0, %eq3A_59 : i32
    %convert_element_type3A_61 = arith.extui %eq3A_60 : i1 to i32
    %cond3A_62 = arith.constant 0 : i32
    %cond3A_63 = arith.cmpi ne, %convert_element_type3A_61, %cond3A_62 : i32
    scf.if %cond3A_63 {
      %get3A_64 = arith.constant 0 : index
      %get3A_65 = arith.constant 0 : index
      %get3A_66 = vector.load %arg12[%get3A_64, %get3A_65] : memref<1x256xf32, #tpu.memory_space<vmem>>, vector<1x256xf32>
      %get3A_67 = arith.constant 0 : index
      %get3A_68 = arith.constant 0 : index
      %get3A_69 = vector.load %arg9[%get3A_67, %get3A_68] : memref<256x128xf32, #tpu.memory_space<vmem>>, vector<256x128xf32>
      %dot_general3A = arith.constant dense<0.000000e+00> : vector<1x128xf32>
      %dot_general3A_70 = tpu.matmul %get3A_66, %get3A_69, %dot_general3A {dimension_numbers = #tpu.dot_dimension_numbers<[1], [0], [0], [1], [0, 0, 1, 1], [], []>, transpose_lhs_hint = false} : vector<1x256xf32>, vector<256x128xf32>, vector<1x128xf32> -> vector<1x128xf32>
      %mul3A_71 = arith.constant 9.99999974E-5 : f32
      %mul3A_72 = vector.broadcast %mul3A_71 : f32 to vector<1x128xf32>
      %mul3A_73 = arith.mulf %dot_general3A_70, %mul3A_72 : vector<1x128xf32>
      %get3A_74 = arith.constant 0 : index
      %get3A_75 = arith.constant 0 : index
      %get3A_76 = vector.load %arg10[%get3A_74, %get3A_75] : memref<1x128xf32, #tpu.memory_space<vmem>>, vector<1x128xf32>
      %add3A_77 = arith.addf %mul3A_73, %get3A_76 : vector<1x128xf32>
      %swap3A = arith.constant 0 : index
      %swap3A_78 = arith.constant 0 : index
      %swap3A_79 = vector.load %arg11[%swap3A, %swap3A_78] : memref<1x128xf32, #tpu.memory_space<vmem>>, vector<1x128xf32>
      tpu.vector_store %arg11[%swap3A, %swap3A_78], %add3A_77 {strides = array<i32>} : memref<1x128xf32, #tpu.memory_space<vmem>>, vector<1x128xf32>,
    } else {
    }
    return
  }
  func.func @transform_0(%arg0: i32) -> (i32, i32) {
    %c0_i32 = arith.constant 0 : i32
    %c0_i32_0 = arith.constant 0 : i32
    return %arg0, %c0_i32 : i32, i32
  }
  func.func @transform_1(%arg0: i32) -> (i32, i32) {
    %c0_i32 = arith.constant 0 : i32
    %c0_i32_0 = arith.constant 0 : i32
    return %arg0, %c0_i32 : i32, i32
  }
  func.func @transform_2(%arg0: i32) -> (i32, i32) {
    %c0_i32 = arith.constant 0 : i32
    %c0_i32_0 = arith.constant 0 : i32
    return %arg0, %c0_i32 : i32, i32
  }
  func.func @transform_3(%arg0: i32) -> (i32, i32) {
    %c0_i32 = arith.constant 0 : i32
    %c0_i32_0 = arith.constant 0 : i32
    return %arg0, %c0_i32 : i32, i32
  }
  func.func @transform_4(%arg0: i32) -> i32 {
    %c0_i32 = arith.constant 0 : i32
    return %arg0 : i32
  }
  func.func @transform_5(%arg0: i32) -> i32 {
    %c0_i32 = arith.constant 0 : i32
    return %arg0 : i32
  }
  func.func @transform_6(%arg0: i32) -> i32 {
    %c0_i32 = arith.constant 0 : i32
    return %arg0 : i32
  }
  func.func @transform_7(%arg0: i32) -> i32 {
    %c0_i32 = arith.constant 0 : i32
    %c0_i32_0 = arith.constant 0 : i32
    return %c0_i32 : i32
  }
  func.func @transform_8(%arg0: i32) -> (i32, i32) {
    %c0_i32 = arith.constant 0 : i32
    %c0_i32_0 = arith.constant 0 : i32
    %c0_i32_1 = arith.constant 0 : i32
    return %c0_i32, %c0_i32_0 : i32, i32
  }
  func.func @transform_9(%arg0: i32) -> (i32, i32) {
    %c0_i32 = arith.constant 0 : i32
    %c0_i32_0 = arith.constant 0 : i32
    %c0_i32_1 = arith.constant 0 : i32
    return %c0_i32, %c0_i32_0 : i32, i32
  }
  func.func @transform_10(%arg0: i32) -> (i32, i32) {
    %c0_i32 = arith.constant 0 : i32
    %c0_i32_0 = arith.constant 0 : i32
    %c0_i32_1 = arith.constant 0 : i32
    return %c0_i32, %c0_i32_0 : i32, i32
  }
}

</mosaic_0001>

<sc_bundles>
// kernel: kernel.6.cloned.1.call-start
scs
__scs_entry_jumppad:
0x0: {  	(pc) =	sbr.rel $0x88, $3  }
0x1: {  	(tag) =	ssettag $0x0;
	lr =	simm.s32 $0x1  }
0x2: {  	[smem:$0x3F9B] =	sst lr;
	_ =	strace $0xD0000000  }
0x3: {  	_ = 	snop  }
0x4: {  	_ = 	snop  }
0x5: {  	_ = 	snop  }
0x6: {  	_ = 	snop  }
0x7: {  	_ = 	snop  }
__scs_overlays_trampoline_lowered:
0x8: {  	[smem:$0x3FAA] =	sst s0  }
0x9: {  	[smem:$0x3FAB] =	sst s1  }
0xa: {  	[smem:$0x3FAC] =	sst s2  }
0xb: {  	[smem:$0x3FAD] =	sst s3  }
0xc: {  	[smem:$0x3FAE] =	sst s4  }
0xd: {  	[smem:$0x3FAF] =	sst s5  }
0xe: {  	[smem:$0x3FB0] =	sst s6  }
0xf: {  	[smem:$0x3FB1] =	sst s7  }
0x10: {  	[smem:$0x3FB2] =	sst s8  }
0x11: {  	[smem:$0x3FB3] =	sst s9;
	s0 =	simm.s32 @!p0 $0x0  }
0x12: {  	s1 =	sld [smem:$0x3F99];
	s0 =	simm.s32 @p0 $0x1  }
0x13: {  	[smem:$0x3FB4] =	sst s0;
	s0 =	simm.s32 @!p1 $0x0  }
0x14: {  	s2 =	sld [smem:$0x3F98];
	s0 =	simm.s32 @p1 $0x1  }
0x15: {  	[smem:$0x3FB5] =	sst s0;
	s0 =	simm.s32 @!p2 $0x0  }
0x16: {  	s3 =	sld [smem:$0x3FDB];
	s0 =	simm.s32 @p2 $0x1  }
0x17: {  	s4 =	simm.s32 $0x1BF5;
	[smem:$0x3FB7] =	sst s0  }
0x18: {  	s0 =	sld [smem:$0x3F9A];
	_ =	swait.ge [sflag:s4], $0x0  }
0x19: {  	s7 =	sld [smem:$0x3F9B]  }
0x1a: {  	s8 =	sadd.s32 $0xFFFFE003, lr  }
0x1b: {  	s9 =	sadd.s32 $0xFFFFFEF7, lr;
	s5 =	simm.s32 $0xFFFFFFFF;
	p2 =	slt.u32 s8, $0xFFFFF086  }
0x1c: {  	p1 =	slt.u32 s9, $0xF7A;
	s5 =	simm.s32 @!p2 $0x0  }
0x1d: {  	s5 =	simm.s32 @p1 $0x1;
	p0 =	seq.s32 s7, s2  }
0x1e: {  	s7 =	smul.u32 @!p0 $0xF7A, s2;
	p2 =	seq.s32 @!p0 s5, $0x0  }
0x1f: {  	s9 =	smul.u32 $0xF7A, s1;
	s8 =	simm.s32 @!p0 $0x1BF5;
	p2 =	por !p2, p0  }
0x20: {  	[sflag:s8] =	ssyncset.s32 @!p0 $0xFFFFF086;
	s6 =	sadd.s32 @!p0 s3, s7;
	s7 =	simm.s32 @!p0 $0x108  }
0x21: {  	s3 =	sadd.s32 s3, s9;
	s6 =	sadd.s32 @!p0 $0x88, s6;
	s7 =	simm.s32 @p2 $0x1082  }
0x22: {  	[simem:s7], [sflag:s8] =	dma.local @!p0 [hbm:s6], $0xF7A  }
0x23: {  	s9 =	sor.u32 $0xD0000000, s2;
	s6 =	simm.s32 $0x108;
	_ =	swait.ge @!p0 [sflag:s8], $0x0  }
0x24: {  	s3 =	sadd.s32 $0x88, s3;
	s6 =	simm.s32 @!p1 $0x1082;
	[sflag:s4] =	ssyncset.s32 $0xFFFFF086  }
0x25: {  	[simem:s6], [sflag:s4] =	dma.local [hbm:s3], $0xF7A  }
0x26: {  	[smem:$0x3F9B] =	sst s1;
	(tag) =	ssettag s2;
	_ =	strace s9  }
0x27: {  	s1 =	sld [smem:$0x3FAB]  }
0x28: {  	s2 =	sld [smem:$0x3FAC]  }
0x29: {  	s4 =	sld [smem:$0x3FAE]  }
0x2a: {  	p0 =	seq.s32 s5, $0x0;
	s5 =	sld [smem:$0x3FAF]  }
0x2b: {  	s6 =	sld [smem:$0x3FB0]  }
0x2c: {  	s7 =	sld [smem:$0x3FB1]  }
0x2d: {  	s3 =	simm.s32 $0x108;
	s8 =	sld [smem:$0x3FB2]  }
0x2e: {  	s3 =	simm.s32 @!p0 $0x1082;
	s9 =	sld [smem:$0x3FB3]  }
0x2f: {  	lr =	sadd.s32 s0, s3;
	s0 =	sld [smem:$0x3FAA]  }
0x30: {  	s3 =	sld [smem:$0x3FAD]  }
0x31: {  	[smem:$0x3FB6] =	sst s10  }
0x32: {  	s10 =	sld [smem:$0x3FB4];
	_ =	sdelay $0x3  }
0x33: {  	p0 =	seq.s32 s10, $0x1;
	s10 =	sld [smem:$0x3FB6];
	_ =	sdelay $0x3  }
0x34: {  	[smem:$0x3FB6] =	sst s10  }
0x35: {  	s10 =	sld [smem:$0x3FB5];
	_ =	sdelay $0x3  }
0x36: {  	p1 =	seq.s32 s10, $0x1;
	s10 =	sld [smem:$0x3FB6];
	_ =	sdelay $0x3  }
0x37: {  	[smem:$0x3FB6] =	sst s10  }
0x38: {  	s10 =	sld [smem:$0x3FB7]  }
0x39: {  	_ = 	snop;
	(pc) =	sbr.ind lr, $3  }
0x3a: {  	_ = 	snop  }
0x3b: {  	_ = 	snop  }
0x3c: {  	p2 =	seq.s32 s10, $0x1;
	s10 =	sld [smem:$0x3FB6]  }
0x3d: {  	_ =	shalt  }
0x3e: {  	_ =	shalt  }
0x3f: {  	_ =	shalt  }
0x40: {  	_ =	shalt  }
0x41: {  	_ =	shalt  }
0x42: {  	_ =	shalt  }
0x43: {  	_ =	shalt  }
0x44: {  	_ =	shalt  }
0x45: {  	_ =	shalt  }
0x46: {  	_ =	shalt  }
0x47: {  	_ =	shalt  }
0x48: {  	_ =	shalt  }
0x49: {  	_ =	shalt  }
0x4a: {  	_ =	shalt  }
0x4b: {  	_ =	shalt  }
0x4c: {  	_ =	shalt  }
0x4d: {  	_ =	shalt  }
0x4e: {  	_ =	shalt  }
0x4f: {  	_ =	shalt  }
0x50: {  	_ =	shalt  }
0x51: {  	_ =	shalt  }
0x52: {  	_ =	shalt  }
0x53: {  	_ =	shalt  }
0x54: {  	_ =	shalt  }
0x55: {  	_ =	shalt  }
0x56: {  	_ =	shalt  }
0x57: {  	_ =	shalt  }
0x58: {  	_ =	shalt  }
0x59: {  	_ =	shalt  }
0x5a: {  	_ =	shalt  }
0x5b: {  	_ =	shalt  }
0x5c: {  	_ =	shalt  }
0x5d: {  	_ =	shalt  }
0x5e: {  	_ =	shalt  }
0x5f: {  	_ =	shalt  }
0x60: {  	_ =	shalt  }
0x61: {  	_ =	shalt  }
0x62: {  	_ =	shalt  }
0x63: {  	_ =	shalt  }
0x64: {  	_ =	shalt  }
0x65: {  	_ =	shalt  }
0x66: {  	_ =	shalt  }
0x67: {  	_ =	shalt  }
0x68: {  	_ =	shalt  }
0x69: {  	_ =	shalt  }
0x6a: {  	_ =	shalt  }
0x6b: {  	_ =	shalt  }
0x6c: {  	_ =	shalt  }
0x6d: {  	_ =	shalt  }
0x6e: {  	_ =	shalt  }
0x6f: {  	_ =	shalt  }
0x70: {  	_ =	shalt  }
0x71: {  	_ =	shalt  }
0x72: {  	_ =	shalt  }
0x73: {  	_ =	shalt  }
0x74: {  	_ =	shalt  }
0x75: {  	_ =	shalt  }
0x76: {  	_ =	shalt  }
0x77: {  	_ =	shalt  }
0x78: {  	_ =	shalt  }
0x79: {  	_ =	shalt  }
0x7a: {  	_ =	shalt  }
0x7b: {  	_ =	shalt  }
0x7c: {  	_ =	shalt  }
0x7d: {  	_ =	shalt  }
0x7e: {  	_ =	shalt  }
0x7f: {  	_ =	shalt  }
0x80: {  	_ =	shalt  }
0x81: {  	_ =	shalt  }
0x82: {  	_ =	shalt  }
0x83: {  	_ =	shalt  }
0x84: {  	_ =	shalt  }
0x85: {  	_ =	shalt  }
0x86: {  	_ =	shalt  }
0x87: {  	_ =	shalt  }
.Lfunc_end0:
.L_simem_size_0:
called_computation_lowered:
.L_overlay_start_0:
0x88: {  	s2 =	sld [smem:$0x3FD9]  }
0x89: {  	s3 =	sld [smem:$0x3FFE];
	_ =	sdelay $0x1  }
0x8a: {  	s1 =	srdreg.scid  }
0x8b: {  	s0 =	sand.u32 $0x1, s1  }
0x8c: {  	s16 =	sshll.u32 s0, $0xA;
	s2 =	sadd.s32 s3, s2  }
0x8d: {  	s2 =	sadd.s32 s2, s16  }
0x8e: {  	[smem:$0x3FC2] =	sst s2  }
0x8f: {  	_ = 	snop  }
0x90: {  	(tm) =	ssettm $0x1  }
0x91: {  	s17 =	sld [smem:$0x3FFB];
	_ =	sdelay $0x3  }
0x92: {  	_ =	strace s17  }
0x93: {  	s2 =	sld [smem:$0x3FFC];
	_ =	sdelay $0x3  }
0x94: {  	_ =	strace s2  }
0x95: {  	s2 =	sld [smem:$0x3FFD];
	_ =	sdelay $0x3  }
0x96: {  	_ =	strace s2  }
0x97: {  	_ =	strace $0x8FFFFFFF  }
0x98: {  	s18 =	sld [smem:$0x3FDB];
	_ =	sdelay $0x1  }
0x99: {  	s19 =	simm.s32 $_scs_section_size  }
0x9a: {  	s4 =	simm.s32 $_size__tile_overlayer_lowered;
	s5 =	simm.s32 $_tile_overlayer_lowered  }
0x9b: {  	s22 =	simm.s32 $0x1BFF;
	s21 =	sshll.u32 s5, $0x1;
	s2 =	sadd.s32 s19, s18  }
0x9c: {  	s6 =	simm.s32 $0x0;
	s20 =	sshll.u32 s4, $0x1;
	s4 =	sadd.s32 s21, s2  }
0x9d: {  	[timem:s6], [sflag:s22] =	dma.local [hbm:s4], s20  }
0x9e: {  	_ =	swait.ge [sflag:s22], s20  }
0x9f: {  	s3 =	ssub.s32 $0x0, s20;
	[sflag:s22] =	ssyncset.done $0x0  }
0xa0: {  	[sflag:s22] =	ssyncadd.s32 s3;
	_ =	sdelay $0x1  }
0xa1: {  	s23 =	simm.s32 $0x1B8B  }
0xa2: {  	_ =	swait.ge [sflag:s23], $0x1  }
0xa3: {  	[sflag:s23] =	ssyncset.done $0x0  }
0xa4: {  	s25 =	simm.s32 $0x1B8E;
	s24 =	sld [smem:$0x3FFE];
	[sflag:s23] =	ssyncadd.s32 $0xFFFFFFFF  }
0xa5: {  	s26 =	simm.s32 $execute0_lowered;
	[smem:$0x3FD2] =	sst s25  }
0xa6: {  	s4 =	sshll.u32 s26, $0x1;
	_ =	strace $0x80000046;
	[dreg:$0x1] =	wrdreg $0xFFFFFFFF  }
0xa7: {  	s28 =	simm.s32 $_size_execute0_lowered;
	s2 =	sadd.s32 s2, s4;
	[dreg:$0x0] =	wrdreg $0x0  }
0xa8: {  	s4 =	sshll.u32 s28, $0x1;
	[dreg:$0x2] =	wrdreg s2  }
0xa9: {  	[dreg:$0x3] =	wrdreg s4  }
0xaa: {  	[dreg:$0x4] =	wrdreg $0xC0  }
0xab: {  	_ =	task [dreg:s6], $0x5FFFF  }
0xac: {  	[dreg:$0x1] =	wrdreg $0xFFFFFFFF  }
0xad: {  	[dreg:$0x0] =	wrdreg $0x60  }
0xae: {  	[dreg:$0x2] =	wrdreg s24  }
0xaf: {  	[dreg:$0x3] =	wrdreg $0x67000  }
0xb0: {  	[dreg:$0x4] =	wrdreg $0x9  }
0xb1: {  	_ =	task.clear_ibuf [dreg:s6], $0x5FFFF;
	_ =	strace $0x90000046  }
0xb2: {  	s29 =	simm.s32 $0x9;
	_ =	strace $0x80000048  }
0xb3: {  	_ =	swait.ge [sflag:s29], $0x1  }
0xb4: {  	[sflag:s29] =	ssyncadd.s32 $0xFFFFFFFF  }
0xb5: {  	_ =	strace $0x90000048  }
0xb6: {  	_ =	sfence  }
0xb7: {  	s30 =	sld [smem:$0x0];
	_ =	sdelay $0x2  }
0xb8: {  	s31 =	sshll.u32 s1, $0xD;
	s1 =	sshrl.u32 s1, $0x2  }
0xb9: {  	s3 =	sand.u32 $0x4000, s31;
	s1 =	sadd.s32 s1, s30  }
0xba: {  	s0 =	sor.u32 s3, s0;
	s1 =	sshll.u32 s1, $0x11  }
0xbb: {  	s0 =	sor.u32 s1, s0  }
0xbc: {  	s0 =	sadd.s32 $0x8F2B, s0  }
0xbd: {  	[sflag:s0] =	ssyncadd.remote.s32 $0x1  }
0xbe: {  	_ =	sfence.sel $0xFFFF  }
0xbf: {  	[dreg:$0x0] =	wrdreg $0xFFFFFFFF;
	(pc) =	sbr.abs _section_cstart, $3  }
0xc0: {  	[dreg:$0x1] =	wrdreg $0xFFFFFFFF  }
0xc1: {  	_ =	task.clear_ibuf [dreg:s6], $0x2FFFF;
	_ =	strace $0x9FFFFFFF  }
0xc2: {  	(tm) =	ssettm $0x7FFFFFFF  }
0xc3: {  	_ =	shalt  }
tec
execute0_lowered:
.L_overlay_start_1:
0x0: {  	(tag) =	ssettag $0x1  }
0x1: {  	s6 =	rddreg [dreg:$0x0]  }
0x2: {  	s2 =	rddreg [dreg:$0x1]  }
0x3: {  	s0 =	rddreg [dreg:$0x2];
	s3 =	simm.s32 $0x0;
	s1 =	stileid.u32  }
0x4: {  	s4 =	srdreg.scid;
	s10 =	simm.s32 $0x10C00;
	s12 =	simm.s32 $0x6400  }
0x5: {  	s13 =	simm.s32 $0x1;
	s16 =	simm.s32 $0x0;
	s5 =	smul.u32 $0xC80, s1  }
0x6: {  	[smem:$0x7FF] =	sst s3;
	s7 =	sand.u32 $0x1, s4;
	s9 =	smul.u32 $0x280, s1  }
0x7: {  	s14 =	sshll.u32 s1, $0x6;
	_ =	strace $0x80000047;
	s4 =	ssub.s32 $0x2, s7  }
0x8: {  	p0 =	seq.s32 s7, $0x1;
	s11 =	smul.u32 $0xC800, s7;
	s14 =	sor.u32 $0x1C02, s14  }
0x9: {  	s5 =	sadd.s32 s5, s6;
	s8 =	sshrl.u32 s4, $0x1;
	s10 =	simm.s32 @!p0 $0x10600  }
0xa: {  	s30 =	sshrl.u32 s9, $0x3;
	s8 =	ssub.s32 s4, s8;
	s4 =	sadd.s32 s9, s2  }
0xb: {  	s5 =	sadd.s32 $0x3E00, s5;
	s31 =	sadd.s32 s10, s6;
	s9 =	simm.s32 $0x6480  }
0xc: {  	s10 =	simm.s32 $0x2;
	s6 =	smax.u32 s8, $0x1;
	s7 =	sadd.s32 s31, s30  }
0xd: {  	v0 =	vimm.f32 $0.0e+00;
	v1 =	vimm.f32 $1.000000000e+00;
	s8 =	sshrl.u32 s11, $0x2;
	s11 =	simm.s32 $0x64;
	s15 =	sshrl.u32 s4, $0x3  }
.LBB2_1:
0xe: {  	[tilespmem:$0x6480] =	vst v0  }
0xf: {  	[tilespmem:$0x6490] =	vst v0  }
0x10: {  	[tilespmem:$0x64A0] =	vst v0  }
0x11: {  	[tilespmem:$0x64B0] =	vst v0  }
0x12: {  	[tilespmem:$0x64C0] =	vst v0  }
0x13: {  	[tilespmem:$0x64D0] =	vst v0  }
0x14: {  	[tilespmem:$0x64E0] =	vst v0  }
0x15: {  	[tilespmem:$0x64F0] =	vst v0  }
0x16: {  	[tilespmem:$0x6500] =	vst v0  }
0x17: {  	[tilespmem:$0x6510] =	vst v0  }
0x18: {  	[tilespmem:$0x6520] =	vst v0  }
0x19: {  	[tilespmem:$0x6530] =	vst v0  }
0x1a: {  	[tilespmem:$0x6540] =	vst v0  }
0x1b: {  	[tilespmem:$0x6550] =	vst v0  }
0x1c: {  	[tilespmem:$0x6560] =	vst v0  }
0x1d: {  	[tilespmem:$0x6570] =	vst v0  }
0x1e: {  	[tilespmem:$0x6580] =	vst v0  }
0x1f: {  	[tilespmem:$0x6590] =	vst v0  }
0x20: {  	[tilespmem:$0x65A0] =	vst v0  }
0x21: {  	[tilespmem:$0x65B0] =	vst v0  }
0x22: {  	[tilespmem:$0x65C0] =	vst v0  }
0x23: {  	[tilespmem:$0x65D0] =	vst v0  }
0x24: {  	[tilespmem:$0x65E0] =	vst v0  }
0x25: {  	[tilespmem:$0x65F0] =	vst v0  }
0x26: {  	[tilespmem:$0x6600] =	vst v0  }
0x27: {  	[tilespmem:$0x6610] =	vst v0  }
0x28: {  	[tilespmem:$0x6620] =	vst v0  }
0x29: {  	[tilespmem:$0x6630] =	vst v0  }
0x2a: {  	[tilespmem:$0x6640] =	vst v0  }
0x2b: {  	[tilespmem:$0x6650] =	vst v0  }
0x2c: {  	[tilespmem:$0x6660] =	vst v0  }
0x2d: {  	[tilespmem:$0x6670] =	vst v0  }
0x2e: {  	[tilespmem:$0x6680] =	vst v0  }
0x2f: {  	[tilespmem:$0x6690] =	vst v0  }
0x30: {  	[tilespmem:$0x66A0] =	vst v0  }
0x31: {  	[tilespmem:$0x66B0] =	vst v0  }
0x32: {  	[tilespmem:$0x66C0] =	vst v0  }
0x33: {  	[tilespmem:$0x66D0] =	vst v0  }
0x34: {  	[tilespmem:$0x66E0] =	vst v0  }
0x35: {  	[tilespmem:$0x66F0] =	vst v0  }
0x36: {  	[tilespmem:$0x6400] =	vst v1  }
0x37: {  	[tilespmem:$0x6410] =	vst v1  }
0x38: {  	[tilespmem:$0x6420] =	vst v1  }
0x39: {  	[tilespmem:$0x6430] =	vst v1  }
0x3a: {  	[tilespmem:$0x6440] =	vst v1  }
0x3b: {  	[tilespmem:$0x6450] =	vst v1  }
0x3c: {  	[tilespmem:$0x6460] =	vst v1  }
0x3d: {  	[tilespmem:$0x6470] =	vst v1  }
0x3e: {  	[spmem:s4] =	stream.linear.scatter [tilespmem:s9], [sflag:$0x2], $0x280, $0x38;
	[tilespmem:$0x6980] =	vst v63  }
0x3f: {  	_ =	swait.ge [sflag:s10], $0x280  }
0x40: {  	[sflag:s10] =	ssyncset.done $0x0  }
0x41: {  	[sflag:s10] =	ssyncadd.s32 $0xFFFFFD80  }
0x42: {  	[bflag:$0x0] =	sbarrier.arrive $0xFFFF  }
0x43: {  	[tilespmem:s3], [sflag:$0x2] =	stream.linear.gather [hbm4b:s5+s3], $0x6400, $0x38;
	[tilespmem:$0x6980] =	vst v63  }
0x44: {  	_ =	swait.ge [sflag:s10], $0x6400  }
0x45: {  	[sflag:s10] =	ssyncset.done $0x0  }
0x46: {  	s17 =	sadd.s32 $0x0, s8;
	[sflag:s10] =	ssyncadd.s32 $0xFFFF9C00  }
0x47: {  	[spmem:s2] =	stream.indirect.scatter.add.f32 [tilespmem:s12], [sflag:$0x1], $0x1, s17, s11, $0xb8;
	[tilespmem:$0x6980] =	vst v63  }
0x48: {  	s18 =	sadd.s32 $0x80, s17  }
0x49: {  	[spmem:s2] =	stream.indirect.scatter.add.f32 [tilespmem:s12], [sflag:$0x1], $0x1, s18, s11, $0xb8;
	[tilespmem:$0x6980] =	vst v63  }
0x4a: {  	s24 =	sadd.s32 $0x100, s17  }
0x4b: {  	[spmem:s2] =	stream.indirect.scatter.add.f32 [tilespmem:s12], [sflag:$0x1], $0x1, s24, s11, $0xb8;
	[tilespmem:$0x6980] =	vst v63  }
0x4c: {  	s25 =	sadd.s32 $0x180, s17  }
0x4d: {  	[spmem:s2] =	stream.indirect.scatter.add.f32 [tilespmem:s12], [sflag:$0x1], $0x1, s25, s11, $0xb8;
	[tilespmem:$0x6980] =	vst v63  }
0x4e: {  	s26 =	sadd.s32 $0x200, s17  }
0x4f: {  	[spmem:s2] =	stream.indirect.scatter.add.f32 [tilespmem:s12], [sflag:$0x1], $0x1, s26, s11, $0xb8;
	[tilespmem:$0x6980] =	vst v63  }
0x50: {  	s28 =	sadd.s32 $0x280, s17  }
0x51: {  	[spmem:s2] =	stream.indirect.scatter.add.f32 [tilespmem:s12], [sflag:$0x1], $0x1, s28, s11, $0xb8;
	[tilespmem:$0x6980] =	vst v63  }
0x52: {  	s29 =	sadd.s32 $0x300, s17  }
0x53: {  	[spmem:s2] =	stream.indirect.scatter.add.f32 [tilespmem:s12], [sflag:$0x1], $0x1, s29, s11, $0xb8;
	[tilespmem:$0x6980] =	vst v63  }
0x54: {  	s30 =	sadd.s32 $0x380, s17  }
0x55: {  	[spmem:s2] =	stream.indirect.scatter.add.f32 [tilespmem:s12], [sflag:$0x1], $0x1, s30, s11, $0xb8;
	[tilespmem:$0x6980] =	vst v63  }
0x56: {  	s31 =	sadd.s32 $0x400, s17  }
0x57: {  	[spmem:s2] =	stream.indirect.scatter.add.f32 [tilespmem:s12], [sflag:$0x1], $0x1, s31, s11, $0xb8;
	[tilespmem:$0x6980] =	vst v63  }
0x58: {  	s17 =	sadd.s32 $0x480, s17  }
0x59: {  	[spmem:s2] =	stream.indirect.scatter.add.f32 [tilespmem:s12], [sflag:$0x1], $0x1, s17, s11, $0xb8;
	[tilespmem:$0x6980] =	vst v63  }
0x5a: {  	_ =	swait.ge [sflag:s13], $0x64  }
0x5b: {  	[sflag:s13] =	ssyncset.done $0x0  }
0x5c: {  	[sflag:s13] =	ssyncadd.s32 $0xFFFFFF9C  }
0x5d: {  	_ =	swait.ge [sflag:s13], $0x64  }
0x5e: {  	[sflag:s13] =	ssyncset.done $0x0  }
0x5f: {  	[sflag:s13] =	ssyncadd.s32 $0xFFFFFF9C  }
0x60: {  	_ =	swait.ge [sflag:s13], $0x64  }
0x61: {  	[sflag:s13] =	ssyncset.done $0x0  }
0x62: {  	[sflag:s13] =	ssyncadd.s32 $0xFFFFFF9C  }
0x63: {  	_ =	swait.ge [sflag:s13], $0x64  }
0x64: {  	[sflag:s13] =	ssyncset.done $0x0  }
0x65: {  	[sflag:s13] =	ssyncadd.s32 $0xFFFFFF9C  }
0x66: {  	_ =	swait.ge [sflag:s13], $0x64  }
0x67: {  	[sflag:s13] =	ssyncset.done $0x0  }
0x68: {  	[sflag:s13] =	ssyncadd.s32 $0xFFFFFF9C  }
0x69: {  	_ =	swait.ge [sflag:s13], $0x64  }
0x6a: {  	[sflag:s13] =	ssyncset.done $0x0  }
0x6b: {  	[sflag:s13] =	ssyncadd.s32 $0xFFFFFF9C  }
0x6c: {  	_ =	swait.ge [sflag:s13], $0x64  }
0x6d: {  	[sflag:s13] =	ssyncset.done $0x0  }
0x6e: {  	[sflag:s13] =	ssyncadd.s32 $0xFFFFFF9C  }
0x6f: {  	_ =	swait.ge [sflag:s13], $0x64  }
0x70: {  	[sflag:s13] =	ssyncset.done $0x0  }
0x71: {  	[sflag:s13] =	ssyncadd.s32 $0xFFFFFF9C  }
0x72: {  	_ =	swait.ge [sflag:s13], $0x64  }
0x73: {  	[sflag:s13] =	ssyncset.done $0x0  }
0x74: {  	[sflag:s13] =	ssyncadd.s32 $0xFFFFFF9C  }
0x75: {  	_ =	swait.ge [sflag:s13], $0x64  }
0x76: {  	s19 =	simm.s32 $0x2800;
	s18 =	simm.s32 $0x500;
	[sflag:s13] =	ssyncset.done $0x0  }
.LBB2_2:
0x77: {  	s20 =	sadd.s32 s18, s8  }
0x78: {  	[sflag:s13] =	ssyncadd.s32 $0xFFFFFF9C;
	s18 =	smov.u32 s19;
	s17 =	sadd.s32 $0x1400, s19  }
0x79: {  	[spmem:s2] =	stream.indirect.scatter.add.f32 [tilespmem:s12], [sflag:$0x1], $0x1, s20, s11, $0xb8;
	[tilespmem:$0x6980] =	vst v63  }
0x7a: {  	p0 =	sne.s32 s19, $0xB400;
	s19 =	sadd.s32 $0x80, s20  }
0x7b: {  	[spmem:s2] =	stream.indirect.scatter.add.f32 [tilespmem:s12], [sflag:$0x1], $0x1, s19, s11, $0xb8;
	[tilespmem:$0x6980] =	vst v63  }
0x7c: {  	s19 =	sadd.s32 $0x100, s20  }
0x7d: {  	[spmem:s2] =	stream.indirect.scatter.add.f32 [tilespmem:s12], [sflag:$0x1], $0x1, s19, s11, $0xb8;
	[tilespmem:$0x6980] =	vst v63  }
0x7e: {  	s19 =	sadd.s32 $0x180, s20  }
0x7f: {  	[spmem:s2] =	stream.indirect.scatter.add.f32 [tilespmem:s12], [sflag:$0x1], $0x1, s19, s11, $0xb8;
	[tilespmem:$0x6980] =	vst v63  }
0x80: {  	s19 =	sadd.s32 $0x200, s20  }
0x81: {  	[spmem:s2] =	stream.indirect.scatter.add.f32 [tilespmem:s12], [sflag:$0x1], $0x1, s19, s11, $0xb8;
	[tilespmem:$0x6980] =	vst v63  }
0x82: {  	s19 =	sadd.s32 $0x280, s20  }
0x83: {  	[spmem:s2] =	stream.indirect.scatter.add.f32 [tilespmem:s12], [sflag:$0x1], $0x1, s19, s11, $0xb8;
	[tilespmem:$0x6980] =	vst v63  }
0x84: {  	s19 =	sadd.s32 $0x300, s20  }
0x85: {  	[spmem:s2] =	stream.indirect.scatter.add.f32 [tilespmem:s12], [sflag:$0x1], $0x1, s19, s11, $0xb8;
	[tilespmem:$0x6980] =	vst v63  }
0x86: {  	s19 =	sadd.s32 $0x380, s20  }
0x87: {  	[spmem:s2] =	stream.indirect.scatter.add.f32 [tilespmem:s12], [sflag:$0x1], $0x1, s19, s11, $0xb8;
	[tilespmem:$0x6980] =	vst v63  }
0x88: {  	s19 =	sadd.s32 $0x400, s20  }
0x89: {  	[spmem:s2] =	stream.indirect.scatter.add.f32 [tilespmem:s12], [sflag:$0x1], $0x1, s19, s11, $0xb8;
	[tilespmem:$0x6980] =	vst v63  }
0x8a: {  	s19 =	sadd.s32 $0x480, s20  }
0x8b: {  	[spmem:s2] =	stream.indirect.scatter.add.f32 [tilespmem:s12], [sflag:$0x1], $0x1, s19, s11, $0xb8;
	[tilespmem:$0x6980] =	vst v63  }
0x8c: {  	_ =	swait.ge [sflag:s13], $0x64  }
0x8d: {  	[sflag:s13] =	ssyncset.done $0x0  }
0x8e: {  	[sflag:s13] =	ssyncadd.s32 $0xFFFFFF9C  }
0x8f: {  	_ =	swait.ge [sflag:s13], $0x64  }
0x90: {  	[sflag:s13] =	ssyncset.done $0x0  }
0x91: {  	[sflag:s13] =	ssyncadd.s32 $0xFFFFFF9C  }
0x92: {  	_ =	swait.ge [sflag:s13], $0x64  }
0x93: {  	[sflag:s13] =	ssyncset.done $0x0  }
0x94: {  	[sflag:s13] =	ssyncadd.s32 $0xFFFFFF9C  }
0x95: {  	_ =	swait.ge [sflag:s13], $0x64  }
0x96: {  	[sflag:s13] =	ssyncset.done $0x0  }
0x97: {  	[sflag:s13] =	ssyncadd.s32 $0xFFFFFF9C  }
0x98: {  	_ =	swait.ge [sflag:s13], $0x64  }
0x99: {  	[sflag:s13] =	ssyncset.done $0x0  }
0x9a: {  	[sflag:s13] =	ssyncadd.s32 $0xFFFFFF9C  }
0x9b: {  	_ =	swait.ge [sflag:s13], $0x64  }
0x9c: {  	[sflag:s13] =	ssyncset.done $0x0  }
0x9d: {  	[sflag:s13] =	ssyncadd.s32 $0xFFFFFF9C  }
0x9e: {  	_ =	swait.ge [sflag:s13], $0x64  }
0x9f: {  	[sflag:s13] =	ssyncset.done $0x0  }
0xa0: {  	[sflag:s13] =	ssyncadd.s32 $0xFFFFFF9C  }
0xa1: {  	_ =	swait.ge [sflag:s13], $0x64  }
0xa2: {  	[sflag:s13] =	ssyncset.done $0x0  }
0xa3: {  	[sflag:s13] =	ssyncadd.s32 $0xFFFFFF9C  }
.Ltmp0:
0xa4: {  	_ =	swait.ge [sflag:s13], $0x64;
	(pc) =	sbr.rel @p0 .LBB2_2-.Ltmp0, $4  }
0xa5: {  	[sflag:s13] =	ssyncset.done $0x0  }
0xa6: {  	[sflag:s13] =	ssyncadd.s32 $0xFFFFFF9C  }
0xa7: {  	_ =	swait.ge [sflag:s13], $0x64  }
0xa8: {  	s18 =	sshra.s32 s18, $0x2;
	s19 =	smov.u32 s17;
	[sflag:s13] =	ssyncset.done $0x0  }
0xa9: {  	s17 =	sadd.s32 s18, s8;
	[sflag:s13] =	ssyncadd.s32 $0xFFFFFF9C  }
0xaa: {  	[spmem:s2] =	stream.indirect.scatter.add.f32 [tilespmem:s12], [sflag:$0x1], $0x1, s17, s11, $0xb8;
	[tilespmem:$0x6980] =	vst v63  }
0xab: {  	s18 =	sadd.s32 $0x80, s17  }
0xac: {  	[spmem:s2] =	stream.indirect.scatter.add.f32 [tilespmem:s12], [sflag:$0x1], $0x1, s18, s11, $0xb8;
	[tilespmem:$0x6980] =	vst v63  }
0xad: {  	s24 =	sadd.s32 $0x100, s17  }
0xae: {  	[spmem:s2] =	stream.indirect.scatter.add.f32 [tilespmem:s12], [sflag:$0x1], $0x1, s24, s11, $0xb8;
	[tilespmem:$0x6980] =	vst v63  }
0xaf: {  	s25 =	sadd.s32 $0x180, s17  }
0xb0: {  	[spmem:s2] =	stream.indirect.scatter.add.f32 [tilespmem:s12], [sflag:$0x1], $0x1, s25, s11, $0xb8;
	[tilespmem:$0x6980] =	vst v63  }
0xb1: {  	s26 =	sadd.s32 $0x200, s17  }
0xb2: {  	[spmem:s2] =	stream.indirect.scatter.add.f32 [tilespmem:s12], [sflag:$0x1], $0x1, s26, s11, $0xb8;
	[tilespmem:$0x6980] =	vst v63  }
0xb3: {  	s28 =	sadd.s32 $0x280, s17  }
0xb4: {  	[spmem:s2] =	stream.indirect.scatter.add.f32 [tilespmem:s12], [sflag:$0x1], $0x1, s28, s11, $0xb8;
	[tilespmem:$0x6980] =	vst v63  }
0xb5: {  	s29 =	sadd.s32 $0x300, s17  }
0xb6: {  	[spmem:s2] =	stream.indirect.scatter.add.f32 [tilespmem:s12], [sflag:$0x1], $0x1, s29, s11, $0xb8;
	[tilespmem:$0x6980] =	vst v63  }
0xb7: {  	s30 =	sadd.s32 $0x380, s17  }
0xb8: {  	[spmem:s2] =	stream.indirect.scatter.add.f32 [tilespmem:s12], [sflag:$0x1], $0x1, s30, s11, $0xb8;
	[tilespmem:$0x6980] =	vst v63  }
0xb9: {  	s31 =	sadd.s32 $0x400, s17  }
0xba: {  	[spmem:s2] =	stream.indirect.scatter.add.f32 [tilespmem:s12], [sflag:$0x1], $0x1, s31, s11, $0xb8;
	[tilespmem:$0x6980] =	vst v63  }
0xbb: {  	s17 =	sadd.s32 $0x480, s17  }
0xbc: {  	[spmem:s2] =	stream.indirect.scatter.add.f32 [tilespmem:s12], [sflag:$0x1], $0x1, s17, s11, $0xb8;
	[tilespmem:$0x6980] =	vst v63  }
0xbd: {  	_ =	swait.ge [sflag:s13], $0x64  }
0xbe: {  	[sflag:s13] =	ssyncset.done $0x0  }
0xbf: {  	[sflag:s13] =	ssyncadd.s32 $0xFFFFFF9C  }
0xc0: {  	_ =	swait.ge [sflag:s13], $0x64  }
0xc1: {  	[sflag:s13] =	ssyncset.done $0x0  }
0xc2: {  	[sflag:s13] =	ssyncadd.s32 $0xFFFFFF9C  }
0xc3: {  	_ =	swait.ge [sflag:s13], $0x64  }
0xc4: {  	[sflag:s13] =	ssyncset.done $0x0  }
0xc5: {  	[sflag:s13] =	ssyncadd.s32 $0xFFFFFF9C  }
0xc6: {  	_ =	swait.ge [sflag:s13], $0x64  }
0xc7: {  	[sflag:s13] =	ssyncset.done $0x0  }
0xc8: {  	[sflag:s13] =	ssyncadd.s32 $0xFFFFFF9C  }
0xc9: {  	_ =	swait.ge [sflag:s13], $0x64  }
0xca: {  	[sflag:s13] =	ssyncset.done $0x0  }
0xcb: {  	[sflag:s13] =	ssyncadd.s32 $0xFFFFFF9C  }
0xcc: {  	_ =	swait.ge [sflag:s13], $0x64  }
0xcd: {  	[sflag:s13] =	ssyncset.done $0x0  }
0xce: {  	[sflag:s13] =	ssyncadd.s32 $0xFFFFFF9C  }
0xcf: {  	_ =	swait.ge [sflag:s13], $0x64  }
0xd0: {  	[sflag:s13] =	ssyncset.done $0x0  }
0xd1: {  	[sflag:s13] =	ssyncadd.s32 $0xFFFFFF9C  }
0xd2: {  	_ =	swait.ge [sflag:s13], $0x64  }
0xd3: {  	[sflag:s13] =	ssyncset.done $0x0  }
0xd4: {  	[sflag:s13] =	ssyncadd.s32 $0xFFFFFF9C  }
0xd5: {  	_ =	swait.ge [sflag:s13], $0x64  }
0xd6: {  	[sflag:s13] =	ssyncset.done $0x0  }
0xd7: {  	[sflag:s13] =	ssyncadd.s32 $0xFFFFFF9C  }
0xd8: {  	_ =	swait.ge [sflag:s13], $0x64  }
0xd9: {  	s16 =	sadd.s32 $0x1, s16;
	[sflag:s13] =	ssyncset.done $0x0  }
0xda: {  	p0 =	sne.s32 s16, s6;
	[sflag:s13] =	ssyncadd.s32 $0xFFFFFF9C  }
.Ltmp1:
0xdb: {  	[bflag:$0x0] =	sbarrier.arrive $0xFFFF;
	(pc) =	sbr.rel @p0 .LBB2_1-.Ltmp1, $4  }
0xdc: {  	[hbm:s7], [sflag:s14] =	dma.local [spmem:s15], $0x50  }
0xdd: {  	_ =	swait.ge [sflag:s10], $0x50  }
0xde: {  	[sflag:s10] =	ssyncset.done $0x0  }
0xdf: {  	[sflag:s10] =	ssyncadd.s32 $0xFFFFFFB0  }
0xe0: {  	_ =	sfence.sel $0x180000  }
0xe1: {  	[bflag:$0x0] =	sbarrier.arrive $0xFFFF  }
0xe2: {  	p0 =	sne.s32 s1, $0x0;
	_ =	strace $0x90000047  }
0xe3: {  	s0 =	sadd.s32 @!p0 $0x100000, s0;
	[bflag:$0x2] =	sbarrier.arrive $0xFFFF  }
0xe4: {  	[sflag:s0] =	ssyncadd.tile.s32 @!p0 $0x1;
	_ =	shalt  }
.Lfunc_end2:
_tile_overlayer_lowered:
.L_overlay_start_2:
0xe5: {  	(tag) =	ssettag $0x2  }
0xe6: {  	s0 =	rddreg [dreg:$0x0];
	s2 =	stileid.u32  }
0xe7: {  	s1 =	rddreg [dreg:$0x1];
	p0 =	sne.s32 s2, $0x0  }
0xe8: {  	s3 =	rddreg [dreg:$0x2];
	[bflag:$0x3] =	sbarrier.arrive $0xFFFF;
	s2 =	simm.s32 @!p0 $0x1C02  }
0xe9: {  	[timem:s3], [sflag:s2] =	dma.local @!p0 [hbm:s0], s1  }
0xea: {  	s0 =	simm.s32 @!p0 $0x2  }
0xeb: {  	_ =	swait.ge @!p0 [sflag:s0], s1  }
0xec: {  	s1 =	ssub.s32 @!p0 $0x0, s1;
	[sflag:s0] =	ssyncset.done @!p0 $0x0  }
0xed: {  	[sflag:s0] =	ssyncadd.s32 @!p0 s1  }
0xee: {  	[bflag:$0x3] =	sbarrier.arrive $0xFFFF  }
0xef: {  	_ =	shalt  }

// kernel: kernel.9.cloned.1.call-start
scs
__scs_entry_jumppad:
0x0: {  	(pc) =	sbr.rel $0x88, $3  }
0x1: {  	(tag) =	ssettag $0x0;
	lr =	simm.s32 $0x1  }
0x2: {  	[smem:$0x3F9B] =	sst lr;
	_ =	strace $0xD0000000  }
0x3: {  	_ = 	snop  }
0x4: {  	_ = 	snop  }
0x5: {  	_ = 	snop  }
0x6: {  	_ = 	snop  }
0x7: {  	_ = 	snop  }
__scs_overlays_trampoline_lowered:
0x8: {  	[smem:$0x3FAA] =	sst s0  }
0x9: {  	[smem:$0x3FAB] =	sst s1  }
0xa: {  	[smem:$0x3FAC] =	sst s2  }
0xb: {  	[smem:$0x3FAD] =	sst s3  }
0xc: {  	[smem:$0x3FAE] =	sst s4  }
0xd: {  	[smem:$0x3FAF] =	sst s5  }
0xe: {  	[smem:$0x3FB0] =	sst s6  }
0xf: {  	[smem:$0x3FB1] =	sst s7  }
0x10: {  	[smem:$0x3FB2] =	sst s8  }
0x11: {  	[smem:$0x3FB3] =	sst s9;
	s0 =	simm.s32 @!p0 $0x0  }
0x12: {  	s1 =	sld [smem:$0x3F99];
	s0 =	simm.s32 @p0 $0x1  }
0x13: {  	[smem:$0x3FB4] =	sst s0;
	s0 =	simm.s32 @!p1 $0x0  }
0x14: {  	s2 =	sld [smem:$0x3F98];
	s0 =	simm.s32 @p1 $0x1  }
0x15: {  	[smem:$0x3FB5] =	sst s0;
	s0 =	simm.s32 @!p2 $0x0  }
0x16: {  	s3 =	sld [smem:$0x3FDB];
	s0 =	simm.s32 @p2 $0x1  }
0x17: {  	s4 =	simm.s32 $0x1BF5;
	[smem:$0x3FB7] =	sst s0  }
0x18: {  	s0 =	sld [smem:$0x3F9A];
	_ =	swait.ge [sflag:s4], $0x0  }
0x19: {  	s7 =	sld [smem:$0x3F9B]  }
0x1a: {  	s8 =	sadd.s32 $0xFFFFE003, lr  }
0x1b: {  	s9 =	sadd.s32 $0xFFFFFEF7, lr;
	s5 =	simm.s32 $0xFFFFFFFF;
	p2 =	slt.u32 s8, $0xFFFFF086  }
0x1c: {  	p1 =	slt.u32 s9, $0xF7A;
	s5 =	simm.s32 @!p2 $0x0  }
0x1d: {  	s5 =	simm.s32 @p1 $0x1;
	p0 =	seq.s32 s7, s2  }
0x1e: {  	s7 =	smul.u32 @!p0 $0xF7A, s2;
	p2 =	seq.s32 @!p0 s5, $0x0  }
0x1f: {  	s9 =	smul.u32 $0xF7A, s1;
	s8 =	simm.s32 @!p0 $0x1BF5;
	p2 =	por !p2, p0  }
0x20: {  	[sflag:s8] =	ssyncset.s32 @!p0 $0xFFFFF086;
	s6 =	sadd.s32 @!p0 s3, s7;
	s7 =	simm.s32 @!p0 $0x108  }
0x21: {  	s3 =	sadd.s32 s3, s9;
	s6 =	sadd.s32 @!p0 $0x88, s6;
	s7 =	simm.s32 @p2 $0x1082  }
0x22: {  	[simem:s7], [sflag:s8] =	dma.local @!p0 [hbm:s6], $0xF7A  }
0x23: {  	s9 =	sor.u32 $0xD0000000, s2;
	s6 =	simm.s32 $0x108;
	_ =	swait.ge @!p0 [sflag:s8], $0x0  }
0x24: {  	s3 =	sadd.s32 $0x88, s3;
	s6 =	simm.s32 @!p1 $0x1082;
	[sflag:s4] =	ssyncset.s32 $0xFFFFF086  }
0x25: {  	[simem:s6], [sflag:s4] =	dma.local [hbm:s3], $0xF7A  }
0x26: {  	[smem:$0x3F9B] =	sst s1;
	(tag) =	ssettag s2;
	_ =	strace s9  }
0x27: {  	s1 =	sld [smem:$0x3FAB]  }
0x28: {  	s2 =	sld [smem:$0x3FAC]  }
0x29: {  	s4 =	sld [smem:$0x3FAE]  }
0x2a: {  	p0 =	seq.s32 s5, $0x0;
	s5 =	sld [smem:$0x3FAF]  }
0x2b: {  	s6 =	sld [smem:$0x3FB0]  }
0x2c: {  	s7 =	sld [smem:$0x3FB1]  }
0x2d: {  	s3 =	simm.s32 $0x108;
	s8 =	sld [smem:$0x3FB2]  }
0x2e: {  	s3 =	simm.s32 @!p0 $0x1082;
	s9 =	sld [smem:$0x3FB3]  }
0x2f: {  	lr =	sadd.s32 s0, s3;
	s0 =	sld [smem:$0x3FAA]  }
0x30: {  	s3 =	sld [smem:$0x3FAD]  }
0x31: {  	[smem:$0x3FB6] =	sst s10  }
0x32: {  	s10 =	sld [smem:$0x3FB4];
	_ =	sdelay $0x3  }
0x33: {  	p0 =	seq.s32 s10, $0x1;
	s10 =	sld [smem:$0x3FB6];
	_ =	sdelay $0x3  }
0x34: {  	[smem:$0x3FB6] =	sst s10  }
0x35: {  	s10 =	sld [smem:$0x3FB5];
	_ =	sdelay $0x3  }
0x36: {  	p1 =	seq.s32 s10, $0x1;
	s10 =	sld [smem:$0x3FB6];
	_ =	sdelay $0x3  }
0x37: {  	[smem:$0x3FB6] =	sst s10  }
0x38: {  	s10 =	sld [smem:$0x3FB7]  }
0x39: {  	_ = 	snop;
	(pc) =	sbr.ind lr, $3  }
0x3a: {  	_ = 	snop  }
0x3b: {  	_ = 	snop  }
0x3c: {  	p2 =	seq.s32 s10, $0x1;
	s10 =	sld [smem:$0x3FB6]  }
0x3d: {  	_ =	shalt  }
0x3e: {  	_ =	shalt  }
0x3f: {  	_ =	shalt  }
0x40: {  	_ =	shalt  }
0x41: {  	_ =	shalt  }
0x42: {  	_ =	shalt  }
0x43: {  	_ =	shalt  }
0x44: {  	_ =	shalt  }
0x45: {  	_ =	shalt  }
0x46: {  	_ =	shalt  }
0x47: {  	_ =	shalt  }
0x48: {  	_ =	shalt  }
0x49: {  	_ =	shalt  }
0x4a: {  	_ =	shalt  }
0x4b: {  	_ =	shalt  }
0x4c: {  	_ =	shalt  }
0x4d: {  	_ =	shalt  }
0x4e: {  	_ =	shalt  }
0x4f: {  	_ =	shalt  }
0x50: {  	_ =	shalt  }
0x51: {  	_ =	shalt  }
0x52: {  	_ =	shalt  }
0x53: {  	_ =	shalt  }
0x54: {  	_ =	shalt  }
0x55: {  	_ =	shalt  }
0x56: {  	_ =	shalt  }
0x57: {  	_ =	shalt  }
0x58: {  	_ =	shalt  }
0x59: {  	_ =	shalt  }
0x5a: {  	_ =	shalt  }
0x5b: {  	_ =	shalt  }
0x5c: {  	_ =	shalt  }
0x5d: {  	_ =	shalt  }
0x5e: {  	_ =	shalt  }
0x5f: {  	_ =	shalt  }
0x60: {  	_ =	shalt  }
0x61: {  	_ =	shalt  }
0x62: {  	_ =	shalt  }
0x63: {  	_ =	shalt  }
0x64: {  	_ =	shalt  }
0x65: {  	_ =	shalt  }
0x66: {  	_ =	shalt  }
0x67: {  	_ =	shalt  }
0x68: {  	_ =	shalt  }
0x69: {  	_ =	shalt  }
0x6a: {  	_ =	shalt  }
0x6b: {  	_ =	shalt  }
0x6c: {  	_ =	shalt  }
0x6d: {  	_ =	shalt  }
0x6e: {  	_ =	shalt  }
0x6f: {  	_ =	shalt  }
0x70: {  	_ =	shalt  }
0x71: {  	_ =	shalt  }
0x72: {  	_ =	shalt  }
0x73: {  	_ =	shalt  }
0x74: {  	_ =	shalt  }
0x75: {  	_ =	shalt  }
0x76: {  	_ =	shalt  }
0x77: {  	_ =	shalt  }
0x78: {  	_ =	shalt  }
0x79: {  	_ =	shalt  }
0x7a: {  	_ =	shalt  }
0x7b: {  	_ =	shalt  }
0x7c: {  	_ =	shalt  }
0x7d: {  	_ =	shalt  }
0x7e: {  	_ =	shalt  }
0x7f: {  	_ =	shalt  }
0x80: {  	_ =	shalt  }
0x81: {  	_ =	shalt  }
0x82: {  	_ =	shalt  }
0x83: {  	_ =	shalt  }
0x84: {  	_ =	shalt  }
0x85: {  	_ =	shalt  }
0x86: {  	_ =	shalt  }
0x87: {  	_ =	shalt  }
.Lfunc_end0:
.L_simem_size_0:
called_computation.1_lowered:
.L_overlay_start_0:
0x88: {  	s2 =	sld [smem:$0x3FD9]  }
0x89: {  	s3 =	sld [smem:$0x3FFE];
	_ =	sdelay $0x1  }
0x8a: {  	s1 =	srdreg.scid  }
0x8b: {  	s0 =	sand.u32 $0x1, s1  }
0x8c: {  	s16 =	sshll.u32 s0, $0xA;
	s2 =	sadd.s32 s3, s2  }
0x8d: {  	s2 =	sadd.s32 s2, s16  }
0x8e: {  	[smem:$0x3FC2] =	sst s2  }
0x8f: {  	_ = 	snop  }
0x90: {  	(tm) =	ssettm $0x1  }
0x91: {  	s17 =	sld [smem:$0x3FFB];
	_ =	sdelay $0x3  }
0x92: {  	_ =	strace s17  }
0x93: {  	s2 =	sld [smem:$0x3FFC];
	_ =	sdelay $0x3  }
0x94: {  	_ =	strace s2  }
0x95: {  	s2 =	sld [smem:$0x3FFD];
	_ =	sdelay $0x3  }
0x96: {  	_ =	strace s2  }
0x97: {  	_ =	strace $0x8FFFFFFF  }
0x98: {  	s18 =	sld [smem:$0x3FDB];
	_ =	sdelay $0x1  }
0x99: {  	s19 =	simm.s32 $_scs_section_size  }
0x9a: {  	s4 =	simm.s32 $_size__tile_overlayer_lowered;
	s5 =	simm.s32 $_tile_overlayer_lowered  }
0x9b: {  	s22 =	simm.s32 $0x1BFF;
	s21 =	sshll.u32 s5, $0x1;
	s2 =	sadd.s32 s19, s18  }
0x9c: {  	s6 =	simm.s32 $0x0;
	s20 =	sshll.u32 s4, $0x1;
	s4 =	sadd.s32 s21, s2  }
0x9d: {  	[timem:s6], [sflag:s22] =	dma.local [hbm:s4], s20  }
0x9e: {  	_ =	swait.ge [sflag:s22], s20  }
0x9f: {  	s3 =	ssub.s32 $0x0, s20;
	[sflag:s22] =	ssyncset.done $0x0  }
0xa0: {  	[sflag:s22] =	ssyncadd.s32 s3;
	_ =	sdelay $0x1  }
0xa1: {  	s23 =	simm.s32 $0x1B8B  }
0xa2: {  	_ =	swait.ge [sflag:s23], $0x1  }
0xa3: {  	[sflag:s23] =	ssyncset.done $0x0  }
0xa4: {  	s25 =	simm.s32 $0x1B8E;
	s24 =	sld [smem:$0x3FFE];
	[sflag:s23] =	ssyncadd.s32 $0xFFFFFFFF  }
0xa5: {  	s26 =	simm.s32 $execute0_lowered;
	[smem:$0x3FD2] =	sst s25  }
0xa6: {  	s4 =	sshll.u32 s26, $0x1;
	_ =	strace $0x80000049;
	[dreg:$0x1] =	wrdreg $0xFFFFFFFF  }
0xa7: {  	s28 =	simm.s32 $_size_execute0_lowered;
	s2 =	sadd.s32 s2, s4;
	[dreg:$0x0] =	wrdreg $0x0  }
0xa8: {  	s4 =	sshll.u32 s28, $0x1;
	[dreg:$0x2] =	wrdreg s2  }
0xa9: {  	[dreg:$0x3] =	wrdreg s4  }
0xaa: {  	[dreg:$0x4] =	wrdreg $0xC0  }
0xab: {  	_ =	task [dreg:s6], $0x5FFFF  }
0xac: {  	[dreg:$0x1] =	wrdreg $0xFFFFFFFF  }
0xad: {  	[dreg:$0x0] =	wrdreg $0x60  }
0xae: {  	[dreg:$0x2] =	wrdreg s24  }
0xaf: {  	[dreg:$0x3] =	wrdreg $0xAF000  }
0xb0: {  	[dreg:$0x4] =	wrdreg $0x1EF000  }
0xb1: {  	[dreg:$0x5] =	wrdreg $0x1F1800  }
0xb2: {  	[dreg:$0x6] =	wrdreg $0x9  }
0xb3: {  	_ =	task.clear_ibuf [dreg:s6], $0x7FFFF;
	_ =	strace $0x90000049  }
0xb4: {  	s29 =	simm.s32 $0x9;
	_ =	strace $0x8000004B  }
0xb5: {  	_ =	swait.ge [sflag:s29], $0x1  }
0xb6: {  	[sflag:s29] =	ssyncadd.s32 $0xFFFFFFFF  }
0xb7: {  	_ =	strace $0x9000004B  }
0xb8: {  	_ =	sfence  }
0xb9: {  	s30 =	sld [smem:$0x0];
	_ =	sdelay $0x2  }
0xba: {  	s31 =	sshll.u32 s1, $0xD;
	s1 =	sshrl.u32 s1, $0x2  }
0xbb: {  	s3 =	sand.u32 $0x4000, s31;
	s1 =	sadd.s32 s1, s30  }
0xbc: {  	s0 =	sor.u32 s3, s0;
	s1 =	sshll.u32 s1, $0x11  }
0xbd: {  	s0 =	sor.u32 s1, s0  }
0xbe: {  	s0 =	sadd.s32 $0x8F2B, s0  }
0xbf: {  	[sflag:s0] =	ssyncadd.remote.s32 $0x1  }
0xc0: {  	_ =	sfence.sel $0xFFFF  }
0xc1: {  	[dreg:$0x0] =	wrdreg $0xFFFFFFFF;
	(pc) =	sbr.abs _section_cstart, $3  }
0xc2: {  	[dreg:$0x1] =	wrdreg $0xFFFFFFFF  }
0xc3: {  	_ =	task.clear_ibuf [dreg:s6], $0x2FFFF;
	_ =	strace $0x9FFFFFFF  }
0xc4: {  	(tm) =	ssettm $0x7FFFFFFF  }
0xc5: {  	_ =	shalt  }
tec
execute0_lowered:
.L_overlay_start_1:
0x0: {  	(tag) =	ssettag $0x1  }
0x1: {  	s0 =	rddreg [dreg:$0x0]  }
0x2: {  	s2 =	rddreg [dreg:$0x1]  }
0x3: {  	s3 =	rddreg [dreg:$0x2]  }
0x4: {  	s4 =	rddreg [dreg:$0x3]  }
0x5: {  	s14 =	stileid.u32;
	s5 =	simm.s32 $0x0;
	s11 =	srdreg.scid  }
0x6: {  	s1 =	smul.u32 $0x280, s14;
	[smem:$0x7FF] =	sst s5;
	s7 =	sadd.s32 $0x11200, s0  }
0x7: {  	s8 =	sadd.s32 $0x3E00, s0;
	s9 =	sadd.s32 $0x1DA00, s0;
	s10 =	sadd.s32 $0x45A00, s0  }
0x8: {  	s12 =	sadd.s32 $0x6DA00, s0;
	s11 =	sand.u32 $0x1, s11;
	s29 =	smul.u32 $0x50000, s14  }
0x9: {  	s13 =	sadd.s32 $0x95A00, s0;
	_ =	strace $0x8000004A;
	[dreg:$0x6] =	wrdreg s12  }
0xa: {  	s30 =	sadd.s32 $0x10C00, s0;
	s16 =	smul.u32 $0x6400, s14;
	[dreg:$0x7] =	wrdreg s13  }
0xb: {  	[dreg:$0x8] =	wrdreg s30;
	s31 =	ssub.s32 $0x2, s11;
	p0 =	sne.s32 s11, $0x0  }
0xc: {  	s6 =	sshrl.u32 s1, $0x3;
	s15 =	sshrl.u32 s31, $0x1;
	s18 =	sshrl.u32 s16, $0x3  }
0xd: {  	[dreg:$0x5] =	wrdreg s6;
	s6 =	sadd.s32 s6, s0;
	s0 =	sadd.s32 $0xBDA00, s0  }
0xe: {  	s11 =	simm.s32 @!p0 $0x0;
	s20 =	sadd.s32 s7, s18;
	[dreg:$0x9] =	wrdreg s0  }
0xf: {  	s19 =	sadd.s32 $0x400, s16;
	s11 =	simm.s32 @p0 $0x1;
	[dreg:$0xe] =	wrdreg s20  }
0x10: {  	s21 =	sshrl.u32 s19, $0x3;
	s6 =	sadd.s32 $0x10600, s6;
	[smem:$0x7FD] =	sst s11  }
0x11: {  	s12 =	sshrl.u32 s29, $0x2;
	s22 =	sadd.s32 s7, s21;
	[dreg:$0xd] =	wrdreg s6  }
0x12: {  	s0 =	ssub.s32 s31, s15;
	s15 =	sadd.s32 s12, s2;
	[dreg:$0x10] =	wrdreg s22  }
0x13: {  	s17 =	sadd.s32 $0x2800, s15;
	[dreg:$0xa] =	wrdreg s15  }
0x14: {  	s6 =	sadd.s32 s8, s18;
	[dreg:$0xb] =	wrdreg s17  }
0x15: {  	s13 =	simm.s32 $0x6;
	s0 =	smax.u32 s0, $0x1;
	[dreg:$0xf] =	wrdreg s6  }
0x16: {  	s16 =	simm.s32 $0x4400;
	s24 =	sadd.s32 $0x5000, s15;
	[dreg:$0x12] =	wrdreg s0  }
0x17: {  	s31 =	smul.u32 $0x2800, s14;
	s25 =	sadd.s32 $0x7800, s15;
	[dreg:$0x14] =	wrdreg s24  }
0x18: {  	s12 =	simm.s32 $0x1000;
	s26 =	sadd.s32 $0xA000, s15;
	[dreg:$0x15] =	wrdreg s25  }
0x19: {  	s20 =	simm.s32 $0x3;
	s28 =	sadd.s32 $0xC800, s15;
	[dreg:$0x16] =	wrdreg s26  }
0x1a: {  	s29 =	sadd.s32 $0xF000, s15;
	s30 =	sadd.s32 $0x11800, s15;
	[dreg:$0x17] =	wrdreg s28  }
0x1b: {  	s18 =	simm.s32 $0x5;
	s22 =	simm.s32 $0x7800;
	[dreg:$0x18] =	wrdreg s29  }
.Ltmp0:
0x1c: {  	s17 =	sadd.s32 s1, s3;
	[dreg:$0x19] =	wrdreg s30;
	(pc) =	sbr.rel .LBB2_1-.Ltmp0, $4  }
0x1d: {  	s1 =	sadd.s32 s1, s4;
	s6 =	sadd.s32 s8, s21;
	[dreg:$0x1a] =	wrdreg s31  }
0x1e: {  	s21 =	simm.s32 $0x2;
	s24 =	simm.s32 $0x0;
	[dreg:$0x11] =	wrdreg s6  }
0x1f: {  	s23 =	sshrl.u32 s1, $0x3;
	s1 =	simm.s32 $0x64;
	[dreg:$0xc] =	wrdreg s17  }
0x20: {  	v0 =	vimm.f32 $0.0e+00;
	s6 =	simm.s32 $0xAC00;
	[dreg:$0x13] =	wrdreg s23;
	s23 =	simm.s32 $0x4  }
.LBB2_27:
0x21: {  	_ =	swait.ge [sflag:s18], $0x64  }
0x22: {  	[sflag:s18] =	ssyncset.done $0x0  }
0x23: {  	s0 =	simm.s32 $0xB00;
	[sflag:s18] =	ssyncadd.s32 $0xFFFFFF9C  }
0x24: {  	[tilespmem:s6], [sflag:$0x4] =	stream.indirect.gather [spmem:s4], $0x1, s0, s1, $0xb8;
	[tilespmem:$0x1F400] =	vst v63  }
0x25: {  	_ =	swait.ge [sflag:s20], $0x3200  }
0x26: {  	[sflag:s20] =	ssyncset.done $0x0  }
0x27: {  	[sflag:s20] =	ssyncadd.s32 $0xFFFFCE00  }
0x28: {  	_ =	swait.ge [sflag:s21], $0x3200  }
0x29: {  	[sflag:s21] =	ssyncset.done $0x0  }
0x2a: {  	[sflag:s21] =	ssyncadd.s32 $0xFFFFCE00  }
0x2b: {  	[spmem:s2] =	stream.indirect.scatter.add.f32 [tilespmem:s12], [sflag:$0x3], $0x80, s0, s1, $0xb8;
	[tilespmem:$0x1F400] =	vst v63  }
0x2c: {  	_ =	swait.ge [sflag:s23], $0x64  }
0x2d: {  	[sflag:s23] =	ssyncset.done $0x0  }
0x2e: {  	s29 =	simm.s32 $0x300;
	[sflag:s23] =	ssyncadd.s32 $0xFFFFFF9C  }
0x2f: {  	[spmem:s3] =	stream.indirect.scatter.add.f32 [tilespmem:s6], [sflag:$0x5], $0x1, s29, s1, $0xb8;
	[tilespmem:$0x1F400] =	vst v63  }
0x30: {  	_ =	swait.ge [sflag:s18], $0x64  }
0x31: {  	[sflag:s18] =	ssyncset.done $0x0  }
0x32: {  	s30 =	simm.s32 $0xB80;
	[sflag:s18] =	ssyncadd.s32 $0xFFFFFF9C  }
0x33: {  	[tilespmem:s6], [sflag:$0x4] =	stream.indirect.gather [spmem:s4], $0x1, s30, s1, $0xb8;
	[tilespmem:$0x1F400] =	vst v63  }
0x34: {  	_ =	swait.ge [sflag:s20], $0x3200  }
0x35: {  	[sflag:s20] =	ssyncset.done $0x0  }
0x36: {  	[sflag:s20] =	ssyncadd.s32 $0xFFFFCE00  }
0x37: {  	_ =	swait.ge [sflag:s21], $0x3200  }
0x38: {  	[sflag:s21] =	ssyncset.done $0x0  }
0x39: {  	[sflag:s21] =	ssyncadd.s32 $0xFFFFCE00  }
0x3a: {  	[spmem:s2] =	stream.indirect.scatter.add.f32 [tilespmem:s16], [sflag:$0x3], $0x80, s30, s1, $0xb8;
	[tilespmem:$0x1F400] =	vst v63  }
0x3b: {  	_ =	swait.ge [sflag:s23], $0x64  }
0x3c: {  	[sflag:s23] =	ssyncset.done $0x0  }
0x3d: {  	s31 =	simm.s32 $0x380;
	[sflag:s23] =	ssyncadd.s32 $0xFFFFFF9C  }
0x3e: {  	[spmem:s3] =	stream.indirect.scatter.add.f32 [tilespmem:s6], [sflag:$0x5], $0x1, s31, s1, $0xb8;
	[tilespmem:$0x1F400] =	vst v63  }
0x3f: {  	_ =	swait.ge [sflag:s20], $0x3200  }
0x40: {  	[sflag:s20] =	ssyncset.done $0x0  }
0x41: {  	[sflag:s20] =	ssyncadd.s32 $0xFFFFCE00  }
0x42: {  	_ =	swait.ge [sflag:s18], $0x64  }
0x43: {  	[sflag:s18] =	ssyncset.done $0x0;
	s11 =	rddreg [dreg:$0x7]  }
0x44: {  	s0 =	rddreg [dreg:$0x9];
	[sflag:s18] =	ssyncadd.s32 $0xFFFFFF9C  }
.LBB2_28:
0x45: {  	s14 =	rddreg [dreg:$0x1a];
	[bflag:$0x0] =	sbarrier.arrive $0xFFFF  }
0x46: {  	s15 =	rddreg [dreg:$0xa]  }
0x47: {  	s11 =	sadd.s32 s11, s14;
	s25 =	rddreg [dreg:$0x1b];
	s28 =	sshrl.u32 s15, $0x3  }
0x48: {  	[hbm:s11], [sflag:s25] =	dma.local [spmem:s28], $0x2800  }
0x49: {  	_ =	swait.ge [sflag:s13], $0x2800  }
0x4a: {  	s29 =	rddreg [dreg:$0x5]  }
0x4b: {  	[sflag:s13] =	ssyncset.done $0x0;
	s17 =	rddreg [dreg:$0xc]  }
0x4c: {  	s0 =	sadd.s32 s0, s29;
	[sflag:s13] =	ssyncadd.s32 $0xFFFFD800;
	s30 =	sshrl.u32 s17, $0x3  }
0x4d: {  	[hbm:s0], [sflag:s25] =	dma.local [spmem:s30], $0x50  }
0x4e: {  	_ =	swait.ge [sflag:s13], $0x50  }
0x4f: {  	s24 =	sadd.s32 $0x1, s24;
	s31 =	rddreg [dreg:$0x12]  }
0x50: {  	p0 =	sne.s32 s24, s31  }
.Ltmp1:
0x51: {  	_ = 	snop;
	(pc) =	sbr.rel @!p0 .LBB2_29-.Ltmp1, $3  }
0x52: {  	_ =	sdelay $0x1  }
0x53: {  	[sflag:s13] =	ssyncset.done $0x0  }
0x54: {  	[sflag:s13] =	ssyncadd.s32 $0xFFFFFFB0  }
.LBB2_1:
0x55: {  	s0 =	simm.s32 $0x0;
	s11 =	simm.s32 $0x200  }
.LBB2_2:
0x56: {  	p1 =	sne.s32 s11, $0xC600;
	[tilespmem:s0+$0x1070] =	vst v0  }
0x57: {  	[tilespmem:s0+$0x1000] =	vst v0  }
0x58: {  	[tilespmem:s0+$0x1010] =	vst v0  }
.Ltmp2:
0x59: {  	[tilespmem:s0+$0x1020] =	vst v0;
	(pc) =	sbr.rel @p1 .LBB2_2-.Ltmp2, $4  }
0x5a: {  	[tilespmem:s0+$0x1030] =	vst v0  }
0x5b: {  	[tilespmem:s0+$0x1040] =	vst v0  }
0x5c: {  	[tilespmem:s0+$0x1050] =	vst v0  }
0x5d: {  	[tilespmem:s0+$0x1060] =	vst v0;
	s0 =	sshra.s32 s11, $0x2;
	s11 =	sadd.s32 $0x200, s11  }
0x5e: {  	[tilespmem:s0+$0x1070] =	vst v0  }
0x5f: {  	[tilespmem:s0+$0x1000] =	vst v0  }
0x60: {  	[tilespmem:s0+$0x1010] =	vst v0  }
0x61: {  	[tilespmem:s0+$0x1020] =	vst v0  }
0x62: {  	[tilespmem:s0+$0x1030] =	vst v0  }
0x63: {  	[tilespmem:s0+$0x1040] =	vst v0  }
0x64: {  	[tilespmem:s0+$0x1050] =	vst v0  }
0x65: {  	[tilespmem:s0+$0x1060] =	vst v0  }
0x66: {  	[tilespmem:$0xAC80] =	vst v0  }
0x67: {  	[tilespmem:$0xAC90] =	vst v0  }
0x68: {  	[tilespmem:$0xACA0] =	vst v0  }
0x69: {  	[tilespmem:$0xACB0] =	vst v0  }
0x6a: {  	[tilespmem:$0xACC0] =	vst v0  }
0x6b: {  	[tilespmem:$0xACD0] =	vst v0  }
0x6c: {  	[tilespmem:$0xACE0] =	vst v0  }
0x6d: {  	[tilespmem:$0xACF0] =	vst v0  }
0x6e: {  	[tilespmem:$0xAD00] =	vst v0  }
0x6f: {  	[tilespmem:$0xAD10] =	vst v0  }
0x70: {  	[tilespmem:$0xAD20] =	vst v0  }
0x71: {  	[tilespmem:$0xAD30] =	vst v0  }
0x72: {  	[tilespmem:$0xAD40] =	vst v0  }
0x73: {  	[tilespmem:$0xAD50] =	vst v0  }
0x74: {  	[tilespmem:$0xAD60] =	vst v0  }
0x75: {  	[tilespmem:$0xAD70] =	vst v0  }
0x76: {  	[tilespmem:$0xAD80] =	vst v0  }
0x77: {  	[tilespmem:$0xAD90] =	vst v0  }
0x78: {  	[tilespmem:$0xADA0] =	vst v0  }
0x79: {  	[tilespmem:$0xADB0] =	vst v0  }
0x7a: {  	[tilespmem:$0xADC0] =	vst v0  }
0x7b: {  	[tilespmem:$0xADD0] =	vst v0  }
0x7c: {  	[tilespmem:$0xADE0] =	vst v0  }
0x7d: {  	[tilespmem:$0xADF0] =	vst v0  }
0x7e: {  	[tilespmem:$0xAE00] =	vst v0  }
0x7f: {  	[tilespmem:$0xAE10] =	vst v0  }
0x80: {  	[tilespmem:$0xAE20] =	vst v0  }
0x81: {  	[tilespmem:$0xAE30] =	vst v0  }
0x82: {  	[tilespmem:$0xAE40] =	vst v0  }
0x83: {  	[tilespmem:$0xAE50] =	vst v0  }
0x84: {  	[tilespmem:$0xAE60] =	vst v0  }
0x85: {  	[tilespmem:$0xAE70] =	vst v0  }
0x86: {  	[tilespmem:$0xAE80] =	vst v0  }
0x87: {  	[tilespmem:$0xAE90] =	vst v0  }
0x88: {  	[tilespmem:$0xAEA0] =	vst v0  }
0x89: {  	[tilespmem:$0xAEB0] =	vst v0  }
0x8a: {  	[tilespmem:$0xAEC0] =	vst v0  }
0x8b: {  	[tilespmem:$0xAED0] =	vst v0  }
0x8c: {  	[tilespmem:$0xAEE0] =	vst v0  }
0x8d: {  	[tilespmem:$0xAEF0] =	vst v0  }
0x8e: {  	[spmem:s15] =	stream.linear.scatter [tilespmem:s12], [sflag:$0x6], $0x2800, $0x38;
	[tilespmem:$0x1F400] =	vst v63  }
0x8f: {  	_ =	swait.ge [sflag:s13], $0x2800  }
0x90: {  	[sflag:s13] =	ssyncset.done $0x0  }
0x91: {  	s31 =	rddreg [dreg:$0xb];
	[sflag:s13] =	ssyncadd.s32 $0xFFFFD800  }
0x92: {  	[spmem:s31] =	stream.linear.scatter [tilespmem:s12], [sflag:$0x6], $0x2800, $0x38;
	[tilespmem:$0x1F400] =	vst v63  }
0x93: {  	_ =	swait.ge [sflag:s13], $0x2800  }
0x94: {  	[sflag:s13] =	ssyncset.done $0x0  }
0x95: {  	s11 =	rddreg [dreg:$0x14];
	[sflag:s13] =	ssyncadd.s32 $0xFFFFD800  }
0x96: {  	[spmem:s11] =	stream.linear.scatter [tilespmem:s12], [sflag:$0x6], $0x2800, $0x38;
	[tilespmem:$0x1F400] =	vst v63  }
0x97: {  	_ =	swait.ge [sflag:s13], $0x2800  }
0x98: {  	[sflag:s13] =	ssyncset.done $0x0  }
0x99: {  	s14 =	rddreg [dreg:$0x15];
	[sflag:s13] =	ssyncadd.s32 $0xFFFFD800  }
0x9a: {  	[spmem:s14] =	stream.linear.scatter [tilespmem:s12], [sflag:$0x6], $0x2800, $0x38;
	[tilespmem:$0x1F400] =	vst v63  }
0x9b: {  	_ =	swait.ge [sflag:s13], $0x2800  }
0x9c: {  	[sflag:s13] =	ssyncset.done $0x0  }
0x9d: {  	s15 =	rddreg [dreg:$0x16];
	[sflag:s13] =	ssyncadd.s32 $0xFFFFD800  }
0x9e: {  	[spmem:s15] =	stream.linear.scatter [tilespmem:s12], [sflag:$0x6], $0x2800, $0x38;
	[tilespmem:$0x1F400] =	vst v63  }
0x9f: {  	_ =	swait.ge [sflag:s13], $0x2800  }
0xa0: {  	[sflag:s13] =	ssyncset.done $0x0  }
0xa1: {  	s25 =	rddreg [dreg:$0x17];
	[sflag:s13] =	ssyncadd.s32 $0xFFFFD800  }
0xa2: {  	[spmem:s25] =	stream.linear.scatter [tilespmem:s12], [sflag:$0x6], $0x2800, $0x38;
	[tilespmem:$0x1F400] =	vst v63  }
0xa3: {  	_ =	swait.ge [sflag:s13], $0x2800  }
0xa4: {  	[sflag:s13] =	ssyncset.done $0x0  }
0xa5: {  	s26 =	rddreg [dreg:$0x18];
	[sflag:s13] =	ssyncadd.s32 $0xFFFFD800  }
0xa6: {  	[spmem:s26] =	stream.linear.scatter [tilespmem:s12], [sflag:$0x6], $0x2800, $0x38;
	[tilespmem:$0x1F400] =	vst v63  }
0xa7: {  	_ =	swait.ge [sflag:s13], $0x2800  }
0xa8: {  	[sflag:s13] =	ssyncset.done $0x0  }
0xa9: {  	s28 =	rddreg [dreg:$0x19];
	[sflag:s13] =	ssyncadd.s32 $0xFFFFD800  }
0xaa: {  	[spmem:s28] =	stream.linear.scatter [tilespmem:s12], [sflag:$0x6], $0x2800, $0x38;
	[tilespmem:$0x1F400] =	vst v63  }
0xab: {  	s30 =	stileid.u32;
	_ =	swait.ge [sflag:s13], $0x2800  }
0xac: {  	s0 =	sshll.u32 s30, $0x6;
	[sflag:s13] =	ssyncset.done $0x0  }
0xad: {  	s29 =	simm.s32 $0xAC80;
	s14 =	sor.u32 $0x1C06, s0;
	[sflag:s13] =	ssyncadd.s32 $0xFFFFD800  }
0xae: {  	[spmem:s17] =	stream.linear.scatter [tilespmem:s29], [sflag:$0x6], $0x280, $0x38;
	[tilespmem:$0x1F400] =	vst v63  }
0xaf: {  	_ =	swait.ge [sflag:s13], $0x280;
	[dreg:$0x1b] =	wrdreg s14  }
0xb0: {  	[sflag:s13] =	ssyncset.done $0x0;
	s31 =	rddreg [dreg:$0xd]  }
0xb1: {  	s11 =	rddreg [dreg:$0x13];
	[sflag:s13] =	ssyncadd.s32 $0xFFFFFD80  }
0xb2: {  	[spmem:s11], [sflag:s14] =	dma.local [hbm:s31], $0x50  }
0xb3: {  	_ =	swait.ge [sflag:s13], $0x50  }
0xb4: {  	[sflag:s13] =	ssyncset.done $0x0  }
0xb5: {  	[sflag:s13] =	ssyncadd.s32 $0xFFFFFFB0  }
0xb6: {  	[bflag:$0x0] =	sbarrier.arrive $0xFFFF  }
0xb7: {  	s14 =	rddreg [dreg:$0xe]  }
0xb8: {  	[tilespmem:s5], [sflag:$0x1] =	stream.linear.gather [hbm4b:s14+s5], $0x400, $0x38;
	[tilespmem:$0x1F400] =	vst v63  }
0xb9: {  	s25 =	simm.s32 $0x1;
	s17 =	simm.s32 $0x800;
	s15 =	rddreg [dreg:$0xf]  }
0xba: {  	[tilespmem:s17], [sflag:$0x1] =	stream.linear.gather [hbm4b:s15+s5], $0x400, $0x38;
	[tilespmem:$0x1F400] =	vst v63  }
0xbb: {  	_ =	swait.ge [sflag:s25], $0x400  }
0xbc: {  	[sflag:s25] =	ssyncset.done $0x0  }
0xbd: {  	[sflag:s25] =	ssyncadd.s32 $0xFFFFFC00  }
0xbe: {  	_ =	swait.ge [sflag:s25], $0x400  }
0xbf: {  	s31 =	sld [smem:$0x7FD];
	_ =	sdelay $0x2  }
0xc0: {  	p0 =	seq.s32 s31, $0x1  }
.Ltmp3:
0xc1: {  	[sflag:s25] =	ssyncset.done $0x0;
	(pc) =	sbr.rel @p0 .LBB2_14-.Ltmp3, $4  }
0xc2: {  	s28 =	simm.s32 $0x400;
	s26 =	rddreg [dreg:$0x10];
	[sflag:s25] =	ssyncadd.s32 $0xFFFFFC00  }
0xc3: {  	[tilespmem:s28], [sflag:$0x1] =	stream.linear.gather [hbm4b:s26+s5], $0x400, $0x38;
	[tilespmem:$0x1F400] =	vst v63  }
0xc4: {  	s30 =	simm.s32 $0xC00;
	s29 =	rddreg [dreg:$0x11];
	s26 =	simm.s32 $0x0  }
0xc5: {  	[tilespmem:s30], [sflag:$0x1] =	stream.linear.gather [hbm4b:s29+s5], $0x400, $0x38;
	[tilespmem:$0x1F400] =	vst v63  }
.Ltmp4:
0xc6: {  	(pc) =	sbr.rel .LBB2_5-.Ltmp4, $4  }
0xc7: {  	_ = 	snop  }
0xc8: {  	[tilespmem:s12], [sflag:$0x2] =	stream.indirect.gather [hbm4b:s9+s1], $0x80, s26, s1, $0xb8;
	[tilespmem:$0x1F400] =	vst v63  }
0xc9: {  	s0 =	simm.s32 $0x80;
	s28 =	simm.s32 $0x800;
	s29 =	simm.s32 $0x0  }
0xca: {  	[tilespmem:s16], [sflag:$0x2] =	stream.indirect.gather [hbm4b:s9+s1], $0x80, s0, s1, $0xb8;
	[tilespmem:$0x1F400] =	vst v63  }
.LBB2_30:
0xcb: {  	s0 =	sshll.u32 s0, $0xA  }
0xcc: {  	s0 =	sadd.s32 s0, s19  }
0xcd: {  	s11 =	sshll.u32 s31, $0xA;
	s0 =	sshrl.u32 s0, $0x3  }
0xce: {  	s17 =	sxor.u32 $0x400, s11;
	s15 =	sadd.s32 s7, s0  }
0xcf: {  	[tilespmem:s17], [sflag:$0x1] =	stream.linear.gather [hbm4b:s15+s5], $0x400, $0x38;
	[tilespmem:$0x1F400] =	vst v63  }
0xd0: {  	s11 =	sxor.u32 $0xC00, s11;
	s0 =	sadd.s32 s8, s0  }
0xd1: {  	[tilespmem:s11], [sflag:$0x1] =	stream.linear.gather [hbm4b:s0+s5], $0x400, $0x38;
	[tilespmem:$0x1F400] =	vst v63  }
.LBB2_12:
0xd2: {  	_ =	swait.ge [sflag:s21], $0x3200;
	s0 =	sshll.u32 s31, $0xA;
	s11 =	sshll.u32 s30, $0x7  }
0xd3: {  	[sflag:s21] =	ssyncset.done $0x0;
	s0 =	sor.u32 s11, s0  }
0xd4: {  	s14 =	sadd.s32 $0xFFFFFC00, s28;
	[sflag:s21] =	ssyncadd.s32 $0xFFFFCE00;
	s11 =	sor.u32 $0x800, s0  }
0xd5: {  	[spmem:s2] =	stream.indirect.scatter.add.f32 [tilespmem:s12], [sflag:$0x3], $0x80, s11, s1, $0xb8;
	[tilespmem:$0x1F400] =	vst v63  }
0xd6: {  	s11 =	sand.u32 $0x1E00, s14  }
0xd7: {  	p2 =	slt.u32 s29, $0x23;
	s11 =	sshrl.u32 s11, $0x2  }
0xd8: {  	[tilespmem:s22], [sflag:$0x2] =	stream.indirect.gather [hbm4b:s9+s1], $0x80, s11, s1, $0xb8;
	[tilespmem:$0x1F400] =	vst v63  }
0xd9: {  	s11 =	simm.s32 @p2 $0x4  }
0xda: {  	_ =	swait.ge @p2 [sflag:s11], $0x64  }
0xdb: {  	[sflag:s11] =	ssyncset.done @p2 $0x0  }
0xdc: {  	s15 =	simm.s32 @p2 $0xAC00;
	[sflag:s11] =	ssyncadd.s32 @p2 $0xFFFFFF9C;
	s11 =	simm.s32 @p2 $0x64  }
0xdd: {  	[spmem:s3] =	stream.indirect.scatter.add.f32 @p2 [tilespmem:s15], [sflag:$0x5], $0x1, s0, s11, $0xb8;
	[tilespmem:$0x1F400] =	vst v63  }
0xde: {  	s0 =	sadd.s32 @p2 $0x1, s26  }
0xdf: {  	s17 =	sshrl.u32 @p2 s0, $0x3  }
0xe0: {  	s31 =	simm.s32 @p2 $0x5;
	s0 =	sand.u32 @p2 $0x7, s0;
	s30 =	sand.u32 @p2 $0x1, s17  }
0xe1: {  	_ =	swait.ge @p2 [sflag:s31], $0x64;
	s25 =	sshll.u32 @p2 s0, $0x7;
	s14 =	sshll.u32 @p2 s30, $0xA  }
0xe2: {  	[sflag:s31] =	ssyncset.done @p2 $0x0;
	s14 =	sor.u32 @p2 s25, s14  }
0xe3: {  	[sflag:s31] =	ssyncadd.s32 @p2 $0xFFFFFF9C;
	s14 =	sor.u32 @p2 $0x800, s14  }
0xe4: {  	[tilespmem:s15], [sflag:$0x4] =	stream.indirect.gather @p2 [spmem:s4], $0x1, s14, s11, $0xb8;
	[tilespmem:$0x1F400] =	vst v63  }
0xe5: {  	s11 =	sadd.s32 @!p2 $0x1, s26  }
0xe6: {  	s14 =	sand.u32 @!p2 $0x7, s11  }
0xe7: {  	s14 =	smov.u32 @p2 s0  }
0xe8: {  	p3 =	por !p1, !p1;
	p4 =	sne.s32 s14, $0x0  }
0xe9: {  	p4 =	por p3, p4  }
0xea: {  	p5 =	sne.s32 @p4 s14, $0x6;
	p6 =	por @p4 !p1, !p1  }
0xeb: {  	_ =	swait.ge [sflag:s20], $0x3200;
	p5 =	por @p4 p6, p5  }
0xec: {  	[sflag:s20] =	ssyncset.done $0x0;
	p5 =	por p5, !p4  }
0xed: {  	[sflag:s20] =	ssyncadd.s32 $0xFFFFCE00;
	s0 =	simm.s32 @!p5 $0x1  }
0xee: {  	_ =	swait.ge @!p5 [sflag:s0], $0x400  }
0xef: {  	s11 =	sshrl.u32 @!p2 s11, $0x3;
	[sflag:s0] =	ssyncset.done @!p5 $0x0  }
0xf0: {  	s15 =	sand.u32 @!p2 $0x1, s11;
	s11 =	smov.u32 @p2 s17;
	[sflag:s0] =	ssyncadd.s32 @!p5 $0xFFFFFC00  }
0xf1: {  	s11 =	sshll.u32 @!p4 s11, $0xA;
	_ =	swait.ge @!p5 [sflag:s0], $0x400  }
0xf2: {  	s15 =	smov.u32 @p2 s30;
	s11 =	sadd.s32 @!p4 s11, s19;
	[sflag:s0] =	ssyncset.done @!p5 $0x0  }
0xf3: {  	s11 =	sshrl.u32 @!p4 s11, $0x3;
	[sflag:s0] =	ssyncadd.s32 @!p5 $0xFFFFFC00;
	s0 =	sshll.u32 @!p4 s15, $0xA  }
0xf4: {  	s30 =	simm.s32 @!p4 $0x0;
	s25 =	sadd.s32 @!p4 s7, s11;
	s17 =	sxor.u32 @!p4 $0x400, s0  }
0xf5: {  	[tilespmem:s17], [sflag:$0x1] =	stream.linear.gather @!p4 [hbm4b:s25+s30], $0x400, $0x38;
	[tilespmem:$0x1F400] =	vst v63  }
0xf6: {  	s11 =	sadd.s32 @!p4 s8, s11;
	s0 =	sxor.u32 @!p4 $0xC00, s0  }
0xf7: {  	[tilespmem:s0], [sflag:$0x1] =	stream.linear.gather @!p4 [hbm4b:s11+s30], $0x400, $0x38;
	[tilespmem:$0x1F400] =	vst v63  }
0xf8: {  	s15 =	sshll.u32 s15, $0xA;
	s17 =	sshll.u32 s14, $0x7;
	_ =	swait.ge [sflag:s21], $0x3200  }
0xf9: {  	s0 =	sor.u32 s17, s15;
	[sflag:s21] =	ssyncset.done $0x0  }
0xfa: {  	s25 =	sadd.s32 $0xFFFFFE00, s28;
	s11 =	sor.u32 $0x800, s0;
	[sflag:s21] =	ssyncadd.s32 $0xFFFFCE00  }
0xfb: {  	[spmem:s2] =	stream.indirect.scatter.add.f32 [tilespmem:s16], [sflag:$0x3], $0x80, s11, s1, $0xb8;
	[tilespmem:$0x1F400] =	vst v63  }
0xfc: {  	s11 =	sand.u32 $0x1E00, s25  }
0xfd: {  	p2 =	sgt.u32 s29, $0x22;
	s11 =	sshrl.u32 s11, $0x2  }
0xfe: {  	[tilespmem:s12], [sflag:$0x2] =	stream.indirect.gather [hbm4b:s9+s1], $0x80, s11, s1, $0xb8;
	[tilespmem:$0x1F400] =	vst v63  }
0xff: {  	s14 =	sadd.s32 $0x2, s26;
	s11 =	simm.s32 @!p2 $0x4  }
0x100: {  	s31 =	sand.u32 @p2 $0x7, s14;
	_ =	swait.ge @!p2 [sflag:s11], $0x64  }
0x101: {  	s15 =	simm.s32 @!p2 $0xAC00;
	p4 =	seq.s32 @!p2 s26, $0x66;
	[sflag:s11] =	ssyncset.done @!p2 $0x0  }
0x102: {  	p5 =	por p4, p2;
	[sflag:s11] =	ssyncadd.s32 @!p2 $0xFFFFFF9C;
	s11 =	simm.s32 @!p2 $0x64  }
0x103: {  	[spmem:s3] =	stream.indirect.scatter.add.f32 @!p2 [tilespmem:s15], [sflag:$0x5], $0x1, s0, s11, $0xb8;
	[tilespmem:$0x1F400] =	vst v63  }
0x104: {  	s0 =	sshrl.u32 @!p2 s14, $0x3;
	s11 =	sand.u32 @!p2 $0x7, s14;
	s15 =	simm.s32 @!p2 $0x5  }
0x105: {  	s17 =	sand.u32 @!p2 $0x1, s0;
	_ =	swait.ge @!p2 [sflag:s15], $0x64;
	s30 =	sshll.u32 @!p5 s11, $0x7  }
0x106: {  	s11 =	smov.u32 @p2 s31;
	[sflag:s15] =	ssyncset.done @!p2 $0x0;
	s25 =	sshll.u32 @!p5 s17, $0xA  }
0x107: {  	p0 =	sne.s32 s11, $0x0;
	[sflag:s15] =	ssyncadd.s32 @!p2 $0xFFFFFF9C;
	s15 =	sor.u32 @!p5 s30, s25  }
0x108: {  	s25 =	simm.s32 @!p5 $0x64;
	s30 =	simm.s32 @!p5 $0xAC00;
	p3 =	por p3, p0  }
0x109: {  	s15 =	sor.u32 @!p5 $0x800, s15;
	p6 =	sne.s32 @p3 s11, $0x6;
	p1 =	por @p3 !p1, !p1  }
0x10a: {  	[tilespmem:s30], [sflag:$0x4] =	stream.indirect.gather @!p5 [spmem:s4], $0x1, s15, s25, $0xb8;
	[tilespmem:$0x1F400] =	vst v63  }
0x10b: {  	s26 =	sadd.s32 $0x3, s26;
	p1 =	por @p3 p1, p6;
	_ =	swait.ge [sflag:s20], $0x3200  }
0x10c: {  	p4 =	por !p4, p2;
	p1 =	por p1, !p3;
	[sflag:s20] =	ssyncset.done $0x0  }
0x10d: {  	s14 =	sshrl.u32 @p2 s14, $0x3;
	s15 =	simm.s32 @!p1 $0x1;
	[sflag:s20] =	ssyncadd.s32 $0xFFFFCE00  }
0x10e: {  	s0 =	smov.u32 @p2 s14;
	s14 =	sand.u32 @p2 $0x1, s14;
	_ =	swait.ge @!p1 [sflag:s15], $0x400  }
0x10f: {  	s31 =	sand.u32 $0x1E00, s28;
	s17 =	smov.u32 @p2 s14;
	[sflag:s15] =	ssyncset.done @!p1 $0x0  }
0x110: {  	s0 =	sshll.u32 @!p3 s0, $0xA;
	s14 =	sshll.u32 @!p3 s17, $0xA;
	[sflag:s15] =	ssyncadd.s32 @!p1 $0xFFFFFC00  }
0x111: {  	s11 =	sshll.u32 s11, $0x7;
	s0 =	sadd.s32 @!p3 s0, s19;
	_ =	swait.ge @!p1 [sflag:s15], $0x400  }
0x112: {  	s30 =	simm.s32 @!p3 $0x0;
	s0 =	sshrl.u32 @!p3 s0, $0x3;
	[sflag:s15] =	ssyncset.done @!p1 $0x0  }
0x113: {  	s25 =	sadd.s32 @!p3 s7, s0;
	[sflag:s15] =	ssyncadd.s32 @!p1 $0xFFFFFC00;
	s15 =	sxor.u32 @!p3 $0x400, s14  }
0x114: {  	[tilespmem:s15], [sflag:$0x1] =	stream.linear.gather @!p3 [hbm4b:s25+s30], $0x400, $0x38;
	[tilespmem:$0x1F400] =	vst v63  }
0x115: {  	s0 =	sadd.s32 @!p3 s8, s0;
	p1 =	por @!p2 $0x0, $0x0;
	s14 =	sxor.u32 @!p3 $0xC00, s14  }
0x116: {  	[tilespmem:s14], [sflag:$0x1] =	stream.linear.gather @!p3 [hbm4b:s0+s30], $0x400, $0x38;
	[tilespmem:$0x1F400] =	vst v63  }
0x117: {  	s30 =	sshll.u32 s17, $0xA;
	p3 =	por @!p5 $0x1, $0x1;
	_ =	swait.ge [sflag:s21], $0x3200  }
0x118: {  	p5 =	por @p2 $0x0, $0x0;
	s0 =	sor.u32 s11, s30;
	[sflag:s21] =	ssyncset.done $0x0  }
0x119: {  	p3 =	por @!p4 p1, p1;
	s11 =	sor.u32 $0x800, s0;
	[sflag:s21] =	ssyncadd.s32 $0xFFFFCE00  }
0x11a: {  	[spmem:s2] =	stream.indirect.scatter.add.f32 [tilespmem:s22], [sflag:$0x3], $0x80, s11, s1, $0xb8;
	[tilespmem:$0x1F400] =	vst v63  }
0x11b: {  	p1 =	sne.s32 s26, $0xC6;
	p5 =	por @!p2 p3, p3;
	s11 =	sshrl.u32 s31, $0x2  }
0x11c: {  	[tilespmem:s16], [sflag:$0x2] =	stream.indirect.gather [hbm4b:s9+s1], $0x80, s11, s1, $0xb8;
	[tilespmem:$0x1F400] =	vst v63  }
.Ltmp5:
0x11d: {  	s11 =	simm.s32 @p5 $0x4;
	(pc) =	sbr.rel @!p1 .LBB2_13-.Ltmp5, $4  }
0x11e: {  	_ =	swait.ge @p5 [sflag:s11], $0x64  }
0x11f: {  	s29 =	sadd.s32 $0x1, s29;
	s28 =	sadd.s32 $0x600, s28;
	[sflag:s11] =	ssyncset.done @p5 $0x0  }
0x120: {  	s14 =	simm.s32 @p5 $0xAC00;
	[sflag:s11] =	ssyncadd.s32 @p5 $0xFFFFFF9C;
	s11 =	simm.s32 @p5 $0x64  }
0x121: {  	[spmem:s3] =	stream.indirect.scatter.add.f32 @p5 [tilespmem:s14], [sflag:$0x5], $0x1, s0, s11, $0xb8;
	[tilespmem:$0x1F400] =	vst v63  }
.LBB2_5:
0x122: {  	s11 =	sadd.s32 $0xFFFFFFFF, s29  }
0x123: {  	p1 =	sgt.u32 s11, $0x21  }
.Ltmp6:
0x124: {  	_ = 	snop;
	(pc) =	sbr.rel @p1 .LBB2_9-.Ltmp6, $3  }
0x125: {  	_ =	sdelay $0x1  }
0x126: {  	s0 =	sshrl.u32 s26, $0x3  }
0x127: {  	s30 =	sand.u32 $0x7, s26;
	s31 =	sand.u32 $0x1, s0  }
.Ltmp7:
0x128: {  	(pc) =	sbr.rel .LBB2_7-.Ltmp7, $4  }
0x129: {  	_ =	swait.ge [sflag:s18], $0x64;
	s11 =	sshll.u32 s31, $0xA;
	s17 =	sshll.u32 s30, $0x7  }
0x12a: {  	[sflag:s18] =	ssyncset.done $0x0;
	s11 =	sor.u32 s17, s11  }
0x12b: {  	[sflag:s18] =	ssyncadd.s32 $0xFFFFFF9C;
	s11 =	sor.u32 $0x800, s11  }
0x12c: {  	[tilespmem:s6], [sflag:$0x4] =	stream.indirect.gather [spmem:s4], $0x1, s11, s1, $0xb8;
	[tilespmem:$0x1F400] =	vst v63  }
.LBB2_9:
0x12d: {  	p1 =	sgt.u32 s29, $0x22  }
.Ltmp8:
0x12e: {  	_ = 	snop;
	(pc) =	sbr.rel @p1 .LBB2_7-.Ltmp8, $1  }
0x12f: {  	_ =	sdelay $0x3  }
.Ltmp9:
0x130: {  	(pc) =	sbr.rel .LBB2_11-.Ltmp9, $4  }
0x131: {  	s0 =	sshll.u32 s31, $0xA;
	s11 =	sshll.u32 s30, $0x7  }
0x132: {  	s0 =	sor.u32 s11, s0  }
0x133: {  	p1 =	por $0x1, $0x1;
	s0 =	sor.u32 $0x800, s0  }
0x134: {  	[tilespmem:s6], [sflag:$0x4] =	stream.indirect.gather [spmem:s4], $0x1, s0, s1, $0xb8;
	[tilespmem:$0x1F400] =	vst v63  }
.LBB2_7:
0x135: {  	p2 =	sne.s32 s30, $0x0;
	s11 =	sadd.s32 $0xFFFFFFFF, s26  }
0x136: {  	p1 =	sgt.u32 @!p2 s11, $0xBE  }
0x137: {  	p3 =	por p2, p1  }
.Ltmp10:
0x138: {  	_ = 	snop;
	(pc) =	sbr.rel @!p3 .LBB2_30-.Ltmp10, $4  }
0x139: {  	_ = 	snop  }
0x13a: {  	_ =	swait.ge [sflag:s20], $0x3200  }
0x13b: {  	[sflag:s20] =	ssyncset.done $0x0  }
0x13c: {  	[sflag:s20] =	ssyncadd.s32 $0xFFFFCE00;
	p1 =	slt.u32 s29, $0x40  }
0x13d: {  	p1 =	por @!p2 p1, p1  }
.LBB2_11:
0x13e: {  	p2 =	sne.s32 s30, $0x6  }
0x13f: {  	p3 =	por !p1, p2  }
0x140: {  	s0 =	simm.s32 @!p3 $0x1  }
0x141: {  	_ =	swait.ge @!p3 [sflag:s0], $0x400  }
.Ltmp11:
0x142: {  	[sflag:s0] =	ssyncset.done @!p3 $0x0;
	(pc) =	sbr.rel .LBB2_12-.Ltmp11, $4  }
0x143: {  	[sflag:s0] =	ssyncadd.s32 @!p3 $0xFFFFFC00  }
0x144: {  	p5 =	por p1, p1;
	p4 =	por @!p3 $0x1, $0x1;
	_ =	swait.ge @!p3 [sflag:s0], $0x400  }
0x145: {  	p5 =	por @!p3 p4, p4;
	[sflag:s0] =	ssyncset.done @!p3 $0x0  }
0x146: {  	p1 =	por @!p2 p5, p5;
	[sflag:s0] =	ssyncadd.s32 @!p3 $0xFFFFFC00  }
.LBB2_14:
.Ltmp12:
0x147: {  	(pc) =	sbr.rel .LBB2_15-.Ltmp12, $4  }
0x148: {  	_ = 	snop  }
0x149: {  	[tilespmem:s12], [sflag:$0x2] =	stream.indirect.gather [hbm4b:s10+s1], $0x80, s26, s1, $0xb8;
	[tilespmem:$0x1F400] =	vst v63  }
0x14a: {  	s0 =	simm.s32 $0x80;
	s28 =	simm.s32 $0x800;
	s29 =	simm.s32 $0x0  }
0x14b: {  	[tilespmem:s16], [sflag:$0x2] =	stream.indirect.gather [hbm4b:s10+s1], $0x80, s0, s1, $0xb8;
	[tilespmem:$0x1F400] =	vst v63  }
.LBB2_23:
0x14c: {  	_ =	swait.ge [sflag:s23], $0x64  }
0x14d: {  	[sflag:s23] =	ssyncset.done $0x0  }
0x14e: {  	[sflag:s23] =	ssyncadd.s32 $0xFFFFFF9C  }
0x14f: {  	[spmem:s3] =	stream.indirect.scatter.add.f32 [tilespmem:s6], [sflag:$0x5], $0x1, s0, s1, $0xb8;
	[tilespmem:$0x1F400] =	vst v63  }
0x150: {  	_ =	swait.ge [sflag:s18], $0x64  }
0x151: {  	s0 =	sshrl.u32 s11, $0x3;
	[sflag:s18] =	ssyncset.done $0x0  }
0x152: {  	s30 =	sand.u32 $0x7, s11;
	s31 =	sand.u32 $0x1, s0;
	[sflag:s18] =	ssyncadd.s32 $0xFFFFFF9C  }
.LBB2_25:
0x153: {  	s11 =	sshll.u32 s31, $0xA;
	s14 =	sshll.u32 s30, $0x7  }
0x154: {  	s11 =	sor.u32 s14, s11  }
0x155: {  	p2 =	por $0x1, $0x1;
	s11 =	sor.u32 $0x800, s11  }
0x156: {  	[tilespmem:s6], [sflag:$0x4] =	stream.indirect.gather [spmem:s4], $0x1, s11, s1, $0xb8;
	[tilespmem:$0x1F400] =	vst v63  }
.LBB2_26:
0x157: {  	p0 =	sne.s32 s30, $0x0  }
0x158: {  	p3 =	por p3, p0  }
0x159: {  	p0 =	sne.s32 @p3 s30, $0x6;
	p1 =	por @p3 !p1, !p1  }
0x15a: {  	_ =	swait.ge [sflag:s20], $0x3200;
	p0 =	por @p3 p1, p0  }
0x15b: {  	[sflag:s20] =	ssyncset.done $0x0;
	p0 =	por p0, !p3  }
0x15c: {  	[sflag:s20] =	ssyncadd.s32 $0xFFFFCE00;
	s11 =	simm.s32 @!p0 $0x1  }
0x15d: {  	_ =	swait.ge @!p0 [sflag:s11], $0x400  }
0x15e: {  	[sflag:s11] =	ssyncset.done @!p0 $0x0  }
0x15f: {  	[sflag:s11] =	ssyncadd.s32 @!p0 $0xFFFFFC00  }
0x160: {  	s0 =	sshll.u32 @!p3 s0, $0xA;
	_ =	swait.ge @!p0 [sflag:s11], $0x400  }
0x161: {  	s0 =	sadd.s32 @!p3 s0, s19;
	[sflag:s11] =	ssyncset.done @!p0 $0x0  }
0x162: {  	s0 =	sshrl.u32 @!p3 s0, $0x3;
	[sflag:s11] =	ssyncadd.s32 @!p0 $0xFFFFFC00;
	s11 =	sshll.u32 @!p3 s31, $0xA  }
0x163: {  	s17 =	simm.s32 @!p3 $0x0;
	s15 =	sadd.s32 @!p3 s7, s0;
	s14 =	sxor.u32 @!p3 $0x400, s11  }
0x164: {  	[tilespmem:s14], [sflag:$0x1] =	stream.linear.gather @!p3 [hbm4b:s15+s17], $0x400, $0x38;
	[tilespmem:$0x1F400] =	vst v63  }
0x165: {  	s0 =	sadd.s32 @!p3 s8, s0;
	s11 =	sxor.u32 @!p3 $0xC00, s11  }
0x166: {  	[tilespmem:s11], [sflag:$0x1] =	stream.linear.gather @!p3 [hbm4b:s0+s17], $0x400, $0x38;
	[tilespmem:$0x1F400] =	vst v63  }
0x167: {  	s25 =	sshll.u32 s31, $0xA;
	s30 =	sshll.u32 s30, $0x7;
	_ =	swait.ge [sflag:s21], $0x3200  }
0x168: {  	s26 =	sadd.s32 $0x3, s26;
	s0 =	sor.u32 s30, s25;
	[sflag:s21] =	ssyncset.done $0x0  }
0x169: {  	s31 =	sand.u32 $0x1E00, s28;
	s11 =	sor.u32 $0x800, s0;
	[sflag:s21] =	ssyncadd.s32 $0xFFFFCE00  }
0x16a: {  	[spmem:s2] =	stream.indirect.scatter.add.f32 [tilespmem:s22], [sflag:$0x3], $0x80, s11, s1, $0xb8;
	[tilespmem:$0x1F400] =	vst v63  }
0x16b: {  	p0 =	sne.s32 s26, $0xC6;
	s11 =	sshrl.u32 s31, $0x2  }
0x16c: {  	[tilespmem:s16], [sflag:$0x2] =	stream.indirect.gather [hbm4b:s10+s1], $0x80, s11, s1, $0xb8;
	[tilespmem:$0x1F400] =	vst v63  }
.Ltmp13:
0x16d: {  	s11 =	simm.s32 @p2 $0x4;
	(pc) =	sbr.rel @!p0 .LBB2_27-.Ltmp13, $4  }
0x16e: {  	_ =	swait.ge @p2 [sflag:s11], $0x64  }
0x16f: {  	s29 =	sadd.s32 $0x1, s29;
	s28 =	sadd.s32 $0x600, s28;
	[sflag:s11] =	ssyncset.done @p2 $0x0  }
0x170: {  	s14 =	simm.s32 @p2 $0xAC00;
	[sflag:s11] =	ssyncadd.s32 @p2 $0xFFFFFF9C;
	s11 =	simm.s32 @p2 $0x64  }
0x171: {  	[spmem:s3] =	stream.indirect.scatter.add.f32 @p2 [tilespmem:s14], [sflag:$0x5], $0x1, s0, s11, $0xb8;
	[tilespmem:$0x1F400] =	vst v63  }
.LBB2_15:
0x172: {  	p2 =	slt.u32 s29, $0x23  }
.Ltmp14:
0x173: {  	_ = 	snop;
	(pc) =	sbr.rel @p2 .LBB2_19-.Ltmp14, $4  }
0x174: {  	_ = 	snop  }
0x175: {  	s11 =	sshrl.u32 s26, $0x3  }
0x176: {  	s0 =	sand.u32 $0x7, s26;
	s14 =	sand.u32 $0x1, s11  }
0x177: {  	s31 =	sshll.u32 s0, $0x7;
	s30 =	sshll.u32 s14, $0xA  }
.Ltmp15:
0x178: {  	(pc) =	sbr.rel .LBB2_17-.Ltmp15, $4  }
0x179: {  	_ =	swait.ge [sflag:s18], $0x64  }
0x17a: {  	s14 =	sor.u32 s31, s30;
	[sflag:s18] =	ssyncset.done $0x0  }
0x17b: {  	s14 =	sor.u32 $0x800, s14;
	[sflag:s18] =	ssyncadd.s32 $0xFFFFFF9C  }
0x17c: {  	[tilespmem:s6], [sflag:$0x4] =	stream.indirect.gather [spmem:s4], $0x1, s14, s1, $0xb8;
	[tilespmem:$0x1F400] =	vst v63  }
.LBB2_19:
0x17d: {  	p1 =	seq.s32 s26, $0x0  }
.Ltmp16:
0x17e: {  	_ = 	snop;
	(pc) =	sbr.rel @p1 .LBB2_20-.Ltmp16, $1  }
0x17f: {  	_ =	sdelay $0x3  }
.LBB2_17:
0x180: {  	p3 =	sne.s32 s0, $0x0;
	s14 =	sadd.s32 $0xFFFFFFFF, s26  }
0x181: {  	p1 =	sgt.u32 @!p3 s14, $0xBE  }
0x182: {  	p4 =	por p3, p1  }
.Ltmp17:
0x183: {  	_ = 	snop;
	(pc) =	sbr.rel @p4 .LBB2_18-.Ltmp17, $4  }
0x184: {  	_ = 	snop  }
0x185: {  	_ =	swait.ge [sflag:s20], $0x3200  }
0x186: {  	[sflag:s20] =	ssyncset.done $0x0  }
0x187: {  	[sflag:s20] =	ssyncadd.s32 $0xFFFFCE00;
	p1 =	slt.u32 s29, $0x40  }
0x188: {  	s0 =	sshll.u32 s11, $0xA  }
0x189: {  	s0 =	sadd.s32 s0, s19  }
.Ltmp18:
0x18a: {  	s0 =	sshrl.u32 s0, $0x3;
	(pc) =	sbr.rel .LBB2_22-.Ltmp18, $4  }
0x18b: {  	s17 =	sxor.u32 $0x400, s30;
	s14 =	sadd.s32 s7, s0  }
0x18c: {  	[tilespmem:s17], [sflag:$0x1] =	stream.linear.gather [hbm4b:s14+s5], $0x400, $0x38;
	[tilespmem:$0x1F400] =	vst v63  }
0x18d: {  	s25 =	sxor.u32 $0xC00, s30;
	s0 =	sadd.s32 s8, s0  }
0x18e: {  	[tilespmem:s25], [sflag:$0x1] =	stream.linear.gather [hbm4b:s0+s5], $0x400, $0x38;
	[tilespmem:$0x1F400] =	vst v63  }
.LBB2_18:
.Ltmp19:
0x18f: {  	(pc) =	sbr.rel .LBB2_21-.Ltmp19, $2  }
0x190: {  	_ =	sdelay $0x2  }
0x191: {  	p1 =	por @!p3 p1, p1  }
.LBB2_20:
0x192: {  	p1 =	por $0x1, $0x1  }
.LBB2_21:
0x193: {  	p3 =	sne.s32 s0, $0x6  }
0x194: {  	p4 =	por !p1, p3  }
0x195: {  	s0 =	simm.s32 @!p4 $0x1  }
0x196: {  	_ =	swait.ge @!p4 [sflag:s0], $0x400  }
0x197: {  	[sflag:s0] =	ssyncset.done @!p4 $0x0  }
0x198: {  	[sflag:s0] =	ssyncadd.s32 @!p4 $0xFFFFFC00  }
0x199: {  	p6 =	por p1, p1;
	p5 =	por @!p4 $0x1, $0x1;
	_ =	swait.ge @!p4 [sflag:s0], $0x400  }
0x19a: {  	p6 =	por @!p4 p5, p5;
	[sflag:s0] =	ssyncset.done @!p4 $0x0  }
0x19b: {  	p1 =	por @!p3 p6, p6;
	[sflag:s0] =	ssyncadd.s32 @!p4 $0xFFFFFC00  }
.LBB2_22:
0x19c: {  	_ =	swait.ge [sflag:s21], $0x3200  }
0x19d: {  	s0 =	sor.u32 s31, s30;
	[sflag:s21] =	ssyncset.done $0x0  }
0x19e: {  	s17 =	sadd.s32 $0xFFFFFC00, s28;
	s11 =	sor.u32 $0x800, s0;
	[sflag:s21] =	ssyncadd.s32 $0xFFFFCE00  }
0x19f: {  	[spmem:s2] =	stream.indirect.scatter.add.f32 [tilespmem:s12], [sflag:$0x3], $0x80, s11, s1, $0xb8;
	[tilespmem:$0x1F400] =	vst v63  }
0x1a0: {  	s11 =	sand.u32 $0x1E00, s17  }
0x1a1: {  	p4 =	sgt.u32 s29, $0x22;
	s11 =	sshrl.u32 s11, $0x2  }
0x1a2: {  	[tilespmem:s22], [sflag:$0x2] =	stream.indirect.gather [hbm4b:s10+s1], $0x80, s11, s1, $0xb8;
	[tilespmem:$0x1F400] =	vst v63  }
0x1a3: {  	s11 =	simm.s32 @p4 $0x4  }
0x1a4: {  	_ =	swait.ge @p4 [sflag:s11], $0x64  }
0x1a5: {  	[sflag:s11] =	ssyncset.done @p4 $0x0  }
0x1a6: {  	s14 =	simm.s32 @p4 $0xAC00;
	[sflag:s11] =	ssyncadd.s32 @p4 $0xFFFFFF9C;
	s11 =	simm.s32 @p4 $0x64  }
0x1a7: {  	[spmem:s3] =	stream.indirect.scatter.add.f32 @p4 [tilespmem:s14], [sflag:$0x5], $0x1, s0, s11, $0xb8;
	[tilespmem:$0x1F400] =	vst v63  }
0x1a8: {  	s0 =	sadd.s32 @p4 $0x1, s26  }
0x1a9: {  	s15 =	sshrl.u32 @p4 s0, $0x3  }
0x1aa: {  	s25 =	simm.s32 @p4 $0x5;
	s0 =	sand.u32 @p4 $0x7, s0;
	s17 =	sand.u32 @p4 $0x1, s15  }
0x1ab: {  	_ =	swait.ge @p4 [sflag:s25], $0x64;
	s31 =	sshll.u32 @p4 s0, $0x7;
	s30 =	sshll.u32 @p4 s17, $0xA  }
0x1ac: {  	[sflag:s25] =	ssyncset.done @p4 $0x0;
	s30 =	sor.u32 @p4 s31, s30  }
0x1ad: {  	[sflag:s25] =	ssyncadd.s32 @p4 $0xFFFFFF9C;
	s25 =	sor.u32 @p4 $0x800, s30  }
0x1ae: {  	[tilespmem:s14], [sflag:$0x4] =	stream.indirect.gather @p4 [spmem:s4], $0x1, s25, s11, $0xb8;
	[tilespmem:$0x1F400] =	vst v63  }
0x1af: {  	s11 =	sadd.s32 @!p4 $0x1, s26  }
0x1b0: {  	s14 =	sand.u32 @!p4 $0x7, s11  }
0x1b1: {  	s14 =	smov.u32 @p4 s0  }
0x1b2: {  	p3 =	por !p1, !p1;
	p5 =	sne.s32 s14, $0x0  }
0x1b3: {  	p5 =	por p3, p5  }
0x1b4: {  	p6 =	sne.s32 @p5 s14, $0x6;
	p0 =	por @p5 !p1, !p1  }
0x1b5: {  	_ =	swait.ge [sflag:s20], $0x3200;
	p0 =	por @p5 p0, p6  }
0x1b6: {  	[sflag:s20] =	ssyncset.done $0x0;
	p0 =	por p0, !p5  }
0x1b7: {  	[sflag:s20] =	ssyncadd.s32 $0xFFFFCE00;
	s0 =	simm.s32 @!p0 $0x1  }
0x1b8: {  	_ =	swait.ge @!p0 [sflag:s0], $0x400  }
0x1b9: {  	s11 =	sshrl.u32 @!p4 s11, $0x3;
	[sflag:s0] =	ssyncset.done @!p0 $0x0  }
0x1ba: {  	s25 =	sand.u32 @!p4 $0x1, s11;
	s11 =	smov.u32 @p4 s15;
	[sflag:s0] =	ssyncadd.s32 @!p0 $0xFFFFFC00  }
0x1bb: {  	s11 =	sshll.u32 @!p5 s11, $0xA;
	_ =	swait.ge @!p0 [sflag:s0], $0x400  }
0x1bc: {  	s25 =	smov.u32 @p4 s17;
	s11 =	sadd.s32 @!p5 s11, s19;
	[sflag:s0] =	ssyncset.done @!p0 $0x0  }
0x1bd: {  	s11 =	sshrl.u32 @!p5 s11, $0x3;
	[sflag:s0] =	ssyncadd.s32 @!p0 $0xFFFFFC00;
	s0 =	sshll.u32 @!p5 s25, $0xA  }
0x1be: {  	s30 =	simm.s32 @!p5 $0x0;
	s17 =	sadd.s32 @!p5 s7, s11;
	s15 =	sxor.u32 @!p5 $0x400, s0  }
0x1bf: {  	[tilespmem:s15], [sflag:$0x1] =	stream.linear.gather @!p5 [hbm4b:s17+s30], $0x400, $0x38;
	[tilespmem:$0x1F400] =	vst v63  }
0x1c0: {  	s11 =	sadd.s32 @!p5 s8, s11;
	s0 =	sxor.u32 @!p5 $0xC00, s0  }
0x1c1: {  	[tilespmem:s0], [sflag:$0x1] =	stream.linear.gather @!p5 [hbm4b:s11+s30], $0x400, $0x38;
	[tilespmem:$0x1F400] =	vst v63  }
0x1c2: {  	s25 =	sshll.u32 s25, $0xA;
	s30 =	sshll.u32 s14, $0x7;
	_ =	swait.ge [sflag:s21], $0x3200  }
0x1c3: {  	s0 =	sor.u32 s30, s25;
	[sflag:s21] =	ssyncset.done $0x0  }
0x1c4: {  	s11 =	sor.u32 $0x800, s0;
	[sflag:s21] =	ssyncadd.s32 $0xFFFFCE00  }
0x1c5: {  	[spmem:s2] =	stream.indirect.scatter.add.f32 [tilespmem:s16], [sflag:$0x3], $0x80, s11, s1, $0xb8;
	[tilespmem:$0x1F400] =	vst v63  }
.Ltmp20:
0x1c6: {  	s31 =	sadd.s32 $0xFFFFFE00, s28;
	(pc) =	sbr.rel @!p2 .LBB2_23-.Ltmp20, $4  }
0x1c7: {  	s11 =	sand.u32 $0x1E00, s31  }
0x1c8: {  	s11 =	sshrl.u32 s11, $0x2  }
0x1c9: {  	[tilespmem:s12], [sflag:$0x2] =	stream.indirect.gather [hbm4b:s10+s1], $0x80, s11, s1, $0xb8;
	[tilespmem:$0x1F400] =	vst v63  }
0x1ca: {  	s11 =	sadd.s32 $0x2, s26  }
0x1cb: {  	p0 =	sne.s32 s26, $0x66  }
.Ltmp21:
0x1cc: {  	_ = 	snop;
	(pc) =	sbr.rel @p0 .LBB2_26-.Ltmp21, $4  }
.Ltmp22:
0x1cd: {  	_ = 	snop;
	(pc) =	sbr.rel @!p0 .LBB2_25-.Ltmp22, $4  }
0x1ce: {  	_ = 	snop  }
0x1cf: {  	s0 =	sshrl.u32 s11, $0x3  }
0x1d0: {  	s30 =	sand.u32 $0x7, s11;
	p2 =	por $0x0, $0x0;
	s31 =	sand.u32 $0x1, s0  }
0x1d1: {  	_ = 	snop  }
.LBB2_13:
0x1d2: {  	_ =	swait.ge [sflag:s20], $0x3200  }
0x1d3: {  	[sflag:s20] =	ssyncset.done $0x0  }
0x1d4: {  	[sflag:s20] =	ssyncadd.s32 $0xFFFFCE00  }
0x1d5: {  	_ =	swait.ge [sflag:s21], $0x3200  }
0x1d6: {  	[sflag:s21] =	ssyncset.done $0x0  }
0x1d7: {  	s0 =	simm.s32 $0xB00;
	[sflag:s21] =	ssyncadd.s32 $0xFFFFCE00  }
0x1d8: {  	[spmem:s2] =	stream.indirect.scatter.add.f32 [tilespmem:s12], [sflag:$0x3], $0x80, s0, s1, $0xb8;
	[tilespmem:$0x1F400] =	vst v63  }
0x1d9: {  	_ =	swait.ge [sflag:s20], $0x3200  }
0x1da: {  	[sflag:s20] =	ssyncset.done $0x0  }
0x1db: {  	[sflag:s20] =	ssyncadd.s32 $0xFFFFCE00  }
0x1dc: {  	_ =	swait.ge [sflag:s21], $0x3200  }
0x1dd: {  	[sflag:s21] =	ssyncset.done $0x0  }
.Ltmp23:
0x1de: {  	s31 =	simm.s32 $0xB80;
	[sflag:s21] =	ssyncadd.s32 $0xFFFFCE00;
	(pc) =	sbr.rel .LBB2_28-.Ltmp23, $4  }
0x1df: {  	[spmem:s2] =	stream.indirect.scatter.add.f32 [tilespmem:s16], [sflag:$0x3], $0x80, s31, s1, $0xb8;
	[tilespmem:$0x1F400] =	vst v63  }
0x1e0: {  	_ =	swait.ge [sflag:s20], $0x3200  }
0x1e1: {  	[sflag:s20] =	ssyncset.done $0x0;
	s11 =	rddreg [dreg:$0x6]  }
0x1e2: {  	s0 =	rddreg [dreg:$0x8];
	[sflag:s20] =	ssyncadd.s32 $0xFFFFCE00  }
.LBB2_29:
0x1e3: {  	_ =	sfence.sel $0x180000  }
0x1e4: {  	[bflag:$0x0] =	sbarrier.arrive $0xFFFF  }
0x1e5: {  	_ =	strace $0x9000004A  }
0x1e6: {  	s0 =	stileid.u32;
	[bflag:$0x2] =	sbarrier.arrive $0xFFFF  }
0x1e7: {  	p0 =	sne.s32 s0, $0x0;
	s0 =	rddreg [dreg:$0x4]  }
0x1e8: {  	s0 =	sadd.s32 @!p0 $0x100000, s0  }
0x1e9: {  	[sflag:s0] =	ssyncadd.tile.s32 @!p0 $0x1;
	_ =	shalt  }
.Lfunc_end2:
_tile_overlayer_lowered:
.L_overlay_start_2:
0x1ea: {  	(tag) =	ssettag $0x2  }
0x1eb: {  	s0 =	rddreg [dreg:$0x0];
	s2 =	stileid.u32  }
0x1ec: {  	s1 =	rddreg [dreg:$0x1];
	p0 =	sne.s32 s2, $0x0  }
0x1ed: {  	s3 =	rddreg [dreg:$0x2];
	[bflag:$0x3] =	sbarrier.arrive $0xFFFF;
	s2 =	simm.s32 @!p0 $0x1C06  }
0x1ee: {  	[timem:s3], [sflag:s2] =	dma.local @!p0 [hbm:s0], s1  }
0x1ef: {  	s0 =	simm.s32 @!p0 $0x6  }
0x1f0: {  	_ =	swait.ge @!p0 [sflag:s0], s1  }
0x1f1: {  	s1 =	ssub.s32 @!p0 $0x0, s1;
	[sflag:s0] =	ssyncset.done @!p0 $0x0  }
0x1f2: {  	[sflag:s0] =	ssyncadd.s32 @!p0 s1  }
0x1f3: {  	[bflag:$0x3] =	sbarrier.arrive $0xFFFF  }
0x1f4: {  	_ =	shalt  }

</sc_bundles>
